<compile_context>
chip_gen: v7x
topology: tpu7x:2x2x1
jax: 0.10.2.dev20260603
libtpu: 0.0.44.dev20260713+nightly
codegen_flags: <defaults>
</compile_context>

<pallas_src>
import functools

import jax
import jax.numpy as jnp
from jax import lax
from jax.experimental import pallas as pl
from jax.experimental.pallas import tpu as pltpu
from jax.experimental.pallas import tpu_sc as plsc

N_NODES = 10000
N_EDGES = 320000
HIDDEN = 128
A = 128

_INFO = plsc.get_sparse_core_info()
_NC = _INFO.num_cores
_NS = _INFO.num_subcores
_NW = _NC * _NS
_EPW = N_EDGES // _NW
_C = 80
_NCHUNK = _EPW // _C
_RPT = 624
_REM_BASE = _NS * _RPT


def _init_shared(zeros_h, sh, sid):
    base = pl.multiple_of(sid * _RPT, 8)
    pltpu.sync_copy(zeros_h.at[pl.ds(base, _RPT)], sh.at[pl.ds(base, _RPT)])

    @pl.when(sid < 2)
    def _():
        off = pl.multiple_of(_REM_BASE + sid * 8, 8)
        pltpu.sync_copy(zeros_h.at[pl.ds(off, 8)], sh.at[pl.ds(off, 8)])


def _copy_out_partial(sh, out_h, cid, sid):
    base = pl.multiple_of(sid * _RPT, 8)
    pltpu.sync_copy(sh.at[pl.ds(base, _RPT)], out_h.at[cid, pl.ds(base, _RPT)])

    @pl.when(sid < 2)
    def _():
        off = pl.multiple_of(_REM_BASE + sid * 8, 8)
        pltpu.sync_copy(sh.at[pl.ds(off, 8)], out_h.at[cid, pl.ds(off, 8)])


def _sc_g_gather(qh, kh, dst3, src3, n_edges, epw, csz):
    nchunk = epw // csz
    mesh = plsc.VectorSubcoreMesh(core_axis_name="c", subcore_axis_name="s")

    @functools.partial(
        pl.kernel,
        out_type=jax.ShapeDtypeStruct((n_edges, HIDDEN), jnp.float32),
        mesh=mesh,
        scratch_types=(
            pltpu.VMEM((nchunk, csz), jnp.int32),
            pltpu.VMEM((nchunk, csz), jnp.int32),
            pltpu.VMEM((2, csz, HIDDEN), jnp.float32),
            pltpu.SemaphoreType.DMA,
            pltpu.SemaphoreType.DMA,
            pltpu.SemaphoreType.DMA,
            pltpu.SemaphoreType.DMA,
            pltpu.SemaphoreType.DMA,
            pltpu.SemaphoreType.DMA,
        ),
    )
    def k(qh_h, kh_h, dst_h, src_h, g_h,
          dst_v, src_v, gv, sem_q0, sem_q1, sem_a0, sem_a1, sem_w0, sem_w1):
        cid = lax.axis_index("c")
        sid = lax.axis_index("s")
        wid = sid * _NC + cid
        sem_q = (sem_q0, sem_q1)
        sem_a = (sem_a0, sem_a1)
        sem_w = (sem_w0, sem_w1)

        pltpu.sync_copy(dst_h.at[wid], dst_v)
        pltpu.sync_copy(src_h.at[wid], src_v)

        def issue_q(c, b):
            pltpu.async_copy(qh_h.at[dst_v.at[c]], gv.at[b], sem_q[b])

        def wait_q(c, b):
            pltpu.make_async_copy(qh_h.at[dst_v.at[c]], gv.at[b], sem_q[b]).wait()

        def issue_kadd(c, b):
            pltpu.async_copy(kh_h.at[src_v.at[c]], gv.at[b], sem_a[b], add=True)

        def wait_kadd(c, b):
            pltpu.make_async_copy(kh_h.at[src_v.at[c]], gv.at[b], sem_a[b]).wait()

        def issue_write(c, b):
            base = pl.multiple_of(wid * epw + c * csz, csz)
            pltpu.async_copy(gv.at[b], g_h.at[pl.ds(base, csz)], sem_w[b])

        def wait_write(c, b):
            base = pl.multiple_of(wid * epw + c * csz, csz)
            pltpu.make_async_copy(gv.at[b], g_h.at[pl.ds(base, csz)], sem_w[b]).wait()

        def step(c, b):
            wait_q(c, b)
            issue_kadd(c, b)

            @pl.when(c >= 1)
            def _():
                wait_write(c - 1, 1 - b)

            @pl.when(c + 1 < nchunk)
            def _():
                issue_q(c + 1, 1 - b)

            wait_kadd(c, b)
            issue_write(c, b)

        issue_q(0, 0)

        def body(j, carry):
            for k_ in range(2):
                step(2 * j + k_, k_)
            return carry

        lax.fori_loop(0, nchunk // 2, body, 0)
        if nchunk % 2:
            step(nchunk - 1, 0)
            wait_write(nchunk - 1, 0)
        else:
            wait_write(nchunk - 1, 1)

    return k(qh, kh, dst3, src3)


def _sc_v_segsum(vh, dst3, src3, zeros):
    mesh = plsc.VectorSubcoreMesh(core_axis_name="c", subcore_axis_name="s")

    @functools.partial(
        pl.kernel,
        out_type=jax.ShapeDtypeStruct((_NC, N_NODES, HIDDEN), jnp.float32),
        mesh=mesh,
        scratch_types=(
            pltpu.VMEM((_NCHUNK, _C), jnp.int32),
            pltpu.VMEM((2, _C), jnp.int32),
            pltpu.VMEM((2, _C, HIDDEN), jnp.float32),
            pltpu.VMEM_SHARED((N_NODES, HIDDEN), jnp.float32),
            pltpu.SemaphoreType.DMA,
            pltpu.SemaphoreType.DMA,
            pltpu.SemaphoreType.DMA,
            pltpu.SemaphoreType.DMA,
            pltpu.SemaphoreType.DMA,
            pltpu.SemaphoreType.DMA,
        ),
    )
    def k(vh_h, dst_h, src_h, zeros_h, aggp_h,
          dst_v, src_v, vv, agg_sh,
          sem_g0, sem_g1, sem_i0, sem_i1, sem_s0, sem_s1):
        cid = lax.axis_index("c")
        sid = lax.axis_index("s")
        wid = sid * _NC + cid
        sem_g = (sem_g0, sem_g1)
        sem_i = (sem_i0, sem_i1)
        sem_s = (sem_s0, sem_s1)

        _init_shared(zeros_h, agg_sh, sid)
        pltpu.sync_copy(dst_h.at[wid], dst_v)
        plsc.subcore_barrier()

        def issue_idx(c, b):
            pltpu.async_copy(src_h.at[wid, c], src_v.at[b], sem_i[b])

        def wait_idx(c, b):
            pltpu.make_async_copy(src_h.at[wid, c], src_v.at[b], sem_i[b]).wait()

        def issue_gather(b):
            pltpu.async_copy(vh_h.at[src_v.at[b]], vv.at[b], sem_g[b])

        def wait_gather(b):
            pltpu.make_async_copy(vh_h.at[src_v.at[b]], vv.at[b], sem_g[b]).wait()

        def issue_scatter(c, b):
            pltpu.async_copy(vv.at[b], agg_sh.at[dst_v.at[c]], sem_s[b], add=True)

        def wait_scatter(c, b):
            pltpu.make_async_copy(vv.at[b], agg_sh.at[dst_v.at[c]], sem_s[b]).wait()

        issue_idx(0, 0)
        wait_idx(0, 0)
        issue_gather(0)
        issue_idx(1, 1)

        def step(c, b):
            wait_gather(b)
            issue_scatter(c, b)

            @pl.when(c + 1 < _NCHUNK)
            def _():
                wait_idx(c + 1, 1 - b)

                @pl.when(c >= 1)
                def __():
                    wait_scatter(c - 1, 1 - b)

                issue_gather(1 - b)

            @pl.when(c + 2 < _NCHUNK)
            def _():
                issue_idx(c + 2, b)

        def body(j, carry):
            for k_ in range(2):
                step(2 * j + k_, k_)
            return carry

        lax.fori_loop(0, _NCHUNK // 2, body, 0)
        if _NCHUNK % 2:
            step(_NCHUNK - 1, 0)
        wait_scatter(_NCHUNK - 2, (_NCHUNK - 2) % 2)
        wait_scatter(_NCHUNK - 1, (_NCHUNK - 1) % 2)

        plsc.subcore_barrier()
        _copy_out_partial(agg_sh, aggp_h, cid, sid)

    return k(vh, dst3, src3, zeros)


def _sc_segsum(conn, dst3, zeros, eoff, epw, csz):
    nchunk = epw // csz
    mesh = plsc.VectorSubcoreMesh(core_axis_name="c", subcore_axis_name="s")

    @functools.partial(
        pl.kernel,
        out_type=jax.ShapeDtypeStruct((_NC, N_NODES, HIDDEN), jnp.float32),
        mesh=mesh,
        scratch_types=(
            pltpu.VMEM((nchunk, csz), jnp.int32),
            pltpu.VMEM((2, csz, HIDDEN), jnp.float32),
            pltpu.VMEM_SHARED((N_NODES, HIDDEN), jnp.float32),
            pltpu.SemaphoreType.DMA,
            pltpu.SemaphoreType.DMA,
            pltpu.SemaphoreType.DMA,
            pltpu.SemaphoreType.DMA,
        ),
    )
    def k(conn_h, dst_h, zeros_h, eaggp_h, dst_v, cv, e_sh,
          sem_l0, sem_l1, sem_s0, sem_s1):
        cid = lax.axis_index("c")
        sid = lax.axis_index("s")
        wid = sid * _NC + cid
        sem_l = (sem_l0, sem_l1)
        sem_s = (sem_s0, sem_s1)

        _init_shared(zeros_h, e_sh, sid)
        pltpu.sync_copy(dst_h.at[wid], dst_v)
        plsc.subcore_barrier()

        def issue_load(c, b):
            base = pl.multiple_of(eoff + wid * epw + c * csz, csz)
            pltpu.async_copy(conn_h.at[pl.ds(base, csz)], cv.at[b], sem_l[b])

        def wait_load(c, b):
            base = pl.multiple_of(eoff + wid * epw + c * csz, csz)
            pltpu.make_async_copy(conn_h.at[pl.ds(base, csz)], cv.at[b],
                                  sem_l[b]).wait()

        def issue_scatter(c, b):
            pltpu.async_copy(cv.at[b], e_sh.at[dst_v.at[c]], sem_s[b], add=True)

        def wait_scatter(c, b):
            pltpu.make_async_copy(cv.at[b], e_sh.at[dst_v.at[c]], sem_s[b]).wait()

        def step(c, b):
            wait_load(c, b)
            issue_scatter(c, b)

            @pl.when(c + 1 < nchunk)
            def _():
                @pl.when(c >= 1)
                def __():
                    wait_scatter(c - 1, 1 - b)

                issue_load(c + 1, 1 - b)

        issue_load(0, 0)

        def body(j, carry):
            for k_ in range(2):
                step(2 * j + k_, k_)
            return carry

        lax.fori_loop(0, nchunk // 2, body, 0)
        if nchunk % 2:
            step(nchunk - 1, 0)
        wait_scatter(nchunk - 2, (nchunk - 2) % 2)
        wait_scatter(nchunk - 1, (nchunk - 1) % 2)

        plsc.subcore_barrier()
        _copy_out_partial(e_sh, eaggp_h, cid, sid)

    return k(conn, dst3, zeros)


def _tc_qkv(x, qkv_weight, qkv_bias):
    bm = 1000

    def body(x_ref, w_ref, b_ref, q_ref, k_ref, v_ref):
        r = lax.dot_general(
            x_ref[...], w_ref[...], (((1,), (1,)), ((), ())),
            preferred_element_type=jnp.float32,
            precision=lax.Precision.HIGHEST,
        ) + b_ref[...]
        q_ref[...] = r[:, :A]
        k_ref[...] = r[:, A:2 * A]
        v_ref[...] = r[:, 2 * A:]

    return pl.pallas_call(
        body,
        grid=(N_NODES // bm,),
        in_specs=[
            pl.BlockSpec((bm, HIDDEN), lambda i: (i, 0)),
            pl.BlockSpec((3 * A, HIDDEN), lambda i: (0, 0)),
            pl.BlockSpec((1, 3 * A), lambda i: (0, 0)),
        ],
        out_specs=[pl.BlockSpec((bm, HIDDEN), lambda i: (i, 0))] * 3,
        out_shape=[jax.ShapeDtypeStruct((N_NODES, HIDDEN), jnp.float32)] * 3,
    )(x, qkv_weight, qkv_bias)


_BE = 2000
_E0 = 192000
_E1 = N_EDGES - _E0


def _edge_body(pc_ref, g_ref, w_ref, b_ref, conn_ref):
    eh = lax.dot_general(
        pc_ref[...], w_ref[...], (((1,), (1,)), ((), ())),
        preferred_element_type=jnp.float32,
        precision=lax.Precision.DEFAULT,
    ) + b_ref[...]
    c1 = g_ref[...] * eh[:, :A]
    c2 = jnp.sqrt(jnp.maximum(c1, 0.0)) - jnp.sqrt(jnp.maximum(-c1, 0.0))
    conn_ref[...] = jnp.maximum(c2 + eh[:, A:], 0.0)


def _tc_edge_h0(poly_conn, g, E_weight, E_bias):
    return pl.pallas_call(
        _edge_body,
        grid=(_E0 // _BE,),
        in_specs=[
            pl.BlockSpec((_BE, HIDDEN), lambda i: (i, 0)),
            pl.BlockSpec((_BE, HIDDEN), lambda i: (i, 0)),
            pl.BlockSpec((2 * A, HIDDEN), lambda i: (0, 0)),
            pl.BlockSpec((1, 2 * A), lambda i: (0, 0)),
        ],
        out_specs=pl.BlockSpec((_BE, HIDDEN), lambda i: (i, 0)),
        out_shape=jax.ShapeDtypeStruct((N_EDGES, HIDDEN), jnp.float32),
    )(poly_conn, g, E_weight, E_bias)


def _tc_edge_h1(conn_prev, poly_conn, g, E_weight, E_bias):
    off = _E0 // _BE

    def body(prev_ref, pc_ref, g_ref, w_ref, b_ref, conn_ref):
        del prev_ref
        _edge_body(pc_ref, g_ref, w_ref, b_ref, conn_ref)

    return pl.pallas_call(
        body,
        grid=(_E1 // _BE,),
        in_specs=[
            pl.BlockSpec(memory_space=pltpu.MemorySpace.HBM),
            pl.BlockSpec((_BE, HIDDEN), lambda i: (i + off, 0)),
            pl.BlockSpec((_BE, HIDDEN), lambda i: (i, 0)),
            pl.BlockSpec((2 * A, HIDDEN), lambda i: (0, 0)),
            pl.BlockSpec((1, 2 * A), lambda i: (0, 0)),
        ],
        out_specs=pl.BlockSpec((_BE, HIDDEN), lambda i: (i + off, 0)),
        out_shape=jax.ShapeDtypeStruct((N_EDGES, HIDDEN), jnp.float32),
        input_output_aliases={0: 0},
    )(conn_prev, poly_conn, g, E_weight, E_bias)


def _tc_final(aggp, eaggp0, eaggp1, w, b):
    bm = 1000

    def body(ap_ref, e0_ref, e1_ref, w_ref, b_ref, o_ref):
        eagg = (e0_ref[0] + e0_ref[1]) + (e1_ref[0] + e1_ref[1])
        o_ref[...] = ap_ref[0] + ap_ref[1] + lax.dot_general(
            eagg, w_ref[...], (((1,), (1,)), ((), ())),
            preferred_element_type=jnp.float32,
            precision=lax.Precision.HIGHEST,
        ) + b_ref[...]

    blk3 = pl.BlockSpec((2, bm, HIDDEN), lambda i: (0, i, 0))
    return pl.pallas_call(
        body,
        grid=(N_NODES // bm,),
        in_specs=[blk3, blk3, blk3,
                  pl.BlockSpec((HIDDEN, A), lambda i: (0, 0)),
                  pl.BlockSpec((1, HIDDEN), lambda i: (0, 0))],
        out_specs=pl.BlockSpec((bm, HIDDEN), lambda i: (i, 0)),
        out_shape=jax.ShapeDtypeStruct((N_NODES, HIDDEN), jnp.float32),
    )(aggp, eaggp0, eaggp1, w, b)


_EPW0 = _E0 // _NW
_EPW1 = _E1 // _NW


def kernel(x, poly_conn, poly_index, qkv_weight, qkv_bias, E_weight, E_bias,
           conn_lin_weight, conn_lin_bias):
    qh, kh, vh = _tc_qkv(x, qkv_weight, qkv_bias.reshape(1, -1))
    dst = poly_index[0]
    src = poly_index[1]
    dst3 = dst.reshape(_NW, _NCHUNK, _C)
    src3 = src.reshape(_NW, _NCHUNK, _C)
    dst3s = [dst[:_E0].reshape(_NW, _EPW0 // _C, _C),
             dst[_E0:].reshape(_NW, _EPW1 // _C, _C)]
    src3s = [src[:_E0].reshape(_NW, _EPW0 // _C, _C),
             src[_E0:].reshape(_NW, _EPW1 // _C, _C)]
    zeros = jnp.zeros((N_NODES, HIDDEN), jnp.float32)
    eb2 = E_bias.reshape(1, -1)

    g0 = _sc_g_gather(qh, kh, dst3s[0], src3s[0], _E0, _EPW0, _C)
    g1 = _sc_g_gather(qh, kh, dst3s[1], src3s[1], _E1, _EPW1, _C)
    aggp = _sc_v_segsum(vh, dst3, src3, zeros)
    conn_p = _tc_edge_h0(poly_conn, g0, E_weight, eb2)
    conn = _tc_edge_h1(conn_p, poly_conn, g1, E_weight, eb2)
    eaggp0 = _sc_segsum(conn, dst3s[0], zeros, 0, _EPW0, _C)
    eaggp1 = _sc_segsum(conn, dst3s[1], zeros, _E0, _EPW1, _C)
    no = _tc_final(aggp, eaggp0, eaggp1,
                   conn_lin_weight, conn_lin_bias.reshape(1, -1))
    return no, conn

# --- scband reference (transcript-rebuilt; emitter-appended) ---
"""Pipeline reference for scband-mbp-ginemessage-passing-53833120088740 (READ-ONLY COPY).

The authoritative reference and input builder live on the scoring server;
editing this copy changes nothing except your own understanding.
"""

import jax, jax.numpy as jnp
import numpy as np

N_NODES = 10000
N_EDGES = 320000
HIDDEN = 128
ATTN_DIM = 16
ATTN_HEADS = 8
A = ATTN_DIM * ATTN_HEADS  # 128


def _sqrt_relu(x):
    # numerically-safe sqrt(relu(x)) (forward identical; avoids nan grads at 0)
    pos = x > 0
    return jnp.where(pos, jnp.sqrt(jnp.where(pos, x, 1.0)), 0.0)


def setup_inputs(seed: int = 0) -> dict:
    key = jax.random.key(seed)
    ks = jax.random.split(key, 10)
    x = jax.random.normal(ks[0], (N_NODES, HIDDEN), dtype=jnp.float32)
    poly_conn = jax.random.normal(ks[1], (N_EDGES, HIDDEN), dtype=jnp.float32)
    poly_index = jax.random.randint(ks[2], (2, N_EDGES), 0, N_NODES, dtype=jnp.int32)
    # learned parameters (xavier-ish scaling)
    qkv_weight = jax.random.normal(ks[3], (3 * A, HIDDEN), dtype=jnp.float32) * float(np.sqrt(2.0 / (3 * A + HIDDEN)))
    qkv_bias = jnp.zeros((3 * A,), dtype=jnp.float32)
    E_weight = jax.random.normal(ks[4], (2 * A, HIDDEN), dtype=jnp.float32) * float(np.sqrt(2.0 / (2 * A + HIDDEN)))
    E_bias = jnp.zeros((2 * A,), dtype=jnp.float32)
    conn_lin_weight = jax.random.normal(ks[5], (HIDDEN, A), dtype=jnp.float32) * float(np.sqrt(2.0 / (HIDDEN + A)))
    conn_lin_bias = jnp.zeros((HIDDEN,), dtype=jnp.float32)
    return {
        "x": x,
        "poly_conn": poly_conn,
        "poly_index": poly_index,
        "qkv_weight": qkv_weight,
        "qkv_bias": qkv_bias,
        "E_weight": E_weight,
        "E_bias": E_bias,
        "conn_lin_weight": conn_lin_weight,
        "conn_lin_bias": conn_lin_bias,
    }


def reference(x, poly_conn, poly_index, qkv_weight, qkv_bias, E_weight, E_bias, conn_lin_weight, conn_lin_bias):
    # F._in_projection_packed equivalent: split packed weight/bias into Q,K,V projections
    q_w, k_w, v_w = jnp.split(qkv_weight, 3, axis=0)
    q_b, k_b, v_b = jnp.split(qkv_bias, 3, axis=0)
    Qh = x @ q_w.T + q_b
    Kh = x @ k_w.T + k_b
    Vh = x @ v_w.T + v_b

    # edge feature projection -> (Ew, Eb)
    Eh = poly_conn @ E_weight.T + E_bias          # [E, 2*A]
    Eh = Eh.reshape(Eh.shape[0], 2, A)            # unflatten(-1, (2, A))
    Ew = Eh[:, 0, :]
    Eb = Eh[:, 1, :]

    dst = poly_index[0]
    src = poly_index[1]

    Qdst = jnp.take(Qh, dst, axis=0)
    Ksrc = jnp.take(Kh, src, axis=0)
    Vsrc = jnp.take(Vh, src, axis=0)

    agg = jax.ops.segment_sum(Vsrc, dst, num_segments=N_NODES)

    msg1 = Qdst + Ksrc
    conn1 = msg1 * Ew
    conn2 = _sqrt_relu(conn1) - _sqrt_relu(-conn1)  # signed sqrt
    conn3 = conn2 + Eb
    conn = jax.nn.relu(conn3)                       # act='relu'

    eagg = jax.ops.segment_sum(conn, dst, num_segments=N_NODES)
    eagg = eagg @ conn_lin_weight.T + conn_lin_bias

    No = (agg + eagg).reshape(N_NODES, -1)
    return (No, conn)

if __name__ == "__main__":
    import jax
    _d = setup_inputs()
    print(jax.jit(kernel)(*tuple(_d.values())))

</pallas_src>

<mosaic_0001>
#map = affine_map<(d0, d1) -> (0, 0)>
#map1 = affine_map<(d0, d1) -> (0, 0, 0)>
module attributes {stable_mosaic.version = 14 : i64} {
  func.func @k(%arg0: i32, %arg1: i32, %arg2: memref<320000x128xf32, #tpu.memory_space<hbm>>, %arg3: memref<32x50x80xi32, #tpu.memory_space<hbm>>, %arg4: memref<10000x128xf32, #tpu.memory_space<hbm>>, %arg5: memref<2x10000x128xf32, #tpu.memory_space<hbm>>, %arg6: memref<50x80xi32, #tpu.memory_space<vmem>>, %arg7: memref<2x80x128xf32, #tpu.memory_space<vmem>>, %arg8: memref<10000x128xf32, #tpu.memory_space<vmem_shared>>, %arg9: memref<!tpu.dma_semaphore, #tpu.memory_space<semaphore_mem>>, %arg10: memref<!tpu.dma_semaphore, #tpu.memory_space<semaphore_mem>>, %arg11: memref<!tpu.dma_semaphore, #tpu.memory_space<semaphore_mem>>, %arg12: memref<!tpu.dma_semaphore, #tpu.memory_space<semaphore_mem>>) attributes {dimension_semantics = [#tpu.dimension_semantics<core_parallel>, #tpu.dimension_semantics<subcore_parallel>], iteration_bounds = array<i64: 2, 16>, scalar_prefetch = 0 : i64, scratch_operands = 7 : i64, tpu.core_type = #tpu.core_type<sc_vector_subcore>, window_params = [{transform_indices = #map}, {transform_indices = #map1}, {transform_indices = #map}, {transform_indices = #map1}]} {
    %mul3A = arith.constant 2 : i32
    %mul3A_0 = arith.muli %arg1, %mul3A : i32
    %add3A = arith.addi %mul3A_0, %arg0 : i32
    %mul3A_1 = arith.constant 624 : i32
    %mul3A_2 = arith.muli %arg1, %mul3A_1 : i32
    %multiple_of3A = tpu.assume_multiple %mul3A_2, 8 : i32
    "tpu.region"() ({
      %run_scoped3A = tpu.sem_alloc : memref<!tpu.dma_semaphore, #tpu.memory_space<semaphore_mem>>
      %dma_start3A_61 = arith.constant 0 : i32
      %dma_start3A_62 = tpu.memref_slice %arg8[%multiple_of3A, %dma_start3A_61] : memref<10000x128xf32, #tpu.memory_space<vmem_shared>> -> memref<624x128xf32, #tpu.memory_space<vmem_shared>>
      %dma_start3A_63 = arith.constant 0 : i32
      %dma_start3A_64 = tpu.memref_slice %arg4[%multiple_of3A, %dma_start3A_63] : memref<10000x128xf32, #tpu.memory_space<hbm>> -> memref<624x128xf32, #tpu.memory_space<hbm>>
      tpu.enqueue_dma source(%dma_start3A_64 : memref<624x128xf32, #tpu.memory_space<hbm>>) target(%dma_start3A_62 : memref<624x128xf32, #tpu.memory_space<vmem_shared>>) target_semaphore(%run_scoped3A : memref<!tpu.dma_semaphore, #tpu.memory_space<semaphore_mem>>)
      %dma_wait3A_65 = arith.constant 0 : i32
      %dma_wait3A_66 = tpu.memref_slice %arg8[%multiple_of3A, %dma_wait3A_65] : memref<10000x128xf32, #tpu.memory_space<vmem_shared>> -> memref<624x128xf32, #tpu.memory_space<vmem_shared>>
      %dma_wait3A_67 = arith.constant 0 : i32
      %dma_wait3A_68 = tpu.memref_slice %arg4[%multiple_of3A, %dma_wait3A_67] : memref<10000x128xf32, #tpu.memory_space<hbm>> -> memref<624x128xf32, #tpu.memory_space<hbm>>
      tpu.wait_dma2 semaphore(%run_scoped3A : memref<!tpu.dma_semaphore, #tpu.memory_space<semaphore_mem>>) src(%dma_wait3A_68 : memref<624x128xf32, #tpu.memory_space<hbm>>) dst(%dma_wait3A_66 : memref<624x128xf32, #tpu.memory_space<vmem_shared>>)
      tpu.yield
    }) : () -> ()
    %lt3A = arith.constant 2 : i32
    %lt3A_3 = arith.cmpi slt, %arg1, %lt3A : i32
    %convert_element_type3A = arith.extui %lt3A_3 : i1 to i32
    %cond3A = arith.constant 0 : i32
    %cond3A_4 = arith.cmpi ne, %convert_element_type3A, %cond3A : i32
    scf.if %cond3A_4 {
      %mul3A_61 = arith.constant 8 : i32
      %mul3A_62 = arith.muli %arg1, %mul3A_61 : i32
      %add3A_63 = arith.constant 9984 : i32
      %add3A_64 = arith.addi %add3A_63, %mul3A_62 : i32
      %multiple_of3A_65 = tpu.assume_multiple %add3A_64, 8 : i32
      "tpu.region"() ({
        %run_scoped3A = tpu.sem_alloc : memref<!tpu.dma_semaphore, #tpu.memory_space<semaphore_mem>>
        %dma_start3A_66 = arith.constant 0 : i32
        %dma_start3A_67 = tpu.memref_slice %arg8[%multiple_of3A_65, %dma_start3A_66] : memref<10000x128xf32, #tpu.memory_space<vmem_shared>> -> memref<8x128xf32, #tpu.memory_space<vmem_shared>>
        %dma_start3A_68 = arith.constant 0 : i32
        %dma_start3A_69 = tpu.memref_slice %arg4[%multiple_of3A_65, %dma_start3A_68] : memref<10000x128xf32, #tpu.memory_space<hbm>> -> memref<8x128xf32, #tpu.memory_space<hbm>>
        tpu.enqueue_dma source(%dma_start3A_69 : memref<8x128xf32, #tpu.memory_space<hbm>>) target(%dma_start3A_67 : memref<8x128xf32, #tpu.memory_space<vmem_shared>>) target_semaphore(%run_scoped3A : memref<!tpu.dma_semaphore, #tpu.memory_space<semaphore_mem>>)
        %dma_wait3A_70 = arith.constant 0 : i32
        %dma_wait3A_71 = tpu.memref_slice %arg8[%multiple_of3A_65, %dma_wait3A_70] : memref<10000x128xf32, #tpu.memory_space<vmem_shared>> -> memref<8x128xf32, #tpu.memory_space<vmem_shared>>
        %dma_wait3A_72 = arith.constant 0 : i32
        %dma_wait3A_73 = tpu.memref_slice %arg4[%multiple_of3A_65, %dma_wait3A_72] : memref<10000x128xf32, #tpu.memory_space<hbm>> -> memref<8x128xf32, #tpu.memory_space<hbm>>
        tpu.wait_dma2 semaphore(%run_scoped3A : memref<!tpu.dma_semaphore, #tpu.memory_space<semaphore_mem>>) src(%dma_wait3A_73 : memref<8x128xf32, #tpu.memory_space<hbm>>) dst(%dma_wait3A_71 : memref<8x128xf32, #tpu.memory_space<vmem_shared>>)
        tpu.yield
      }) : () -> ()
    } else {
    }
    "tpu.region"() ({
      %run_scoped3A = tpu.sem_alloc : memref<!tpu.dma_semaphore, #tpu.memory_space<semaphore_mem>>
      %dma_start3A_61 = arith.constant 0 : i32
      %dma_start3A_62 = arith.constant 0 : i32
      %dma_start3A_63 = tpu.memref_slice %arg3[%add3A, %dma_start3A_61, %dma_start3A_62] : memref<32x50x80xi32, #tpu.memory_space<hbm>> -> memref<1x50x80xi32, #tpu.memory_space<hbm>>
      %dma_start3A_64 = tpu.memref_squeeze %dma_start3A_63 : memref<1x50x80xi32, #tpu.memory_space<hbm>> -> memref<50x80xi32, #tpu.memory_space<hbm>>
      %dma_start3A_65 = arith.constant 0 : i32
      %dma_start3A_66 = arith.constant 0 : i32
      %dma_start3A_67 = tpu.memref_slice %arg3[%add3A, %dma_start3A_65, %dma_start3A_66] : memref<32x50x80xi32, #tpu.memory_space<hbm>> -> memref<1x50x80xi32, #tpu.memory_space<hbm>>
      %dma_start3A_68 = tpu.memref_squeeze %dma_start3A_67 : memref<1x50x80xi32, #tpu.memory_space<hbm>> -> memref<50x80xi32, #tpu.memory_space<hbm>>
      tpu.enqueue_dma source(%dma_start3A_68 : memref<50x80xi32, #tpu.memory_space<hbm>>) target(%arg6 : memref<50x80xi32, #tpu.memory_space<vmem>>) target_semaphore(%run_scoped3A : memref<!tpu.dma_semaphore, #tpu.memory_space<semaphore_mem>>)
      %dma_wait3A_69 = arith.constant 0 : i32
      %dma_wait3A_70 = arith.constant 0 : i32
      %dma_wait3A_71 = tpu.memref_slice %arg3[%add3A, %dma_wait3A_69, %dma_wait3A_70] : memref<32x50x80xi32, #tpu.memory_space<hbm>> -> memref<1x50x80xi32, #tpu.memory_space<hbm>>
      %dma_wait3A_72 = tpu.memref_squeeze %dma_wait3A_71 : memref<1x50x80xi32, #tpu.memory_space<hbm>> -> memref<50x80xi32, #tpu.memory_space<hbm>>
      %dma_wait3A_73 = arith.constant 0 : i32
      %dma_wait3A_74 = arith.constant 0 : i32
      %dma_wait3A_75 = tpu.memref_slice %arg3[%add3A, %dma_wait3A_73, %dma_wait3A_74] : memref<32x50x80xi32, #tpu.memory_space<hbm>> -> memref<1x50x80xi32, #tpu.memory_space<hbm>>
      %dma_wait3A_76 = tpu.memref_squeeze %dma_wait3A_75 : memref<1x50x80xi32, #tpu.memory_space<hbm>> -> memref<50x80xi32, #tpu.memory_space<hbm>>
      tpu.wait_dma2 semaphore(%run_scoped3A : memref<!tpu.dma_semaphore, #tpu.memory_space<semaphore_mem>>) src(%dma_wait3A_76 : memref<50x80xi32, #tpu.memory_space<hbm>>) dst(%arg6 : memref<50x80xi32, #tpu.memory_space<vmem>>)
      tpu.yield
    }) : () -> ()
    %barrier3A = arith.constant 0 : index
    tpu.barrier barrier_id(%barrier3A)
    %mul3A_5 = arith.constant 4000 : i32
    %mul3A_6 = arith.muli %add3A, %mul3A_5 : i32
    %add3A_7 = arith.constant 192000 : i32
    %add3A_8 = arith.addi %add3A_7, %mul3A_6 : i32
    %add3A_9 = arith.constant 0 : i32
    %add3A_10 = arith.addi %add3A_8, %add3A_9 : i32
    %multiple_of3A_11 = tpu.assume_multiple %add3A_10, 80 : i32
    %dma_start3A = arith.constant 0 : i32
    %dma_start3A_12 = arith.constant 0 : i32
    %dma_start3A_13 = arith.constant 0 : i32
    %dma_start3A_14 = tpu.memref_slice %arg7[%dma_start3A, %dma_start3A_12, %dma_start3A_13] : memref<2x80x128xf32, #tpu.memory_space<vmem>> -> memref<1x80x128xf32, #tpu.memory_space<vmem>>
    %dma_start3A_15 = tpu.memref_squeeze %dma_start3A_14 : memref<1x80x128xf32, #tpu.memory_space<vmem>> -> memref<80x128xf32, #tpu.memory_space<vmem>>
    %dma_start3A_16 = arith.constant 0 : i32
    %dma_start3A_17 = tpu.memref_slice %arg2[%multiple_of3A_11, %dma_start3A_16] : memref<320000x128xf32, #tpu.memory_space<hbm>> -> memref<80x128xf32, #tpu.memory_space<hbm>>
    %dma_start3A_18 = arith.constant 0 : i32
    %dma_start3A_19 = arith.constant 0 : i32
    %dma_start3A_20 = tpu.memref_slice %arg7[%dma_start3A, %dma_start3A_18, %dma_start3A_19] : memref<2x80x128xf32, #tpu.memory_space<vmem>> -> memref<1x80x128xf32, #tpu.memory_space<vmem>>
    %dma_start3A_21 = tpu.memref_squeeze %dma_start3A_20 : memref<1x80x128xf32, #tpu.memory_space<vmem>> -> memref<80x128xf32, #tpu.memory_space<vmem>>
    %dma_start3A_22 = arith.constant 0 : i32
    %dma_start3A_23 = tpu.memref_slice %arg2[%multiple_of3A_11, %dma_start3A_22] : memref<320000x128xf32, #tpu.memory_space<hbm>> -> memref<80x128xf32, #tpu.memory_space<hbm>>
    tpu.enqueue_dma source(%dma_start3A_23 : memref<80x128xf32, #tpu.memory_space<hbm>>) target(%dma_start3A_21 : memref<80x128xf32, #tpu.memory_space<vmem>>) target_semaphore(%arg9 : memref<!tpu.dma_semaphore, #tpu.memory_space<semaphore_mem>>)
    %scan3A = arith.constant 0 : i32
    %scan3A_24 = arith.constant 0 : i32
    %scan3A_25 = arith.constant 25 : i32
    %scan3A_26 = arith.addi %scan3A_24, %scan3A_25 : i32
    %scan3A_27 = arith.constant 1 : i32
    scf.for %scan3A_61 = %scan3A_24 to %scan3A_26 step %scan3A_27  : i32 {
      %mul3A_62 = arith.constant 2 : i32
      %mul3A_63 = arith.muli %mul3A_62, %scan3A_61 : i32
      %add3A_64 = arith.constant 0 : i32
      %add3A_65 = arith.addi %mul3A_63, %add3A_64 : i32
      %mul3A_66 = arith.constant 4000 : i32
      %mul3A_67 = arith.muli %add3A, %mul3A_66 : i32
      %add3A_68 = arith.constant 192000 : i32
      %add3A_69 = arith.addi %add3A_68, %mul3A_67 : i32
      %mul3A_70 = arith.constant 80 : i32
      %mul3A_71 = arith.muli %add3A_65, %mul3A_70 : i32
      %add3A_72 = arith.addi %add3A_69, %mul3A_71 : i32
      %multiple_of3A_73 = tpu.assume_multiple %add3A_72, 80 : i32
      %dma_wait3A_74 = arith.constant 0 : i32
      %dma_wait3A_75 = arith.constant 0 : i32
      %dma_wait3A_76 = arith.constant 0 : i32
      %dma_wait3A_77 = tpu.memref_slice %arg7[%dma_wait3A_74, %dma_wait3A_75, %dma_wait3A_76] : memref<2x80x128xf32, #tpu.memory_space<vmem>> -> memref<1x80x128xf32, #tpu.memory_space<vmem>>
      %dma_wait3A_78 = tpu.memref_squeeze %dma_wait3A_77 : memref<1x80x128xf32, #tpu.memory_space<vmem>> -> memref<80x128xf32, #tpu.memory_space<vmem>>
      %dma_wait3A_79 = arith.constant 0 : i32
      %dma_wait3A_80 = tpu.memref_slice %arg2[%multiple_of3A_73, %dma_wait3A_79] : memref<320000x128xf32, #tpu.memory_space<hbm>> -> memref<80x128xf32, #tpu.memory_space<hbm>>
      %dma_wait3A_81 = arith.constant 0 : i32
      %dma_wait3A_82 = arith.constant 0 : i32
      %dma_wait3A_83 = tpu.memref_slice %arg7[%dma_wait3A_74, %dma_wait3A_81, %dma_wait3A_82] : memref<2x80x128xf32, #tpu.memory_space<vmem>> -> memref<1x80x128xf32, #tpu.memory_space<vmem>>
      %dma_wait3A_84 = tpu.memref_squeeze %dma_wait3A_83 : memref<1x80x128xf32, #tpu.memory_space<vmem>> -> memref<80x128xf32, #tpu.memory_space<vmem>>
      %dma_wait3A_85 = arith.constant 0 : i32
      %dma_wait3A_86 = tpu.memref_slice %arg2[%multiple_of3A_73, %dma_wait3A_85] : memref<320000x128xf32, #tpu.memory_space<hbm>> -> memref<80x128xf32, #tpu.memory_space<hbm>>
      tpu.wait_dma2 semaphore(%arg9 : memref<!tpu.dma_semaphore, #tpu.memory_space<semaphore_mem>>) src(%dma_wait3A_86 : memref<80x128xf32, #tpu.memory_space<hbm>>) dst(%dma_wait3A_84 : memref<80x128xf32, #tpu.memory_space<vmem>>)
      %dma_start3A_87 = arith.constant 0 : i32
      %dma_start3A_88 = arith.constant 0 : i32
      %dma_start3A_89 = arith.constant 0 : i32
      %dma_start3A_90 = tpu.memref_slice %arg7[%dma_start3A_87, %dma_start3A_88, %dma_start3A_89] : memref<2x80x128xf32, #tpu.memory_space<vmem>> -> memref<1x80x128xf32, #tpu.memory_space<vmem>>
      %dma_start3A_91 = tpu.memref_squeeze %dma_start3A_90 : memref<1x80x128xf32, #tpu.memory_space<vmem>> -> memref<80x128xf32, #tpu.memory_space<vmem>>
      %dma_start3A_92 = arith.constant 0 : i32
      %dma_start3A_93 = tpu.memref_slice %arg6[%add3A_65, %dma_start3A_92] : memref<50x80xi32, #tpu.memory_space<vmem>> -> memref<1x80xi32, #tpu.memory_space<vmem>>
      %dma_start3A_94 = tpu.memref_squeeze %dma_start3A_93 : memref<1x80xi32, #tpu.memory_space<vmem>> -> memref<80xi32, #tpu.memory_space<vmem>>
      %dma_start3A_95 = arith.constant 0 : i32
      %dma_start3A_96 = arith.constant 0 : i32
      %dma_start3A_97 = tpu.memref_slice %arg8[%dma_start3A_95, %dma_start3A_96] : memref<10000x128xf32, #tpu.memory_space<vmem_shared>> -> memref<10000x128xf32, #tpu.memory_space<vmem_shared>>
      tpu.enqueue_indirect_dma source(%dma_start3A_91 : memref<80x128xf32, #tpu.memory_space<vmem>>) target(%dma_start3A_97 : memref<10000x128xf32, #tpu.memory_space<vmem_shared>>) offsets(%dma_start3A_94 : memref<80xi32, #tpu.memory_space<vmem>>) semaphore(%arg11 : memref<!tpu.dma_semaphore, #tpu.memory_space<semaphore_mem>>) {add = true}
      %add3A_98 = arith.constant 1 : i32
      %add3A_99 = arith.addi %add3A_65, %add3A_98 : i32
      %lt3A_100 = arith.constant 50 : i32
      %lt3A_101 = arith.cmpi slt, %add3A_99, %lt3A_100 : i32
      %convert_element_type3A_102 = arith.extui %lt3A_101 : i1 to i32
      %cond3A_103 = arith.constant 0 : i32
      %cond3A_104 = arith.cmpi ne, %convert_element_type3A_102, %cond3A_103 : i32
      scf.if %cond3A_104 {
        %ge3A = arith.constant 1 : i32
        %ge3A_148 = arith.cmpi sge, %add3A_65, %ge3A : i32
        %convert_element_type3A_149 = arith.extui %ge3A_148 : i1 to i32
        %cond3A_150 = arith.constant 0 : i32
        %cond3A_151 = arith.cmpi ne, %convert_element_type3A_149, %cond3A_150 : i32
        scf.if %cond3A_151 {
          %sub3A = arith.constant 1 : i32
          %sub3A_175 = arith.subi %add3A_65, %sub3A : i32
          %dma_wait3A_176 = arith.constant 1 : i32
          %dma_wait3A_177 = arith.constant 0 : i32
          %dma_wait3A_178 = arith.constant 0 : i32
          %dma_wait3A_179 = tpu.memref_slice %arg7[%dma_wait3A_176, %dma_wait3A_177, %dma_wait3A_178] : memref<2x80x128xf32, #tpu.memory_space<vmem>> -> memref<1x80x128xf32, #tpu.memory_space<vmem>>
          %dma_wait3A_180 = tpu.memref_squeeze %dma_wait3A_179 : memref<1x80x128xf32, #tpu.memory_space<vmem>> -> memref<80x128xf32, #tpu.memory_space<vmem>>
          %dma_wait3A_181 = arith.constant 0 : i32
          %dma_wait3A_182 = tpu.memref_slice %arg6[%sub3A_175, %dma_wait3A_181] : memref<50x80xi32, #tpu.memory_space<vmem>> -> memref<1x80xi32, #tpu.memory_space<vmem>>
          %dma_wait3A_183 = tpu.memref_squeeze %dma_wait3A_182 : memref<1x80xi32, #tpu.memory_space<vmem>> -> memref<80xi32, #tpu.memory_space<vmem>>
          %dma_wait3A_184 = arith.constant 0 : i32
          %dma_wait3A_185 = arith.constant 0 : i32
          %dma_wait3A_186 = tpu.memref_slice %arg8[%dma_wait3A_184, %dma_wait3A_185] : memref<10000x128xf32, #tpu.memory_space<vmem_shared>> -> memref<10000x128xf32, #tpu.memory_space<vmem_shared>>
          tpu.wait_indirect_dma semaphore(%arg12 : memref<!tpu.dma_semaphore, #tpu.memory_space<semaphore_mem>>) src(%dma_wait3A_180 : memref<80x128xf32, #tpu.memory_space<vmem>>) dst(%dma_wait3A_186 : memref<10000x128xf32, #tpu.memory_space<vmem_shared>>)
        } else {
        }
        %add3A_152 = arith.constant 1 : i32
        %add3A_153 = arith.addi %add3A_65, %add3A_152 : i32
        %mul3A_154 = arith.constant 4000 : i32
        %mul3A_155 = arith.muli %add3A, %mul3A_154 : i32
        %add3A_156 = arith.constant 192000 : i32
        %add3A_157 = arith.addi %add3A_156, %mul3A_155 : i32
        %mul3A_158 = arith.constant 80 : i32
        %mul3A_159 = arith.muli %add3A_153, %mul3A_158 : i32
        %add3A_160 = arith.addi %add3A_157, %mul3A_159 : i32
        %multiple_of3A_161 = tpu.assume_multiple %add3A_160, 80 : i32
        %dma_start3A_162 = arith.constant 1 : i32
        %dma_start3A_163 = arith.constant 0 : i32
        %dma_start3A_164 = arith.constant 0 : i32
        %dma_start3A_165 = tpu.memref_slice %arg7[%dma_start3A_162, %dma_start3A_163, %dma_start3A_164] : memref<2x80x128xf32, #tpu.memory_space<vmem>> -> memref<1x80x128xf32, #tpu.memory_space<vmem>>
        %dma_start3A_166 = tpu.memref_squeeze %dma_start3A_165 : memref<1x80x128xf32, #tpu.memory_space<vmem>> -> memref<80x128xf32, #tpu.memory_space<vmem>>
        %dma_start3A_167 = arith.constant 0 : i32
        %dma_start3A_168 = tpu.memref_slice %arg2[%multiple_of3A_161, %dma_start3A_167] : memref<320000x128xf32, #tpu.memory_space<hbm>> -> memref<80x128xf32, #tpu.memory_space<hbm>>
        %dma_start3A_169 = arith.constant 0 : i32
        %dma_start3A_170 = arith.constant 0 : i32
        %dma_start3A_171 = tpu.memref_slice %arg7[%dma_start3A_162, %dma_start3A_169, %dma_start3A_170] : memref<2x80x128xf32, #tpu.memory_space<vmem>> -> memref<1x80x128xf32, #tpu.memory_space<vmem>>
        %dma_start3A_172 = tpu.memref_squeeze %dma_start3A_171 : memref<1x80x128xf32, #tpu.memory_space<vmem>> -> memref<80x128xf32, #tpu.memory_space<vmem>>
        %dma_start3A_173 = arith.constant 0 : i32
        %dma_start3A_174 = tpu.memref_slice %arg2[%multiple_of3A_161, %dma_start3A_173] : memref<320000x128xf32, #tpu.memory_space<hbm>> -> memref<80x128xf32, #tpu.memory_space<hbm>>
        tpu.enqueue_dma source(%dma_start3A_174 : memref<80x128xf32, #tpu.memory_space<hbm>>) target(%dma_start3A_172 : memref<80x128xf32, #tpu.memory_space<vmem>>) target_semaphore(%arg10 : memref<!tpu.dma_semaphore, #tpu.memory_space<semaphore_mem>>)
      } else {
      }
      %mul3A_105 = arith.constant 2 : i32
      %mul3A_106 = arith.muli %mul3A_105, %scan3A_61 : i32
      %add3A_107 = arith.constant 1 : i32
      %add3A_108 = arith.addi %mul3A_106, %add3A_107 : i32
      %mul3A_109 = arith.constant 4000 : i32
      %mul3A_110 = arith.muli %add3A, %mul3A_109 : i32
      %add3A_111 = arith.constant 192000 : i32
      %add3A_112 = arith.addi %add3A_111, %mul3A_110 : i32
      %mul3A_113 = arith.constant 80 : i32
      %mul3A_114 = arith.muli %add3A_108, %mul3A_113 : i32
      %add3A_115 = arith.addi %add3A_112, %mul3A_114 : i32
      %multiple_of3A_116 = tpu.assume_multiple %add3A_115, 80 : i32
      %dma_wait3A_117 = arith.constant 1 : i32
      %dma_wait3A_118 = arith.constant 0 : i32
      %dma_wait3A_119 = arith.constant 0 : i32
      %dma_wait3A_120 = tpu.memref_slice %arg7[%dma_wait3A_117, %dma_wait3A_118, %dma_wait3A_119] : memref<2x80x128xf32, #tpu.memory_space<vmem>> -> memref<1x80x128xf32, #tpu.memory_space<vmem>>
      %dma_wait3A_121 = tpu.memref_squeeze %dma_wait3A_120 : memref<1x80x128xf32, #tpu.memory_space<vmem>> -> memref<80x128xf32, #tpu.memory_space<vmem>>
      %dma_wait3A_122 = arith.constant 0 : i32
      %dma_wait3A_123 = tpu.memref_slice %arg2[%multiple_of3A_116, %dma_wait3A_122] : memref<320000x128xf32, #tpu.memory_space<hbm>> -> memref<80x128xf32, #tpu.memory_space<hbm>>
      %dma_wait3A_124 = arith.constant 0 : i32
      %dma_wait3A_125 = arith.constant 0 : i32
      %dma_wait3A_126 = tpu.memref_slice %arg7[%dma_wait3A_117, %dma_wait3A_124, %dma_wait3A_125] : memref<2x80x128xf32, #tpu.memory_space<vmem>> -> memref<1x80x128xf32, #tpu.memory_space<vmem>>
      %dma_wait3A_127 = tpu.memref_squeeze %dma_wait3A_126 : memref<1x80x128xf32, #tpu.memory_space<vmem>> -> memref<80x128xf32, #tpu.memory_space<vmem>>
      %dma_wait3A_128 = arith.constant 0 : i32
      %dma_wait3A_129 = tpu.memref_slice %arg2[%multiple_of3A_116, %dma_wait3A_128] : memref<320000x128xf32, #tpu.memory_space<hbm>> -> memref<80x128xf32, #tpu.memory_space<hbm>>
      tpu.wait_dma2 semaphore(%arg10 : memref<!tpu.dma_semaphore, #tpu.memory_space<semaphore_mem>>) src(%dma_wait3A_129 : memref<80x128xf32, #tpu.memory_space<hbm>>) dst(%dma_wait3A_127 : memref<80x128xf32, #tpu.memory_space<vmem>>)
      %dma_start3A_130 = arith.constant 1 : i32
      %dma_start3A_131 = arith.constant 0 : i32
      %dma_start3A_132 = arith.constant 0 : i32
      %dma_start3A_133 = tpu.memref_slice %arg7[%dma_start3A_130, %dma_start3A_131, %dma_start3A_132] : memref<2x80x128xf32, #tpu.memory_space<vmem>> -> memref<1x80x128xf32, #tpu.memory_space<vmem>>
      %dma_start3A_134 = tpu.memref_squeeze %dma_start3A_133 : memref<1x80x128xf32, #tpu.memory_space<vmem>> -> memref<80x128xf32, #tpu.memory_space<vmem>>
      %dma_start3A_135 = arith.constant 0 : i32
      %dma_start3A_136 = tpu.memref_slice %arg6[%add3A_108, %dma_start3A_135] : memref<50x80xi32, #tpu.memory_space<vmem>> -> memref<1x80xi32, #tpu.memory_space<vmem>>
      %dma_start3A_137 = tpu.memref_squeeze %dma_start3A_136 : memref<1x80xi32, #tpu.memory_space<vmem>> -> memref<80xi32, #tpu.memory_space<vmem>>
      %dma_start3A_138 = arith.constant 0 : i32
      %dma_start3A_139 = arith.constant 0 : i32
      %dma_start3A_140 = tpu.memref_slice %arg8[%dma_start3A_138, %dma_start3A_139] : memref<10000x128xf32, #tpu.memory_space<vmem_shared>> -> memref<10000x128xf32, #tpu.memory_space<vmem_shared>>
      tpu.enqueue_indirect_dma source(%dma_start3A_134 : memref<80x128xf32, #tpu.memory_space<vmem>>) target(%dma_start3A_140 : memref<10000x128xf32, #tpu.memory_space<vmem_shared>>) offsets(%dma_start3A_137 : memref<80xi32, #tpu.memory_space<vmem>>) semaphore(%arg12 : memref<!tpu.dma_semaphore, #tpu.memory_space<semaphore_mem>>) {add = true}
      %add3A_141 = arith.constant 1 : i32
      %add3A_142 = arith.addi %add3A_108, %add3A_141 : i32
      %lt3A_143 = arith.constant 50 : i32
      %lt3A_144 = arith.cmpi slt, %add3A_142, %lt3A_143 : i32
      %convert_element_type3A_145 = arith.extui %lt3A_144 : i1 to i32
      %cond3A_146 = arith.constant 0 : i32
      %cond3A_147 = arith.cmpi ne, %convert_element_type3A_145, %cond3A_146 : i32
      scf.if %cond3A_147 {
        %ge3A = arith.constant 1 : i32
        %ge3A_148 = arith.cmpi sge, %add3A_108, %ge3A : i32
        %convert_element_type3A_149 = arith.extui %ge3A_148 : i1 to i32
        %cond3A_150 = arith.constant 0 : i32
        %cond3A_151 = arith.cmpi ne, %convert_element_type3A_149, %cond3A_150 : i32
        scf.if %cond3A_151 {
          %sub3A = arith.constant 1 : i32
          %sub3A_175 = arith.subi %add3A_108, %sub3A : i32
          %dma_wait3A_176 = arith.constant 0 : i32
          %dma_wait3A_177 = arith.constant 0 : i32
          %dma_wait3A_178 = arith.constant 0 : i32
          %dma_wait3A_179 = tpu.memref_slice %arg7[%dma_wait3A_176, %dma_wait3A_177, %dma_wait3A_178] : memref<2x80x128xf32, #tpu.memory_space<vmem>> -> memref<1x80x128xf32, #tpu.memory_space<vmem>>
          %dma_wait3A_180 = tpu.memref_squeeze %dma_wait3A_179 : memref<1x80x128xf32, #tpu.memory_space<vmem>> -> memref<80x128xf32, #tpu.memory_space<vmem>>
          %dma_wait3A_181 = arith.constant 0 : i32
          %dma_wait3A_182 = tpu.memref_slice %arg6[%sub3A_175, %dma_wait3A_181] : memref<50x80xi32, #tpu.memory_space<vmem>> -> memref<1x80xi32, #tpu.memory_space<vmem>>
          %dma_wait3A_183 = tpu.memref_squeeze %dma_wait3A_182 : memref<1x80xi32, #tpu.memory_space<vmem>> -> memref<80xi32, #tpu.memory_space<vmem>>
          %dma_wait3A_184 = arith.constant 0 : i32
          %dma_wait3A_185 = arith.constant 0 : i32
          %dma_wait3A_186 = tpu.memref_slice %arg8[%dma_wait3A_184, %dma_wait3A_185] : memref<10000x128xf32, #tpu.memory_space<vmem_shared>> -> memref<10000x128xf32, #tpu.memory_space<vmem_shared>>
          tpu.wait_indirect_dma semaphore(%arg11 : memref<!tpu.dma_semaphore, #tpu.memory_space<semaphore_mem>>) src(%dma_wait3A_180 : memref<80x128xf32, #tpu.memory_space<vmem>>) dst(%dma_wait3A_186 : memref<10000x128xf32, #tpu.memory_space<vmem_shared>>)
        } else {
        }
        %add3A_152 = arith.constant 1 : i32
        %add3A_153 = arith.addi %add3A_108, %add3A_152 : i32
        %mul3A_154 = arith.constant 4000 : i32
        %mul3A_155 = arith.muli %add3A, %mul3A_154 : i32
        %add3A_156 = arith.constant 192000 : i32
        %add3A_157 = arith.addi %add3A_156, %mul3A_155 : i32
        %mul3A_158 = arith.constant 80 : i32
        %mul3A_159 = arith.muli %add3A_153, %mul3A_158 : i32
        %add3A_160 = arith.addi %add3A_157, %mul3A_159 : i32
        %multiple_of3A_161 = tpu.assume_multiple %add3A_160, 80 : i32
        %dma_start3A_162 = arith.constant 0 : i32
        %dma_start3A_163 = arith.constant 0 : i32
        %dma_start3A_164 = arith.constant 0 : i32
        %dma_start3A_165 = tpu.memref_slice %arg7[%dma_start3A_162, %dma_start3A_163, %dma_start3A_164] : memref<2x80x128xf32, #tpu.memory_space<vmem>> -> memref<1x80x128xf32, #tpu.memory_space<vmem>>
        %dma_start3A_166 = tpu.memref_squeeze %dma_start3A_165 : memref<1x80x128xf32, #tpu.memory_space<vmem>> -> memref<80x128xf32, #tpu.memory_space<vmem>>
        %dma_start3A_167 = arith.constant 0 : i32
        %dma_start3A_168 = tpu.memref_slice %arg2[%multiple_of3A_161, %dma_start3A_167] : memref<320000x128xf32, #tpu.memory_space<hbm>> -> memref<80x128xf32, #tpu.memory_space<hbm>>
        %dma_start3A_169 = arith.constant 0 : i32
        %dma_start3A_170 = arith.constant 0 : i32
        %dma_start3A_171 = tpu.memref_slice %arg7[%dma_start3A_162, %dma_start3A_169, %dma_start3A_170] : memref<2x80x128xf32, #tpu.memory_space<vmem>> -> memref<1x80x128xf32, #tpu.memory_space<vmem>>
        %dma_start3A_172 = tpu.memref_squeeze %dma_start3A_171 : memref<1x80x128xf32, #tpu.memory_space<vmem>> -> memref<80x128xf32, #tpu.memory_space<vmem>>
        %dma_start3A_173 = arith.constant 0 : i32
        %dma_start3A_174 = tpu.memref_slice %arg2[%multiple_of3A_161, %dma_start3A_173] : memref<320000x128xf32, #tpu.memory_space<hbm>> -> memref<80x128xf32, #tpu.memory_space<hbm>>
        tpu.enqueue_dma source(%dma_start3A_174 : memref<80x128xf32, #tpu.memory_space<hbm>>) target(%dma_start3A_172 : memref<80x128xf32, #tpu.memory_space<vmem>>) target_semaphore(%arg9 : memref<!tpu.dma_semaphore, #tpu.memory_space<semaphore_mem>>)
      } else {
      }
    }
    %scan3A_28 = arith.constant 25 : i32
    %dma_wait3A = arith.constant 0 : i32
    %dma_wait3A_29 = arith.constant 48 : i32
    %dma_wait3A_30 = arith.constant 0 : i32
    %dma_wait3A_31 = arith.constant 0 : i32
    %dma_wait3A_32 = tpu.memref_slice %arg7[%dma_wait3A, %dma_wait3A_30, %dma_wait3A_31] : memref<2x80x128xf32, #tpu.memory_space<vmem>> -> memref<1x80x128xf32, #tpu.memory_space<vmem>>
    %dma_wait3A_33 = tpu.memref_squeeze %dma_wait3A_32 : memref<1x80x128xf32, #tpu.memory_space<vmem>> -> memref<80x128xf32, #tpu.memory_space<vmem>>
    %dma_wait3A_34 = arith.constant 0 : i32
    %dma_wait3A_35 = tpu.memref_slice %arg6[%dma_wait3A_29, %dma_wait3A_34] : memref<50x80xi32, #tpu.memory_space<vmem>> -> memref<1x80xi32, #tpu.memory_space<vmem>>
    %dma_wait3A_36 = tpu.memref_squeeze %dma_wait3A_35 : memref<1x80xi32, #tpu.memory_space<vmem>> -> memref<80xi32, #tpu.memory_space<vmem>>
    %dma_wait3A_37 = arith.constant 0 : i32
    %dma_wait3A_38 = arith.constant 0 : i32
    %dma_wait3A_39 = tpu.memref_slice %arg8[%dma_wait3A_37, %dma_wait3A_38] : memref<10000x128xf32, #tpu.memory_space<vmem_shared>> -> memref<10000x128xf32, #tpu.memory_space<vmem_shared>>
    tpu.wait_indirect_dma semaphore(%arg11 : memref<!tpu.dma_semaphore, #tpu.memory_space<semaphore_mem>>) src(%dma_wait3A_33 : memref<80x128xf32, #tpu.memory_space<vmem>>) dst(%dma_wait3A_39 : memref<10000x128xf32, #tpu.memory_space<vmem_shared>>)
    %dma_wait3A_40 = arith.constant 1 : i32
    %dma_wait3A_41 = arith.constant 49 : i32
    %dma_wait3A_42 = arith.constant 0 : i32
    %dma_wait3A_43 = arith.constant 0 : i32
    %dma_wait3A_44 = tpu.memref_slice %arg7[%dma_wait3A_40, %dma_wait3A_42, %dma_wait3A_43] : memref<2x80x128xf32, #tpu.memory_space<vmem>> -> memref<1x80x128xf32, #tpu.memory_space<vmem>>
    %dma_wait3A_45 = tpu.memref_squeeze %dma_wait3A_44 : memref<1x80x128xf32, #tpu.memory_space<vmem>> -> memref<80x128xf32, #tpu.memory_space<vmem>>
    %dma_wait3A_46 = arith.constant 0 : i32
    %dma_wait3A_47 = tpu.memref_slice %arg6[%dma_wait3A_41, %dma_wait3A_46] : memref<50x80xi32, #tpu.memory_space<vmem>> -> memref<1x80xi32, #tpu.memory_space<vmem>>
    %dma_wait3A_48 = tpu.memref_squeeze %dma_wait3A_47 : memref<1x80xi32, #tpu.memory_space<vmem>> -> memref<80xi32, #tpu.memory_space<vmem>>
    %dma_wait3A_49 = arith.constant 0 : i32
    %dma_wait3A_50 = arith.constant 0 : i32
    %dma_wait3A_51 = tpu.memref_slice %arg8[%dma_wait3A_49, %dma_wait3A_50] : memref<10000x128xf32, #tpu.memory_space<vmem_shared>> -> memref<10000x128xf32, #tpu.memory_space<vmem_shared>>
    tpu.wait_indirect_dma semaphore(%arg12 : memref<!tpu.dma_semaphore, #tpu.memory_space<semaphore_mem>>) src(%dma_wait3A_45 : memref<80x128xf32, #tpu.memory_space<vmem>>) dst(%dma_wait3A_51 : memref<10000x128xf32, #tpu.memory_space<vmem_shared>>)
    %barrier3A_52 = arith.constant 0 : index
    tpu.barrier barrier_id(%barrier3A_52)
    %mul3A_53 = arith.constant 624 : i32
    %mul3A_54 = arith.muli %arg1, %mul3A_53 : i32
    %multiple_of3A_55 = tpu.assume_multiple %mul3A_54, 8 : i32
    "tpu.region"() ({
      %run_scoped3A = tpu.sem_alloc : memref<!tpu.dma_semaphore, #tpu.memory_space<semaphore_mem>>
      %dma_start3A_61 = arith.constant 0 : i32
      %dma_start3A_62 = tpu.memref_slice %arg5[%arg0, %multiple_of3A_55, %dma_start3A_61] : memref<2x10000x128xf32, #tpu.memory_space<hbm>> -> memref<1x624x128xf32, #tpu.memory_space<hbm>>
      %dma_start3A_63 = tpu.memref_squeeze %dma_start3A_62 : memref<1x624x128xf32, #tpu.memory_space<hbm>> -> memref<624x128xf32, #tpu.memory_space<hbm>>
      %dma_start3A_64 = arith.constant 0 : i32
      %dma_start3A_65 = tpu.memref_slice %arg8[%multiple_of3A_55, %dma_start3A_64] : memref<10000x128xf32, #tpu.memory_space<vmem_shared>> -> memref<624x128xf32, #tpu.memory_space<vmem_shared>>
      tpu.enqueue_dma source(%dma_start3A_65 : memref<624x128xf32, #tpu.memory_space<vmem_shared>>) target(%dma_start3A_63 : memref<624x128xf32, #tpu.memory_space<hbm>>) target_semaphore(%run_scoped3A : memref<!tpu.dma_semaphore, #tpu.memory_space<semaphore_mem>>)
      %dma_wait3A_66 = arith.constant 0 : i32
      %dma_wait3A_67 = tpu.memref_slice %arg5[%arg0, %multiple_of3A_55, %dma_wait3A_66] : memref<2x10000x128xf32, #tpu.memory_space<hbm>> -> memref<1x624x128xf32, #tpu.memory_space<hbm>>
      %dma_wait3A_68 = tpu.memref_squeeze %dma_wait3A_67 : memref<1x624x128xf32, #tpu.memory_space<hbm>> -> memref<624x128xf32, #tpu.memory_space<hbm>>
      %dma_wait3A_69 = arith.constant 0 : i32
      %dma_wait3A_70 = tpu.memref_slice %arg8[%multiple_of3A_55, %dma_wait3A_69] : memref<10000x128xf32, #tpu.memory_space<vmem_shared>> -> memref<624x128xf32, #tpu.memory_space<vmem_shared>>
      tpu.wait_dma2 semaphore(%run_scoped3A : memref<!tpu.dma_semaphore, #tpu.memory_space<semaphore_mem>>) src(%dma_wait3A_70 : memref<624x128xf32, #tpu.memory_space<vmem_shared>>) dst(%dma_wait3A_68 : memref<624x128xf32, #tpu.memory_space<hbm>>)
      tpu.yield
    }) : () -> ()
    %lt3A_56 = arith.constant 2 : i32
    %lt3A_57 = arith.cmpi slt, %arg1, %lt3A_56 : i32
    %convert_element_type3A_58 = arith.extui %lt3A_57 : i1 to i32
    %cond3A_59 = arith.constant 0 : i32
    %cond3A_60 = arith.cmpi ne, %convert_element_type3A_58, %cond3A_59 : i32
    scf.if %cond3A_60 {
      %mul3A_61 = arith.constant 8 : i32
      %mul3A_62 = arith.muli %arg1, %mul3A_61 : i32
      %add3A_63 = arith.constant 9984 : i32
      %add3A_64 = arith.addi %add3A_63, %mul3A_62 : i32
      %multiple_of3A_65 = tpu.assume_multiple %add3A_64, 8 : i32
      "tpu.region"() ({
        %run_scoped3A = tpu.sem_alloc : memref<!tpu.dma_semaphore, #tpu.memory_space<semaphore_mem>>
        %dma_start3A_66 = arith.constant 0 : i32
        %dma_start3A_67 = tpu.memref_slice %arg5[%arg0, %multiple_of3A_65, %dma_start3A_66] : memref<2x10000x128xf32, #tpu.memory_space<hbm>> -> memref<1x8x128xf32, #tpu.memory_space<hbm>>
        %dma_start3A_68 = tpu.memref_squeeze %dma_start3A_67 : memref<1x8x128xf32, #tpu.memory_space<hbm>> -> memref<8x128xf32, #tpu.memory_space<hbm>>
        %dma_start3A_69 = arith.constant 0 : i32
        %dma_start3A_70 = tpu.memref_slice %arg8[%multiple_of3A_65, %dma_start3A_69] : memref<10000x128xf32, #tpu.memory_space<vmem_shared>> -> memref<8x128xf32, #tpu.memory_space<vmem_shared>>
        tpu.enqueue_dma source(%dma_start3A_70 : memref<8x128xf32, #tpu.memory_space<vmem_shared>>) target(%dma_start3A_68 : memref<8x128xf32, #tpu.memory_space<hbm>>) target_semaphore(%run_scoped3A : memref<!tpu.dma_semaphore, #tpu.memory_space<semaphore_mem>>)
        %dma_wait3A_71 = arith.constant 0 : i32
        %dma_wait3A_72 = tpu.memref_slice %arg5[%arg0, %multiple_of3A_65, %dma_wait3A_71] : memref<2x10000x128xf32, #tpu.memory_space<hbm>> -> memref<1x8x128xf32, #tpu.memory_space<hbm>>
        %dma_wait3A_73 = tpu.memref_squeeze %dma_wait3A_72 : memref<1x8x128xf32, #tpu.memory_space<hbm>> -> memref<8x128xf32, #tpu.memory_space<hbm>>
        %dma_wait3A_74 = arith.constant 0 : i32
        %dma_wait3A_75 = tpu.memref_slice %arg8[%multiple_of3A_65, %dma_wait3A_74] : memref<10000x128xf32, #tpu.memory_space<vmem_shared>> -> memref<8x128xf32, #tpu.memory_space<vmem_shared>>
        tpu.wait_dma2 semaphore(%run_scoped3A : memref<!tpu.dma_semaphore, #tpu.memory_space<semaphore_mem>>) src(%dma_wait3A_75 : memref<8x128xf32, #tpu.memory_space<vmem_shared>>) dst(%dma_wait3A_73 : memref<8x128xf32, #tpu.memory_space<hbm>>)
        tpu.yield
      }) : () -> ()
    } else {
    }
    return
  }
}

#map = affine_map<(d0, d1) -> (0, 0)>
#map1 = affine_map<(d0, d1) -> (0, 0, 0)>
module attributes {stable_mosaic.version = 14 : i64} {
  func.func @k(%arg0: i32, %arg1: i32, %arg2: memref<10000x128xf32, #tpu.memory_space<hbm>>, %arg3: memref<10000x128xf32, #tpu.memory_space<hbm>>, %arg4: memref<32x50x80xi32, #tpu.memory_space<hbm>>, %arg5: memref<32x50x80xi32, #tpu.memory_space<hbm>>, %arg6: memref<128000x128xf32, #tpu.memory_space<hbm>>, %arg7: memref<50x80xi32, #tpu.memory_space<vmem>>, %arg8: memref<50x80xi32, #tpu.memory_space<vmem>>, %arg9: memref<2x80x128xf32, #tpu.memory_space<vmem>>, %arg10: memref<!tpu.dma_semaphore, #tpu.memory_space<semaphore_mem>>, %arg11: memref<!tpu.dma_semaphore, #tpu.memory_space<semaphore_mem>>, %arg12: memref<!tpu.dma_semaphore, #tpu.memory_space<semaphore_mem>>, %arg13: memref<!tpu.dma_semaphore, #tpu.memory_space<semaphore_mem>>, %arg14: memref<!tpu.dma_semaphore, #tpu.memory_space<semaphore_mem>>, %arg15: memref<!tpu.dma_semaphore, #tpu.memory_space<semaphore_mem>>) attributes {dimension_semantics = [#tpu.dimension_semantics<core_parallel>, #tpu.dimension_semantics<subcore_parallel>], iteration_bounds = array<i64: 2, 16>, scalar_prefetch = 0 : i64, scratch_operands = 9 : i64, tpu.core_type = #tpu.core_type<sc_vector_subcore>, window_params = [{transform_indices = #map}, {transform_indices = #map}, {transform_indices = #map1}, {transform_indices = #map1}, {transform_indices = #map}]} {
    %mul3A = arith.constant 2 : i32
    %mul3A_0 = arith.muli %arg1, %mul3A : i32
    %add3A = arith.addi %mul3A_0, %arg0 : i32
    "tpu.region"() ({
      %run_scoped3A = tpu.sem_alloc : memref<!tpu.dma_semaphore, #tpu.memory_space<semaphore_mem>>
      %dma_start3A_33 = arith.constant 0 : i32
      %dma_start3A_34 = arith.constant 0 : i32
      %dma_start3A_35 = tpu.memref_slice %arg4[%add3A, %dma_start3A_33, %dma_start3A_34] : memref<32x50x80xi32, #tpu.memory_space<hbm>> -> memref<1x50x80xi32, #tpu.memory_space<hbm>>
      %dma_start3A_36 = tpu.memref_squeeze %dma_start3A_35 : memref<1x50x80xi32, #tpu.memory_space<hbm>> -> memref<50x80xi32, #tpu.memory_space<hbm>>
      %dma_start3A_37 = arith.constant 0 : i32
      %dma_start3A_38 = arith.constant 0 : i32
      %dma_start3A_39 = tpu.memref_slice %arg4[%add3A, %dma_start3A_37, %dma_start3A_38] : memref<32x50x80xi32, #tpu.memory_space<hbm>> -> memref<1x50x80xi32, #tpu.memory_space<hbm>>
      %dma_start3A_40 = tpu.memref_squeeze %dma_start3A_39 : memref<1x50x80xi32, #tpu.memory_space<hbm>> -> memref<50x80xi32, #tpu.memory_space<hbm>>
      tpu.enqueue_dma source(%dma_start3A_40 : memref<50x80xi32, #tpu.memory_space<hbm>>) target(%arg7 : memref<50x80xi32, #tpu.memory_space<vmem>>) target_semaphore(%run_scoped3A : memref<!tpu.dma_semaphore, #tpu.memory_space<semaphore_mem>>)
      %dma_wait3A_41 = arith.constant 0 : i32
      %dma_wait3A_42 = arith.constant 0 : i32
      %dma_wait3A_43 = tpu.memref_slice %arg4[%add3A, %dma_wait3A_41, %dma_wait3A_42] : memref<32x50x80xi32, #tpu.memory_space<hbm>> -> memref<1x50x80xi32, #tpu.memory_space<hbm>>
      %dma_wait3A_44 = tpu.memref_squeeze %dma_wait3A_43 : memref<1x50x80xi32, #tpu.memory_space<hbm>> -> memref<50x80xi32, #tpu.memory_space<hbm>>
      %dma_wait3A_45 = arith.constant 0 : i32
      %dma_wait3A_46 = arith.constant 0 : i32
      %dma_wait3A_47 = tpu.memref_slice %arg4[%add3A, %dma_wait3A_45, %dma_wait3A_46] : memref<32x50x80xi32, #tpu.memory_space<hbm>> -> memref<1x50x80xi32, #tpu.memory_space<hbm>>
      %dma_wait3A_48 = tpu.memref_squeeze %dma_wait3A_47 : memref<1x50x80xi32, #tpu.memory_space<hbm>> -> memref<50x80xi32, #tpu.memory_space<hbm>>
      tpu.wait_dma2 semaphore(%run_scoped3A : memref<!tpu.dma_semaphore, #tpu.memory_space<semaphore_mem>>) src(%dma_wait3A_48 : memref<50x80xi32, #tpu.memory_space<hbm>>) dst(%arg7 : memref<50x80xi32, #tpu.memory_space<vmem>>)
      tpu.yield
    }) : () -> ()
    "tpu.region"() ({
      %run_scoped3A = tpu.sem_alloc : memref<!tpu.dma_semaphore, #tpu.memory_space<semaphore_mem>>
      %dma_start3A_33 = arith.constant 0 : i32
      %dma_start3A_34 = arith.constant 0 : i32
      %dma_start3A_35 = tpu.memref_slice %arg5[%add3A, %dma_start3A_33, %dma_start3A_34] : memref<32x50x80xi32, #tpu.memory_space<hbm>> -> memref<1x50x80xi32, #tpu.memory_space<hbm>>
      %dma_start3A_36 = tpu.memref_squeeze %dma_start3A_35 : memref<1x50x80xi32, #tpu.memory_space<hbm>> -> memref<50x80xi32, #tpu.memory_space<hbm>>
      %dma_start3A_37 = arith.constant 0 : i32
      %dma_start3A_38 = arith.constant 0 : i32
      %dma_start3A_39 = tpu.memref_slice %arg5[%add3A, %dma_start3A_37, %dma_start3A_38] : memref<32x50x80xi32, #tpu.memory_space<hbm>> -> memref<1x50x80xi32, #tpu.memory_space<hbm>>
      %dma_start3A_40 = tpu.memref_squeeze %dma_start3A_39 : memref<1x50x80xi32, #tpu.memory_space<hbm>> -> memref<50x80xi32, #tpu.memory_space<hbm>>
      tpu.enqueue_dma source(%dma_start3A_40 : memref<50x80xi32, #tpu.memory_space<hbm>>) target(%arg8 : memref<50x80xi32, #tpu.memory_space<vmem>>) target_semaphore(%run_scoped3A : memref<!tpu.dma_semaphore, #tpu.memory_space<semaphore_mem>>)
      %dma_wait3A_41 = arith.constant 0 : i32
      %dma_wait3A_42 = arith.constant 0 : i32
      %dma_wait3A_43 = tpu.memref_slice %arg5[%add3A, %dma_wait3A_41, %dma_wait3A_42] : memref<32x50x80xi32, #tpu.memory_space<hbm>> -> memref<1x50x80xi32, #tpu.memory_space<hbm>>
      %dma_wait3A_44 = tpu.memref_squeeze %dma_wait3A_43 : memref<1x50x80xi32, #tpu.memory_space<hbm>> -> memref<50x80xi32, #tpu.memory_space<hbm>>
      %dma_wait3A_45 = arith.constant 0 : i32
      %dma_wait3A_46 = arith.constant 0 : i32
      %dma_wait3A_47 = tpu.memref_slice %arg5[%add3A, %dma_wait3A_45, %dma_wait3A_46] : memref<32x50x80xi32, #tpu.memory_space<hbm>> -> memref<1x50x80xi32, #tpu.memory_space<hbm>>
      %dma_wait3A_48 = tpu.memref_squeeze %dma_wait3A_47 : memref<1x50x80xi32, #tpu.memory_space<hbm>> -> memref<50x80xi32, #tpu.memory_space<hbm>>
      tpu.wait_dma2 semaphore(%run_scoped3A : memref<!tpu.dma_semaphore, #tpu.memory_space<semaphore_mem>>) src(%dma_wait3A_48 : memref<50x80xi32, #tpu.memory_space<hbm>>) dst(%arg8 : memref<50x80xi32, #tpu.memory_space<vmem>>)
      tpu.yield
    }) : () -> ()
    %dma_start3A = arith.constant 0 : i32
    %dma_start3A_1 = arith.constant 0 : i32
    %dma_start3A_2 = arith.constant 0 : i32
    %dma_start3A_3 = arith.constant 0 : i32
    %dma_start3A_4 = tpu.memref_slice %arg9[%dma_start3A_1, %dma_start3A_2, %dma_start3A_3] : memref<2x80x128xf32, #tpu.memory_space<vmem>> -> memref<1x80x128xf32, #tpu.memory_space<vmem>>
    %dma_start3A_5 = tpu.memref_squeeze %dma_start3A_4 : memref<1x80x128xf32, #tpu.memory_space<vmem>> -> memref<80x128xf32, #tpu.memory_space<vmem>>
    %dma_start3A_6 = arith.constant 0 : i32
    %dma_start3A_7 = tpu.memref_slice %arg7[%dma_start3A, %dma_start3A_6] : memref<50x80xi32, #tpu.memory_space<vmem>> -> memref<1x80xi32, #tpu.memory_space<vmem>>
    %dma_start3A_8 = tpu.memref_squeeze %dma_start3A_7 : memref<1x80xi32, #tpu.memory_space<vmem>> -> memref<80xi32, #tpu.memory_space<vmem>>
    %dma_start3A_9 = arith.constant 0 : i32
    %dma_start3A_10 = arith.constant 0 : i32
    %dma_start3A_11 = tpu.memref_slice %arg2[%dma_start3A_9, %dma_start3A_10] : memref<10000x128xf32, #tpu.memory_space<hbm>> -> memref<10000x128xf32, #tpu.memory_space<hbm>>
    tpu.enqueue_indirect_dma source(%dma_start3A_11 : memref<10000x128xf32, #tpu.memory_space<hbm>>) target(%dma_start3A_5 : memref<80x128xf32, #tpu.memory_space<vmem>>) offsets(%dma_start3A_8 : memref<80xi32, #tpu.memory_space<vmem>>) semaphore(%arg10 : memref<!tpu.dma_semaphore, #tpu.memory_space<semaphore_mem>>)
    %scan3A = arith.constant 0 : i32
    %scan3A_12 = arith.constant 0 : i32
    %scan3A_13 = arith.constant 25 : i32
    %scan3A_14 = arith.addi %scan3A_12, %scan3A_13 : i32
    %scan3A_15 = arith.constant 1 : i32
    scf.for %scan3A_33 = %scan3A_12 to %scan3A_14 step %scan3A_15  : i32 {
      %mul3A_34 = arith.constant 2 : i32
      %mul3A_35 = arith.muli %mul3A_34, %scan3A_33 : i32
      %add3A_36 = arith.constant 0 : i32
      %add3A_37 = arith.addi %mul3A_35, %add3A_36 : i32
      %dma_wait3A_38 = arith.constant 0 : i32
      %dma_wait3A_39 = arith.constant 0 : i32
      %dma_wait3A_40 = arith.constant 0 : i32
      %dma_wait3A_41 = tpu.memref_slice %arg9[%dma_wait3A_38, %dma_wait3A_39, %dma_wait3A_40] : memref<2x80x128xf32, #tpu.memory_space<vmem>> -> memref<1x80x128xf32, #tpu.memory_space<vmem>>
      %dma_wait3A_42 = tpu.memref_squeeze %dma_wait3A_41 : memref<1x80x128xf32, #tpu.memory_space<vmem>> -> memref<80x128xf32, #tpu.memory_space<vmem>>
      %dma_wait3A_43 = arith.constant 0 : i32
      %dma_wait3A_44 = tpu.memref_slice %arg7[%add3A_37, %dma_wait3A_43] : memref<50x80xi32, #tpu.memory_space<vmem>> -> memref<1x80xi32, #tpu.memory_space<vmem>>
      %dma_wait3A_45 = tpu.memref_squeeze %dma_wait3A_44 : memref<1x80xi32, #tpu.memory_space<vmem>> -> memref<80xi32, #tpu.memory_space<vmem>>
      %dma_wait3A_46 = arith.constant 0 : i32
      %dma_wait3A_47 = arith.constant 0 : i32
      %dma_wait3A_48 = tpu.memref_slice %arg2[%dma_wait3A_46, %dma_wait3A_47] : memref<10000x128xf32, #tpu.memory_space<hbm>> -> memref<10000x128xf32, #tpu.memory_space<hbm>>
      tpu.wait_indirect_dma semaphore(%arg10 : memref<!tpu.dma_semaphore, #tpu.memory_space<semaphore_mem>>) src(%dma_wait3A_48 : memref<10000x128xf32, #tpu.memory_space<hbm>>) dst(%dma_wait3A_42 : memref<80x128xf32, #tpu.memory_space<vmem>>)
      %dma_start3A_49 = arith.constant 0 : i32
      %dma_start3A_50 = arith.constant 0 : i32
      %dma_start3A_51 = arith.constant 0 : i32
      %dma_start3A_52 = tpu.memref_slice %arg9[%dma_start3A_49, %dma_start3A_50, %dma_start3A_51] : memref<2x80x128xf32, #tpu.memory_space<vmem>> -> memref<1x80x128xf32, #tpu.memory_space<vmem>>
      %dma_start3A_53 = tpu.memref_squeeze %dma_start3A_52 : memref<1x80x128xf32, #tpu.memory_space<vmem>> -> memref<80x128xf32, #tpu.memory_space<vmem>>
      %dma_start3A_54 = arith.constant 0 : i32
      %dma_start3A_55 = tpu.memref_slice %arg8[%add3A_37, %dma_start3A_54] : memref<50x80xi32, #tpu.memory_space<vmem>> -> memref<1x80xi32, #tpu.memory_space<vmem>>
      %dma_start3A_56 = tpu.memref_squeeze %dma_start3A_55 : memref<1x80xi32, #tpu.memory_space<vmem>> -> memref<80xi32, #tpu.memory_space<vmem>>
      %dma_start3A_57 = arith.constant 0 : i32
      %dma_start3A_58 = arith.constant 0 : i32
      %dma_start3A_59 = tpu.memref_slice %arg3[%dma_start3A_57, %dma_start3A_58] : memref<10000x128xf32, #tpu.memory_space<hbm>> -> memref<10000x128xf32, #tpu.memory_space<hbm>>
      tpu.enqueue_indirect_dma source(%dma_start3A_59 : memref<10000x128xf32, #tpu.memory_space<hbm>>) target(%dma_start3A_53 : memref<80x128xf32, #tpu.memory_space<vmem>>) offsets(%dma_start3A_56 : memref<80xi32, #tpu.memory_space<vmem>>) semaphore(%arg12 : memref<!tpu.dma_semaphore, #tpu.memory_space<semaphore_mem>>) {add = true}
      %ge3A = arith.constant 1 : i32
      %ge3A_60 = arith.cmpi sge, %add3A_37, %ge3A : i32
      %convert_element_type3A = arith.extui %ge3A_60 : i1 to i32
      %cond3A = arith.constant 0 : i32
      %cond3A_61 = arith.cmpi ne, %convert_element_type3A, %cond3A : i32
      scf.if %cond3A_61 {
        %sub3A = arith.constant 1 : i32
        %sub3A_166 = arith.subi %add3A_37, %sub3A : i32
        %mul3A_167 = arith.constant 4000 : i32
        %mul3A_168 = arith.muli %add3A, %mul3A_167 : i32
        %mul3A_169 = arith.constant 80 : i32
        %mul3A_170 = arith.muli %sub3A_166, %mul3A_169 : i32
        %add3A_171 = arith.addi %mul3A_168, %mul3A_170 : i32
        %multiple_of3A_172 = tpu.assume_multiple %add3A_171, 80 : i32
        %dma_wait3A_173 = arith.constant 1 : i32
        %dma_wait3A_174 = arith.constant 0 : i32
        %dma_wait3A_175 = arith.constant 0 : i32
        %dma_wait3A_176 = tpu.memref_slice %arg9[%dma_wait3A_173, %dma_wait3A_174, %dma_wait3A_175] : memref<2x80x128xf32, #tpu.memory_space<vmem>> -> memref<1x80x128xf32, #tpu.memory_space<vmem>>
        %dma_wait3A_177 = tpu.memref_squeeze %dma_wait3A_176 : memref<1x80x128xf32, #tpu.memory_space<vmem>> -> memref<80x128xf32, #tpu.memory_space<vmem>>
        %dma_wait3A_178 = arith.constant 0 : i32
        %dma_wait3A_179 = tpu.memref_slice %arg6[%multiple_of3A_172, %dma_wait3A_178] : memref<128000x128xf32, #tpu.memory_space<hbm>> -> memref<80x128xf32, #tpu.memory_space<hbm>>
        %dma_wait3A_180 = arith.constant 0 : i32
        %dma_wait3A_181 = tpu.memref_slice %arg6[%multiple_of3A_172, %dma_wait3A_180] : memref<128000x128xf32, #tpu.memory_space<hbm>> -> memref<80x128xf32, #tpu.memory_space<hbm>>
        %dma_wait3A_182 = arith.constant 0 : i32
        %dma_wait3A_183 = arith.constant 0 : i32
        %dma_wait3A_184 = tpu.memref_slice %arg9[%dma_wait3A_173, %dma_wait3A_182, %dma_wait3A_183] : memref<2x80x128xf32, #tpu.memory_space<vmem>> -> memref<1x80x128xf32, #tpu.memory_space<vmem>>
        %dma_wait3A_185 = tpu.memref_squeeze %dma_wait3A_184 : memref<1x80x128xf32, #tpu.memory_space<vmem>> -> memref<80x128xf32, #tpu.memory_space<vmem>>
        tpu.wait_dma2 semaphore(%arg15 : memref<!tpu.dma_semaphore, #tpu.memory_space<semaphore_mem>>) src(%dma_wait3A_185 : memref<80x128xf32, #tpu.memory_space<vmem>>) dst(%dma_wait3A_181 : memref<80x128xf32, #tpu.memory_space<hbm>>)
      } else {
      }
      %add3A_62 = arith.constant 1 : i32
      %add3A_63 = arith.addi %add3A_37, %add3A_62 : i32
      %lt3A = arith.constant 50 : i32
      %lt3A_64 = arith.cmpi slt, %add3A_63, %lt3A : i32
      %convert_element_type3A_65 = arith.extui %lt3A_64 : i1 to i32
      %cond3A_66 = arith.constant 0 : i32
      %cond3A_67 = arith.cmpi ne, %convert_element_type3A_65, %cond3A_66 : i32
      scf.if %cond3A_67 {
        %add3A_166 = arith.constant 1 : i32
        %add3A_167 = arith.addi %add3A_37, %add3A_166 : i32
        %dma_start3A_168 = arith.constant 1 : i32
        %dma_start3A_169 = arith.constant 0 : i32
        %dma_start3A_170 = arith.constant 0 : i32
        %dma_start3A_171 = tpu.memref_slice %arg9[%dma_start3A_168, %dma_start3A_169, %dma_start3A_170] : memref<2x80x128xf32, #tpu.memory_space<vmem>> -> memref<1x80x128xf32, #tpu.memory_space<vmem>>
        %dma_start3A_172 = tpu.memref_squeeze %dma_start3A_171 : memref<1x80x128xf32, #tpu.memory_space<vmem>> -> memref<80x128xf32, #tpu.memory_space<vmem>>
        %dma_start3A_173 = arith.constant 0 : i32
        %dma_start3A_174 = tpu.memref_slice %arg7[%add3A_167, %dma_start3A_173] : memref<50x80xi32, #tpu.memory_space<vmem>> -> memref<1x80xi32, #tpu.memory_space<vmem>>
        %dma_start3A_175 = tpu.memref_squeeze %dma_start3A_174 : memref<1x80xi32, #tpu.memory_space<vmem>> -> memref<80xi32, #tpu.memory_space<vmem>>
        %dma_start3A_176 = arith.constant 0 : i32
        %dma_start3A_177 = arith.constant 0 : i32
        %dma_start3A_178 = tpu.memref_slice %arg2[%dma_start3A_176, %dma_start3A_177] : memref<10000x128xf32, #tpu.memory_space<hbm>> -> memref<10000x128xf32, #tpu.memory_space<hbm>>
        tpu.enqueue_indirect_dma source(%dma_start3A_178 : memref<10000x128xf32, #tpu.memory_space<hbm>>) target(%dma_start3A_172 : memref<80x128xf32, #tpu.memory_space<vmem>>) offsets(%dma_start3A_175 : memref<80xi32, #tpu.memory_space<vmem>>) semaphore(%arg11 : memref<!tpu.dma_semaphore, #tpu.memory_space<semaphore_mem>>)
      } else {
      }
      %dma_wait3A_68 = arith.constant 0 : i32
      %dma_wait3A_69 = arith.constant 0 : i32
      %dma_wait3A_70 = arith.constant 0 : i32
      %dma_wait3A_71 = tpu.memref_slice %arg9[%dma_wait3A_68, %dma_wait3A_69, %dma_wait3A_70] : memref<2x80x128xf32, #tpu.memory_space<vmem>> -> memref<1x80x128xf32, #tpu.memory_space<vmem>>
      %dma_wait3A_72 = tpu.memref_squeeze %dma_wait3A_71 : memref<1x80x128xf32, #tpu.memory_space<vmem>> -> memref<80x128xf32, #tpu.memory_space<vmem>>
      %dma_wait3A_73 = arith.constant 0 : i32
      %dma_wait3A_74 = tpu.memref_slice %arg8[%add3A_37, %dma_wait3A_73] : memref<50x80xi32, #tpu.memory_space<vmem>> -> memref<1x80xi32, #tpu.memory_space<vmem>>
      %dma_wait3A_75 = tpu.memref_squeeze %dma_wait3A_74 : memref<1x80xi32, #tpu.memory_space<vmem>> -> memref<80xi32, #tpu.memory_space<vmem>>
      %dma_wait3A_76 = arith.constant 0 : i32
      %dma_wait3A_77 = arith.constant 0 : i32
      %dma_wait3A_78 = tpu.memref_slice %arg3[%dma_wait3A_76, %dma_wait3A_77] : memref<10000x128xf32, #tpu.memory_space<hbm>> -> memref<10000x128xf32, #tpu.memory_space<hbm>>
      tpu.wait_indirect_dma semaphore(%arg12 : memref<!tpu.dma_semaphore, #tpu.memory_space<semaphore_mem>>) src(%dma_wait3A_78 : memref<10000x128xf32, #tpu.memory_space<hbm>>) dst(%dma_wait3A_72 : memref<80x128xf32, #tpu.memory_space<vmem>>)
      %mul3A_79 = arith.constant 4000 : i32
      %mul3A_80 = arith.muli %add3A, %mul3A_79 : i32
      %mul3A_81 = arith.constant 80 : i32
      %mul3A_82 = arith.muli %add3A_37, %mul3A_81 : i32
      %add3A_83 = arith.addi %mul3A_80, %mul3A_82 : i32
      %multiple_of3A_84 = tpu.assume_multiple %add3A_83, 80 : i32
      %dma_start3A_85 = arith.constant 0 : i32
      %dma_start3A_86 = arith.constant 0 : i32
      %dma_start3A_87 = arith.constant 0 : i32
      %dma_start3A_88 = tpu.memref_slice %arg9[%dma_start3A_85, %dma_start3A_86, %dma_start3A_87] : memref<2x80x128xf32, #tpu.memory_space<vmem>> -> memref<1x80x128xf32, #tpu.memory_space<vmem>>
      %dma_start3A_89 = tpu.memref_squeeze %dma_start3A_88 : memref<1x80x128xf32, #tpu.memory_space<vmem>> -> memref<80x128xf32, #tpu.memory_space<vmem>>
      %dma_start3A_90 = arith.constant 0 : i32
      %dma_start3A_91 = tpu.memref_slice %arg6[%multiple_of3A_84, %dma_start3A_90] : memref<128000x128xf32, #tpu.memory_space<hbm>> -> memref<80x128xf32, #tpu.memory_space<hbm>>
      %dma_start3A_92 = arith.constant 0 : i32
      %dma_start3A_93 = tpu.memref_slice %arg6[%multiple_of3A_84, %dma_start3A_92] : memref<128000x128xf32, #tpu.memory_space<hbm>> -> memref<80x128xf32, #tpu.memory_space<hbm>>
      %dma_start3A_94 = arith.constant 0 : i32
      %dma_start3A_95 = arith.constant 0 : i32
      %dma_start3A_96 = tpu.memref_slice %arg9[%dma_start3A_85, %dma_start3A_94, %dma_start3A_95] : memref<2x80x128xf32, #tpu.memory_space<vmem>> -> memref<1x80x128xf32, #tpu.memory_space<vmem>>
      %dma_start3A_97 = tpu.memref_squeeze %dma_start3A_96 : memref<1x80x128xf32, #tpu.memory_space<vmem>> -> memref<80x128xf32, #tpu.memory_space<vmem>>
      tpu.enqueue_dma source(%dma_start3A_97 : memref<80x128xf32, #tpu.memory_space<vmem>>) target(%dma_start3A_93 : memref<80x128xf32, #tpu.memory_space<hbm>>) target_semaphore(%arg14 : memref<!tpu.dma_semaphore, #tpu.memory_space<semaphore_mem>>)
      %mul3A_98 = arith.constant 2 : i32
      %mul3A_99 = arith.muli %mul3A_98, %scan3A_33 : i32
      %add3A_100 = arith.constant 1 : i32
      %add3A_101 = arith.addi %mul3A_99, %add3A_100 : i32
      %dma_wait3A_102 = arith.constant 1 : i32
      %dma_wait3A_103 = arith.constant 0 : i32
      %dma_wait3A_104 = arith.constant 0 : i32
      %dma_wait3A_105 = tpu.memref_slice %arg9[%dma_wait3A_102, %dma_wait3A_103, %dma_wait3A_104] : memref<2x80x128xf32, #tpu.memory_space<vmem>> -> memref<1x80x128xf32, #tpu.memory_space<vmem>>
      %dma_wait3A_106 = tpu.memref_squeeze %dma_wait3A_105 : memref<1x80x128xf32, #tpu.memory_space<vmem>> -> memref<80x128xf32, #tpu.memory_space<vmem>>
      %dma_wait3A_107 = arith.constant 0 : i32
      %dma_wait3A_108 = tpu.memref_slice %arg7[%add3A_101, %dma_wait3A_107] : memref<50x80xi32, #tpu.memory_space<vmem>> -> memref<1x80xi32, #tpu.memory_space<vmem>>
      %dma_wait3A_109 = tpu.memref_squeeze %dma_wait3A_108 : memref<1x80xi32, #tpu.memory_space<vmem>> -> memref<80xi32, #tpu.memory_space<vmem>>
      %dma_wait3A_110 = arith.constant 0 : i32
      %dma_wait3A_111 = arith.constant 0 : i32
      %dma_wait3A_112 = tpu.memref_slice %arg2[%dma_wait3A_110, %dma_wait3A_111] : memref<10000x128xf32, #tpu.memory_space<hbm>> -> memref<10000x128xf32, #tpu.memory_space<hbm>>
      tpu.wait_indirect_dma semaphore(%arg11 : memref<!tpu.dma_semaphore, #tpu.memory_space<semaphore_mem>>) src(%dma_wait3A_112 : memref<10000x128xf32, #tpu.memory_space<hbm>>) dst(%dma_wait3A_106 : memref<80x128xf32, #tpu.memory_space<vmem>>)
      %dma_start3A_113 = arith.constant 1 : i32
      %dma_start3A_114 = arith.constant 0 : i32
      %dma_start3A_115 = arith.constant 0 : i32
      %dma_start3A_116 = tpu.memref_slice %arg9[%dma_start3A_113, %dma_start3A_114, %dma_start3A_115] : memref<2x80x128xf32, #tpu.memory_space<vmem>> -> memref<1x80x128xf32, #tpu.memory_space<vmem>>
      %dma_start3A_117 = tpu.memref_squeeze %dma_start3A_116 : memref<1x80x128xf32, #tpu.memory_space<vmem>> -> memref<80x128xf32, #tpu.memory_space<vmem>>
      %dma_start3A_118 = arith.constant 0 : i32
      %dma_start3A_119 = tpu.memref_slice %arg8[%add3A_101, %dma_start3A_118] : memref<50x80xi32, #tpu.memory_space<vmem>> -> memref<1x80xi32, #tpu.memory_space<vmem>>
      %dma_start3A_120 = tpu.memref_squeeze %dma_start3A_119 : memref<1x80xi32, #tpu.memory_space<vmem>> -> memref<80xi32, #tpu.memory_space<vmem>>
      %dma_start3A_121 = arith.constant 0 : i32
      %dma_start3A_122 = arith.constant 0 : i32
      %dma_start3A_123 = tpu.memref_slice %arg3[%dma_start3A_121, %dma_start3A_122] : memref<10000x128xf32, #tpu.memory_space<hbm>> -> memref<10000x128xf32, #tpu.memory_space<hbm>>
      tpu.enqueue_indirect_dma source(%dma_start3A_123 : memref<10000x128xf32, #tpu.memory_space<hbm>>) target(%dma_start3A_117 : memref<80x128xf32, #tpu.memory_space<vmem>>) offsets(%dma_start3A_120 : memref<80xi32, #tpu.memory_space<vmem>>) semaphore(%arg13 : memref<!tpu.dma_semaphore, #tpu.memory_space<semaphore_mem>>) {add = true}
      %ge3A_124 = arith.constant 1 : i32
      %ge3A_125 = arith.cmpi sge, %add3A_101, %ge3A_124 : i32
      %convert_element_type3A_126 = arith.extui %ge3A_125 : i1 to i32
      %cond3A_127 = arith.constant 0 : i32
      %cond3A_128 = arith.cmpi ne, %convert_element_type3A_126, %cond3A_127 : i32
      scf.if %cond3A_128 {
        %sub3A = arith.constant 1 : i32
        %sub3A_166 = arith.subi %add3A_101, %sub3A : i32
        %mul3A_167 = arith.constant 4000 : i32
        %mul3A_168 = arith.muli %add3A, %mul3A_167 : i32
        %mul3A_169 = arith.constant 80 : i32
        %mul3A_170 = arith.muli %sub3A_166, %mul3A_169 : i32
        %add3A_171 = arith.addi %mul3A_168, %mul3A_170 : i32
        %multiple_of3A_172 = tpu.assume_multiple %add3A_171, 80 : i32
        %dma_wait3A_173 = arith.constant 0 : i32
        %dma_wait3A_174 = arith.constant 0 : i32
        %dma_wait3A_175 = arith.constant 0 : i32
        %dma_wait3A_176 = tpu.memref_slice %arg9[%dma_wait3A_173, %dma_wait3A_174, %dma_wait3A_175] : memref<2x80x128xf32, #tpu.memory_space<vmem>> -> memref<1x80x128xf32, #tpu.memory_space<vmem>>
        %dma_wait3A_177 = tpu.memref_squeeze %dma_wait3A_176 : memref<1x80x128xf32, #tpu.memory_space<vmem>> -> memref<80x128xf32, #tpu.memory_space<vmem>>
        %dma_wait3A_178 = arith.constant 0 : i32
        %dma_wait3A_179 = tpu.memref_slice %arg6[%multiple_of3A_172, %dma_wait3A_178] : memref<128000x128xf32, #tpu.memory_space<hbm>> -> memref<80x128xf32, #tpu.memory_space<hbm>>
        %dma_wait3A_180 = arith.constant 0 : i32
        %dma_wait3A_181 = tpu.memref_slice %arg6[%multiple_of3A_172, %dma_wait3A_180] : memref<128000x128xf32, #tpu.memory_space<hbm>> -> memref<80x128xf32, #tpu.memory_space<hbm>>
        %dma_wait3A_182 = arith.constant 0 : i32
        %dma_wait3A_183 = arith.constant 0 : i32
        %dma_wait3A_184 = tpu.memref_slice %arg9[%dma_wait3A_173, %dma_wait3A_182, %dma_wait3A_183] : memref<2x80x128xf32, #tpu.memory_space<vmem>> -> memref<1x80x128xf32, #tpu.memory_space<vmem>>
        %dma_wait3A_185 = tpu.memref_squeeze %dma_wait3A_184 : memref<1x80x128xf32, #tpu.memory_space<vmem>> -> memref<80x128xf32, #tpu.memory_space<vmem>>
        tpu.wait_dma2 semaphore(%arg14 : memref<!tpu.dma_semaphore, #tpu.memory_space<semaphore_mem>>) src(%dma_wait3A_185 : memref<80x128xf32, #tpu.memory_space<vmem>>) dst(%dma_wait3A_181 : memref<80x128xf32, #tpu.memory_space<hbm>>)
      } else {
      }
      %add3A_129 = arith.constant 1 : i32
      %add3A_130 = arith.addi %add3A_101, %add3A_129 : i32
      %lt3A_131 = arith.constant 50 : i32
      %lt3A_132 = arith.cmpi slt, %add3A_130, %lt3A_131 : i32
      %convert_element_type3A_133 = arith.extui %lt3A_132 : i1 to i32
      %cond3A_134 = arith.constant 0 : i32
      %cond3A_135 = arith.cmpi ne, %convert_element_type3A_133, %cond3A_134 : i32
      scf.if %cond3A_135 {
        %add3A_166 = arith.constant 1 : i32
        %add3A_167 = arith.addi %add3A_101, %add3A_166 : i32
        %dma_start3A_168 = arith.constant 0 : i32
        %dma_start3A_169 = arith.constant 0 : i32
        %dma_start3A_170 = arith.constant 0 : i32
        %dma_start3A_171 = tpu.memref_slice %arg9[%dma_start3A_168, %dma_start3A_169, %dma_start3A_170] : memref<2x80x128xf32, #tpu.memory_space<vmem>> -> memref<1x80x128xf32, #tpu.memory_space<vmem>>
        %dma_start3A_172 = tpu.memref_squeeze %dma_start3A_171 : memref<1x80x128xf32, #tpu.memory_space<vmem>> -> memref<80x128xf32, #tpu.memory_space<vmem>>
        %dma_start3A_173 = arith.constant 0 : i32
        %dma_start3A_174 = tpu.memref_slice %arg7[%add3A_167, %dma_start3A_173] : memref<50x80xi32, #tpu.memory_space<vmem>> -> memref<1x80xi32, #tpu.memory_space<vmem>>
        %dma_start3A_175 = tpu.memref_squeeze %dma_start3A_174 : memref<1x80xi32, #tpu.memory_space<vmem>> -> memref<80xi32, #tpu.memory_space<vmem>>
        %dma_start3A_176 = arith.constant 0 : i32
        %dma_start3A_177 = arith.constant 0 : i32
        %dma_start3A_178 = tpu.memref_slice %arg2[%dma_start3A_176, %dma_start3A_177] : memref<10000x128xf32, #tpu.memory_space<hbm>> -> memref<10000x128xf32, #tpu.memory_space<hbm>>
        tpu.enqueue_indirect_dma source(%dma_start3A_178 : memref<10000x128xf32, #tpu.memory_space<hbm>>) target(%dma_start3A_172 : memref<80x128xf32, #tpu.memory_space<vmem>>) offsets(%dma_start3A_175 : memref<80xi32, #tpu.memory_space<vmem>>) semaphore(%arg10 : memref<!tpu.dma_semaphore, #tpu.memory_space<semaphore_mem>>)
      } else {
      }
      %dma_wait3A_136 = arith.constant 1 : i32
      %dma_wait3A_137 = arith.constant 0 : i32
      %dma_wait3A_138 = arith.constant 0 : i32
      %dma_wait3A_139 = tpu.memref_slice %arg9[%dma_wait3A_136, %dma_wait3A_137, %dma_wait3A_138] : memref<2x80x128xf32, #tpu.memory_space<vmem>> -> memref<1x80x128xf32, #tpu.memory_space<vmem>>
      %dma_wait3A_140 = tpu.memref_squeeze %dma_wait3A_139 : memref<1x80x128xf32, #tpu.memory_space<vmem>> -> memref<80x128xf32, #tpu.memory_space<vmem>>
      %dma_wait3A_141 = arith.constant 0 : i32
      %dma_wait3A_142 = tpu.memref_slice %arg8[%add3A_101, %dma_wait3A_141] : memref<50x80xi32, #tpu.memory_space<vmem>> -> memref<1x80xi32, #tpu.memory_space<vmem>>
      %dma_wait3A_143 = tpu.memref_squeeze %dma_wait3A_142 : memref<1x80xi32, #tpu.memory_space<vmem>> -> memref<80xi32, #tpu.memory_space<vmem>>
      %dma_wait3A_144 = arith.constant 0 : i32
      %dma_wait3A_145 = arith.constant 0 : i32
      %dma_wait3A_146 = tpu.memref_slice %arg3[%dma_wait3A_144, %dma_wait3A_145] : memref<10000x128xf32, #tpu.memory_space<hbm>> -> memref<10000x128xf32, #tpu.memory_space<hbm>>
      tpu.wait_indirect_dma semaphore(%arg13 : memref<!tpu.dma_semaphore, #tpu.memory_space<semaphore_mem>>) src(%dma_wait3A_146 : memref<10000x128xf32, #tpu.memory_space<hbm>>) dst(%dma_wait3A_140 : memref<80x128xf32, #tpu.memory_space<vmem>>)
      %mul3A_147 = arith.constant 4000 : i32
      %mul3A_148 = arith.muli %add3A, %mul3A_147 : i32
      %mul3A_149 = arith.constant 80 : i32
      %mul3A_150 = arith.muli %add3A_101, %mul3A_149 : i32
      %add3A_151 = arith.addi %mul3A_148, %mul3A_150 : i32
      %multiple_of3A_152 = tpu.assume_multiple %add3A_151, 80 : i32
      %dma_start3A_153 = arith.constant 1 : i32
      %dma_start3A_154 = arith.constant 0 : i32
      %dma_start3A_155 = arith.constant 0 : i32
      %dma_start3A_156 = tpu.memref_slice %arg9[%dma_start3A_153, %dma_start3A_154, %dma_start3A_155] : memref<2x80x128xf32, #tpu.memory_space<vmem>> -> memref<1x80x128xf32, #tpu.memory_space<vmem>>
      %dma_start3A_157 = tpu.memref_squeeze %dma_start3A_156 : memref<1x80x128xf32, #tpu.memory_space<vmem>> -> memref<80x128xf32, #tpu.memory_space<vmem>>
      %dma_start3A_158 = arith.constant 0 : i32
      %dma_start3A_159 = tpu.memref_slice %arg6[%multiple_of3A_152, %dma_start3A_158] : memref<128000x128xf32, #tpu.memory_space<hbm>> -> memref<80x128xf32, #tpu.memory_space<hbm>>
      %dma_start3A_160 = arith.constant 0 : i32
      %dma_start3A_161 = tpu.memref_slice %arg6[%multiple_of3A_152, %dma_start3A_160] : memref<128000x128xf32, #tpu.memory_space<hbm>> -> memref<80x128xf32, #tpu.memory_space<hbm>>
      %dma_start3A_162 = arith.constant 0 : i32
      %dma_start3A_163 = arith.constant 0 : i32
      %dma_start3A_164 = tpu.memref_slice %arg9[%dma_start3A_153, %dma_start3A_162, %dma_start3A_163] : memref<2x80x128xf32, #tpu.memory_space<vmem>> -> memref<1x80x128xf32, #tpu.memory_space<vmem>>
      %dma_start3A_165 = tpu.memref_squeeze %dma_start3A_164 : memref<1x80x128xf32, #tpu.memory_space<vmem>> -> memref<80x128xf32, #tpu.memory_space<vmem>>
      tpu.enqueue_dma source(%dma_start3A_165 : memref<80x128xf32, #tpu.memory_space<vmem>>) target(%dma_start3A_161 : memref<80x128xf32, #tpu.memory_space<hbm>>) target_semaphore(%arg15 : memref<!tpu.dma_semaphore, #tpu.memory_space<semaphore_mem>>)
    }
    %scan3A_16 = arith.constant 25 : i32
    %mul3A_17 = arith.constant 4000 : i32
    %mul3A_18 = arith.muli %add3A, %mul3A_17 : i32
    %add3A_19 = arith.constant 3920 : i32
    %add3A_20 = arith.addi %mul3A_18, %add3A_19 : i32
    %multiple_of3A = tpu.assume_multiple %add3A_20, 80 : i32
    %dma_wait3A = arith.constant 1 : i32
    %dma_wait3A_21 = arith.constant 0 : i32
    %dma_wait3A_22 = arith.constant 0 : i32
    %dma_wait3A_23 = tpu.memref_slice %arg9[%dma_wait3A, %dma_wait3A_21, %dma_wait3A_22] : memref<2x80x128xf32, #tpu.memory_space<vmem>> -> memref<1x80x128xf32, #tpu.memory_space<vmem>>
    %dma_wait3A_24 = tpu.memref_squeeze %dma_wait3A_23 : memref<1x80x128xf32, #tpu.memory_space<vmem>> -> memref<80x128xf32, #tpu.memory_space<vmem>>
    %dma_wait3A_25 = arith.constant 0 : i32
    %dma_wait3A_26 = tpu.memref_slice %arg6[%multiple_of3A, %dma_wait3A_25] : memref<128000x128xf32, #tpu.memory_space<hbm>> -> memref<80x128xf32, #tpu.memory_space<hbm>>
    %dma_wait3A_27 = arith.constant 0 : i32
    %dma_wait3A_28 = tpu.memref_slice %arg6[%multiple_of3A, %dma_wait3A_27] : memref<128000x128xf32, #tpu.memory_space<hbm>> -> memref<80x128xf32, #tpu.memory_space<hbm>>
    %dma_wait3A_29 = arith.constant 0 : i32
    %dma_wait3A_30 = arith.constant 0 : i32
    %dma_wait3A_31 = tpu.memref_slice %arg9[%dma_wait3A, %dma_wait3A_29, %dma_wait3A_30] : memref<2x80x128xf32, #tpu.memory_space<vmem>> -> memref<1x80x128xf32, #tpu.memory_space<vmem>>
    %dma_wait3A_32 = tpu.memref_squeeze %dma_wait3A_31 : memref<1x80x128xf32, #tpu.memory_space<vmem>> -> memref<80x128xf32, #tpu.memory_space<vmem>>
    tpu.wait_dma2 semaphore(%arg15 : memref<!tpu.dma_semaphore, #tpu.memory_space<semaphore_mem>>) src(%dma_wait3A_32 : memref<80x128xf32, #tpu.memory_space<vmem>>) dst(%dma_wait3A_28 : memref<80x128xf32, #tpu.memory_space<hbm>>)
    return
  }
}

#map = affine_map<(d0, d1) -> (0, 0)>
#map1 = affine_map<(d0, d1) -> (0, 0, 0)>
module attributes {stable_mosaic.version = 14 : i64} {
  func.func @k(%arg0: i32, %arg1: i32, %arg2: memref<10000x128xf32, #tpu.memory_space<hbm>>, %arg3: memref<10000x128xf32, #tpu.memory_space<hbm>>, %arg4: memref<32x75x80xi32, #tpu.memory_space<hbm>>, %arg5: memref<32x75x80xi32, #tpu.memory_space<hbm>>, %arg6: memref<192000x128xf32, #tpu.memory_space<hbm>>, %arg7: memref<75x80xi32, #tpu.memory_space<vmem>>, %arg8: memref<75x80xi32, #tpu.memory_space<vmem>>, %arg9: memref<2x80x128xf32, #tpu.memory_space<vmem>>, %arg10: memref<!tpu.dma_semaphore, #tpu.memory_space<semaphore_mem>>, %arg11: memref<!tpu.dma_semaphore, #tpu.memory_space<semaphore_mem>>, %arg12: memref<!tpu.dma_semaphore, #tpu.memory_space<semaphore_mem>>, %arg13: memref<!tpu.dma_semaphore, #tpu.memory_space<semaphore_mem>>, %arg14: memref<!tpu.dma_semaphore, #tpu.memory_space<semaphore_mem>>, %arg15: memref<!tpu.dma_semaphore, #tpu.memory_space<semaphore_mem>>) attributes {dimension_semantics = [#tpu.dimension_semantics<core_parallel>, #tpu.dimension_semantics<subcore_parallel>], iteration_bounds = array<i64: 2, 16>, scalar_prefetch = 0 : i64, scratch_operands = 9 : i64, tpu.core_type = #tpu.core_type<sc_vector_subcore>, window_params = [{transform_indices = #map}, {transform_indices = #map}, {transform_indices = #map1}, {transform_indices = #map1}, {transform_indices = #map}]} {
    %mul3A = arith.constant 2 : i32
    %mul3A_0 = arith.muli %arg1, %mul3A : i32
    %add3A = arith.addi %mul3A_0, %arg0 : i32
    "tpu.region"() ({
      %run_scoped3A = tpu.sem_alloc : memref<!tpu.dma_semaphore, #tpu.memory_space<semaphore_mem>>
      %dma_start3A_105 = arith.constant 0 : i32
      %dma_start3A_106 = arith.constant 0 : i32
      %dma_start3A_107 = tpu.memref_slice %arg4[%add3A, %dma_start3A_105, %dma_start3A_106] : memref<32x75x80xi32, #tpu.memory_space<hbm>> -> memref<1x75x80xi32, #tpu.memory_space<hbm>>
      %dma_start3A_108 = tpu.memref_squeeze %dma_start3A_107 : memref<1x75x80xi32, #tpu.memory_space<hbm>> -> memref<75x80xi32, #tpu.memory_space<hbm>>
      %dma_start3A_109 = arith.constant 0 : i32
      %dma_start3A_110 = arith.constant 0 : i32
      %dma_start3A_111 = tpu.memref_slice %arg4[%add3A, %dma_start3A_109, %dma_start3A_110] : memref<32x75x80xi32, #tpu.memory_space<hbm>> -> memref<1x75x80xi32, #tpu.memory_space<hbm>>
      %dma_start3A_112 = tpu.memref_squeeze %dma_start3A_111 : memref<1x75x80xi32, #tpu.memory_space<hbm>> -> memref<75x80xi32, #tpu.memory_space<hbm>>
      tpu.enqueue_dma source(%dma_start3A_112 : memref<75x80xi32, #tpu.memory_space<hbm>>) target(%arg7 : memref<75x80xi32, #tpu.memory_space<vmem>>) target_semaphore(%run_scoped3A : memref<!tpu.dma_semaphore, #tpu.memory_space<semaphore_mem>>)
      %dma_wait3A_113 = arith.constant 0 : i32
      %dma_wait3A_114 = arith.constant 0 : i32
      %dma_wait3A_115 = tpu.memref_slice %arg4[%add3A, %dma_wait3A_113, %dma_wait3A_114] : memref<32x75x80xi32, #tpu.memory_space<hbm>> -> memref<1x75x80xi32, #tpu.memory_space<hbm>>
      %dma_wait3A_116 = tpu.memref_squeeze %dma_wait3A_115 : memref<1x75x80xi32, #tpu.memory_space<hbm>> -> memref<75x80xi32, #tpu.memory_space<hbm>>
      %dma_wait3A_117 = arith.constant 0 : i32
      %dma_wait3A_118 = arith.constant 0 : i32
      %dma_wait3A_119 = tpu.memref_slice %arg4[%add3A, %dma_wait3A_117, %dma_wait3A_118] : memref<32x75x80xi32, #tpu.memory_space<hbm>> -> memref<1x75x80xi32, #tpu.memory_space<hbm>>
      %dma_wait3A_120 = tpu.memref_squeeze %dma_wait3A_119 : memref<1x75x80xi32, #tpu.memory_space<hbm>> -> memref<75x80xi32, #tpu.memory_space<hbm>>
      tpu.wait_dma2 semaphore(%run_scoped3A : memref<!tpu.dma_semaphore, #tpu.memory_space<semaphore_mem>>) src(%dma_wait3A_120 : memref<75x80xi32, #tpu.memory_space<hbm>>) dst(%arg7 : memref<75x80xi32, #tpu.memory_space<vmem>>)
      tpu.yield
    }) : () -> ()
    "tpu.region"() ({
      %run_scoped3A = tpu.sem_alloc : memref<!tpu.dma_semaphore, #tpu.memory_space<semaphore_mem>>
      %dma_start3A_105 = arith.constant 0 : i32
      %dma_start3A_106 = arith.constant 0 : i32
      %dma_start3A_107 = tpu.memref_slice %arg5[%add3A, %dma_start3A_105, %dma_start3A_106] : memref<32x75x80xi32, #tpu.memory_space<hbm>> -> memref<1x75x80xi32, #tpu.memory_space<hbm>>
      %dma_start3A_108 = tpu.memref_squeeze %dma_start3A_107 : memref<1x75x80xi32, #tpu.memory_space<hbm>> -> memref<75x80xi32, #tpu.memory_space<hbm>>
      %dma_start3A_109 = arith.constant 0 : i32
      %dma_start3A_110 = arith.constant 0 : i32
      %dma_start3A_111 = tpu.memref_slice %arg5[%add3A, %dma_start3A_109, %dma_start3A_110] : memref<32x75x80xi32, #tpu.memory_space<hbm>> -> memref<1x75x80xi32, #tpu.memory_space<hbm>>
      %dma_start3A_112 = tpu.memref_squeeze %dma_start3A_111 : memref<1x75x80xi32, #tpu.memory_space<hbm>> -> memref<75x80xi32, #tpu.memory_space<hbm>>
      tpu.enqueue_dma source(%dma_start3A_112 : memref<75x80xi32, #tpu.memory_space<hbm>>) target(%arg8 : memref<75x80xi32, #tpu.memory_space<vmem>>) target_semaphore(%run_scoped3A : memref<!tpu.dma_semaphore, #tpu.memory_space<semaphore_mem>>)
      %dma_wait3A_113 = arith.constant 0 : i32
      %dma_wait3A_114 = arith.constant 0 : i32
      %dma_wait3A_115 = tpu.memref_slice %arg5[%add3A, %dma_wait3A_113, %dma_wait3A_114] : memref<32x75x80xi32, #tpu.memory_space<hbm>> -> memref<1x75x80xi32, #tpu.memory_space<hbm>>
      %dma_wait3A_116 = tpu.memref_squeeze %dma_wait3A_115 : memref<1x75x80xi32, #tpu.memory_space<hbm>> -> memref<75x80xi32, #tpu.memory_space<hbm>>
      %dma_wait3A_117 = arith.constant 0 : i32
      %dma_wait3A_118 = arith.constant 0 : i32
      %dma_wait3A_119 = tpu.memref_slice %arg5[%add3A, %dma_wait3A_117, %dma_wait3A_118] : memref<32x75x80xi32, #tpu.memory_space<hbm>> -> memref<1x75x80xi32, #tpu.memory_space<hbm>>
      %dma_wait3A_120 = tpu.memref_squeeze %dma_wait3A_119 : memref<1x75x80xi32, #tpu.memory_space<hbm>> -> memref<75x80xi32, #tpu.memory_space<hbm>>
      tpu.wait_dma2 semaphore(%run_scoped3A : memref<!tpu.dma_semaphore, #tpu.memory_space<semaphore_mem>>) src(%dma_wait3A_120 : memref<75x80xi32, #tpu.memory_space<hbm>>) dst(%arg8 : memref<75x80xi32, #tpu.memory_space<vmem>>)
      tpu.yield
    }) : () -> ()
    %dma_start3A = arith.constant 0 : i32
    %dma_start3A_1 = arith.constant 0 : i32
    %dma_start3A_2 = arith.constant 0 : i32
    %dma_start3A_3 = arith.constant 0 : i32
    %dma_start3A_4 = tpu.memref_slice %arg9[%dma_start3A_1, %dma_start3A_2, %dma_start3A_3] : memref<2x80x128xf32, #tpu.memory_space<vmem>> -> memref<1x80x128xf32, #tpu.memory_space<vmem>>
    %dma_start3A_5 = tpu.memref_squeeze %dma_start3A_4 : memref<1x80x128xf32, #tpu.memory_space<vmem>> -> memref<80x128xf32, #tpu.memory_space<vmem>>
    %dma_start3A_6 = arith.constant 0 : i32
    %dma_start3A_7 = tpu.memref_slice %arg7[%dma_start3A, %dma_start3A_6] : memref<75x80xi32, #tpu.memory_space<vmem>> -> memref<1x80xi32, #tpu.memory_space<vmem>>
    %dma_start3A_8 = tpu.memref_squeeze %dma_start3A_7 : memref<1x80xi32, #tpu.memory_space<vmem>> -> memref<80xi32, #tpu.memory_space<vmem>>
    %dma_start3A_9 = arith.constant 0 : i32
    %dma_start3A_10 = arith.constant 0 : i32
    %dma_start3A_11 = tpu.memref_slice %arg2[%dma_start3A_9, %dma_start3A_10] : memref<10000x128xf32, #tpu.memory_space<hbm>> -> memref<10000x128xf32, #tpu.memory_space<hbm>>
    tpu.enqueue_indirect_dma source(%dma_start3A_11 : memref<10000x128xf32, #tpu.memory_space<hbm>>) target(%dma_start3A_5 : memref<80x128xf32, #tpu.memory_space<vmem>>) offsets(%dma_start3A_8 : memref<80xi32, #tpu.memory_space<vmem>>) semaphore(%arg10 : memref<!tpu.dma_semaphore, #tpu.memory_space<semaphore_mem>>)
    %scan3A = arith.constant 0 : i32
    %scan3A_12 = arith.constant 0 : i32
    %scan3A_13 = arith.constant 37 : i32
    %scan3A_14 = arith.addi %scan3A_12, %scan3A_13 : i32
    %scan3A_15 = arith.constant 1 : i32
    scf.for %scan3A_105 = %scan3A_12 to %scan3A_14 step %scan3A_15  : i32 {
      %mul3A_106 = arith.constant 2 : i32
      %mul3A_107 = arith.muli %mul3A_106, %scan3A_105 : i32
      %add3A_108 = arith.constant 0 : i32
      %add3A_109 = arith.addi %mul3A_107, %add3A_108 : i32
      %dma_wait3A_110 = arith.constant 0 : i32
      %dma_wait3A_111 = arith.constant 0 : i32
      %dma_wait3A_112 = arith.constant 0 : i32
      %dma_wait3A_113 = tpu.memref_slice %arg9[%dma_wait3A_110, %dma_wait3A_111, %dma_wait3A_112] : memref<2x80x128xf32, #tpu.memory_space<vmem>> -> memref<1x80x128xf32, #tpu.memory_space<vmem>>
      %dma_wait3A_114 = tpu.memref_squeeze %dma_wait3A_113 : memref<1x80x128xf32, #tpu.memory_space<vmem>> -> memref<80x128xf32, #tpu.memory_space<vmem>>
      %dma_wait3A_115 = arith.constant 0 : i32
      %dma_wait3A_116 = tpu.memref_slice %arg7[%add3A_109, %dma_wait3A_115] : memref<75x80xi32, #tpu.memory_space<vmem>> -> memref<1x80xi32, #tpu.memory_space<vmem>>
      %dma_wait3A_117 = tpu.memref_squeeze %dma_wait3A_116 : memref<1x80xi32, #tpu.memory_space<vmem>> -> memref<80xi32, #tpu.memory_space<vmem>>
      %dma_wait3A_118 = arith.constant 0 : i32
      %dma_wait3A_119 = arith.constant 0 : i32
      %dma_wait3A_120 = tpu.memref_slice %arg2[%dma_wait3A_118, %dma_wait3A_119] : memref<10000x128xf32, #tpu.memory_space<hbm>> -> memref<10000x128xf32, #tpu.memory_space<hbm>>
      tpu.wait_indirect_dma semaphore(%arg10 : memref<!tpu.dma_semaphore, #tpu.memory_space<semaphore_mem>>) src(%dma_wait3A_120 : memref<10000x128xf32, #tpu.memory_space<hbm>>) dst(%dma_wait3A_114 : memref<80x128xf32, #tpu.memory_space<vmem>>)
      %dma_start3A_121 = arith.constant 0 : i32
      %dma_start3A_122 = arith.constant 0 : i32
      %dma_start3A_123 = arith.constant 0 : i32
      %dma_start3A_124 = tpu.memref_slice %arg9[%dma_start3A_121, %dma_start3A_122, %dma_start3A_123] : memref<2x80x128xf32, #tpu.memory_space<vmem>> -> memref<1x80x128xf32, #tpu.memory_space<vmem>>
      %dma_start3A_125 = tpu.memref_squeeze %dma_start3A_124 : memref<1x80x128xf32, #tpu.memory_space<vmem>> -> memref<80x128xf32, #tpu.memory_space<vmem>>
      %dma_start3A_126 = arith.constant 0 : i32
      %dma_start3A_127 = tpu.memref_slice %arg8[%add3A_109, %dma_start3A_126] : memref<75x80xi32, #tpu.memory_space<vmem>> -> memref<1x80xi32, #tpu.memory_space<vmem>>
      %dma_start3A_128 = tpu.memref_squeeze %dma_start3A_127 : memref<1x80xi32, #tpu.memory_space<vmem>> -> memref<80xi32, #tpu.memory_space<vmem>>
      %dma_start3A_129 = arith.constant 0 : i32
      %dma_start3A_130 = arith.constant 0 : i32
      %dma_start3A_131 = tpu.memref_slice %arg3[%dma_start3A_129, %dma_start3A_130] : memref<10000x128xf32, #tpu.memory_space<hbm>> -> memref<10000x128xf32, #tpu.memory_space<hbm>>
      tpu.enqueue_indirect_dma source(%dma_start3A_131 : memref<10000x128xf32, #tpu.memory_space<hbm>>) target(%dma_start3A_125 : memref<80x128xf32, #tpu.memory_space<vmem>>) offsets(%dma_start3A_128 : memref<80xi32, #tpu.memory_space<vmem>>) semaphore(%arg12 : memref<!tpu.dma_semaphore, #tpu.memory_space<semaphore_mem>>) {add = true}
      %ge3A = arith.constant 1 : i32
      %ge3A_132 = arith.cmpi sge, %add3A_109, %ge3A : i32
      %convert_element_type3A = arith.extui %ge3A_132 : i1 to i32
      %cond3A = arith.constant 0 : i32
      %cond3A_133 = arith.cmpi ne, %convert_element_type3A, %cond3A : i32
      scf.if %cond3A_133 {
        %sub3A = arith.constant 1 : i32
        %sub3A_238 = arith.subi %add3A_109, %sub3A : i32
        %mul3A_239 = arith.constant 6000 : i32
        %mul3A_240 = arith.muli %add3A, %mul3A_239 : i32
        %mul3A_241 = arith.constant 80 : i32
        %mul3A_242 = arith.muli %sub3A_238, %mul3A_241 : i32
        %add3A_243 = arith.addi %mul3A_240, %mul3A_242 : i32
        %multiple_of3A_244 = tpu.assume_multiple %add3A_243, 80 : i32
        %dma_wait3A_245 = arith.constant 1 : i32
        %dma_wait3A_246 = arith.constant 0 : i32
        %dma_wait3A_247 = arith.constant 0 : i32
        %dma_wait3A_248 = tpu.memref_slice %arg9[%dma_wait3A_245, %dma_wait3A_246, %dma_wait3A_247] : memref<2x80x128xf32, #tpu.memory_space<vmem>> -> memref<1x80x128xf32, #tpu.memory_space<vmem>>
        %dma_wait3A_249 = tpu.memref_squeeze %dma_wait3A_248 : memref<1x80x128xf32, #tpu.memory_space<vmem>> -> memref<80x128xf32, #tpu.memory_space<vmem>>
        %dma_wait3A_250 = arith.constant 0 : i32
        %dma_wait3A_251 = tpu.memref_slice %arg6[%multiple_of3A_244, %dma_wait3A_250] : memref<192000x128xf32, #tpu.memory_space<hbm>> -> memref<80x128xf32, #tpu.memory_space<hbm>>
        %dma_wait3A_252 = arith.constant 0 : i32
        %dma_wait3A_253 = tpu.memref_slice %arg6[%multiple_of3A_244, %dma_wait3A_252] : memref<192000x128xf32, #tpu.memory_space<hbm>> -> memref<80x128xf32, #tpu.memory_space<hbm>>
        %dma_wait3A_254 = arith.constant 0 : i32
        %dma_wait3A_255 = arith.constant 0 : i32
        %dma_wait3A_256 = tpu.memref_slice %arg9[%dma_wait3A_245, %dma_wait3A_254, %dma_wait3A_255] : memref<2x80x128xf32, #tpu.memory_space<vmem>> -> memref<1x80x128xf32, #tpu.memory_space<vmem>>
        %dma_wait3A_257 = tpu.memref_squeeze %dma_wait3A_256 : memref<1x80x128xf32, #tpu.memory_space<vmem>> -> memref<80x128xf32, #tpu.memory_space<vmem>>
        tpu.wait_dma2 semaphore(%arg15 : memref<!tpu.dma_semaphore, #tpu.memory_space<semaphore_mem>>) src(%dma_wait3A_257 : memref<80x128xf32, #tpu.memory_space<vmem>>) dst(%dma_wait3A_253 : memref<80x128xf32, #tpu.memory_space<hbm>>)
      } else {
      }
      %add3A_134 = arith.constant 1 : i32
      %add3A_135 = arith.addi %add3A_109, %add3A_134 : i32
      %lt3A = arith.constant 75 : i32
      %lt3A_136 = arith.cmpi slt, %add3A_135, %lt3A : i32
      %convert_element_type3A_137 = arith.extui %lt3A_136 : i1 to i32
      %cond3A_138 = arith.constant 0 : i32
      %cond3A_139 = arith.cmpi ne, %convert_element_type3A_137, %cond3A_138 : i32
      scf.if %cond3A_139 {
        %add3A_238 = arith.constant 1 : i32
        %add3A_239 = arith.addi %add3A_109, %add3A_238 : i32
        %dma_start3A_240 = arith.constant 1 : i32
        %dma_start3A_241 = arith.constant 0 : i32
        %dma_start3A_242 = arith.constant 0 : i32
        %dma_start3A_243 = tpu.memref_slice %arg9[%dma_start3A_240, %dma_start3A_241, %dma_start3A_242] : memref<2x80x128xf32, #tpu.memory_space<vmem>> -> memref<1x80x128xf32, #tpu.memory_space<vmem>>
        %dma_start3A_244 = tpu.memref_squeeze %dma_start3A_243 : memref<1x80x128xf32, #tpu.memory_space<vmem>> -> memref<80x128xf32, #tpu.memory_space<vmem>>
        %dma_start3A_245 = arith.constant 0 : i32
        %dma_start3A_246 = tpu.memref_slice %arg7[%add3A_239, %dma_start3A_245] : memref<75x80xi32, #tpu.memory_space<vmem>> -> memref<1x80xi32, #tpu.memory_space<vmem>>
        %dma_start3A_247 = tpu.memref_squeeze %dma_start3A_246 : memref<1x80xi32, #tpu.memory_space<vmem>> -> memref<80xi32, #tpu.memory_space<vmem>>
        %dma_start3A_248 = arith.constant 0 : i32
        %dma_start3A_249 = arith.constant 0 : i32
        %dma_start3A_250 = tpu.memref_slice %arg2[%dma_start3A_248, %dma_start3A_249] : memref<10000x128xf32, #tpu.memory_space<hbm>> -> memref<10000x128xf32, #tpu.memory_space<hbm>>
        tpu.enqueue_indirect_dma source(%dma_start3A_250 : memref<10000x128xf32, #tpu.memory_space<hbm>>) target(%dma_start3A_244 : memref<80x128xf32, #tpu.memory_space<vmem>>) offsets(%dma_start3A_247 : memref<80xi32, #tpu.memory_space<vmem>>) semaphore(%arg11 : memref<!tpu.dma_semaphore, #tpu.memory_space<semaphore_mem>>)
      } else {
      }
      %dma_wait3A_140 = arith.constant 0 : i32
      %dma_wait3A_141 = arith.constant 0 : i32
      %dma_wait3A_142 = arith.constant 0 : i32
      %dma_wait3A_143 = tpu.memref_slice %arg9[%dma_wait3A_140, %dma_wait3A_141, %dma_wait3A_142] : memref<2x80x128xf32, #tpu.memory_space<vmem>> -> memref<1x80x128xf32, #tpu.memory_space<vmem>>
      %dma_wait3A_144 = tpu.memref_squeeze %dma_wait3A_143 : memref<1x80x128xf32, #tpu.memory_space<vmem>> -> memref<80x128xf32, #tpu.memory_space<vmem>>
      %dma_wait3A_145 = arith.constant 0 : i32
      %dma_wait3A_146 = tpu.memref_slice %arg8[%add3A_109, %dma_wait3A_145] : memref<75x80xi32, #tpu.memory_space<vmem>> -> memref<1x80xi32, #tpu.memory_space<vmem>>
      %dma_wait3A_147 = tpu.memref_squeeze %dma_wait3A_146 : memref<1x80xi32, #tpu.memory_space<vmem>> -> memref<80xi32, #tpu.memory_space<vmem>>
      %dma_wait3A_148 = arith.constant 0 : i32
      %dma_wait3A_149 = arith.constant 0 : i32
      %dma_wait3A_150 = tpu.memref_slice %arg3[%dma_wait3A_148, %dma_wait3A_149] : memref<10000x128xf32, #tpu.memory_space<hbm>> -> memref<10000x128xf32, #tpu.memory_space<hbm>>
      tpu.wait_indirect_dma semaphore(%arg12 : memref<!tpu.dma_semaphore, #tpu.memory_space<semaphore_mem>>) src(%dma_wait3A_150 : memref<10000x128xf32, #tpu.memory_space<hbm>>) dst(%dma_wait3A_144 : memref<80x128xf32, #tpu.memory_space<vmem>>)
      %mul3A_151 = arith.constant 6000 : i32
      %mul3A_152 = arith.muli %add3A, %mul3A_151 : i32
      %mul3A_153 = arith.constant 80 : i32
      %mul3A_154 = arith.muli %add3A_109, %mul3A_153 : i32
      %add3A_155 = arith.addi %mul3A_152, %mul3A_154 : i32
      %multiple_of3A_156 = tpu.assume_multiple %add3A_155, 80 : i32
      %dma_start3A_157 = arith.constant 0 : i32
      %dma_start3A_158 = arith.constant 0 : i32
      %dma_start3A_159 = arith.constant 0 : i32
      %dma_start3A_160 = tpu.memref_slice %arg9[%dma_start3A_157, %dma_start3A_158, %dma_start3A_159] : memref<2x80x128xf32, #tpu.memory_space<vmem>> -> memref<1x80x128xf32, #tpu.memory_space<vmem>>
      %dma_start3A_161 = tpu.memref_squeeze %dma_start3A_160 : memref<1x80x128xf32, #tpu.memory_space<vmem>> -> memref<80x128xf32, #tpu.memory_space<vmem>>
      %dma_start3A_162 = arith.constant 0 : i32
      %dma_start3A_163 = tpu.memref_slice %arg6[%multiple_of3A_156, %dma_start3A_162] : memref<192000x128xf32, #tpu.memory_space<hbm>> -> memref<80x128xf32, #tpu.memory_space<hbm>>
      %dma_start3A_164 = arith.constant 0 : i32
      %dma_start3A_165 = tpu.memref_slice %arg6[%multiple_of3A_156, %dma_start3A_164] : memref<192000x128xf32, #tpu.memory_space<hbm>> -> memref<80x128xf32, #tpu.memory_space<hbm>>
      %dma_start3A_166 = arith.constant 0 : i32
      %dma_start3A_167 = arith.constant 0 : i32
      %dma_start3A_168 = tpu.memref_slice %arg9[%dma_start3A_157, %dma_start3A_166, %dma_start3A_167] : memref<2x80x128xf32, #tpu.memory_space<vmem>> -> memref<1x80x128xf32, #tpu.memory_space<vmem>>
      %dma_start3A_169 = tpu.memref_squeeze %dma_start3A_168 : memref<1x80x128xf32, #tpu.memory_space<vmem>> -> memref<80x128xf32, #tpu.memory_space<vmem>>
      tpu.enqueue_dma source(%dma_start3A_169 : memref<80x128xf32, #tpu.memory_space<vmem>>) target(%dma_start3A_165 : memref<80x128xf32, #tpu.memory_space<hbm>>) target_semaphore(%arg14 : memref<!tpu.dma_semaphore, #tpu.memory_space<semaphore_mem>>)
      %mul3A_170 = arith.constant 2 : i32
      %mul3A_171 = arith.muli %mul3A_170, %scan3A_105 : i32
      %add3A_172 = arith.constant 1 : i32
      %add3A_173 = arith.addi %mul3A_171, %add3A_172 : i32
      %dma_wait3A_174 = arith.constant 1 : i32
      %dma_wait3A_175 = arith.constant 0 : i32
      %dma_wait3A_176 = arith.constant 0 : i32
      %dma_wait3A_177 = tpu.memref_slice %arg9[%dma_wait3A_174, %dma_wait3A_175, %dma_wait3A_176] : memref<2x80x128xf32, #tpu.memory_space<vmem>> -> memref<1x80x128xf32, #tpu.memory_space<vmem>>
      %dma_wait3A_178 = tpu.memref_squeeze %dma_wait3A_177 : memref<1x80x128xf32, #tpu.memory_space<vmem>> -> memref<80x128xf32, #tpu.memory_space<vmem>>
      %dma_wait3A_179 = arith.constant 0 : i32
      %dma_wait3A_180 = tpu.memref_slice %arg7[%add3A_173, %dma_wait3A_179] : memref<75x80xi32, #tpu.memory_space<vmem>> -> memref<1x80xi32, #tpu.memory_space<vmem>>
      %dma_wait3A_181 = tpu.memref_squeeze %dma_wait3A_180 : memref<1x80xi32, #tpu.memory_space<vmem>> -> memref<80xi32, #tpu.memory_space<vmem>>
      %dma_wait3A_182 = arith.constant 0 : i32
      %dma_wait3A_183 = arith.constant 0 : i32
      %dma_wait3A_184 = tpu.memref_slice %arg2[%dma_wait3A_182, %dma_wait3A_183] : memref<10000x128xf32, #tpu.memory_space<hbm>> -> memref<10000x128xf32, #tpu.memory_space<hbm>>
      tpu.wait_indirect_dma semaphore(%arg11 : memref<!tpu.dma_semaphore, #tpu.memory_space<semaphore_mem>>) src(%dma_wait3A_184 : memref<10000x128xf32, #tpu.memory_space<hbm>>) dst(%dma_wait3A_178 : memref<80x128xf32, #tpu.memory_space<vmem>>)
      %dma_start3A_185 = arith.constant 1 : i32
      %dma_start3A_186 = arith.constant 0 : i32
      %dma_start3A_187 = arith.constant 0 : i32
      %dma_start3A_188 = tpu.memref_slice %arg9[%dma_start3A_185, %dma_start3A_186, %dma_start3A_187] : memref<2x80x128xf32, #tpu.memory_space<vmem>> -> memref<1x80x128xf32, #tpu.memory_space<vmem>>
      %dma_start3A_189 = tpu.memref_squeeze %dma_start3A_188 : memref<1x80x128xf32, #tpu.memory_space<vmem>> -> memref<80x128xf32, #tpu.memory_space<vmem>>
      %dma_start3A_190 = arith.constant 0 : i32
      %dma_start3A_191 = tpu.memref_slice %arg8[%add3A_173, %dma_start3A_190] : memref<75x80xi32, #tpu.memory_space<vmem>> -> memref<1x80xi32, #tpu.memory_space<vmem>>
      %dma_start3A_192 = tpu.memref_squeeze %dma_start3A_191 : memref<1x80xi32, #tpu.memory_space<vmem>> -> memref<80xi32, #tpu.memory_space<vmem>>
      %dma_start3A_193 = arith.constant 0 : i32
      %dma_start3A_194 = arith.constant 0 : i32
      %dma_start3A_195 = tpu.memref_slice %arg3[%dma_start3A_193, %dma_start3A_194] : memref<10000x128xf32, #tpu.memory_space<hbm>> -> memref<10000x128xf32, #tpu.memory_space<hbm>>
      tpu.enqueue_indirect_dma source(%dma_start3A_195 : memref<10000x128xf32, #tpu.memory_space<hbm>>) target(%dma_start3A_189 : memref<80x128xf32, #tpu.memory_space<vmem>>) offsets(%dma_start3A_192 : memref<80xi32, #tpu.memory_space<vmem>>) semaphore(%arg13 : memref<!tpu.dma_semaphore, #tpu.memory_space<semaphore_mem>>) {add = true}
      %ge3A_196 = arith.constant 1 : i32
      %ge3A_197 = arith.cmpi sge, %add3A_173, %ge3A_196 : i32
      %convert_element_type3A_198 = arith.extui %ge3A_197 : i1 to i32
      %cond3A_199 = arith.constant 0 : i32
      %cond3A_200 = arith.cmpi ne, %convert_element_type3A_198, %cond3A_199 : i32
      scf.if %cond3A_200 {
        %sub3A = arith.constant 1 : i32
        %sub3A_238 = arith.subi %add3A_173, %sub3A : i32
        %mul3A_239 = arith.constant 6000 : i32
        %mul3A_240 = arith.muli %add3A, %mul3A_239 : i32
        %mul3A_241 = arith.constant 80 : i32
        %mul3A_242 = arith.muli %sub3A_238, %mul3A_241 : i32
        %add3A_243 = arith.addi %mul3A_240, %mul3A_242 : i32
        %multiple_of3A_244 = tpu.assume_multiple %add3A_243, 80 : i32
        %dma_wait3A_245 = arith.constant 0 : i32
        %dma_wait3A_246 = arith.constant 0 : i32
        %dma_wait3A_247 = arith.constant 0 : i32
        %dma_wait3A_248 = tpu.memref_slice %arg9[%dma_wait3A_245, %dma_wait3A_246, %dma_wait3A_247] : memref<2x80x128xf32, #tpu.memory_space<vmem>> -> memref<1x80x128xf32, #tpu.memory_space<vmem>>
        %dma_wait3A_249 = tpu.memref_squeeze %dma_wait3A_248 : memref<1x80x128xf32, #tpu.memory_space<vmem>> -> memref<80x128xf32, #tpu.memory_space<vmem>>
        %dma_wait3A_250 = arith.constant 0 : i32
        %dma_wait3A_251 = tpu.memref_slice %arg6[%multiple_of3A_244, %dma_wait3A_250] : memref<192000x128xf32, #tpu.memory_space<hbm>> -> memref<80x128xf32, #tpu.memory_space<hbm>>
        %dma_wait3A_252 = arith.constant 0 : i32
        %dma_wait3A_253 = tpu.memref_slice %arg6[%multiple_of3A_244, %dma_wait3A_252] : memref<192000x128xf32, #tpu.memory_space<hbm>> -> memref<80x128xf32, #tpu.memory_space<hbm>>
        %dma_wait3A_254 = arith.constant 0 : i32
        %dma_wait3A_255 = arith.constant 0 : i32
        %dma_wait3A_256 = tpu.memref_slice %arg9[%dma_wait3A_245, %dma_wait3A_254, %dma_wait3A_255] : memref<2x80x128xf32, #tpu.memory_space<vmem>> -> memref<1x80x128xf32, #tpu.memory_space<vmem>>
        %dma_wait3A_257 = tpu.memref_squeeze %dma_wait3A_256 : memref<1x80x128xf32, #tpu.memory_space<vmem>> -> memref<80x128xf32, #tpu.memory_space<vmem>>
        tpu.wait_dma2 semaphore(%arg14 : memref<!tpu.dma_semaphore, #tpu.memory_space<semaphore_mem>>) src(%dma_wait3A_257 : memref<80x128xf32, #tpu.memory_space<vmem>>) dst(%dma_wait3A_253 : memref<80x128xf32, #tpu.memory_space<hbm>>)
      } else {
      }
      %add3A_201 = arith.constant 1 : i32
      %add3A_202 = arith.addi %add3A_173, %add3A_201 : i32
      %lt3A_203 = arith.constant 75 : i32
      %lt3A_204 = arith.cmpi slt, %add3A_202, %lt3A_203 : i32
      %convert_element_type3A_205 = arith.extui %lt3A_204 : i1 to i32
      %cond3A_206 = arith.constant 0 : i32
      %cond3A_207 = arith.cmpi ne, %convert_element_type3A_205, %cond3A_206 : i32
      scf.if %cond3A_207 {
        %add3A_238 = arith.constant 1 : i32
        %add3A_239 = arith.addi %add3A_173, %add3A_238 : i32
        %dma_start3A_240 = arith.constant 0 : i32
        %dma_start3A_241 = arith.constant 0 : i32
        %dma_start3A_242 = arith.constant 0 : i32
        %dma_start3A_243 = tpu.memref_slice %arg9[%dma_start3A_240, %dma_start3A_241, %dma_start3A_242] : memref<2x80x128xf32, #tpu.memory_space<vmem>> -> memref<1x80x128xf32, #tpu.memory_space<vmem>>
        %dma_start3A_244 = tpu.memref_squeeze %dma_start3A_243 : memref<1x80x128xf32, #tpu.memory_space<vmem>> -> memref<80x128xf32, #tpu.memory_space<vmem>>
        %dma_start3A_245 = arith.constant 0 : i32
        %dma_start3A_246 = tpu.memref_slice %arg7[%add3A_239, %dma_start3A_245] : memref<75x80xi32, #tpu.memory_space<vmem>> -> memref<1x80xi32, #tpu.memory_space<vmem>>
        %dma_start3A_247 = tpu.memref_squeeze %dma_start3A_246 : memref<1x80xi32, #tpu.memory_space<vmem>> -> memref<80xi32, #tpu.memory_space<vmem>>
        %dma_start3A_248 = arith.constant 0 : i32
        %dma_start3A_249 = arith.constant 0 : i32
        %dma_start3A_250 = tpu.memref_slice %arg2[%dma_start3A_248, %dma_start3A_249] : memref<10000x128xf32, #tpu.memory_space<hbm>> -> memref<10000x128xf32, #tpu.memory_space<hbm>>
        tpu.enqueue_indirect_dma source(%dma_start3A_250 : memref<10000x128xf32, #tpu.memory_space<hbm>>) target(%dma_start3A_244 : memref<80x128xf32, #tpu.memory_space<vmem>>) offsets(%dma_start3A_247 : memref<80xi32, #tpu.memory_space<vmem>>) semaphore(%arg10 : memref<!tpu.dma_semaphore, #tpu.memory_space<semaphore_mem>>)
      } else {
      }
      %dma_wait3A_208 = arith.constant 1 : i32
      %dma_wait3A_209 = arith.constant 0 : i32
      %dma_wait3A_210 = arith.constant 0 : i32
      %dma_wait3A_211 = tpu.memref_slice %arg9[%dma_wait3A_208, %dma_wait3A_209, %dma_wait3A_210] : memref<2x80x128xf32, #tpu.memory_space<vmem>> -> memref<1x80x128xf32, #tpu.memory_space<vmem>>
      %dma_wait3A_212 = tpu.memref_squeeze %dma_wait3A_211 : memref<1x80x128xf32, #tpu.memory_space<vmem>> -> memref<80x128xf32, #tpu.memory_space<vmem>>
      %dma_wait3A_213 = arith.constant 0 : i32
      %dma_wait3A_214 = tpu.memref_slice %arg8[%add3A_173, %dma_wait3A_213] : memref<75x80xi32, #tpu.memory_space<vmem>> -> memref<1x80xi32, #tpu.memory_space<vmem>>
      %dma_wait3A_215 = tpu.memref_squeeze %dma_wait3A_214 : memref<1x80xi32, #tpu.memory_space<vmem>> -> memref<80xi32, #tpu.memory_space<vmem>>
      %dma_wait3A_216 = arith.constant 0 : i32
      %dma_wait3A_217 = arith.constant 0 : i32
      %dma_wait3A_218 = tpu.memref_slice %arg3[%dma_wait3A_216, %dma_wait3A_217] : memref<10000x128xf32, #tpu.memory_space<hbm>> -> memref<10000x128xf32, #tpu.memory_space<hbm>>
      tpu.wait_indirect_dma semaphore(%arg13 : memref<!tpu.dma_semaphore, #tpu.memory_space<semaphore_mem>>) src(%dma_wait3A_218 : memref<10000x128xf32, #tpu.memory_space<hbm>>) dst(%dma_wait3A_212 : memref<80x128xf32, #tpu.memory_space<vmem>>)
      %mul3A_219 = arith.constant 6000 : i32
      %mul3A_220 = arith.muli %add3A, %mul3A_219 : i32
      %mul3A_221 = arith.constant 80 : i32
      %mul3A_222 = arith.muli %add3A_173, %mul3A_221 : i32
      %add3A_223 = arith.addi %mul3A_220, %mul3A_222 : i32
      %multiple_of3A_224 = tpu.assume_multiple %add3A_223, 80 : i32
      %dma_start3A_225 = arith.constant 1 : i32
      %dma_start3A_226 = arith.constant 0 : i32
      %dma_start3A_227 = arith.constant 0 : i32
      %dma_start3A_228 = tpu.memref_slice %arg9[%dma_start3A_225, %dma_start3A_226, %dma_start3A_227] : memref<2x80x128xf32, #tpu.memory_space<vmem>> -> memref<1x80x128xf32, #tpu.memory_space<vmem>>
      %dma_start3A_229 = tpu.memref_squeeze %dma_start3A_228 : memref<1x80x128xf32, #tpu.memory_space<vmem>> -> memref<80x128xf32, #tpu.memory_space<vmem>>
      %dma_start3A_230 = arith.constant 0 : i32
      %dma_start3A_231 = tpu.memref_slice %arg6[%multiple_of3A_224, %dma_start3A_230] : memref<192000x128xf32, #tpu.memory_space<hbm>> -> memref<80x128xf32, #tpu.memory_space<hbm>>
      %dma_start3A_232 = arith.constant 0 : i32
      %dma_start3A_233 = tpu.memref_slice %arg6[%multiple_of3A_224, %dma_start3A_232] : memref<192000x128xf32, #tpu.memory_space<hbm>> -> memref<80x128xf32, #tpu.memory_space<hbm>>
      %dma_start3A_234 = arith.constant 0 : i32
      %dma_start3A_235 = arith.constant 0 : i32
      %dma_start3A_236 = tpu.memref_slice %arg9[%dma_start3A_225, %dma_start3A_234, %dma_start3A_235] : memref<2x80x128xf32, #tpu.memory_space<vmem>> -> memref<1x80x128xf32, #tpu.memory_space<vmem>>
      %dma_start3A_237 = tpu.memref_squeeze %dma_start3A_236 : memref<1x80x128xf32, #tpu.memory_space<vmem>> -> memref<80x128xf32, #tpu.memory_space<vmem>>
      tpu.enqueue_dma source(%dma_start3A_237 : memref<80x128xf32, #tpu.memory_space<vmem>>) target(%dma_start3A_233 : memref<80x128xf32, #tpu.memory_space<hbm>>) target_semaphore(%arg15 : memref<!tpu.dma_semaphore, #tpu.memory_space<semaphore_mem>>)
    }
    %scan3A_16 = arith.constant 37 : i32
    %dma_wait3A = arith.constant 74 : i32
    %dma_wait3A_17 = arith.constant 0 : i32
    %dma_wait3A_18 = arith.constant 0 : i32
    %dma_wait3A_19 = arith.constant 0 : i32
    %dma_wait3A_20 = tpu.memref_slice %arg9[%dma_wait3A_17, %dma_wait3A_18, %dma_wait3A_19] : memref<2x80x128xf32, #tpu.memory_space<vmem>> -> memref<1x80x128xf32, #tpu.memory_space<vmem>>
    %dma_wait3A_21 = tpu.memref_squeeze %dma_wait3A_20 : memref<1x80x128xf32, #tpu.memory_space<vmem>> -> memref<80x128xf32, #tpu.memory_space<vmem>>
    %dma_wait3A_22 = arith.constant 0 : i32
    %dma_wait3A_23 = tpu.memref_slice %arg7[%dma_wait3A, %dma_wait3A_22] : memref<75x80xi32, #tpu.memory_space<vmem>> -> memref<1x80xi32, #tpu.memory_space<vmem>>
    %dma_wait3A_24 = tpu.memref_squeeze %dma_wait3A_23 : memref<1x80xi32, #tpu.memory_space<vmem>> -> memref<80xi32, #tpu.memory_space<vmem>>
    %dma_wait3A_25 = arith.constant 0 : i32
    %dma_wait3A_26 = arith.constant 0 : i32
    %dma_wait3A_27 = tpu.memref_slice %arg2[%dma_wait3A_25, %dma_wait3A_26] : memref<10000x128xf32, #tpu.memory_space<hbm>> -> memref<10000x128xf32, #tpu.memory_space<hbm>>
    tpu.wait_indirect_dma semaphore(%arg10 : memref<!tpu.dma_semaphore, #tpu.memory_space<semaphore_mem>>) src(%dma_wait3A_27 : memref<10000x128xf32, #tpu.memory_space<hbm>>) dst(%dma_wait3A_21 : memref<80x128xf32, #tpu.memory_space<vmem>>)
    %dma_start3A_28 = arith.constant 74 : i32
    %dma_start3A_29 = arith.constant 0 : i32
    %dma_start3A_30 = arith.constant 0 : i32
    %dma_start3A_31 = arith.constant 0 : i32
    %dma_start3A_32 = tpu.memref_slice %arg9[%dma_start3A_29, %dma_start3A_30, %dma_start3A_31] : memref<2x80x128xf32, #tpu.memory_space<vmem>> -> memref<1x80x128xf32, #tpu.memory_space<vmem>>
    %dma_start3A_33 = tpu.memref_squeeze %dma_start3A_32 : memref<1x80x128xf32, #tpu.memory_space<vmem>> -> memref<80x128xf32, #tpu.memory_space<vmem>>
    %dma_start3A_34 = arith.constant 0 : i32
    %dma_start3A_35 = tpu.memref_slice %arg8[%dma_start3A_28, %dma_start3A_34] : memref<75x80xi32, #tpu.memory_space<vmem>> -> memref<1x80xi32, #tpu.memory_space<vmem>>
    %dma_start3A_36 = tpu.memref_squeeze %dma_start3A_35 : memref<1x80xi32, #tpu.memory_space<vmem>> -> memref<80xi32, #tpu.memory_space<vmem>>
    %dma_start3A_37 = arith.constant 0 : i32
    %dma_start3A_38 = arith.constant 0 : i32
    %dma_start3A_39 = tpu.memref_slice %arg3[%dma_start3A_37, %dma_start3A_38] : memref<10000x128xf32, #tpu.memory_space<hbm>> -> memref<10000x128xf32, #tpu.memory_space<hbm>>
    tpu.enqueue_indirect_dma source(%dma_start3A_39 : memref<10000x128xf32, #tpu.memory_space<hbm>>) target(%dma_start3A_33 : memref<80x128xf32, #tpu.memory_space<vmem>>) offsets(%dma_start3A_36 : memref<80xi32, #tpu.memory_space<vmem>>) semaphore(%arg12 : memref<!tpu.dma_semaphore, #tpu.memory_space<semaphore_mem>>) {add = true}
    %mul3A_40 = arith.constant 6000 : i32
    %mul3A_41 = arith.muli %add3A, %mul3A_40 : i32
    %add3A_42 = arith.constant 5840 : i32
    %add3A_43 = arith.addi %mul3A_41, %add3A_42 : i32
    %multiple_of3A = tpu.assume_multiple %add3A_43, 80 : i32
    %dma_wait3A_44 = arith.constant 1 : i32
    %dma_wait3A_45 = arith.constant 0 : i32
    %dma_wait3A_46 = arith.constant 0 : i32
    %dma_wait3A_47 = tpu.memref_slice %arg9[%dma_wait3A_44, %dma_wait3A_45, %dma_wait3A_46] : memref<2x80x128xf32, #tpu.memory_space<vmem>> -> memref<1x80x128xf32, #tpu.memory_space<vmem>>
    %dma_wait3A_48 = tpu.memref_squeeze %dma_wait3A_47 : memref<1x80x128xf32, #tpu.memory_space<vmem>> -> memref<80x128xf32, #tpu.memory_space<vmem>>
    %dma_wait3A_49 = arith.constant 0 : i32
    %dma_wait3A_50 = tpu.memref_slice %arg6[%multiple_of3A, %dma_wait3A_49] : memref<192000x128xf32, #tpu.memory_space<hbm>> -> memref<80x128xf32, #tpu.memory_space<hbm>>
    %dma_wait3A_51 = arith.constant 0 : i32
    %dma_wait3A_52 = tpu.memref_slice %arg6[%multiple_of3A, %dma_wait3A_51] : memref<192000x128xf32, #tpu.memory_space<hbm>> -> memref<80x128xf32, #tpu.memory_space<hbm>>
    %dma_wait3A_53 = arith.constant 0 : i32
    %dma_wait3A_54 = arith.constant 0 : i32
    %dma_wait3A_55 = tpu.memref_slice %arg9[%dma_wait3A_44, %dma_wait3A_53, %dma_wait3A_54] : memref<2x80x128xf32, #tpu.memory_space<vmem>> -> memref<1x80x128xf32, #tpu.memory_space<vmem>>
    %dma_wait3A_56 = tpu.memref_squeeze %dma_wait3A_55 : memref<1x80x128xf32, #tpu.memory_space<vmem>> -> memref<80x128xf32, #tpu.memory_space<vmem>>
    tpu.wait_dma2 semaphore(%arg15 : memref<!tpu.dma_semaphore, #tpu.memory_space<semaphore_mem>>) src(%dma_wait3A_56 : memref<80x128xf32, #tpu.memory_space<vmem>>) dst(%dma_wait3A_52 : memref<80x128xf32, #tpu.memory_space<hbm>>)
    %dma_wait3A_57 = arith.constant 74 : i32
    %dma_wait3A_58 = arith.constant 0 : i32
    %dma_wait3A_59 = arith.constant 0 : i32
    %dma_wait3A_60 = arith.constant 0 : i32
    %dma_wait3A_61 = tpu.memref_slice %arg9[%dma_wait3A_58, %dma_wait3A_59, %dma_wait3A_60] : memref<2x80x128xf32, #tpu.memory_space<vmem>> -> memref<1x80x128xf32, #tpu.memory_space<vmem>>
    %dma_wait3A_62 = tpu.memref_squeeze %dma_wait3A_61 : memref<1x80x128xf32, #tpu.memory_space<vmem>> -> memref<80x128xf32, #tpu.memory_space<vmem>>
    %dma_wait3A_63 = arith.constant 0 : i32
    %dma_wait3A_64 = tpu.memref_slice %arg8[%dma_wait3A_57, %dma_wait3A_63] : memref<75x80xi32, #tpu.memory_space<vmem>> -> memref<1x80xi32, #tpu.memory_space<vmem>>
    %dma_wait3A_65 = tpu.memref_squeeze %dma_wait3A_64 : memref<1x80xi32, #tpu.memory_space<vmem>> -> memref<80xi32, #tpu.memory_space<vmem>>
    %dma_wait3A_66 = arith.constant 0 : i32
    %dma_wait3A_67 = arith.constant 0 : i32
    %dma_wait3A_68 = tpu.memref_slice %arg3[%dma_wait3A_66, %dma_wait3A_67] : memref<10000x128xf32, #tpu.memory_space<hbm>> -> memref<10000x128xf32, #tpu.memory_space<hbm>>
    tpu.wait_indirect_dma semaphore(%arg12 : memref<!tpu.dma_semaphore, #tpu.memory_space<semaphore_mem>>) src(%dma_wait3A_68 : memref<10000x128xf32, #tpu.memory_space<hbm>>) dst(%dma_wait3A_62 : memref<80x128xf32, #tpu.memory_space<vmem>>)
    %mul3A_69 = arith.constant 6000 : i32
    %mul3A_70 = arith.muli %add3A, %mul3A_69 : i32
    %add3A_71 = arith.constant 5920 : i32
    %add3A_72 = arith.addi %mul3A_70, %add3A_71 : i32
    %multiple_of3A_73 = tpu.assume_multiple %add3A_72, 80 : i32
    %dma_start3A_74 = arith.constant 0 : i32
    %dma_start3A_75 = arith.constant 0 : i32
    %dma_start3A_76 = arith.constant 0 : i32
    %dma_start3A_77 = tpu.memref_slice %arg9[%dma_start3A_74, %dma_start3A_75, %dma_start3A_76] : memref<2x80x128xf32, #tpu.memory_space<vmem>> -> memref<1x80x128xf32, #tpu.memory_space<vmem>>
    %dma_start3A_78 = tpu.memref_squeeze %dma_start3A_77 : memref<1x80x128xf32, #tpu.memory_space<vmem>> -> memref<80x128xf32, #tpu.memory_space<vmem>>
    %dma_start3A_79 = arith.constant 0 : i32
    %dma_start3A_80 = tpu.memref_slice %arg6[%multiple_of3A_73, %dma_start3A_79] : memref<192000x128xf32, #tpu.memory_space<hbm>> -> memref<80x128xf32, #tpu.memory_space<hbm>>
    %dma_start3A_81 = arith.constant 0 : i32
    %dma_start3A_82 = tpu.memref_slice %arg6[%multiple_of3A_73, %dma_start3A_81] : memref<192000x128xf32, #tpu.memory_space<hbm>> -> memref<80x128xf32, #tpu.memory_space<hbm>>
    %dma_start3A_83 = arith.constant 0 : i32
    %dma_start3A_84 = arith.constant 0 : i32
    %dma_start3A_85 = tpu.memref_slice %arg9[%dma_start3A_74, %dma_start3A_83, %dma_start3A_84] : memref<2x80x128xf32, #tpu.memory_space<vmem>> -> memref<1x80x128xf32, #tpu.memory_space<vmem>>
    %dma_start3A_86 = tpu.memref_squeeze %dma_start3A_85 : memref<1x80x128xf32, #tpu.memory_space<vmem>> -> memref<80x128xf32, #tpu.memory_space<vmem>>
    tpu.enqueue_dma source(%dma_start3A_86 : memref<80x128xf32, #tpu.memory_space<vmem>>) target(%dma_start3A_82 : memref<80x128xf32, #tpu.memory_space<hbm>>) target_semaphore(%arg14 : memref<!tpu.dma_semaphore, #tpu.memory_space<semaphore_mem>>)
    %mul3A_87 = arith.constant 6000 : i32
    %mul3A_88 = arith.muli %add3A, %mul3A_87 : i32
    %add3A_89 = arith.constant 5920 : i32
    %add3A_90 = arith.addi %mul3A_88, %add3A_89 : i32
    %multiple_of3A_91 = tpu.assume_multiple %add3A_90, 80 : i32
    %dma_wait3A_92 = arith.constant 0 : i32
    %dma_wait3A_93 = arith.constant 0 : i32
    %dma_wait3A_94 = arith.constant 0 : i32
    %dma_wait3A_95 = tpu.memref_slice %arg9[%dma_wait3A_92, %dma_wait3A_93, %dma_wait3A_94] : memref<2x80x128xf32, #tpu.memory_space<vmem>> -> memref<1x80x128xf32, #tpu.memory_space<vmem>>
    %dma_wait3A_96 = tpu.memref_squeeze %dma_wait3A_95 : memref<1x80x128xf32, #tpu.memory_space<vmem>> -> memref<80x128xf32, #tpu.memory_space<vmem>>
    %dma_wait3A_97 = arith.constant 0 : i32
    %dma_wait3A_98 = tpu.memref_slice %arg6[%multiple_of3A_91, %dma_wait3A_97] : memref<192000x128xf32, #tpu.memory_space<hbm>> -> memref<80x128xf32, #tpu.memory_space<hbm>>
    %dma_wait3A_99 = arith.constant 0 : i32
    %dma_wait3A_100 = tpu.memref_slice %arg6[%multiple_of3A_91, %dma_wait3A_99] : memref<192000x128xf32, #tpu.memory_space<hbm>> -> memref<80x128xf32, #tpu.memory_space<hbm>>
    %dma_wait3A_101 = arith.constant 0 : i32
    %dma_wait3A_102 = arith.constant 0 : i32
    %dma_wait3A_103 = tpu.memref_slice %arg9[%dma_wait3A_92, %dma_wait3A_101, %dma_wait3A_102] : memref<2x80x128xf32, #tpu.memory_space<vmem>> -> memref<1x80x128xf32, #tpu.memory_space<vmem>>
    %dma_wait3A_104 = tpu.memref_squeeze %dma_wait3A_103 : memref<1x80x128xf32, #tpu.memory_space<vmem>> -> memref<80x128xf32, #tpu.memory_space<vmem>>
    tpu.wait_dma2 semaphore(%arg14 : memref<!tpu.dma_semaphore, #tpu.memory_space<semaphore_mem>>) src(%dma_wait3A_104 : memref<80x128xf32, #tpu.memory_space<vmem>>) dst(%dma_wait3A_100 : memref<80x128xf32, #tpu.memory_space<hbm>>)
    return
  }
}

#map = affine_map<(d0, d1) -> (0, 0)>
#map1 = affine_map<(d0, d1) -> (0, 0, 0)>
module attributes {stable_mosaic.version = 14 : i64} {
  func.func @k(%arg0: i32, %arg1: i32, %arg2: memref<10000x128xf32, #tpu.memory_space<hbm>>, %arg3: memref<32x125x80xi32, #tpu.memory_space<hbm>>, %arg4: memref<32x125x80xi32, #tpu.memory_space<hbm>>, %arg5: memref<10000x128xf32, #tpu.memory_space<hbm>>, %arg6: memref<2x10000x128xf32, #tpu.memory_space<hbm>>, %arg7: memref<125x80xi32, #tpu.memory_space<vmem>>, %arg8: memref<2x80xi32, #tpu.memory_space<vmem>>, %arg9: memref<2x80x128xf32, #tpu.memory_space<vmem>>, %arg10: memref<10000x128xf32, #tpu.memory_space<vmem_shared>>, %arg11: memref<!tpu.dma_semaphore, #tpu.memory_space<semaphore_mem>>, %arg12: memref<!tpu.dma_semaphore, #tpu.memory_space<semaphore_mem>>, %arg13: memref<!tpu.dma_semaphore, #tpu.memory_space<semaphore_mem>>, %arg14: memref<!tpu.dma_semaphore, #tpu.memory_space<semaphore_mem>>, %arg15: memref<!tpu.dma_semaphore, #tpu.memory_space<semaphore_mem>>, %arg16: memref<!tpu.dma_semaphore, #tpu.memory_space<semaphore_mem>>) attributes {dimension_semantics = [#tpu.dimension_semantics<core_parallel>, #tpu.dimension_semantics<subcore_parallel>], iteration_bounds = array<i64: 2, 16>, scalar_prefetch = 0 : i64, scratch_operands = 10 : i64, tpu.core_type = #tpu.core_type<sc_vector_subcore>, window_params = [{transform_indices = #map}, {transform_indices = #map1}, {transform_indices = #map1}, {transform_indices = #map}, {transform_indices = #map1}]} {
    %mul3A = arith.constant 2 : i32
    %mul3A_0 = arith.muli %arg1, %mul3A : i32
    %add3A = arith.addi %mul3A_0, %arg0 : i32
    %mul3A_1 = arith.constant 624 : i32
    %mul3A_2 = arith.muli %arg1, %mul3A_1 : i32
    %multiple_of3A = tpu.assume_multiple %mul3A_2, 8 : i32
    "tpu.region"() ({
      %run_scoped3A = tpu.sem_alloc : memref<!tpu.dma_semaphore, #tpu.memory_space<semaphore_mem>>
      %dma_start3A_119 = arith.constant 0 : i32
      %dma_start3A_120 = tpu.memref_slice %arg10[%multiple_of3A, %dma_start3A_119] : memref<10000x128xf32, #tpu.memory_space<vmem_shared>> -> memref<624x128xf32, #tpu.memory_space<vmem_shared>>
      %dma_start3A_121 = arith.constant 0 : i32
      %dma_start3A_122 = tpu.memref_slice %arg5[%multiple_of3A, %dma_start3A_121] : memref<10000x128xf32, #tpu.memory_space<hbm>> -> memref<624x128xf32, #tpu.memory_space<hbm>>
      tpu.enqueue_dma source(%dma_start3A_122 : memref<624x128xf32, #tpu.memory_space<hbm>>) target(%dma_start3A_120 : memref<624x128xf32, #tpu.memory_space<vmem_shared>>) target_semaphore(%run_scoped3A : memref<!tpu.dma_semaphore, #tpu.memory_space<semaphore_mem>>)
      %dma_wait3A_123 = arith.constant 0 : i32
      %dma_wait3A_124 = tpu.memref_slice %arg10[%multiple_of3A, %dma_wait3A_123] : memref<10000x128xf32, #tpu.memory_space<vmem_shared>> -> memref<624x128xf32, #tpu.memory_space<vmem_shared>>
      %dma_wait3A_125 = arith.constant 0 : i32
      %dma_wait3A_126 = tpu.memref_slice %arg5[%multiple_of3A, %dma_wait3A_125] : memref<10000x128xf32, #tpu.memory_space<hbm>> -> memref<624x128xf32, #tpu.memory_space<hbm>>
      tpu.wait_dma2 semaphore(%run_scoped3A : memref<!tpu.dma_semaphore, #tpu.memory_space<semaphore_mem>>) src(%dma_wait3A_126 : memref<624x128xf32, #tpu.memory_space<hbm>>) dst(%dma_wait3A_124 : memref<624x128xf32, #tpu.memory_space<vmem_shared>>)
      tpu.yield
    }) : () -> ()
    %lt3A = arith.constant 2 : i32
    %lt3A_3 = arith.cmpi slt, %arg1, %lt3A : i32
    %convert_element_type3A = arith.extui %lt3A_3 : i1 to i32
    %cond3A = arith.constant 0 : i32
    %cond3A_4 = arith.cmpi ne, %convert_element_type3A, %cond3A : i32
    scf.if %cond3A_4 {
      %mul3A_119 = arith.constant 8 : i32
      %mul3A_120 = arith.muli %arg1, %mul3A_119 : i32
      %add3A_121 = arith.constant 9984 : i32
      %add3A_122 = arith.addi %add3A_121, %mul3A_120 : i32
      %multiple_of3A_123 = tpu.assume_multiple %add3A_122, 8 : i32
      "tpu.region"() ({
        %run_scoped3A = tpu.sem_alloc : memref<!tpu.dma_semaphore, #tpu.memory_space<semaphore_mem>>
        %dma_start3A_124 = arith.constant 0 : i32
        %dma_start3A_125 = tpu.memref_slice %arg10[%multiple_of3A_123, %dma_start3A_124] : memref<10000x128xf32, #tpu.memory_space<vmem_shared>> -> memref<8x128xf32, #tpu.memory_space<vmem_shared>>
        %dma_start3A_126 = arith.constant 0 : i32
        %dma_start3A_127 = tpu.memref_slice %arg5[%multiple_of3A_123, %dma_start3A_126] : memref<10000x128xf32, #tpu.memory_space<hbm>> -> memref<8x128xf32, #tpu.memory_space<hbm>>
        tpu.enqueue_dma source(%dma_start3A_127 : memref<8x128xf32, #tpu.memory_space<hbm>>) target(%dma_start3A_125 : memref<8x128xf32, #tpu.memory_space<vmem_shared>>) target_semaphore(%run_scoped3A : memref<!tpu.dma_semaphore, #tpu.memory_space<semaphore_mem>>)
        %dma_wait3A_128 = arith.constant 0 : i32
        %dma_wait3A_129 = tpu.memref_slice %arg10[%multiple_of3A_123, %dma_wait3A_128] : memref<10000x128xf32, #tpu.memory_space<vmem_shared>> -> memref<8x128xf32, #tpu.memory_space<vmem_shared>>
        %dma_wait3A_130 = arith.constant 0 : i32
        %dma_wait3A_131 = tpu.memref_slice %arg5[%multiple_of3A_123, %dma_wait3A_130] : memref<10000x128xf32, #tpu.memory_space<hbm>> -> memref<8x128xf32, #tpu.memory_space<hbm>>
        tpu.wait_dma2 semaphore(%run_scoped3A : memref<!tpu.dma_semaphore, #tpu.memory_space<semaphore_mem>>) src(%dma_wait3A_131 : memref<8x128xf32, #tpu.memory_space<hbm>>) dst(%dma_wait3A_129 : memref<8x128xf32, #tpu.memory_space<vmem_shared>>)
        tpu.yield
      }) : () -> ()
    } else {
    }
    "tpu.region"() ({
      %run_scoped3A = tpu.sem_alloc : memref<!tpu.dma_semaphore, #tpu.memory_space<semaphore_mem>>
      %dma_start3A_119 = arith.constant 0 : i32
      %dma_start3A_120 = arith.constant 0 : i32
      %dma_start3A_121 = tpu.memref_slice %arg3[%add3A, %dma_start3A_119, %dma_start3A_120] : memref<32x125x80xi32, #tpu.memory_space<hbm>> -> memref<1x125x80xi32, #tpu.memory_space<hbm>>
      %dma_start3A_122 = tpu.memref_squeeze %dma_start3A_121 : memref<1x125x80xi32, #tpu.memory_space<hbm>> -> memref<125x80xi32, #tpu.memory_space<hbm>>
      %dma_start3A_123 = arith.constant 0 : i32
      %dma_start3A_124 = arith.constant 0 : i32
      %dma_start3A_125 = tpu.memref_slice %arg3[%add3A, %dma_start3A_123, %dma_start3A_124] : memref<32x125x80xi32, #tpu.memory_space<hbm>> -> memref<1x125x80xi32, #tpu.memory_space<hbm>>
      %dma_start3A_126 = tpu.memref_squeeze %dma_start3A_125 : memref<1x125x80xi32, #tpu.memory_space<hbm>> -> memref<125x80xi32, #tpu.memory_space<hbm>>
      tpu.enqueue_dma source(%dma_start3A_126 : memref<125x80xi32, #tpu.memory_space<hbm>>) target(%arg7 : memref<125x80xi32, #tpu.memory_space<vmem>>) target_semaphore(%run_scoped3A : memref<!tpu.dma_semaphore, #tpu.memory_space<semaphore_mem>>)
      %dma_wait3A_127 = arith.constant 0 : i32
      %dma_wait3A_128 = arith.constant 0 : i32
      %dma_wait3A_129 = tpu.memref_slice %arg3[%add3A, %dma_wait3A_127, %dma_wait3A_128] : memref<32x125x80xi32, #tpu.memory_space<hbm>> -> memref<1x125x80xi32, #tpu.memory_space<hbm>>
      %dma_wait3A_130 = tpu.memref_squeeze %dma_wait3A_129 : memref<1x125x80xi32, #tpu.memory_space<hbm>> -> memref<125x80xi32, #tpu.memory_space<hbm>>
      %dma_wait3A_131 = arith.constant 0 : i32
      %dma_wait3A_132 = arith.constant 0 : i32
      %dma_wait3A_133 = tpu.memref_slice %arg3[%add3A, %dma_wait3A_131, %dma_wait3A_132] : memref<32x125x80xi32, #tpu.memory_space<hbm>> -> memref<1x125x80xi32, #tpu.memory_space<hbm>>
      %dma_wait3A_134 = tpu.memref_squeeze %dma_wait3A_133 : memref<1x125x80xi32, #tpu.memory_space<hbm>> -> memref<125x80xi32, #tpu.memory_space<hbm>>
      tpu.wait_dma2 semaphore(%run_scoped3A : memref<!tpu.dma_semaphore, #tpu.memory_space<semaphore_mem>>) src(%dma_wait3A_134 : memref<125x80xi32, #tpu.memory_space<hbm>>) dst(%arg7 : memref<125x80xi32, #tpu.memory_space<vmem>>)
      tpu.yield
    }) : () -> ()
    %barrier3A = arith.constant 0 : index
    tpu.barrier barrier_id(%barrier3A)
    %dma_start3A = arith.constant 0 : i32
    %dma_start3A_5 = arith.constant 0 : i32
    %dma_start3A_6 = arith.constant 0 : i32
    %dma_start3A_7 = tpu.memref_slice %arg8[%dma_start3A_5, %dma_start3A_6] : memref<2x80xi32, #tpu.memory_space<vmem>> -> memref<1x80xi32, #tpu.memory_space<vmem>>
    %dma_start3A_8 = tpu.memref_squeeze %dma_start3A_7 : memref<1x80xi32, #tpu.memory_space<vmem>> -> memref<80xi32, #tpu.memory_space<vmem>>
    %dma_start3A_9 = arith.constant 0 : i32
    %dma_start3A_10 = tpu.memref_slice %arg4[%add3A, %dma_start3A, %dma_start3A_9] : memref<32x125x80xi32, #tpu.memory_space<hbm>> -> memref<1x1x80xi32, #tpu.memory_space<hbm>>
    %dma_start3A_11 = tpu.memref_squeeze %dma_start3A_10 : memref<1x1x80xi32, #tpu.memory_space<hbm>> -> memref<80xi32, #tpu.memory_space<hbm>>
    %dma_start3A_12 = arith.constant 0 : i32
    %dma_start3A_13 = tpu.memref_slice %arg8[%dma_start3A_5, %dma_start3A_12] : memref<2x80xi32, #tpu.memory_space<vmem>> -> memref<1x80xi32, #tpu.memory_space<vmem>>
    %dma_start3A_14 = tpu.memref_squeeze %dma_start3A_13 : memref<1x80xi32, #tpu.memory_space<vmem>> -> memref<80xi32, #tpu.memory_space<vmem>>
    %dma_start3A_15 = arith.constant 0 : i32
    %dma_start3A_16 = tpu.memref_slice %arg4[%add3A, %dma_start3A, %dma_start3A_15] : memref<32x125x80xi32, #tpu.memory_space<hbm>> -> memref<1x1x80xi32, #tpu.memory_space<hbm>>
    %dma_start3A_17 = tpu.memref_squeeze %dma_start3A_16 : memref<1x1x80xi32, #tpu.memory_space<hbm>> -> memref<80xi32, #tpu.memory_space<hbm>>
    tpu.enqueue_dma source(%dma_start3A_17 : memref<80xi32, #tpu.memory_space<hbm>>) target(%dma_start3A_14 : memref<80xi32, #tpu.memory_space<vmem>>) target_semaphore(%arg13 : memref<!tpu.dma_semaphore, #tpu.memory_space<semaphore_mem>>)
    %dma_wait3A = arith.constant 0 : i32
    %dma_wait3A_18 = arith.constant 0 : i32
    %dma_wait3A_19 = arith.constant 0 : i32
    %dma_wait3A_20 = tpu.memref_slice %arg8[%dma_wait3A_18, %dma_wait3A_19] : memref<2x80xi32, #tpu.memory_space<vmem>> -> memref<1x80xi32, #tpu.memory_space<vmem>>
    %dma_wait3A_21 = tpu.memref_squeeze %dma_wait3A_20 : memref<1x80xi32, #tpu.memory_space<vmem>> -> memref<80xi32, #tpu.memory_space<vmem>>
    %dma_wait3A_22 = arith.constant 0 : i32
    %dma_wait3A_23 = tpu.memref_slice %arg4[%add3A, %dma_wait3A, %dma_wait3A_22] : memref<32x125x80xi32, #tpu.memory_space<hbm>> -> memref<1x1x80xi32, #tpu.memory_space<hbm>>
    %dma_wait3A_24 = tpu.memref_squeeze %dma_wait3A_23 : memref<1x1x80xi32, #tpu.memory_space<hbm>> -> memref<80xi32, #tpu.memory_space<hbm>>
    %dma_wait3A_25 = arith.constant 0 : i32
    %dma_wait3A_26 = tpu.memref_slice %arg8[%dma_wait3A_18, %dma_wait3A_25] : memref<2x80xi32, #tpu.memory_space<vmem>> -> memref<1x80xi32, #tpu.memory_space<vmem>>
    %dma_wait3A_27 = tpu.memref_squeeze %dma_wait3A_26 : memref<1x80xi32, #tpu.memory_space<vmem>> -> memref<80xi32, #tpu.memory_space<vmem>>
    %dma_wait3A_28 = arith.constant 0 : i32
    %dma_wait3A_29 = tpu.memref_slice %arg4[%add3A, %dma_wait3A, %dma_wait3A_28] : memref<32x125x80xi32, #tpu.memory_space<hbm>> -> memref<1x1x80xi32, #tpu.memory_space<hbm>>
    %dma_wait3A_30 = tpu.memref_squeeze %dma_wait3A_29 : memref<1x1x80xi32, #tpu.memory_space<hbm>> -> memref<80xi32, #tpu.memory_space<hbm>>
    tpu.wait_dma2 semaphore(%arg13 : memref<!tpu.dma_semaphore, #tpu.memory_space<semaphore_mem>>) src(%dma_wait3A_30 : memref<80xi32, #tpu.memory_space<hbm>>) dst(%dma_wait3A_27 : memref<80xi32, #tpu.memory_space<vmem>>)
    %dma_start3A_31 = arith.constant 0 : i32
    %dma_start3A_32 = arith.constant 0 : i32
    %dma_start3A_33 = arith.constant 0 : i32
    %dma_start3A_34 = arith.constant 0 : i32
    %dma_start3A_35 = tpu.memref_slice %arg9[%dma_start3A_32, %dma_start3A_33, %dma_start3A_34] : memref<2x80x128xf32, #tpu.memory_space<vmem>> -> memref<1x80x128xf32, #tpu.memory_space<vmem>>
    %dma_start3A_36 = tpu.memref_squeeze %dma_start3A_35 : memref<1x80x128xf32, #tpu.memory_space<vmem>> -> memref<80x128xf32, #tpu.memory_space<vmem>>
    %dma_start3A_37 = arith.constant 0 : i32
    %dma_start3A_38 = tpu.memref_slice %arg8[%dma_start3A_31, %dma_start3A_37] : memref<2x80xi32, #tpu.memory_space<vmem>> -> memref<1x80xi32, #tpu.memory_space<vmem>>
    %dma_start3A_39 = tpu.memref_squeeze %dma_start3A_38 : memref<1x80xi32, #tpu.memory_space<vmem>> -> memref<80xi32, #tpu.memory_space<vmem>>
    %dma_start3A_40 = arith.constant 0 : i32
    %dma_start3A_41 = arith.constant 0 : i32
    %dma_start3A_42 = tpu.memref_slice %arg2[%dma_start3A_40, %dma_start3A_41] : memref<10000x128xf32, #tpu.memory_space<hbm>> -> memref<10000x128xf32, #tpu.memory_space<hbm>>
    tpu.enqueue_indirect_dma source(%dma_start3A_42 : memref<10000x128xf32, #tpu.memory_space<hbm>>) target(%dma_start3A_36 : memref<80x128xf32, #tpu.memory_space<vmem>>) offsets(%dma_start3A_39 : memref<80xi32, #tpu.memory_space<vmem>>) semaphore(%arg11 : memref<!tpu.dma_semaphore, #tpu.memory_space<semaphore_mem>>)
    %dma_start3A_43 = arith.constant 1 : i32
    %dma_start3A_44 = arith.constant 1 : i32
    %dma_start3A_45 = arith.constant 0 : i32
    %dma_start3A_46 = tpu.memref_slice %arg8[%dma_start3A_44, %dma_start3A_45] : memref<2x80xi32, #tpu.memory_space<vmem>> -> memref<1x80xi32, #tpu.memory_space<vmem>>
    %dma_start3A_47 = tpu.memref_squeeze %dma_start3A_46 : memref<1x80xi32, #tpu.memory_space<vmem>> -> memref<80xi32, #tpu.memory_space<vmem>>
    %dma_start3A_48 = arith.constant 0 : i32
    %dma_start3A_49 = tpu.memref_slice %arg4[%add3A, %dma_start3A_43, %dma_start3A_48] : memref<32x125x80xi32, #tpu.memory_space<hbm>> -> memref<1x1x80xi32, #tpu.memory_space<hbm>>
    %dma_start3A_50 = tpu.memref_squeeze %dma_start3A_49 : memref<1x1x80xi32, #tpu.memory_space<hbm>> -> memref<80xi32, #tpu.memory_space<hbm>>
    %dma_start3A_51 = arith.constant 0 : i32
    %dma_start3A_52 = tpu.memref_slice %arg8[%dma_start3A_44, %dma_start3A_51] : memref<2x80xi32, #tpu.memory_space<vmem>> -> memref<1x80xi32, #tpu.memory_space<vmem>>
    %dma_start3A_53 = tpu.memref_squeeze %dma_start3A_52 : memref<1x80xi32, #tpu.memory_space<vmem>> -> memref<80xi32, #tpu.memory_space<vmem>>
    %dma_start3A_54 = arith.constant 0 : i32
    %dma_start3A_55 = tpu.memref_slice %arg4[%add3A, %dma_start3A_43, %dma_start3A_54] : memref<32x125x80xi32, #tpu.memory_space<hbm>> -> memref<1x1x80xi32, #tpu.memory_space<hbm>>
    %dma_start3A_56 = tpu.memref_squeeze %dma_start3A_55 : memref<1x1x80xi32, #tpu.memory_space<hbm>> -> memref<80xi32, #tpu.memory_space<hbm>>
    tpu.enqueue_dma source(%dma_start3A_56 : memref<80xi32, #tpu.memory_space<hbm>>) target(%dma_start3A_53 : memref<80xi32, #tpu.memory_space<vmem>>) target_semaphore(%arg14 : memref<!tpu.dma_semaphore, #tpu.memory_space<semaphore_mem>>)
    %scan3A = arith.constant 0 : i32
    %scan3A_57 = arith.constant 0 : i32
    %scan3A_58 = arith.constant 62 : i32
    %scan3A_59 = arith.addi %scan3A_57, %scan3A_58 : i32
    %scan3A_60 = arith.constant 1 : i32
    scf.for %scan3A_119 = %scan3A_57 to %scan3A_59 step %scan3A_60  : i32 {
      %mul3A_120 = arith.constant 2 : i32
      %mul3A_121 = arith.muli %mul3A_120, %scan3A_119 : i32
      %add3A_122 = arith.constant 0 : i32
      %add3A_123 = arith.addi %mul3A_121, %add3A_122 : i32
      %dma_wait3A_124 = arith.constant 0 : i32
      %dma_wait3A_125 = arith.constant 0 : i32
      %dma_wait3A_126 = arith.constant 0 : i32
      %dma_wait3A_127 = arith.constant 0 : i32
      %dma_wait3A_128 = tpu.memref_slice %arg9[%dma_wait3A_125, %dma_wait3A_126, %dma_wait3A_127] : memref<2x80x128xf32, #tpu.memory_space<vmem>> -> memref<1x80x128xf32, #tpu.memory_space<vmem>>
      %dma_wait3A_129 = tpu.memref_squeeze %dma_wait3A_128 : memref<1x80x128xf32, #tpu.memory_space<vmem>> -> memref<80x128xf32, #tpu.memory_space<vmem>>
      %dma_wait3A_130 = arith.constant 0 : i32
      %dma_wait3A_131 = tpu.memref_slice %arg8[%dma_wait3A_124, %dma_wait3A_130] : memref<2x80xi32, #tpu.memory_space<vmem>> -> memref<1x80xi32, #tpu.memory_space<vmem>>
      %dma_wait3A_132 = tpu.memref_squeeze %dma_wait3A_131 : memref<1x80xi32, #tpu.memory_space<vmem>> -> memref<80xi32, #tpu.memory_space<vmem>>
      %dma_wait3A_133 = arith.constant 0 : i32
      %dma_wait3A_134 = arith.constant 0 : i32
      %dma_wait3A_135 = tpu.memref_slice %arg2[%dma_wait3A_133, %dma_wait3A_134] : memref<10000x128xf32, #tpu.memory_space<hbm>> -> memref<10000x128xf32, #tpu.memory_space<hbm>>
      tpu.wait_indirect_dma semaphore(%arg11 : memref<!tpu.dma_semaphore, #tpu.memory_space<semaphore_mem>>) src(%dma_wait3A_135 : memref<10000x128xf32, #tpu.memory_space<hbm>>) dst(%dma_wait3A_129 : memref<80x128xf32, #tpu.memory_space<vmem>>)
      %dma_start3A_136 = arith.constant 0 : i32
      %dma_start3A_137 = arith.constant 0 : i32
      %dma_start3A_138 = arith.constant 0 : i32
      %dma_start3A_139 = tpu.memref_slice %arg9[%dma_start3A_136, %dma_start3A_137, %dma_start3A_138] : memref<2x80x128xf32, #tpu.memory_space<vmem>> -> memref<1x80x128xf32, #tpu.memory_space<vmem>>
      %dma_start3A_140 = tpu.memref_squeeze %dma_start3A_139 : memref<1x80x128xf32, #tpu.memory_space<vmem>> -> memref<80x128xf32, #tpu.memory_space<vmem>>
      %dma_start3A_141 = arith.constant 0 : i32
      %dma_start3A_142 = tpu.memref_slice %arg7[%add3A_123, %dma_start3A_141] : memref<125x80xi32, #tpu.memory_space<vmem>> -> memref<1x80xi32, #tpu.memory_space<vmem>>
      %dma_start3A_143 = tpu.memref_squeeze %dma_start3A_142 : memref<1x80xi32, #tpu.memory_space<vmem>> -> memref<80xi32, #tpu.memory_space<vmem>>
      %dma_start3A_144 = arith.constant 0 : i32
      %dma_start3A_145 = arith.constant 0 : i32
      %dma_start3A_146 = tpu.memref_slice %arg10[%dma_start3A_144, %dma_start3A_145] : memref<10000x128xf32, #tpu.memory_space<vmem_shared>> -> memref<10000x128xf32, #tpu.memory_space<vmem_shared>>
      tpu.enqueue_indirect_dma source(%dma_start3A_140 : memref<80x128xf32, #tpu.memory_space<vmem>>) target(%dma_start3A_146 : memref<10000x128xf32, #tpu.memory_space<vmem_shared>>) offsets(%dma_start3A_143 : memref<80xi32, #tpu.memory_space<vmem>>) semaphore(%arg15 : memref<!tpu.dma_semaphore, #tpu.memory_space<semaphore_mem>>) {add = true}
      %add3A_147 = arith.constant 1 : i32
      %add3A_148 = arith.addi %add3A_123, %add3A_147 : i32
      %lt3A_149 = arith.constant 125 : i32
      %lt3A_150 = arith.cmpi slt, %add3A_148, %lt3A_149 : i32
      %convert_element_type3A_151 = arith.extui %lt3A_150 : i1 to i32
      %cond3A_152 = arith.constant 0 : i32
      %cond3A_153 = arith.cmpi ne, %convert_element_type3A_151, %cond3A_152 : i32
      scf.if %cond3A_153 {
        %add3A_202 = arith.constant 1 : i32
        %add3A_203 = arith.addi %add3A_123, %add3A_202 : i32
        %dma_wait3A_204 = arith.constant 1 : i32
        %dma_wait3A_205 = arith.constant 0 : i32
        %dma_wait3A_206 = tpu.memref_slice %arg8[%dma_wait3A_204, %dma_wait3A_205] : memref<2x80xi32, #tpu.memory_space<vmem>> -> memref<1x80xi32, #tpu.memory_space<vmem>>
        %dma_wait3A_207 = tpu.memref_squeeze %dma_wait3A_206 : memref<1x80xi32, #tpu.memory_space<vmem>> -> memref<80xi32, #tpu.memory_space<vmem>>
        %dma_wait3A_208 = arith.constant 0 : i32
        %dma_wait3A_209 = tpu.memref_slice %arg4[%add3A, %add3A_203, %dma_wait3A_208] : memref<32x125x80xi32, #tpu.memory_space<hbm>> -> memref<1x1x80xi32, #tpu.memory_space<hbm>>
        %dma_wait3A_210 = tpu.memref_squeeze %dma_wait3A_209 : memref<1x1x80xi32, #tpu.memory_space<hbm>> -> memref<80xi32, #tpu.memory_space<hbm>>
        %dma_wait3A_211 = arith.constant 0 : i32
        %dma_wait3A_212 = tpu.memref_slice %arg8[%dma_wait3A_204, %dma_wait3A_211] : memref<2x80xi32, #tpu.memory_space<vmem>> -> memref<1x80xi32, #tpu.memory_space<vmem>>
        %dma_wait3A_213 = tpu.memref_squeeze %dma_wait3A_212 : memref<1x80xi32, #tpu.memory_space<vmem>> -> memref<80xi32, #tpu.memory_space<vmem>>
        %dma_wait3A_214 = arith.constant 0 : i32
        %dma_wait3A_215 = tpu.memref_slice %arg4[%add3A, %add3A_203, %dma_wait3A_214] : memref<32x125x80xi32, #tpu.memory_space<hbm>> -> memref<1x1x80xi32, #tpu.memory_space<hbm>>
        %dma_wait3A_216 = tpu.memref_squeeze %dma_wait3A_215 : memref<1x1x80xi32, #tpu.memory_space<hbm>> -> memref<80xi32, #tpu.memory_space<hbm>>
        tpu.wait_dma2 semaphore(%arg14 : memref<!tpu.dma_semaphore, #tpu.memory_space<semaphore_mem>>) src(%dma_wait3A_216 : memref<80xi32, #tpu.memory_space<hbm>>) dst(%dma_wait3A_213 : memref<80xi32, #tpu.memory_space<vmem>>)
        %ge3A = arith.constant 1 : i32
        %ge3A_217 = arith.cmpi sge, %add3A_123, %ge3A : i32
        %convert_element_type3A_218 = arith.extui %ge3A_217 : i1 to i32
        %cond3A_219 = arith.constant 0 : i32
        %cond3A_220 = arith.cmpi ne, %convert_element_type3A_218, %cond3A_219 : i32
        scf.if %cond3A_220 {
          %sub3A = arith.constant 1 : i32
          %sub3A_233 = arith.subi %add3A_123, %sub3A : i32
          %dma_wait3A_234 = arith.constant 1 : i32
          %dma_wait3A_235 = arith.constant 0 : i32
          %dma_wait3A_236 = arith.constant 0 : i32
          %dma_wait3A_237 = tpu.memref_slice %arg9[%dma_wait3A_234, %dma_wait3A_235, %dma_wait3A_236] : memref<2x80x128xf32, #tpu.memory_space<vmem>> -> memref<1x80x128xf32, #tpu.memory_space<vmem>>
          %dma_wait3A_238 = tpu.memref_squeeze %dma_wait3A_237 : memref<1x80x128xf32, #tpu.memory_space<vmem>> -> memref<80x128xf32, #tpu.memory_space<vmem>>
          %dma_wait3A_239 = arith.constant 0 : i32
          %dma_wait3A_240 = tpu.memref_slice %arg7[%sub3A_233, %dma_wait3A_239] : memref<125x80xi32, #tpu.memory_space<vmem>> -> memref<1x80xi32, #tpu.memory_space<vmem>>
          %dma_wait3A_241 = tpu.memref_squeeze %dma_wait3A_240 : memref<1x80xi32, #tpu.memory_space<vmem>> -> memref<80xi32, #tpu.memory_space<vmem>>
          %dma_wait3A_242 = arith.constant 0 : i32
          %dma_wait3A_243 = arith.constant 0 : i32
          %dma_wait3A_244 = tpu.memref_slice %arg10[%dma_wait3A_242, %dma_wait3A_243] : memref<10000x128xf32, #tpu.memory_space<vmem_shared>> -> memref<10000x128xf32, #tpu.memory_space<vmem_shared>>
          tpu.wait_indirect_dma semaphore(%arg16 : memref<!tpu.dma_semaphore, #tpu.memory_space<semaphore_mem>>) src(%dma_wait3A_238 : memref<80x128xf32, #tpu.memory_space<vmem>>) dst(%dma_wait3A_244 : memref<10000x128xf32, #tpu.memory_space<vmem_shared>>)
        } else {
        }
        %dma_start3A_221 = arith.constant 1 : i32
        %dma_start3A_222 = arith.constant 1 : i32
        %dma_start3A_223 = arith.constant 0 : i32
        %dma_start3A_224 = arith.constant 0 : i32
        %dma_start3A_225 = tpu.memref_slice %arg9[%dma_start3A_222, %dma_start3A_223, %dma_start3A_224] : memref<2x80x128xf32, #tpu.memory_space<vmem>> -> memref<1x80x128xf32, #tpu.memory_space<vmem>>
        %dma_start3A_226 = tpu.memref_squeeze %dma_start3A_225 : memref<1x80x128xf32, #tpu.memory_space<vmem>> -> memref<80x128xf32, #tpu.memory_space<vmem>>
        %dma_start3A_227 = arith.constant 0 : i32
        %dma_start3A_228 = tpu.memref_slice %arg8[%dma_start3A_221, %dma_start3A_227] : memref<2x80xi32, #tpu.memory_space<vmem>> -> memref<1x80xi32, #tpu.memory_space<vmem>>
        %dma_start3A_229 = tpu.memref_squeeze %dma_start3A_228 : memref<1x80xi32, #tpu.memory_space<vmem>> -> memref<80xi32, #tpu.memory_space<vmem>>
        %dma_start3A_230 = arith.constant 0 : i32
        %dma_start3A_231 = arith.constant 0 : i32
        %dma_start3A_232 = tpu.memref_slice %arg2[%dma_start3A_230, %dma_start3A_231] : memref<10000x128xf32, #tpu.memory_space<hbm>> -> memref<10000x128xf32, #tpu.memory_space<hbm>>
        tpu.enqueue_indirect_dma source(%dma_start3A_232 : memref<10000x128xf32, #tpu.memory_space<hbm>>) target(%dma_start3A_226 : memref<80x128xf32, #tpu.memory_space<vmem>>) offsets(%dma_start3A_229 : memref<80xi32, #tpu.memory_space<vmem>>) semaphore(%arg12 : memref<!tpu.dma_semaphore, #tpu.memory_space<semaphore_mem>>)
      } else {
      }
      %add3A_154 = arith.constant 2 : i32
      %add3A_155 = arith.addi %add3A_123, %add3A_154 : i32
      %lt3A_156 = arith.constant 125 : i32
      %lt3A_157 = arith.cmpi slt, %add3A_155, %lt3A_156 : i32
      %convert_element_type3A_158 = arith.extui %lt3A_157 : i1 to i32
      %cond3A_159 = arith.constant 0 : i32
      %cond3A_160 = arith.cmpi ne, %convert_element_type3A_158, %cond3A_159 : i32
      scf.if %cond3A_160 {
        %add3A_202 = arith.constant 2 : i32
        %add3A_203 = arith.addi %add3A_123, %add3A_202 : i32
        %dma_start3A_204 = arith.constant 0 : i32
        %dma_start3A_205 = arith.constant 0 : i32
        %dma_start3A_206 = tpu.memref_slice %arg8[%dma_start3A_204, %dma_start3A_205] : memref<2x80xi32, #tpu.memory_space<vmem>> -> memref<1x80xi32, #tpu.memory_space<vmem>>
        %dma_start3A_207 = tpu.memref_squeeze %dma_start3A_206 : memref<1x80xi32, #tpu.memory_space<vmem>> -> memref<80xi32, #tpu.memory_space<vmem>>
        %dma_start3A_208 = arith.constant 0 : i32
        %dma_start3A_209 = tpu.memref_slice %arg4[%add3A, %add3A_203, %dma_start3A_208] : memref<32x125x80xi32, #tpu.memory_space<hbm>> -> memref<1x1x80xi32, #tpu.memory_space<hbm>>
        %dma_start3A_210 = tpu.memref_squeeze %dma_start3A_209 : memref<1x1x80xi32, #tpu.memory_space<hbm>> -> memref<80xi32, #tpu.memory_space<hbm>>
        %dma_start3A_211 = arith.constant 0 : i32
        %dma_start3A_212 = tpu.memref_slice %arg8[%dma_start3A_204, %dma_start3A_211] : memref<2x80xi32, #tpu.memory_space<vmem>> -> memref<1x80xi32, #tpu.memory_space<vmem>>
        %dma_start3A_213 = tpu.memref_squeeze %dma_start3A_212 : memref<1x80xi32, #tpu.memory_space<vmem>> -> memref<80xi32, #tpu.memory_space<vmem>>
        %dma_start3A_214 = arith.constant 0 : i32
        %dma_start3A_215 = tpu.memref_slice %arg4[%add3A, %add3A_203, %dma_start3A_214] : memref<32x125x80xi32, #tpu.memory_space<hbm>> -> memref<1x1x80xi32, #tpu.memory_space<hbm>>
        %dma_start3A_216 = tpu.memref_squeeze %dma_start3A_215 : memref<1x1x80xi32, #tpu.memory_space<hbm>> -> memref<80xi32, #tpu.memory_space<hbm>>
        tpu.enqueue_dma source(%dma_start3A_216 : memref<80xi32, #tpu.memory_space<hbm>>) target(%dma_start3A_213 : memref<80xi32, #tpu.memory_space<vmem>>) target_semaphore(%arg13 : memref<!tpu.dma_semaphore, #tpu.memory_space<semaphore_mem>>)
      } else {
      }
      %mul3A_161 = arith.constant 2 : i32
      %mul3A_162 = arith.muli %mul3A_161, %scan3A_119 : i32
      %add3A_163 = arith.constant 1 : i32
      %add3A_164 = arith.addi %mul3A_162, %add3A_163 : i32
      %dma_wait3A_165 = arith.constant 1 : i32
      %dma_wait3A_166 = arith.constant 1 : i32
      %dma_wait3A_167 = arith.constant 0 : i32
      %dma_wait3A_168 = arith.constant 0 : i32
      %dma_wait3A_169 = tpu.memref_slice %arg9[%dma_wait3A_166, %dma_wait3A_167, %dma_wait3A_168] : memref<2x80x128xf32, #tpu.memory_space<vmem>> -> memref<1x80x128xf32, #tpu.memory_space<vmem>>
      %dma_wait3A_170 = tpu.memref_squeeze %dma_wait3A_169 : memref<1x80x128xf32, #tpu.memory_space<vmem>> -> memref<80x128xf32, #tpu.memory_space<vmem>>
      %dma_wait3A_171 = arith.constant 0 : i32
      %dma_wait3A_172 = tpu.memref_slice %arg8[%dma_wait3A_165, %dma_wait3A_171] : memref<2x80xi32, #tpu.memory_space<vmem>> -> memref<1x80xi32, #tpu.memory_space<vmem>>
      %dma_wait3A_173 = tpu.memref_squeeze %dma_wait3A_172 : memref<1x80xi32, #tpu.memory_space<vmem>> -> memref<80xi32, #tpu.memory_space<vmem>>
      %dma_wait3A_174 = arith.constant 0 : i32
      %dma_wait3A_175 = arith.constant 0 : i32
      %dma_wait3A_176 = tpu.memref_slice %arg2[%dma_wait3A_174, %dma_wait3A_175] : memref<10000x128xf32, #tpu.memory_space<hbm>> -> memref<10000x128xf32, #tpu.memory_space<hbm>>
      tpu.wait_indirect_dma semaphore(%arg12 : memref<!tpu.dma_semaphore, #tpu.memory_space<semaphore_mem>>) src(%dma_wait3A_176 : memref<10000x128xf32, #tpu.memory_space<hbm>>) dst(%dma_wait3A_170 : memref<80x128xf32, #tpu.memory_space<vmem>>)
      %dma_start3A_177 = arith.constant 1 : i32
      %dma_start3A_178 = arith.constant 0 : i32
      %dma_start3A_179 = arith.constant 0 : i32
      %dma_start3A_180 = tpu.memref_slice %arg9[%dma_start3A_177, %dma_start3A_178, %dma_start3A_179] : memref<2x80x128xf32, #tpu.memory_space<vmem>> -> memref<1x80x128xf32, #tpu.memory_space<vmem>>
      %dma_start3A_181 = tpu.memref_squeeze %dma_start3A_180 : memref<1x80x128xf32, #tpu.memory_space<vmem>> -> memref<80x128xf32, #tpu.memory_space<vmem>>
      %dma_start3A_182 = arith.constant 0 : i32
      %dma_start3A_183 = tpu.memref_slice %arg7[%add3A_164, %dma_start3A_182] : memref<125x80xi32, #tpu.memory_space<vmem>> -> memref<1x80xi32, #tpu.memory_space<vmem>>
      %dma_start3A_184 = tpu.memref_squeeze %dma_start3A_183 : memref<1x80xi32, #tpu.memory_space<vmem>> -> memref<80xi32, #tpu.memory_space<vmem>>
      %dma_start3A_185 = arith.constant 0 : i32
      %dma_start3A_186 = arith.constant 0 : i32
      %dma_start3A_187 = tpu.memref_slice %arg10[%dma_start3A_185, %dma_start3A_186] : memref<10000x128xf32, #tpu.memory_space<vmem_shared>> -> memref<10000x128xf32, #tpu.memory_space<vmem_shared>>
      tpu.enqueue_indirect_dma source(%dma_start3A_181 : memref<80x128xf32, #tpu.memory_space<vmem>>) target(%dma_start3A_187 : memref<10000x128xf32, #tpu.memory_space<vmem_shared>>) offsets(%dma_start3A_184 : memref<80xi32, #tpu.memory_space<vmem>>) semaphore(%arg16 : memref<!tpu.dma_semaphore, #tpu.memory_space<semaphore_mem>>) {add = true}
      %add3A_188 = arith.constant 1 : i32
      %add3A_189 = arith.addi %add3A_164, %add3A_188 : i32
      %lt3A_190 = arith.constant 125 : i32
      %lt3A_191 = arith.cmpi slt, %add3A_189, %lt3A_190 : i32
      %convert_element_type3A_192 = arith.extui %lt3A_191 : i1 to i32
      %cond3A_193 = arith.constant 0 : i32
      %cond3A_194 = arith.cmpi ne, %convert_element_type3A_192, %cond3A_193 : i32
      scf.if %cond3A_194 {
        %add3A_202 = arith.constant 1 : i32
        %add3A_203 = arith.addi %add3A_164, %add3A_202 : i32
        %dma_wait3A_204 = arith.constant 0 : i32
        %dma_wait3A_205 = arith.constant 0 : i32
        %dma_wait3A_206 = tpu.memref_slice %arg8[%dma_wait3A_204, %dma_wait3A_205] : memref<2x80xi32, #tpu.memory_space<vmem>> -> memref<1x80xi32, #tpu.memory_space<vmem>>
        %dma_wait3A_207 = tpu.memref_squeeze %dma_wait3A_206 : memref<1x80xi32, #tpu.memory_space<vmem>> -> memref<80xi32, #tpu.memory_space<vmem>>
        %dma_wait3A_208 = arith.constant 0 : i32
        %dma_wait3A_209 = tpu.memref_slice %arg4[%add3A, %add3A_203, %dma_wait3A_208] : memref<32x125x80xi32, #tpu.memory_space<hbm>> -> memref<1x1x80xi32, #tpu.memory_space<hbm>>
        %dma_wait3A_210 = tpu.memref_squeeze %dma_wait3A_209 : memref<1x1x80xi32, #tpu.memory_space<hbm>> -> memref<80xi32, #tpu.memory_space<hbm>>
        %dma_wait3A_211 = arith.constant 0 : i32
        %dma_wait3A_212 = tpu.memref_slice %arg8[%dma_wait3A_204, %dma_wait3A_211] : memref<2x80xi32, #tpu.memory_space<vmem>> -> memref<1x80xi32, #tpu.memory_space<vmem>>
        %dma_wait3A_213 = tpu.memref_squeeze %dma_wait3A_212 : memref<1x80xi32, #tpu.memory_space<vmem>> -> memref<80xi32, #tpu.memory_space<vmem>>
        %dma_wait3A_214 = arith.constant 0 : i32
        %dma_wait3A_215 = tpu.memref_slice %arg4[%add3A, %add3A_203, %dma_wait3A_214] : memref<32x125x80xi32, #tpu.memory_space<hbm>> -> memref<1x1x80xi32, #tpu.memory_space<hbm>>
        %dma_wait3A_216 = tpu.memref_squeeze %dma_wait3A_215 : memref<1x1x80xi32, #tpu.memory_space<hbm>> -> memref<80xi32, #tpu.memory_space<hbm>>
        tpu.wait_dma2 semaphore(%arg13 : memref<!tpu.dma_semaphore, #tpu.memory_space<semaphore_mem>>) src(%dma_wait3A_216 : memref<80xi32, #tpu.memory_space<hbm>>) dst(%dma_wait3A_213 : memref<80xi32, #tpu.memory_space<vmem>>)
        %ge3A = arith.constant 1 : i32
        %ge3A_217 = arith.cmpi sge, %add3A_164, %ge3A : i32
        %convert_element_type3A_218 = arith.extui %ge3A_217 : i1 to i32
        %cond3A_219 = arith.constant 0 : i32
        %cond3A_220 = arith.cmpi ne, %convert_element_type3A_218, %cond3A_219 : i32
        scf.if %cond3A_220 {
          %sub3A = arith.constant 1 : i32
          %sub3A_233 = arith.subi %add3A_164, %sub3A : i32
          %dma_wait3A_234 = arith.constant 0 : i32
          %dma_wait3A_235 = arith.constant 0 : i32
          %dma_wait3A_236 = arith.constant 0 : i32
          %dma_wait3A_237 = tpu.memref_slice %arg9[%dma_wait3A_234, %dma_wait3A_235, %dma_wait3A_236] : memref<2x80x128xf32, #tpu.memory_space<vmem>> -> memref<1x80x128xf32, #tpu.memory_space<vmem>>
          %dma_wait3A_238 = tpu.memref_squeeze %dma_wait3A_237 : memref<1x80x128xf32, #tpu.memory_space<vmem>> -> memref<80x128xf32, #tpu.memory_space<vmem>>
          %dma_wait3A_239 = arith.constant 0 : i32
          %dma_wait3A_240 = tpu.memref_slice %arg7[%sub3A_233, %dma_wait3A_239] : memref<125x80xi32, #tpu.memory_space<vmem>> -> memref<1x80xi32, #tpu.memory_space<vmem>>
          %dma_wait3A_241 = tpu.memref_squeeze %dma_wait3A_240 : memref<1x80xi32, #tpu.memory_space<vmem>> -> memref<80xi32, #tpu.memory_space<vmem>>
          %dma_wait3A_242 = arith.constant 0 : i32
          %dma_wait3A_243 = arith.constant 0 : i32
          %dma_wait3A_244 = tpu.memref_slice %arg10[%dma_wait3A_242, %dma_wait3A_243] : memref<10000x128xf32, #tpu.memory_space<vmem_shared>> -> memref<10000x128xf32, #tpu.memory_space<vmem_shared>>
          tpu.wait_indirect_dma semaphore(%arg15 : memref<!tpu.dma_semaphore, #tpu.memory_space<semaphore_mem>>) src(%dma_wait3A_238 : memref<80x128xf32, #tpu.memory_space<vmem>>) dst(%dma_wait3A_244 : memref<10000x128xf32, #tpu.memory_space<vmem_shared>>)
        } else {
        }
        %dma_start3A_221 = arith.constant 0 : i32
        %dma_start3A_222 = arith.constant 0 : i32
        %dma_start3A_223 = arith.constant 0 : i32
        %dma_start3A_224 = arith.constant 0 : i32
        %dma_start3A_225 = tpu.memref_slice %arg9[%dma_start3A_222, %dma_start3A_223, %dma_start3A_224] : memref<2x80x128xf32, #tpu.memory_space<vmem>> -> memref<1x80x128xf32, #tpu.memory_space<vmem>>
        %dma_start3A_226 = tpu.memref_squeeze %dma_start3A_225 : memref<1x80x128xf32, #tpu.memory_space<vmem>> -> memref<80x128xf32, #tpu.memory_space<vmem>>
        %dma_start3A_227 = arith.constant 0 : i32
        %dma_start3A_228 = tpu.memref_slice %arg8[%dma_start3A_221, %dma_start3A_227] : memref<2x80xi32, #tpu.memory_space<vmem>> -> memref<1x80xi32, #tpu.memory_space<vmem>>
        %dma_start3A_229 = tpu.memref_squeeze %dma_start3A_228 : memref<1x80xi32, #tpu.memory_space<vmem>> -> memref<80xi32, #tpu.memory_space<vmem>>
        %dma_start3A_230 = arith.constant 0 : i32
        %dma_start3A_231 = arith.constant 0 : i32
        %dma_start3A_232 = tpu.memref_slice %arg2[%dma_start3A_230, %dma_start3A_231] : memref<10000x128xf32, #tpu.memory_space<hbm>> -> memref<10000x128xf32, #tpu.memory_space<hbm>>
        tpu.enqueue_indirect_dma source(%dma_start3A_232 : memref<10000x128xf32, #tpu.memory_space<hbm>>) target(%dma_start3A_226 : memref<80x128xf32, #tpu.memory_space<vmem>>) offsets(%dma_start3A_229 : memref<80xi32, #tpu.memory_space<vmem>>) semaphore(%arg11 : memref<!tpu.dma_semaphore, #tpu.memory_space<semaphore_mem>>)
      } else {
      }
      %add3A_195 = arith.constant 2 : i32
      %add3A_196 = arith.addi %add3A_164, %add3A_195 : i32
      %lt3A_197 = arith.constant 125 : i32
      %lt3A_198 = arith.cmpi slt, %add3A_196, %lt3A_197 : i32
      %convert_element_type3A_199 = arith.extui %lt3A_198 : i1 to i32
      %cond3A_200 = arith.constant 0 : i32
      %cond3A_201 = arith.cmpi ne, %convert_element_type3A_199, %cond3A_200 : i32
      scf.if %cond3A_201 {
        %add3A_202 = arith.constant 2 : i32
        %add3A_203 = arith.addi %add3A_164, %add3A_202 : i32
        %dma_start3A_204 = arith.constant 1 : i32
        %dma_start3A_205 = arith.constant 0 : i32
        %dma_start3A_206 = tpu.memref_slice %arg8[%dma_start3A_204, %dma_start3A_205] : memref<2x80xi32, #tpu.memory_space<vmem>> -> memref<1x80xi32, #tpu.memory_space<vmem>>
        %dma_start3A_207 = tpu.memref_squeeze %dma_start3A_206 : memref<1x80xi32, #tpu.memory_space<vmem>> -> memref<80xi32, #tpu.memory_space<vmem>>
        %dma_start3A_208 = arith.constant 0 : i32
        %dma_start3A_209 = tpu.memref_slice %arg4[%add3A, %add3A_203, %dma_start3A_208] : memref<32x125x80xi32, #tpu.memory_space<hbm>> -> memref<1x1x80xi32, #tpu.memory_space<hbm>>
        %dma_start3A_210 = tpu.memref_squeeze %dma_start3A_209 : memref<1x1x80xi32, #tpu.memory_space<hbm>> -> memref<80xi32, #tpu.memory_space<hbm>>
        %dma_start3A_211 = arith.constant 0 : i32
        %dma_start3A_212 = tpu.memref_slice %arg8[%dma_start3A_204, %dma_start3A_211] : memref<2x80xi32, #tpu.memory_space<vmem>> -> memref<1x80xi32, #tpu.memory_space<vmem>>
        %dma_start3A_213 = tpu.memref_squeeze %dma_start3A_212 : memref<1x80xi32, #tpu.memory_space<vmem>> -> memref<80xi32, #tpu.memory_space<vmem>>
        %dma_start3A_214 = arith.constant 0 : i32
        %dma_start3A_215 = tpu.memref_slice %arg4[%add3A, %add3A_203, %dma_start3A_214] : memref<32x125x80xi32, #tpu.memory_space<hbm>> -> memref<1x1x80xi32, #tpu.memory_space<hbm>>
        %dma_start3A_216 = tpu.memref_squeeze %dma_start3A_215 : memref<1x1x80xi32, #tpu.memory_space<hbm>> -> memref<80xi32, #tpu.memory_space<hbm>>
        tpu.enqueue_dma source(%dma_start3A_216 : memref<80xi32, #tpu.memory_space<hbm>>) target(%dma_start3A_213 : memref<80xi32, #tpu.memory_space<vmem>>) target_semaphore(%arg14 : memref<!tpu.dma_semaphore, #tpu.memory_space<semaphore_mem>>)
      } else {
      }
    }
    %scan3A_61 = arith.constant 62 : i32
    %dma_wait3A_62 = arith.constant 0 : i32
    %dma_wait3A_63 = arith.constant 0 : i32
    %dma_wait3A_64 = arith.constant 0 : i32
    %dma_wait3A_65 = arith.constant 0 : i32
    %dma_wait3A_66 = tpu.memref_slice %arg9[%dma_wait3A_63, %dma_wait3A_64, %dma_wait3A_65] : memref<2x80x128xf32, #tpu.memory_space<vmem>> -> memref<1x80x128xf32, #tpu.memory_space<vmem>>
    %dma_wait3A_67 = tpu.memref_squeeze %dma_wait3A_66 : memref<1x80x128xf32, #tpu.memory_space<vmem>> -> memref<80x128xf32, #tpu.memory_space<vmem>>
    %dma_wait3A_68 = arith.constant 0 : i32
    %dma_wait3A_69 = tpu.memref_slice %arg8[%dma_wait3A_62, %dma_wait3A_68] : memref<2x80xi32, #tpu.memory_space<vmem>> -> memref<1x80xi32, #tpu.memory_space<vmem>>
    %dma_wait3A_70 = tpu.memref_squeeze %dma_wait3A_69 : memref<1x80xi32, #tpu.memory_space<vmem>> -> memref<80xi32, #tpu.memory_space<vmem>>
    %dma_wait3A_71 = arith.constant 0 : i32
    %dma_wait3A_72 = arith.constant 0 : i32
    %dma_wait3A_73 = tpu.memref_slice %arg2[%dma_wait3A_71, %dma_wait3A_72] : memref<10000x128xf32, #tpu.memory_space<hbm>> -> memref<10000x128xf32, #tpu.memory_space<hbm>>
    tpu.wait_indirect_dma semaphore(%arg11 : memref<!tpu.dma_semaphore, #tpu.memory_space<semaphore_mem>>) src(%dma_wait3A_73 : memref<10000x128xf32, #tpu.memory_space<hbm>>) dst(%dma_wait3A_67 : memref<80x128xf32, #tpu.memory_space<vmem>>)
    %dma_start3A_74 = arith.constant 0 : i32
    %dma_start3A_75 = arith.constant 124 : i32
    %dma_start3A_76 = arith.constant 0 : i32
    %dma_start3A_77 = arith.constant 0 : i32
    %dma_start3A_78 = tpu.memref_slice %arg9[%dma_start3A_74, %dma_start3A_76, %dma_start3A_77] : memref<2x80x128xf32, #tpu.memory_space<vmem>> -> memref<1x80x128xf32, #tpu.memory_space<vmem>>
    %dma_start3A_79 = tpu.memref_squeeze %dma_start3A_78 : memref<1x80x128xf32, #tpu.memory_space<vmem>> -> memref<80x128xf32, #tpu.memory_space<vmem>>
    %dma_start3A_80 = arith.constant 0 : i32
    %dma_start3A_81 = tpu.memref_slice %arg7[%dma_start3A_75, %dma_start3A_80] : memref<125x80xi32, #tpu.memory_space<vmem>> -> memref<1x80xi32, #tpu.memory_space<vmem>>
    %dma_start3A_82 = tpu.memref_squeeze %dma_start3A_81 : memref<1x80xi32, #tpu.memory_space<vmem>> -> memref<80xi32, #tpu.memory_space<vmem>>
    %dma_start3A_83 = arith.constant 0 : i32
    %dma_start3A_84 = arith.constant 0 : i32
    %dma_start3A_85 = tpu.memref_slice %arg10[%dma_start3A_83, %dma_start3A_84] : memref<10000x128xf32, #tpu.memory_space<vmem_shared>> -> memref<10000x128xf32, #tpu.memory_space<vmem_shared>>
    tpu.enqueue_indirect_dma source(%dma_start3A_79 : memref<80x128xf32, #tpu.memory_space<vmem>>) target(%dma_start3A_85 : memref<10000x128xf32, #tpu.memory_space<vmem_shared>>) offsets(%dma_start3A_82 : memref<80xi32, #tpu.memory_space<vmem>>) semaphore(%arg15 : memref<!tpu.dma_semaphore, #tpu.memory_space<semaphore_mem>>) {add = true}
    %dma_wait3A_86 = arith.constant 1 : i32
    %dma_wait3A_87 = arith.constant 123 : i32
    %dma_wait3A_88 = arith.constant 0 : i32
    %dma_wait3A_89 = arith.constant 0 : i32
    %dma_wait3A_90 = tpu.memref_slice %arg9[%dma_wait3A_86, %dma_wait3A_88, %dma_wait3A_89] : memref<2x80x128xf32, #tpu.memory_space<vmem>> -> memref<1x80x128xf32, #tpu.memory_space<vmem>>
    %dma_wait3A_91 = tpu.memref_squeeze %dma_wait3A_90 : memref<1x80x128xf32, #tpu.memory_space<vmem>> -> memref<80x128xf32, #tpu.memory_space<vmem>>
    %dma_wait3A_92 = arith.constant 0 : i32
    %dma_wait3A_93 = tpu.memref_slice %arg7[%dma_wait3A_87, %dma_wait3A_92] : memref<125x80xi32, #tpu.memory_space<vmem>> -> memref<1x80xi32, #tpu.memory_space<vmem>>
    %dma_wait3A_94 = tpu.memref_squeeze %dma_wait3A_93 : memref<1x80xi32, #tpu.memory_space<vmem>> -> memref<80xi32, #tpu.memory_space<vmem>>
    %dma_wait3A_95 = arith.constant 0 : i32
    %dma_wait3A_96 = arith.constant 0 : i32
    %dma_wait3A_97 = tpu.memref_slice %arg10[%dma_wait3A_95, %dma_wait3A_96] : memref<10000x128xf32, #tpu.memory_space<vmem_shared>> -> memref<10000x128xf32, #tpu.memory_space<vmem_shared>>
    tpu.wait_indirect_dma semaphore(%arg16 : memref<!tpu.dma_semaphore, #tpu.memory_space<semaphore_mem>>) src(%dma_wait3A_91 : memref<80x128xf32, #tpu.memory_space<vmem>>) dst(%dma_wait3A_97 : memref<10000x128xf32, #tpu.memory_space<vmem_shared>>)
    %dma_wait3A_98 = arith.constant 0 : i32
    %dma_wait3A_99 = arith.constant 124 : i32
    %dma_wait3A_100 = arith.constant 0 : i32
    %dma_wait3A_101 = arith.constant 0 : i32
    %dma_wait3A_102 = tpu.memref_slice %arg9[%dma_wait3A_98, %dma_wait3A_100, %dma_wait3A_101] : memref<2x80x128xf32, #tpu.memory_space<vmem>> -> memref<1x80x128xf32, #tpu.memory_space<vmem>>
    %dma_wait3A_103 = tpu.memref_squeeze %dma_wait3A_102 : memref<1x80x128xf32, #tpu.memory_space<vmem>> -> memref<80x128xf32, #tpu.memory_space<vmem>>
    %dma_wait3A_104 = arith.constant 0 : i32
    %dma_wait3A_105 = tpu.memref_slice %arg7[%dma_wait3A_99, %dma_wait3A_104] : memref<125x80xi32, #tpu.memory_space<vmem>> -> memref<1x80xi32, #tpu.memory_space<vmem>>
    %dma_wait3A_106 = tpu.memref_squeeze %dma_wait3A_105 : memref<1x80xi32, #tpu.memory_space<vmem>> -> memref<80xi32, #tpu.memory_space<vmem>>
    %dma_wait3A_107 = arith.constant 0 : i32
    %dma_wait3A_108 = arith.constant 0 : i32
    %dma_wait3A_109 = tpu.memref_slice %arg10[%dma_wait3A_107, %dma_wait3A_108] : memref<10000x128xf32, #tpu.memory_space<vmem_shared>> -> memref<10000x128xf32, #tpu.memory_space<vmem_shared>>
    tpu.wait_indirect_dma semaphore(%arg15 : memref<!tpu.dma_semaphore, #tpu.memory_space<semaphore_mem>>) src(%dma_wait3A_103 : memref<80x128xf32, #tpu.memory_space<vmem>>) dst(%dma_wait3A_109 : memref<10000x128xf32, #tpu.memory_space<vmem_shared>>)
    %barrier3A_110 = arith.constant 0 : index
    tpu.barrier barrier_id(%barrier3A_110)
    %mul3A_111 = arith.constant 624 : i32
    %mul3A_112 = arith.muli %arg1, %mul3A_111 : i32
    %multiple_of3A_113 = tpu.assume_multiple %mul3A_112, 8 : i32
    "tpu.region"() ({
      %run_scoped3A = tpu.sem_alloc : memref<!tpu.dma_semaphore, #tpu.memory_space<semaphore_mem>>
      %dma_start3A_119 = arith.constant 0 : i32
      %dma_start3A_120 = tpu.memref_slice %arg6[%arg0, %multiple_of3A_113, %dma_start3A_119] : memref<2x10000x128xf32, #tpu.memory_space<hbm>> -> memref<1x624x128xf32, #tpu.memory_space<hbm>>
      %dma_start3A_121 = tpu.memref_squeeze %dma_start3A_120 : memref<1x624x128xf32, #tpu.memory_space<hbm>> -> memref<624x128xf32, #tpu.memory_space<hbm>>
      %dma_start3A_122 = arith.constant 0 : i32
      %dma_start3A_123 = tpu.memref_slice %arg10[%multiple_of3A_113, %dma_start3A_122] : memref<10000x128xf32, #tpu.memory_space<vmem_shared>> -> memref<624x128xf32, #tpu.memory_space<vmem_shared>>
      tpu.enqueue_dma source(%dma_start3A_123 : memref<624x128xf32, #tpu.memory_space<vmem_shared>>) target(%dma_start3A_121 : memref<624x128xf32, #tpu.memory_space<hbm>>) target_semaphore(%run_scoped3A : memref<!tpu.dma_semaphore, #tpu.memory_space<semaphore_mem>>)
      %dma_wait3A_124 = arith.constant 0 : i32
      %dma_wait3A_125 = tpu.memref_slice %arg6[%arg0, %multiple_of3A_113, %dma_wait3A_124] : memref<2x10000x128xf32, #tpu.memory_space<hbm>> -> memref<1x624x128xf32, #tpu.memory_space<hbm>>
      %dma_wait3A_126 = tpu.memref_squeeze %dma_wait3A_125 : memref<1x624x128xf32, #tpu.memory_space<hbm>> -> memref<624x128xf32, #tpu.memory_space<hbm>>
      %dma_wait3A_127 = arith.constant 0 : i32
      %dma_wait3A_128 = tpu.memref_slice %arg10[%multiple_of3A_113, %dma_wait3A_127] : memref<10000x128xf32, #tpu.memory_space<vmem_shared>> -> memref<624x128xf32, #tpu.memory_space<vmem_shared>>
      tpu.wait_dma2 semaphore(%run_scoped3A : memref<!tpu.dma_semaphore, #tpu.memory_space<semaphore_mem>>) src(%dma_wait3A_128 : memref<624x128xf32, #tpu.memory_space<vmem_shared>>) dst(%dma_wait3A_126 : memref<624x128xf32, #tpu.memory_space<hbm>>)
      tpu.yield
    }) : () -> ()
    %lt3A_114 = arith.constant 2 : i32
    %lt3A_115 = arith.cmpi slt, %arg1, %lt3A_114 : i32
    %convert_element_type3A_116 = arith.extui %lt3A_115 : i1 to i32
    %cond3A_117 = arith.constant 0 : i32
    %cond3A_118 = arith.cmpi ne, %convert_element_type3A_116, %cond3A_117 : i32
    scf.if %cond3A_118 {
      %mul3A_119 = arith.constant 8 : i32
      %mul3A_120 = arith.muli %arg1, %mul3A_119 : i32
      %add3A_121 = arith.constant 9984 : i32
      %add3A_122 = arith.addi %add3A_121, %mul3A_120 : i32
      %multiple_of3A_123 = tpu.assume_multiple %add3A_122, 8 : i32
      "tpu.region"() ({
        %run_scoped3A = tpu.sem_alloc : memref<!tpu.dma_semaphore, #tpu.memory_space<semaphore_mem>>
        %dma_start3A_124 = arith.constant 0 : i32
        %dma_start3A_125 = tpu.memref_slice %arg6[%arg0, %multiple_of3A_123, %dma_start3A_124] : memref<2x10000x128xf32, #tpu.memory_space<hbm>> -> memref<1x8x128xf32, #tpu.memory_space<hbm>>
        %dma_start3A_126 = tpu.memref_squeeze %dma_start3A_125 : memref<1x8x128xf32, #tpu.memory_space<hbm>> -> memref<8x128xf32, #tpu.memory_space<hbm>>
        %dma_start3A_127 = arith.constant 0 : i32
        %dma_start3A_128 = tpu.memref_slice %arg10[%multiple_of3A_123, %dma_start3A_127] : memref<10000x128xf32, #tpu.memory_space<vmem_shared>> -> memref<8x128xf32, #tpu.memory_space<vmem_shared>>
        tpu.enqueue_dma source(%dma_start3A_128 : memref<8x128xf32, #tpu.memory_space<vmem_shared>>) target(%dma_start3A_126 : memref<8x128xf32, #tpu.memory_space<hbm>>) target_semaphore(%run_scoped3A : memref<!tpu.dma_semaphore, #tpu.memory_space<semaphore_mem>>)
        %dma_wait3A_129 = arith.constant 0 : i32
        %dma_wait3A_130 = tpu.memref_slice %arg6[%arg0, %multiple_of3A_123, %dma_wait3A_129] : memref<2x10000x128xf32, #tpu.memory_space<hbm>> -> memref<1x8x128xf32, #tpu.memory_space<hbm>>
        %dma_wait3A_131 = tpu.memref_squeeze %dma_wait3A_130 : memref<1x8x128xf32, #tpu.memory_space<hbm>> -> memref<8x128xf32, #tpu.memory_space<hbm>>
        %dma_wait3A_132 = arith.constant 0 : i32
        %dma_wait3A_133 = tpu.memref_slice %arg10[%multiple_of3A_123, %dma_wait3A_132] : memref<10000x128xf32, #tpu.memory_space<vmem_shared>> -> memref<8x128xf32, #tpu.memory_space<vmem_shared>>
        tpu.wait_dma2 semaphore(%run_scoped3A : memref<!tpu.dma_semaphore, #tpu.memory_space<semaphore_mem>>) src(%dma_wait3A_133 : memref<8x128xf32, #tpu.memory_space<vmem_shared>>) dst(%dma_wait3A_131 : memref<8x128xf32, #tpu.memory_space<hbm>>)
        tpu.yield
      }) : () -> ()
    } else {
    }
    return
  }
}

#map = affine_map<(d0, d1) -> (0, 0)>
#map1 = affine_map<(d0, d1) -> (0, 0, 0)>
module attributes {stable_mosaic.version = 14 : i64} {
  func.func @k(%arg0: i32, %arg1: i32, %arg2: memref<320000x128xf32, #tpu.memory_space<hbm>>, %arg3: memref<32x75x80xi32, #tpu.memory_space<hbm>>, %arg4: memref<10000x128xf32, #tpu.memory_space<hbm>>, %arg5: memref<2x10000x128xf32, #tpu.memory_space<hbm>>, %arg6: memref<75x80xi32, #tpu.memory_space<vmem>>, %arg7: memref<2x80x128xf32, #tpu.memory_space<vmem>>, %arg8: memref<10000x128xf32, #tpu.memory_space<vmem_shared>>, %arg9: memref<!tpu.dma_semaphore, #tpu.memory_space<semaphore_mem>>, %arg10: memref<!tpu.dma_semaphore, #tpu.memory_space<semaphore_mem>>, %arg11: memref<!tpu.dma_semaphore, #tpu.memory_space<semaphore_mem>>, %arg12: memref<!tpu.dma_semaphore, #tpu.memory_space<semaphore_mem>>) attributes {dimension_semantics = [#tpu.dimension_semantics<core_parallel>, #tpu.dimension_semantics<subcore_parallel>], iteration_bounds = array<i64: 2, 16>, scalar_prefetch = 0 : i64, scratch_operands = 7 : i64, tpu.core_type = #tpu.core_type<sc_vector_subcore>, window_params = [{transform_indices = #map}, {transform_indices = #map1}, {transform_indices = #map}, {transform_indices = #map1}]} {
    %mul3A = arith.constant 2 : i32
    %mul3A_0 = arith.muli %arg1, %mul3A : i32
    %add3A = arith.addi %mul3A_0, %arg0 : i32
    %mul3A_1 = arith.constant 624 : i32
    %mul3A_2 = arith.muli %arg1, %mul3A_1 : i32
    %multiple_of3A = tpu.assume_multiple %mul3A_2, 8 : i32
    "tpu.region"() ({
      %run_scoped3A = tpu.sem_alloc : memref<!tpu.dma_semaphore, #tpu.memory_space<semaphore_mem>>
      %dma_start3A_93 = arith.constant 0 : i32
      %dma_start3A_94 = tpu.memref_slice %arg8[%multiple_of3A, %dma_start3A_93] : memref<10000x128xf32, #tpu.memory_space<vmem_shared>> -> memref<624x128xf32, #tpu.memory_space<vmem_shared>>
      %dma_start3A_95 = arith.constant 0 : i32
      %dma_start3A_96 = tpu.memref_slice %arg4[%multiple_of3A, %dma_start3A_95] : memref<10000x128xf32, #tpu.memory_space<hbm>> -> memref<624x128xf32, #tpu.memory_space<hbm>>
      tpu.enqueue_dma source(%dma_start3A_96 : memref<624x128xf32, #tpu.memory_space<hbm>>) target(%dma_start3A_94 : memref<624x128xf32, #tpu.memory_space<vmem_shared>>) target_semaphore(%run_scoped3A : memref<!tpu.dma_semaphore, #tpu.memory_space<semaphore_mem>>)
      %dma_wait3A_97 = arith.constant 0 : i32
      %dma_wait3A_98 = tpu.memref_slice %arg8[%multiple_of3A, %dma_wait3A_97] : memref<10000x128xf32, #tpu.memory_space<vmem_shared>> -> memref<624x128xf32, #tpu.memory_space<vmem_shared>>
      %dma_wait3A_99 = arith.constant 0 : i32
      %dma_wait3A_100 = tpu.memref_slice %arg4[%multiple_of3A, %dma_wait3A_99] : memref<10000x128xf32, #tpu.memory_space<hbm>> -> memref<624x128xf32, #tpu.memory_space<hbm>>
      tpu.wait_dma2 semaphore(%run_scoped3A : memref<!tpu.dma_semaphore, #tpu.memory_space<semaphore_mem>>) src(%dma_wait3A_100 : memref<624x128xf32, #tpu.memory_space<hbm>>) dst(%dma_wait3A_98 : memref<624x128xf32, #tpu.memory_space<vmem_shared>>)
      tpu.yield
    }) : () -> ()
    %lt3A = arith.constant 2 : i32
    %lt3A_3 = arith.cmpi slt, %arg1, %lt3A : i32
    %convert_element_type3A = arith.extui %lt3A_3 : i1 to i32
    %cond3A = arith.constant 0 : i32
    %cond3A_4 = arith.cmpi ne, %convert_element_type3A, %cond3A : i32
    scf.if %cond3A_4 {
      %mul3A_93 = arith.constant 8 : i32
      %mul3A_94 = arith.muli %arg1, %mul3A_93 : i32
      %add3A_95 = arith.constant 9984 : i32
      %add3A_96 = arith.addi %add3A_95, %mul3A_94 : i32
      %multiple_of3A_97 = tpu.assume_multiple %add3A_96, 8 : i32
      "tpu.region"() ({
        %run_scoped3A = tpu.sem_alloc : memref<!tpu.dma_semaphore, #tpu.memory_space<semaphore_mem>>
        %dma_start3A_98 = arith.constant 0 : i32
        %dma_start3A_99 = tpu.memref_slice %arg8[%multiple_of3A_97, %dma_start3A_98] : memref<10000x128xf32, #tpu.memory_space<vmem_shared>> -> memref<8x128xf32, #tpu.memory_space<vmem_shared>>
        %dma_start3A_100 = arith.constant 0 : i32
        %dma_start3A_101 = tpu.memref_slice %arg4[%multiple_of3A_97, %dma_start3A_100] : memref<10000x128xf32, #tpu.memory_space<hbm>> -> memref<8x128xf32, #tpu.memory_space<hbm>>
        tpu.enqueue_dma source(%dma_start3A_101 : memref<8x128xf32, #tpu.memory_space<hbm>>) target(%dma_start3A_99 : memref<8x128xf32, #tpu.memory_space<vmem_shared>>) target_semaphore(%run_scoped3A : memref<!tpu.dma_semaphore, #tpu.memory_space<semaphore_mem>>)
        %dma_wait3A_102 = arith.constant 0 : i32
        %dma_wait3A_103 = tpu.memref_slice %arg8[%multiple_of3A_97, %dma_wait3A_102] : memref<10000x128xf32, #tpu.memory_space<vmem_shared>> -> memref<8x128xf32, #tpu.memory_space<vmem_shared>>
        %dma_wait3A_104 = arith.constant 0 : i32
        %dma_wait3A_105 = tpu.memref_slice %arg4[%multiple_of3A_97, %dma_wait3A_104] : memref<10000x128xf32, #tpu.memory_space<hbm>> -> memref<8x128xf32, #tpu.memory_space<hbm>>
        tpu.wait_dma2 semaphore(%run_scoped3A : memref<!tpu.dma_semaphore, #tpu.memory_space<semaphore_mem>>) src(%dma_wait3A_105 : memref<8x128xf32, #tpu.memory_space<hbm>>) dst(%dma_wait3A_103 : memref<8x128xf32, #tpu.memory_space<vmem_shared>>)
        tpu.yield
      }) : () -> ()
    } else {
    }
    "tpu.region"() ({
      %run_scoped3A = tpu.sem_alloc : memref<!tpu.dma_semaphore, #tpu.memory_space<semaphore_mem>>
      %dma_start3A_93 = arith.constant 0 : i32
      %dma_start3A_94 = arith.constant 0 : i32
      %dma_start3A_95 = tpu.memref_slice %arg3[%add3A, %dma_start3A_93, %dma_start3A_94] : memref<32x75x80xi32, #tpu.memory_space<hbm>> -> memref<1x75x80xi32, #tpu.memory_space<hbm>>
      %dma_start3A_96 = tpu.memref_squeeze %dma_start3A_95 : memref<1x75x80xi32, #tpu.memory_space<hbm>> -> memref<75x80xi32, #tpu.memory_space<hbm>>
      %dma_start3A_97 = arith.constant 0 : i32
      %dma_start3A_98 = arith.constant 0 : i32
      %dma_start3A_99 = tpu.memref_slice %arg3[%add3A, %dma_start3A_97, %dma_start3A_98] : memref<32x75x80xi32, #tpu.memory_space<hbm>> -> memref<1x75x80xi32, #tpu.memory_space<hbm>>
      %dma_start3A_100 = tpu.memref_squeeze %dma_start3A_99 : memref<1x75x80xi32, #tpu.memory_space<hbm>> -> memref<75x80xi32, #tpu.memory_space<hbm>>
      tpu.enqueue_dma source(%dma_start3A_100 : memref<75x80xi32, #tpu.memory_space<hbm>>) target(%arg6 : memref<75x80xi32, #tpu.memory_space<vmem>>) target_semaphore(%run_scoped3A : memref<!tpu.dma_semaphore, #tpu.memory_space<semaphore_mem>>)
      %dma_wait3A_101 = arith.constant 0 : i32
      %dma_wait3A_102 = arith.constant 0 : i32
      %dma_wait3A_103 = tpu.memref_slice %arg3[%add3A, %dma_wait3A_101, %dma_wait3A_102] : memref<32x75x80xi32, #tpu.memory_space<hbm>> -> memref<1x75x80xi32, #tpu.memory_space<hbm>>
      %dma_wait3A_104 = tpu.memref_squeeze %dma_wait3A_103 : memref<1x75x80xi32, #tpu.memory_space<hbm>> -> memref<75x80xi32, #tpu.memory_space<hbm>>
      %dma_wait3A_105 = arith.constant 0 : i32
      %dma_wait3A_106 = arith.constant 0 : i32
      %dma_wait3A_107 = tpu.memref_slice %arg3[%add3A, %dma_wait3A_105, %dma_wait3A_106] : memref<32x75x80xi32, #tpu.memory_space<hbm>> -> memref<1x75x80xi32, #tpu.memory_space<hbm>>
      %dma_wait3A_108 = tpu.memref_squeeze %dma_wait3A_107 : memref<1x75x80xi32, #tpu.memory_space<hbm>> -> memref<75x80xi32, #tpu.memory_space<hbm>>
      tpu.wait_dma2 semaphore(%run_scoped3A : memref<!tpu.dma_semaphore, #tpu.memory_space<semaphore_mem>>) src(%dma_wait3A_108 : memref<75x80xi32, #tpu.memory_space<hbm>>) dst(%arg6 : memref<75x80xi32, #tpu.memory_space<vmem>>)
      tpu.yield
    }) : () -> ()
    %barrier3A = arith.constant 0 : index
    tpu.barrier barrier_id(%barrier3A)
    %mul3A_5 = arith.constant 6000 : i32
    %mul3A_6 = arith.muli %add3A, %mul3A_5 : i32
    %add3A_7 = arith.constant 0 : i32
    %add3A_8 = arith.addi %add3A_7, %mul3A_6 : i32
    %add3A_9 = arith.constant 0 : i32
    %add3A_10 = arith.addi %add3A_8, %add3A_9 : i32
    %multiple_of3A_11 = tpu.assume_multiple %add3A_10, 80 : i32
    %dma_start3A = arith.constant 0 : i32
    %dma_start3A_12 = arith.constant 0 : i32
    %dma_start3A_13 = arith.constant 0 : i32
    %dma_start3A_14 = tpu.memref_slice %arg7[%dma_start3A, %dma_start3A_12, %dma_start3A_13] : memref<2x80x128xf32, #tpu.memory_space<vmem>> -> memref<1x80x128xf32, #tpu.memory_space<vmem>>
    %dma_start3A_15 = tpu.memref_squeeze %dma_start3A_14 : memref<1x80x128xf32, #tpu.memory_space<vmem>> -> memref<80x128xf32, #tpu.memory_space<vmem>>
    %dma_start3A_16 = arith.constant 0 : i32
    %dma_start3A_17 = tpu.memref_slice %arg2[%multiple_of3A_11, %dma_start3A_16] : memref<320000x128xf32, #tpu.memory_space<hbm>> -> memref<80x128xf32, #tpu.memory_space<hbm>>
    %dma_start3A_18 = arith.constant 0 : i32
    %dma_start3A_19 = arith.constant 0 : i32
    %dma_start3A_20 = tpu.memref_slice %arg7[%dma_start3A, %dma_start3A_18, %dma_start3A_19] : memref<2x80x128xf32, #tpu.memory_space<vmem>> -> memref<1x80x128xf32, #tpu.memory_space<vmem>>
    %dma_start3A_21 = tpu.memref_squeeze %dma_start3A_20 : memref<1x80x128xf32, #tpu.memory_space<vmem>> -> memref<80x128xf32, #tpu.memory_space<vmem>>
    %dma_start3A_22 = arith.constant 0 : i32
    %dma_start3A_23 = tpu.memref_slice %arg2[%multiple_of3A_11, %dma_start3A_22] : memref<320000x128xf32, #tpu.memory_space<hbm>> -> memref<80x128xf32, #tpu.memory_space<hbm>>
    tpu.enqueue_dma source(%dma_start3A_23 : memref<80x128xf32, #tpu.memory_space<hbm>>) target(%dma_start3A_21 : memref<80x128xf32, #tpu.memory_space<vmem>>) target_semaphore(%arg9 : memref<!tpu.dma_semaphore, #tpu.memory_space<semaphore_mem>>)
    %scan3A = arith.constant 0 : i32
    %scan3A_24 = arith.constant 0 : i32
    %scan3A_25 = arith.constant 37 : i32
    %scan3A_26 = arith.addi %scan3A_24, %scan3A_25 : i32
    %scan3A_27 = arith.constant 1 : i32
    scf.for %scan3A_93 = %scan3A_24 to %scan3A_26 step %scan3A_27  : i32 {
      %mul3A_94 = arith.constant 2 : i32
      %mul3A_95 = arith.muli %mul3A_94, %scan3A_93 : i32
      %add3A_96 = arith.constant 0 : i32
      %add3A_97 = arith.addi %mul3A_95, %add3A_96 : i32
      %mul3A_98 = arith.constant 6000 : i32
      %mul3A_99 = arith.muli %add3A, %mul3A_98 : i32
      %add3A_100 = arith.constant 0 : i32
      %add3A_101 = arith.addi %add3A_100, %mul3A_99 : i32
      %mul3A_102 = arith.constant 80 : i32
      %mul3A_103 = arith.muli %add3A_97, %mul3A_102 : i32
      %add3A_104 = arith.addi %add3A_101, %mul3A_103 : i32
      %multiple_of3A_105 = tpu.assume_multiple %add3A_104, 80 : i32
      %dma_wait3A_106 = arith.constant 0 : i32
      %dma_wait3A_107 = arith.constant 0 : i32
      %dma_wait3A_108 = arith.constant 0 : i32
      %dma_wait3A_109 = tpu.memref_slice %arg7[%dma_wait3A_106, %dma_wait3A_107, %dma_wait3A_108] : memref<2x80x128xf32, #tpu.memory_space<vmem>> -> memref<1x80x128xf32, #tpu.memory_space<vmem>>
      %dma_wait3A_110 = tpu.memref_squeeze %dma_wait3A_109 : memref<1x80x128xf32, #tpu.memory_space<vmem>> -> memref<80x128xf32, #tpu.memory_space<vmem>>
      %dma_wait3A_111 = arith.constant 0 : i32
      %dma_wait3A_112 = tpu.memref_slice %arg2[%multiple_of3A_105, %dma_wait3A_111] : memref<320000x128xf32, #tpu.memory_space<hbm>> -> memref<80x128xf32, #tpu.memory_space<hbm>>
      %dma_wait3A_113 = arith.constant 0 : i32
      %dma_wait3A_114 = arith.constant 0 : i32
      %dma_wait3A_115 = tpu.memref_slice %arg7[%dma_wait3A_106, %dma_wait3A_113, %dma_wait3A_114] : memref<2x80x128xf32, #tpu.memory_space<vmem>> -> memref<1x80x128xf32, #tpu.memory_space<vmem>>
      %dma_wait3A_116 = tpu.memref_squeeze %dma_wait3A_115 : memref<1x80x128xf32, #tpu.memory_space<vmem>> -> memref<80x128xf32, #tpu.memory_space<vmem>>
      %dma_wait3A_117 = arith.constant 0 : i32
      %dma_wait3A_118 = tpu.memref_slice %arg2[%multiple_of3A_105, %dma_wait3A_117] : memref<320000x128xf32, #tpu.memory_space<hbm>> -> memref<80x128xf32, #tpu.memory_space<hbm>>
      tpu.wait_dma2 semaphore(%arg9 : memref<!tpu.dma_semaphore, #tpu.memory_space<semaphore_mem>>) src(%dma_wait3A_118 : memref<80x128xf32, #tpu.memory_space<hbm>>) dst(%dma_wait3A_116 : memref<80x128xf32, #tpu.memory_space<vmem>>)
      %dma_start3A_119 = arith.constant 0 : i32
      %dma_start3A_120 = arith.constant 0 : i32
      %dma_start3A_121 = arith.constant 0 : i32
      %dma_start3A_122 = tpu.memref_slice %arg7[%dma_start3A_119, %dma_start3A_120, %dma_start3A_121] : memref<2x80x128xf32, #tpu.memory_space<vmem>> -> memref<1x80x128xf32, #tpu.memory_space<vmem>>
      %dma_start3A_123 = tpu.memref_squeeze %dma_start3A_122 : memref<1x80x128xf32, #tpu.memory_space<vmem>> -> memref<80x128xf32, #tpu.memory_space<vmem>>
      %dma_start3A_124 = arith.constant 0 : i32
      %dma_start3A_125 = tpu.memref_slice %arg6[%add3A_97, %dma_start3A_124] : memref<75x80xi32, #tpu.memory_space<vmem>> -> memref<1x80xi32, #tpu.memory_space<vmem>>
      %dma_start3A_126 = tpu.memref_squeeze %dma_start3A_125 : memref<1x80xi32, #tpu.memory_space<vmem>> -> memref<80xi32, #tpu.memory_space<vmem>>
      %dma_start3A_127 = arith.constant 0 : i32
      %dma_start3A_128 = arith.constant 0 : i32
      %dma_start3A_129 = tpu.memref_slice %arg8[%dma_start3A_127, %dma_start3A_128] : memref<10000x128xf32, #tpu.memory_space<vmem_shared>> -> memref<10000x128xf32, #tpu.memory_space<vmem_shared>>
      tpu.enqueue_indirect_dma source(%dma_start3A_123 : memref<80x128xf32, #tpu.memory_space<vmem>>) target(%dma_start3A_129 : memref<10000x128xf32, #tpu.memory_space<vmem_shared>>) offsets(%dma_start3A_126 : memref<80xi32, #tpu.memory_space<vmem>>) semaphore(%arg11 : memref<!tpu.dma_semaphore, #tpu.memory_space<semaphore_mem>>) {add = true}
      %add3A_130 = arith.constant 1 : i32
      %add3A_131 = arith.addi %add3A_97, %add3A_130 : i32
      %lt3A_132 = arith.constant 75 : i32
      %lt3A_133 = arith.cmpi slt, %add3A_131, %lt3A_132 : i32
      %convert_element_type3A_134 = arith.extui %lt3A_133 : i1 to i32
      %cond3A_135 = arith.constant 0 : i32
      %cond3A_136 = arith.cmpi ne, %convert_element_type3A_134, %cond3A_135 : i32
      scf.if %cond3A_136 {
        %ge3A = arith.constant 1 : i32
        %ge3A_180 = arith.cmpi sge, %add3A_97, %ge3A : i32
        %convert_element_type3A_181 = arith.extui %ge3A_180 : i1 to i32
        %cond3A_182 = arith.constant 0 : i32
        %cond3A_183 = arith.cmpi ne, %convert_element_type3A_181, %cond3A_182 : i32
        scf.if %cond3A_183 {
          %sub3A = arith.constant 1 : i32
          %sub3A_207 = arith.subi %add3A_97, %sub3A : i32
          %dma_wait3A_208 = arith.constant 1 : i32
          %dma_wait3A_209 = arith.constant 0 : i32
          %dma_wait3A_210 = arith.constant 0 : i32
          %dma_wait3A_211 = tpu.memref_slice %arg7[%dma_wait3A_208, %dma_wait3A_209, %dma_wait3A_210] : memref<2x80x128xf32, #tpu.memory_space<vmem>> -> memref<1x80x128xf32, #tpu.memory_space<vmem>>
          %dma_wait3A_212 = tpu.memref_squeeze %dma_wait3A_211 : memref<1x80x128xf32, #tpu.memory_space<vmem>> -> memref<80x128xf32, #tpu.memory_space<vmem>>
          %dma_wait3A_213 = arith.constant 0 : i32
          %dma_wait3A_214 = tpu.memref_slice %arg6[%sub3A_207, %dma_wait3A_213] : memref<75x80xi32, #tpu.memory_space<vmem>> -> memref<1x80xi32, #tpu.memory_space<vmem>>
          %dma_wait3A_215 = tpu.memref_squeeze %dma_wait3A_214 : memref<1x80xi32, #tpu.memory_space<vmem>> -> memref<80xi32, #tpu.memory_space<vmem>>
          %dma_wait3A_216 = arith.constant 0 : i32
          %dma_wait3A_217 = arith.constant 0 : i32
          %dma_wait3A_218 = tpu.memref_slice %arg8[%dma_wait3A_216, %dma_wait3A_217] : memref<10000x128xf32, #tpu.memory_space<vmem_shared>> -> memref<10000x128xf32, #tpu.memory_space<vmem_shared>>
          tpu.wait_indirect_dma semaphore(%arg12 : memref<!tpu.dma_semaphore, #tpu.memory_space<semaphore_mem>>) src(%dma_wait3A_212 : memref<80x128xf32, #tpu.memory_space<vmem>>) dst(%dma_wait3A_218 : memref<10000x128xf32, #tpu.memory_space<vmem_shared>>)
        } else {
        }
        %add3A_184 = arith.constant 1 : i32
        %add3A_185 = arith.addi %add3A_97, %add3A_184 : i32
        %mul3A_186 = arith.constant 6000 : i32
        %mul3A_187 = arith.muli %add3A, %mul3A_186 : i32
        %add3A_188 = arith.constant 0 : i32
        %add3A_189 = arith.addi %add3A_188, %mul3A_187 : i32
        %mul3A_190 = arith.constant 80 : i32
        %mul3A_191 = arith.muli %add3A_185, %mul3A_190 : i32
        %add3A_192 = arith.addi %add3A_189, %mul3A_191 : i32
        %multiple_of3A_193 = tpu.assume_multiple %add3A_192, 80 : i32
        %dma_start3A_194 = arith.constant 1 : i32
        %dma_start3A_195 = arith.constant 0 : i32
        %dma_start3A_196 = arith.constant 0 : i32
        %dma_start3A_197 = tpu.memref_slice %arg7[%dma_start3A_194, %dma_start3A_195, %dma_start3A_196] : memref<2x80x128xf32, #tpu.memory_space<vmem>> -> memref<1x80x128xf32, #tpu.memory_space<vmem>>
        %dma_start3A_198 = tpu.memref_squeeze %dma_start3A_197 : memref<1x80x128xf32, #tpu.memory_space<vmem>> -> memref<80x128xf32, #tpu.memory_space<vmem>>
        %dma_start3A_199 = arith.constant 0 : i32
        %dma_start3A_200 = tpu.memref_slice %arg2[%multiple_of3A_193, %dma_start3A_199] : memref<320000x128xf32, #tpu.memory_space<hbm>> -> memref<80x128xf32, #tpu.memory_space<hbm>>
        %dma_start3A_201 = arith.constant 0 : i32
        %dma_start3A_202 = arith.constant 0 : i32
        %dma_start3A_203 = tpu.memref_slice %arg7[%dma_start3A_194, %dma_start3A_201, %dma_start3A_202] : memref<2x80x128xf32, #tpu.memory_space<vmem>> -> memref<1x80x128xf32, #tpu.memory_space<vmem>>
        %dma_start3A_204 = tpu.memref_squeeze %dma_start3A_203 : memref<1x80x128xf32, #tpu.memory_space<vmem>> -> memref<80x128xf32, #tpu.memory_space<vmem>>
        %dma_start3A_205 = arith.constant 0 : i32
        %dma_start3A_206 = tpu.memref_slice %arg2[%multiple_of3A_193, %dma_start3A_205] : memref<320000x128xf32, #tpu.memory_space<hbm>> -> memref<80x128xf32, #tpu.memory_space<hbm>>
        tpu.enqueue_dma source(%dma_start3A_206 : memref<80x128xf32, #tpu.memory_space<hbm>>) target(%dma_start3A_204 : memref<80x128xf32, #tpu.memory_space<vmem>>) target_semaphore(%arg10 : memref<!tpu.dma_semaphore, #tpu.memory_space<semaphore_mem>>)
      } else {
      }
      %mul3A_137 = arith.constant 2 : i32
      %mul3A_138 = arith.muli %mul3A_137, %scan3A_93 : i32
      %add3A_139 = arith.constant 1 : i32
      %add3A_140 = arith.addi %mul3A_138, %add3A_139 : i32
      %mul3A_141 = arith.constant 6000 : i32
      %mul3A_142 = arith.muli %add3A, %mul3A_141 : i32
      %add3A_143 = arith.constant 0 : i32
      %add3A_144 = arith.addi %add3A_143, %mul3A_142 : i32
      %mul3A_145 = arith.constant 80 : i32
      %mul3A_146 = arith.muli %add3A_140, %mul3A_145 : i32
      %add3A_147 = arith.addi %add3A_144, %mul3A_146 : i32
      %multiple_of3A_148 = tpu.assume_multiple %add3A_147, 80 : i32
      %dma_wait3A_149 = arith.constant 1 : i32
      %dma_wait3A_150 = arith.constant 0 : i32
      %dma_wait3A_151 = arith.constant 0 : i32
      %dma_wait3A_152 = tpu.memref_slice %arg7[%dma_wait3A_149, %dma_wait3A_150, %dma_wait3A_151] : memref<2x80x128xf32, #tpu.memory_space<vmem>> -> memref<1x80x128xf32, #tpu.memory_space<vmem>>
      %dma_wait3A_153 = tpu.memref_squeeze %dma_wait3A_152 : memref<1x80x128xf32, #tpu.memory_space<vmem>> -> memref<80x128xf32, #tpu.memory_space<vmem>>
      %dma_wait3A_154 = arith.constant 0 : i32
      %dma_wait3A_155 = tpu.memref_slice %arg2[%multiple_of3A_148, %dma_wait3A_154] : memref<320000x128xf32, #tpu.memory_space<hbm>> -> memref<80x128xf32, #tpu.memory_space<hbm>>
      %dma_wait3A_156 = arith.constant 0 : i32
      %dma_wait3A_157 = arith.constant 0 : i32
      %dma_wait3A_158 = tpu.memref_slice %arg7[%dma_wait3A_149, %dma_wait3A_156, %dma_wait3A_157] : memref<2x80x128xf32, #tpu.memory_space<vmem>> -> memref<1x80x128xf32, #tpu.memory_space<vmem>>
      %dma_wait3A_159 = tpu.memref_squeeze %dma_wait3A_158 : memref<1x80x128xf32, #tpu.memory_space<vmem>> -> memref<80x128xf32, #tpu.memory_space<vmem>>
      %dma_wait3A_160 = arith.constant 0 : i32
      %dma_wait3A_161 = tpu.memref_slice %arg2[%multiple_of3A_148, %dma_wait3A_160] : memref<320000x128xf32, #tpu.memory_space<hbm>> -> memref<80x128xf32, #tpu.memory_space<hbm>>
      tpu.wait_dma2 semaphore(%arg10 : memref<!tpu.dma_semaphore, #tpu.memory_space<semaphore_mem>>) src(%dma_wait3A_161 : memref<80x128xf32, #tpu.memory_space<hbm>>) dst(%dma_wait3A_159 : memref<80x128xf32, #tpu.memory_space<vmem>>)
      %dma_start3A_162 = arith.constant 1 : i32
      %dma_start3A_163 = arith.constant 0 : i32
      %dma_start3A_164 = arith.constant 0 : i32
      %dma_start3A_165 = tpu.memref_slice %arg7[%dma_start3A_162, %dma_start3A_163, %dma_start3A_164] : memref<2x80x128xf32, #tpu.memory_space<vmem>> -> memref<1x80x128xf32, #tpu.memory_space<vmem>>
      %dma_start3A_166 = tpu.memref_squeeze %dma_start3A_165 : memref<1x80x128xf32, #tpu.memory_space<vmem>> -> memref<80x128xf32, #tpu.memory_space<vmem>>
      %dma_start3A_167 = arith.constant 0 : i32
      %dma_start3A_168 = tpu.memref_slice %arg6[%add3A_140, %dma_start3A_167] : memref<75x80xi32, #tpu.memory_space<vmem>> -> memref<1x80xi32, #tpu.memory_space<vmem>>
      %dma_start3A_169 = tpu.memref_squeeze %dma_start3A_168 : memref<1x80xi32, #tpu.memory_space<vmem>> -> memref<80xi32, #tpu.memory_space<vmem>>
      %dma_start3A_170 = arith.constant 0 : i32
      %dma_start3A_171 = arith.constant 0 : i32
      %dma_start3A_172 = tpu.memref_slice %arg8[%dma_start3A_170, %dma_start3A_171] : memref<10000x128xf32, #tpu.memory_space<vmem_shared>> -> memref<10000x128xf32, #tpu.memory_space<vmem_shared>>
      tpu.enqueue_indirect_dma source(%dma_start3A_166 : memref<80x128xf32, #tpu.memory_space<vmem>>) target(%dma_start3A_172 : memref<10000x128xf32, #tpu.memory_space<vmem_shared>>) offsets(%dma_start3A_169 : memref<80xi32, #tpu.memory_space<vmem>>) semaphore(%arg12 : memref<!tpu.dma_semaphore, #tpu.memory_space<semaphore_mem>>) {add = true}
      %add3A_173 = arith.constant 1 : i32
      %add3A_174 = arith.addi %add3A_140, %add3A_173 : i32
      %lt3A_175 = arith.constant 75 : i32
      %lt3A_176 = arith.cmpi slt, %add3A_174, %lt3A_175 : i32
      %convert_element_type3A_177 = arith.extui %lt3A_176 : i1 to i32
      %cond3A_178 = arith.constant 0 : i32
      %cond3A_179 = arith.cmpi ne, %convert_element_type3A_177, %cond3A_178 : i32
      scf.if %cond3A_179 {
        %ge3A = arith.constant 1 : i32
        %ge3A_180 = arith.cmpi sge, %add3A_140, %ge3A : i32
        %convert_element_type3A_181 = arith.extui %ge3A_180 : i1 to i32
        %cond3A_182 = arith.constant 0 : i32
        %cond3A_183 = arith.cmpi ne, %convert_element_type3A_181, %cond3A_182 : i32
        scf.if %cond3A_183 {
          %sub3A = arith.constant 1 : i32
          %sub3A_207 = arith.subi %add3A_140, %sub3A : i32
          %dma_wait3A_208 = arith.constant 0 : i32
          %dma_wait3A_209 = arith.constant 0 : i32
          %dma_wait3A_210 = arith.constant 0 : i32
          %dma_wait3A_211 = tpu.memref_slice %arg7[%dma_wait3A_208, %dma_wait3A_209, %dma_wait3A_210] : memref<2x80x128xf32, #tpu.memory_space<vmem>> -> memref<1x80x128xf32, #tpu.memory_space<vmem>>
          %dma_wait3A_212 = tpu.memref_squeeze %dma_wait3A_211 : memref<1x80x128xf32, #tpu.memory_space<vmem>> -> memref<80x128xf32, #tpu.memory_space<vmem>>
          %dma_wait3A_213 = arith.constant 0 : i32
          %dma_wait3A_214 = tpu.memref_slice %arg6[%sub3A_207, %dma_wait3A_213] : memref<75x80xi32, #tpu.memory_space<vmem>> -> memref<1x80xi32, #tpu.memory_space<vmem>>
          %dma_wait3A_215 = tpu.memref_squeeze %dma_wait3A_214 : memref<1x80xi32, #tpu.memory_space<vmem>> -> memref<80xi32, #tpu.memory_space<vmem>>
          %dma_wait3A_216 = arith.constant 0 : i32
          %dma_wait3A_217 = arith.constant 0 : i32
          %dma_wait3A_218 = tpu.memref_slice %arg8[%dma_wait3A_216, %dma_wait3A_217] : memref<10000x128xf32, #tpu.memory_space<vmem_shared>> -> memref<10000x128xf32, #tpu.memory_space<vmem_shared>>
          tpu.wait_indirect_dma semaphore(%arg11 : memref<!tpu.dma_semaphore, #tpu.memory_space<semaphore_mem>>) src(%dma_wait3A_212 : memref<80x128xf32, #tpu.memory_space<vmem>>) dst(%dma_wait3A_218 : memref<10000x128xf32, #tpu.memory_space<vmem_shared>>)
        } else {
        }
        %add3A_184 = arith.constant 1 : i32
        %add3A_185 = arith.addi %add3A_140, %add3A_184 : i32
        %mul3A_186 = arith.constant 6000 : i32
        %mul3A_187 = arith.muli %add3A, %mul3A_186 : i32
        %add3A_188 = arith.constant 0 : i32
        %add3A_189 = arith.addi %add3A_188, %mul3A_187 : i32
        %mul3A_190 = arith.constant 80 : i32
        %mul3A_191 = arith.muli %add3A_185, %mul3A_190 : i32
        %add3A_192 = arith.addi %add3A_189, %mul3A_191 : i32
        %multiple_of3A_193 = tpu.assume_multiple %add3A_192, 80 : i32
        %dma_start3A_194 = arith.constant 0 : i32
        %dma_start3A_195 = arith.constant 0 : i32
        %dma_start3A_196 = arith.constant 0 : i32
        %dma_start3A_197 = tpu.memref_slice %arg7[%dma_start3A_194, %dma_start3A_195, %dma_start3A_196] : memref<2x80x128xf32, #tpu.memory_space<vmem>> -> memref<1x80x128xf32, #tpu.memory_space<vmem>>
        %dma_start3A_198 = tpu.memref_squeeze %dma_start3A_197 : memref<1x80x128xf32, #tpu.memory_space<vmem>> -> memref<80x128xf32, #tpu.memory_space<vmem>>
        %dma_start3A_199 = arith.constant 0 : i32
        %dma_start3A_200 = tpu.memref_slice %arg2[%multiple_of3A_193, %dma_start3A_199] : memref<320000x128xf32, #tpu.memory_space<hbm>> -> memref<80x128xf32, #tpu.memory_space<hbm>>
        %dma_start3A_201 = arith.constant 0 : i32
        %dma_start3A_202 = arith.constant 0 : i32
        %dma_start3A_203 = tpu.memref_slice %arg7[%dma_start3A_194, %dma_start3A_201, %dma_start3A_202] : memref<2x80x128xf32, #tpu.memory_space<vmem>> -> memref<1x80x128xf32, #tpu.memory_space<vmem>>
        %dma_start3A_204 = tpu.memref_squeeze %dma_start3A_203 : memref<1x80x128xf32, #tpu.memory_space<vmem>> -> memref<80x128xf32, #tpu.memory_space<vmem>>
        %dma_start3A_205 = arith.constant 0 : i32
        %dma_start3A_206 = tpu.memref_slice %arg2[%multiple_of3A_193, %dma_start3A_205] : memref<320000x128xf32, #tpu.memory_space<hbm>> -> memref<80x128xf32, #tpu.memory_space<hbm>>
        tpu.enqueue_dma source(%dma_start3A_206 : memref<80x128xf32, #tpu.memory_space<hbm>>) target(%dma_start3A_204 : memref<80x128xf32, #tpu.memory_space<vmem>>) target_semaphore(%arg9 : memref<!tpu.dma_semaphore, #tpu.memory_space<semaphore_mem>>)
      } else {
      }
    }
    %scan3A_28 = arith.constant 37 : i32
    %mul3A_29 = arith.constant 6000 : i32
    %mul3A_30 = arith.muli %add3A, %mul3A_29 : i32
    %add3A_31 = arith.constant 0 : i32
    %add3A_32 = arith.addi %add3A_31, %mul3A_30 : i32
    %add3A_33 = arith.constant 5920 : i32
    %add3A_34 = arith.addi %add3A_32, %add3A_33 : i32
    %multiple_of3A_35 = tpu.assume_multiple %add3A_34, 80 : i32
    %dma_wait3A = arith.constant 0 : i32
    %dma_wait3A_36 = arith.constant 0 : i32
    %dma_wait3A_37 = arith.constant 0 : i32
    %dma_wait3A_38 = tpu.memref_slice %arg7[%dma_wait3A, %dma_wait3A_36, %dma_wait3A_37] : memref<2x80x128xf32, #tpu.memory_space<vmem>> -> memref<1x80x128xf32, #tpu.memory_space<vmem>>
    %dma_wait3A_39 = tpu.memref_squeeze %dma_wait3A_38 : memref<1x80x128xf32, #tpu.memory_space<vmem>> -> memref<80x128xf32, #tpu.memory_space<vmem>>
    %dma_wait3A_40 = arith.constant 0 : i32
    %dma_wait3A_41 = tpu.memref_slice %arg2[%multiple_of3A_35, %dma_wait3A_40] : memref<320000x128xf32, #tpu.memory_space<hbm>> -> memref<80x128xf32, #tpu.memory_space<hbm>>
    %dma_wait3A_42 = arith.constant 0 : i32
    %dma_wait3A_43 = arith.constant 0 : i32
    %dma_wait3A_44 = tpu.memref_slice %arg7[%dma_wait3A, %dma_wait3A_42, %dma_wait3A_43] : memref<2x80x128xf32, #tpu.memory_space<vmem>> -> memref<1x80x128xf32, #tpu.memory_space<vmem>>
    %dma_wait3A_45 = tpu.memref_squeeze %dma_wait3A_44 : memref<1x80x128xf32, #tpu.memory_space<vmem>> -> memref<80x128xf32, #tpu.memory_space<vmem>>
    %dma_wait3A_46 = arith.constant 0 : i32
    %dma_wait3A_47 = tpu.memref_slice %arg2[%multiple_of3A_35, %dma_wait3A_46] : memref<320000x128xf32, #tpu.memory_space<hbm>> -> memref<80x128xf32, #tpu.memory_space<hbm>>
    tpu.wait_dma2 semaphore(%arg9 : memref<!tpu.dma_semaphore, #tpu.memory_space<semaphore_mem>>) src(%dma_wait3A_47 : memref<80x128xf32, #tpu.memory_space<hbm>>) dst(%dma_wait3A_45 : memref<80x128xf32, #tpu.memory_space<vmem>>)
    %dma_start3A_48 = arith.constant 0 : i32
    %dma_start3A_49 = arith.constant 74 : i32
    %dma_start3A_50 = arith.constant 0 : i32
    %dma_start3A_51 = arith.constant 0 : i32
    %dma_start3A_52 = tpu.memref_slice %arg7[%dma_start3A_48, %dma_start3A_50, %dma_start3A_51] : memref<2x80x128xf32, #tpu.memory_space<vmem>> -> memref<1x80x128xf32, #tpu.memory_space<vmem>>
    %dma_start3A_53 = tpu.memref_squeeze %dma_start3A_52 : memref<1x80x128xf32, #tpu.memory_space<vmem>> -> memref<80x128xf32, #tpu.memory_space<vmem>>
    %dma_start3A_54 = arith.constant 0 : i32
    %dma_start3A_55 = tpu.memref_slice %arg6[%dma_start3A_49, %dma_start3A_54] : memref<75x80xi32, #tpu.memory_space<vmem>> -> memref<1x80xi32, #tpu.memory_space<vmem>>
    %dma_start3A_56 = tpu.memref_squeeze %dma_start3A_55 : memref<1x80xi32, #tpu.memory_space<vmem>> -> memref<80xi32, #tpu.memory_space<vmem>>
    %dma_start3A_57 = arith.constant 0 : i32
    %dma_start3A_58 = arith.constant 0 : i32
    %dma_start3A_59 = tpu.memref_slice %arg8[%dma_start3A_57, %dma_start3A_58] : memref<10000x128xf32, #tpu.memory_space<vmem_shared>> -> memref<10000x128xf32, #tpu.memory_space<vmem_shared>>
    tpu.enqueue_indirect_dma source(%dma_start3A_53 : memref<80x128xf32, #tpu.memory_space<vmem>>) target(%dma_start3A_59 : memref<10000x128xf32, #tpu.memory_space<vmem_shared>>) offsets(%dma_start3A_56 : memref<80xi32, #tpu.memory_space<vmem>>) semaphore(%arg11 : memref<!tpu.dma_semaphore, #tpu.memory_space<semaphore_mem>>) {add = true}
    %dma_wait3A_60 = arith.constant 1 : i32
    %dma_wait3A_61 = arith.constant 73 : i32
    %dma_wait3A_62 = arith.constant 0 : i32
    %dma_wait3A_63 = arith.constant 0 : i32
    %dma_wait3A_64 = tpu.memref_slice %arg7[%dma_wait3A_60, %dma_wait3A_62, %dma_wait3A_63] : memref<2x80x128xf32, #tpu.memory_space<vmem>> -> memref<1x80x128xf32, #tpu.memory_space<vmem>>
    %dma_wait3A_65 = tpu.memref_squeeze %dma_wait3A_64 : memref<1x80x128xf32, #tpu.memory_space<vmem>> -> memref<80x128xf32, #tpu.memory_space<vmem>>
    %dma_wait3A_66 = arith.constant 0 : i32
    %dma_wait3A_67 = tpu.memref_slice %arg6[%dma_wait3A_61, %dma_wait3A_66] : memref<75x80xi32, #tpu.memory_space<vmem>> -> memref<1x80xi32, #tpu.memory_space<vmem>>
    %dma_wait3A_68 = tpu.memref_squeeze %dma_wait3A_67 : memref<1x80xi32, #tpu.memory_space<vmem>> -> memref<80xi32, #tpu.memory_space<vmem>>
    %dma_wait3A_69 = arith.constant 0 : i32
    %dma_wait3A_70 = arith.constant 0 : i32
    %dma_wait3A_71 = tpu.memref_slice %arg8[%dma_wait3A_69, %dma_wait3A_70] : memref<10000x128xf32, #tpu.memory_space<vmem_shared>> -> memref<10000x128xf32, #tpu.memory_space<vmem_shared>>
    tpu.wait_indirect_dma semaphore(%arg12 : memref<!tpu.dma_semaphore, #tpu.memory_space<semaphore_mem>>) src(%dma_wait3A_65 : memref<80x128xf32, #tpu.memory_space<vmem>>) dst(%dma_wait3A_71 : memref<10000x128xf32, #tpu.memory_space<vmem_shared>>)
    %dma_wait3A_72 = arith.constant 0 : i32
    %dma_wait3A_73 = arith.constant 74 : i32
    %dma_wait3A_74 = arith.constant 0 : i32
    %dma_wait3A_75 = arith.constant 0 : i32
    %dma_wait3A_76 = tpu.memref_slice %arg7[%dma_wait3A_72, %dma_wait3A_74, %dma_wait3A_75] : memref<2x80x128xf32, #tpu.memory_space<vmem>> -> memref<1x80x128xf32, #tpu.memory_space<vmem>>
    %dma_wait3A_77 = tpu.memref_squeeze %dma_wait3A_76 : memref<1x80x128xf32, #tpu.memory_space<vmem>> -> memref<80x128xf32, #tpu.memory_space<vmem>>
    %dma_wait3A_78 = arith.constant 0 : i32
    %dma_wait3A_79 = tpu.memref_slice %arg6[%dma_wait3A_73, %dma_wait3A_78] : memref<75x80xi32, #tpu.memory_space<vmem>> -> memref<1x80xi32, #tpu.memory_space<vmem>>
    %dma_wait3A_80 = tpu.memref_squeeze %dma_wait3A_79 : memref<1x80xi32, #tpu.memory_space<vmem>> -> memref<80xi32, #tpu.memory_space<vmem>>
    %dma_wait3A_81 = arith.constant 0 : i32
    %dma_wait3A_82 = arith.constant 0 : i32
    %dma_wait3A_83 = tpu.memref_slice %arg8[%dma_wait3A_81, %dma_wait3A_82] : memref<10000x128xf32, #tpu.memory_space<vmem_shared>> -> memref<10000x128xf32, #tpu.memory_space<vmem_shared>>
    tpu.wait_indirect_dma semaphore(%arg11 : memref<!tpu.dma_semaphore, #tpu.memory_space<semaphore_mem>>) src(%dma_wait3A_77 : memref<80x128xf32, #tpu.memory_space<vmem>>) dst(%dma_wait3A_83 : memref<10000x128xf32, #tpu.memory_space<vmem_shared>>)
    %barrier3A_84 = arith.constant 0 : index
    tpu.barrier barrier_id(%barrier3A_84)
    %mul3A_85 = arith.constant 624 : i32
    %mul3A_86 = arith.muli %arg1, %mul3A_85 : i32
    %multiple_of3A_87 = tpu.assume_multiple %mul3A_86, 8 : i32
    "tpu.region"() ({
      %run_scoped3A = tpu.sem_alloc : memref<!tpu.dma_semaphore, #tpu.memory_space<semaphore_mem>>
      %dma_start3A_93 = arith.constant 0 : i32
      %dma_start3A_94 = tpu.memref_slice %arg5[%arg0, %multiple_of3A_87, %dma_start3A_93] : memref<2x10000x128xf32, #tpu.memory_space<hbm>> -> memref<1x624x128xf32, #tpu.memory_space<hbm>>
      %dma_start3A_95 = tpu.memref_squeeze %dma_start3A_94 : memref<1x624x128xf32, #tpu.memory_space<hbm>> -> memref<624x128xf32, #tpu.memory_space<hbm>>
      %dma_start3A_96 = arith.constant 0 : i32
      %dma_start3A_97 = tpu.memref_slice %arg8[%multiple_of3A_87, %dma_start3A_96] : memref<10000x128xf32, #tpu.memory_space<vmem_shared>> -> memref<624x128xf32, #tpu.memory_space<vmem_shared>>
      tpu.enqueue_dma source(%dma_start3A_97 : memref<624x128xf32, #tpu.memory_space<vmem_shared>>) target(%dma_start3A_95 : memref<624x128xf32, #tpu.memory_space<hbm>>) target_semaphore(%run_scoped3A : memref<!tpu.dma_semaphore, #tpu.memory_space<semaphore_mem>>)
      %dma_wait3A_98 = arith.constant 0 : i32
      %dma_wait3A_99 = tpu.memref_slice %arg5[%arg0, %multiple_of3A_87, %dma_wait3A_98] : memref<2x10000x128xf32, #tpu.memory_space<hbm>> -> memref<1x624x128xf32, #tpu.memory_space<hbm>>
      %dma_wait3A_100 = tpu.memref_squeeze %dma_wait3A_99 : memref<1x624x128xf32, #tpu.memory_space<hbm>> -> memref<624x128xf32, #tpu.memory_space<hbm>>
      %dma_wait3A_101 = arith.constant 0 : i32
      %dma_wait3A_102 = tpu.memref_slice %arg8[%multiple_of3A_87, %dma_wait3A_101] : memref<10000x128xf32, #tpu.memory_space<vmem_shared>> -> memref<624x128xf32, #tpu.memory_space<vmem_shared>>
      tpu.wait_dma2 semaphore(%run_scoped3A : memref<!tpu.dma_semaphore, #tpu.memory_space<semaphore_mem>>) src(%dma_wait3A_102 : memref<624x128xf32, #tpu.memory_space<vmem_shared>>) dst(%dma_wait3A_100 : memref<624x128xf32, #tpu.memory_space<hbm>>)
      tpu.yield
    }) : () -> ()
    %lt3A_88 = arith.constant 2 : i32
    %lt3A_89 = arith.cmpi slt, %arg1, %lt3A_88 : i32
    %convert_element_type3A_90 = arith.extui %lt3A_89 : i1 to i32
    %cond3A_91 = arith.constant 0 : i32
    %cond3A_92 = arith.cmpi ne, %convert_element_type3A_90, %cond3A_91 : i32
    scf.if %cond3A_92 {
      %mul3A_93 = arith.constant 8 : i32
      %mul3A_94 = arith.muli %arg1, %mul3A_93 : i32
      %add3A_95 = arith.constant 9984 : i32
      %add3A_96 = arith.addi %add3A_95, %mul3A_94 : i32
      %multiple_of3A_97 = tpu.assume_multiple %add3A_96, 8 : i32
      "tpu.region"() ({
        %run_scoped3A = tpu.sem_alloc : memref<!tpu.dma_semaphore, #tpu.memory_space<semaphore_mem>>
        %dma_start3A_98 = arith.constant 0 : i32
        %dma_start3A_99 = tpu.memref_slice %arg5[%arg0, %multiple_of3A_97, %dma_start3A_98] : memref<2x10000x128xf32, #tpu.memory_space<hbm>> -> memref<1x8x128xf32, #tpu.memory_space<hbm>>
        %dma_start3A_100 = tpu.memref_squeeze %dma_start3A_99 : memref<1x8x128xf32, #tpu.memory_space<hbm>> -> memref<8x128xf32, #tpu.memory_space<hbm>>
        %dma_start3A_101 = arith.constant 0 : i32
        %dma_start3A_102 = tpu.memref_slice %arg8[%multiple_of3A_97, %dma_start3A_101] : memref<10000x128xf32, #tpu.memory_space<vmem_shared>> -> memref<8x128xf32, #tpu.memory_space<vmem_shared>>
        tpu.enqueue_dma source(%dma_start3A_102 : memref<8x128xf32, #tpu.memory_space<vmem_shared>>) target(%dma_start3A_100 : memref<8x128xf32, #tpu.memory_space<hbm>>) target_semaphore(%run_scoped3A : memref<!tpu.dma_semaphore, #tpu.memory_space<semaphore_mem>>)
        %dma_wait3A_103 = arith.constant 0 : i32
        %dma_wait3A_104 = tpu.memref_slice %arg5[%arg0, %multiple_of3A_97, %dma_wait3A_103] : memref<2x10000x128xf32, #tpu.memory_space<hbm>> -> memref<1x8x128xf32, #tpu.memory_space<hbm>>
        %dma_wait3A_105 = tpu.memref_squeeze %dma_wait3A_104 : memref<1x8x128xf32, #tpu.memory_space<hbm>> -> memref<8x128xf32, #tpu.memory_space<hbm>>
        %dma_wait3A_106 = arith.constant 0 : i32
        %dma_wait3A_107 = tpu.memref_slice %arg8[%multiple_of3A_97, %dma_wait3A_106] : memref<10000x128xf32, #tpu.memory_space<vmem_shared>> -> memref<8x128xf32, #tpu.memory_space<vmem_shared>>
        tpu.wait_dma2 semaphore(%run_scoped3A : memref<!tpu.dma_semaphore, #tpu.memory_space<semaphore_mem>>) src(%dma_wait3A_107 : memref<8x128xf32, #tpu.memory_space<vmem_shared>>) dst(%dma_wait3A_105 : memref<8x128xf32, #tpu.memory_space<hbm>>)
        tpu.yield
      }) : () -> ()
    } else {
    }
    return
  }
}

module attributes {stable_mosaic.version = 14 : i64} {
  func.func @body(%arg0: i32, %arg1: memref<1000x128xf32, #tpu.memory_space<vmem>>, %arg2: memref<384x128xf32, #tpu.memory_space<vmem>>, %arg3: memref<1x384xf32, #tpu.memory_space<vmem>>, %arg4: memref<1000x128xf32, #tpu.memory_space<vmem>>, %arg5: memref<1000x128xf32, #tpu.memory_space<vmem>>, %arg6: memref<1000x128xf32, #tpu.memory_space<vmem>>) attributes {dimension_semantics = [#tpu.dimension_semantics<arbitrary>], iteration_bounds = array<i64: 10>, scalar_prefetch = 0 : i64, scratch_operands = 0 : i64, tpu.core_type = #tpu.core_type<tc>, window_params = [{transform_indices = @transform_0, window_bounds = array<i64: 1000, 128>}, {pipeline_mode = #tpu.pipeline_mode<synchronous>, transform_indices = @transform_1, window_bounds = array<i64: 384, 128>}, {pipeline_mode = #tpu.pipeline_mode<synchronous>, transform_indices = @transform_2, window_bounds = array<i64: 1, 384>}, {transform_indices = @transform_3, window_bounds = array<i64: 1000, 128>}, {transform_indices = @transform_4, window_bounds = array<i64: 1000, 128>}, {transform_indices = @transform_5, window_bounds = array<i64: 1000, 128>}]} {
    %get3A = arith.constant 0 : index
    %get3A_0 = arith.constant 0 : index
    %get3A_1 = vector.load %arg1[%get3A, %get3A_0] : memref<1000x128xf32, #tpu.memory_space<vmem>>, vector<1000x128xf32>
    %get3A_2 = arith.constant 0 : index
    %get3A_3 = arith.constant 0 : index
    %get3A_4 = vector.load %arg2[%get3A_2, %get3A_3] : memref<384x128xf32, #tpu.memory_space<vmem>>, vector<384x128xf32>
    %dot_general3A = arith.constant dense<0.000000e+00> : vector<1000x384xf32>
    %dot_general3A_5 = tpu.matmul %get3A_1, %get3A_4, %dot_general3A {dimension_numbers = #tpu.dot_dimension_numbers<[1], [1], [0], [0], [0, 0, 1, 0], [], []>, precision = #tpu.contract_precision<fp32>, transpose_lhs_hint = false} : vector<1000x128xf32>, vector<384x128xf32>, vector<1000x384xf32> -> vector<1000x384xf32>
    %get3A_6 = arith.constant 0 : index
    %get3A_7 = arith.constant 0 : index
    %get3A_8 = vector.load %arg3[%get3A_6, %get3A_7] : memref<1x384xf32, #tpu.memory_space<vmem>>, vector<1x384xf32>
    %add3A = vector.broadcast %get3A_8 : vector<1x384xf32> to vector<1000x384xf32>
    %add3A_9 = arith.addf %dot_general3A_5, %add3A : vector<1000x384xf32>
    %slice3A = vector.extract_strided_slice %add3A_9 {offsets = [0, 0], sizes = [1000, 128], strides = [1, 1]} : vector<1000x384xf32> to vector<1000x128xf32>
    %swap3A = arith.constant 0 : index
    %swap3A_10 = arith.constant 0 : index
    %swap3A_11 = vector.load %arg4[%swap3A, %swap3A_10] : memref<1000x128xf32, #tpu.memory_space<vmem>>, vector<1000x128xf32>
    tpu.vector_store %arg4[%swap3A, %swap3A_10], %slice3A {strides = array<i32>} : memref<1000x128xf32, #tpu.memory_space<vmem>>, vector<1000x128xf32>,
    %slice3A_12 = vector.extract_strided_slice %add3A_9 {offsets = [0, 128], sizes = [1000, 128], strides = [1, 1]} : vector<1000x384xf32> to vector<1000x128xf32>
    %swap3A_13 = arith.constant 0 : index
    %swap3A_14 = arith.constant 0 : index
    %swap3A_15 = vector.load %arg5[%swap3A_13, %swap3A_14] : memref<1000x128xf32, #tpu.memory_space<vmem>>, vector<1000x128xf32>
    tpu.vector_store %arg5[%swap3A_13, %swap3A_14], %slice3A_12 {strides = array<i32>} : memref<1000x128xf32, #tpu.memory_space<vmem>>, vector<1000x128xf32>,
    %slice3A_16 = vector.extract_strided_slice %add3A_9 {offsets = [0, 256], sizes = [1000, 128], strides = [1, 1]} : vector<1000x384xf32> to vector<1000x128xf32>
    %swap3A_17 = arith.constant 0 : index
    %swap3A_18 = arith.constant 0 : index
    %swap3A_19 = vector.load %arg6[%swap3A_17, %swap3A_18] : memref<1000x128xf32, #tpu.memory_space<vmem>>, vector<1000x128xf32>
    tpu.vector_store %arg6[%swap3A_17, %swap3A_18], %slice3A_16 {strides = array<i32>} : memref<1000x128xf32, #tpu.memory_space<vmem>>, vector<1000x128xf32>,
    return
  }
  func.func @transform_0(%arg0: i32) -> (i32, i32) {
    %c0_i32 = arith.constant 0 : i32
    %c0_i32_0 = arith.constant 0 : i32
    return %arg0, %c0_i32 : i32, i32
  }
  func.func @transform_1(%arg0: i32) -> (i32, i32) {
    %c0_i32 = arith.constant 0 : i32
    %c0_i32_0 = arith.constant 0 : i32
    %c0_i32_1 = arith.constant 0 : i32
    return %c0_i32, %c0_i32_0 : i32, i32
  }
  func.func @transform_2(%arg0: i32) -> (i32, i32) {
    %c0_i32 = arith.constant 0 : i32
    %c0_i32_0 = arith.constant 0 : i32
    %c0_i32_1 = arith.constant 0 : i32
    return %c0_i32, %c0_i32_0 : i32, i32
  }
  func.func @transform_3(%arg0: i32) -> (i32, i32) {
    %c0_i32 = arith.constant 0 : i32
    %c0_i32_0 = arith.constant 0 : i32
    return %arg0, %c0_i32 : i32, i32
  }
  func.func @transform_4(%arg0: i32) -> (i32, i32) {
    %c0_i32 = arith.constant 0 : i32
    %c0_i32_0 = arith.constant 0 : i32
    return %arg0, %c0_i32 : i32, i32
  }
  func.func @transform_5(%arg0: i32) -> (i32, i32) {
    %c0_i32 = arith.constant 0 : i32
    %c0_i32_0 = arith.constant 0 : i32
    return %arg0, %c0_i32 : i32, i32
  }
}

module attributes {stable_mosaic.version = 14 : i64} {
  func.func @_edge_body(%arg0: i32, %arg1: memref<2000x128xf32, #tpu.memory_space<vmem>>, %arg2: memref<2000x128xf32, #tpu.memory_space<vmem>>, %arg3: memref<256x128xf32, #tpu.memory_space<vmem>>, %arg4: memref<1x256xf32, #tpu.memory_space<vmem>>, %arg5: memref<2000x128xf32, #tpu.memory_space<vmem>>) attributes {dimension_semantics = [#tpu.dimension_semantics<arbitrary>], iteration_bounds = array<i64: 96>, scalar_prefetch = 0 : i64, scratch_operands = 0 : i64, tpu.core_type = #tpu.core_type<tc>, window_params = [{transform_indices = @transform_0, window_bounds = array<i64: 2000, 128>}, {transform_indices = @transform_1, window_bounds = array<i64: 2000, 128>}, {pipeline_mode = #tpu.pipeline_mode<synchronous>, transform_indices = @transform_2, window_bounds = array<i64: 256, 128>}, {pipeline_mode = #tpu.pipeline_mode<synchronous>, transform_indices = @transform_3, window_bounds = array<i64: 1, 256>}, {transform_indices = @transform_4, window_bounds = array<i64: 2000, 128>}]} {
    %get3A = arith.constant 0 : index
    %get3A_0 = arith.constant 0 : index
    %get3A_1 = vector.load %arg1[%get3A, %get3A_0] : memref<2000x128xf32, #tpu.memory_space<vmem>>, vector<2000x128xf32>
    %get3A_2 = arith.constant 0 : index
    %get3A_3 = arith.constant 0 : index
    %get3A_4 = vector.load %arg3[%get3A_2, %get3A_3] : memref<256x128xf32, #tpu.memory_space<vmem>>, vector<256x128xf32>
    %dot_general3A = arith.constant dense<0.000000e+00> : vector<2000x256xf32>
    %dot_general3A_5 = tpu.matmul %get3A_1, %get3A_4, %dot_general3A {dimension_numbers = #tpu.dot_dimension_numbers<[1], [1], [0], [0], [0, 0, 1, 0], [], []>, transpose_lhs_hint = false} : vector<2000x128xf32>, vector<256x128xf32>, vector<2000x256xf32> -> vector<2000x256xf32>
    %get3A_6 = arith.constant 0 : index
    %get3A_7 = arith.constant 0 : index
    %get3A_8 = vector.load %arg4[%get3A_6, %get3A_7] : memref<1x256xf32, #tpu.memory_space<vmem>>, vector<1x256xf32>
    %add3A = vector.broadcast %get3A_8 : vector<1x256xf32> to vector<2000x256xf32>
    %add3A_9 = arith.addf %dot_general3A_5, %add3A : vector<2000x256xf32>
    %get3A_10 = arith.constant 0 : index
    %get3A_11 = arith.constant 0 : index
    %get3A_12 = vector.load %arg2[%get3A_10, %get3A_11] : memref<2000x128xf32, #tpu.memory_space<vmem>>, vector<2000x128xf32>
    %slice3A = vector.extract_strided_slice %add3A_9 {offsets = [0, 0], sizes = [2000, 128], strides = [1, 1]} : vector<2000x256xf32> to vector<2000x128xf32>
    %mul3A = arith.mulf %get3A_12, %slice3A : vector<2000x128xf32>
    %max3A = arith.constant 0.000000e+00 : f32
    %max3A_13 = vector.broadcast %max3A : f32 to vector<2000x128xf32>
    %max3A_14 = arith.maximumf %mul3A, %max3A_13 : vector<2000x128xf32>
    %sqrt3A = math.sqrt %max3A_14 : vector<2000x128xf32>
    %neg3A = arith.constant 0.000000e+00 : f32
    %neg3A_15 = vector.broadcast %neg3A : f32 to vector<2000x128xf32>
    %neg3A_16 = arith.subf %neg3A_15, %mul3A : vector<2000x128xf32>
    %max3A_17 = arith.constant 0.000000e+00 : f32
    %max3A_18 = vector.broadcast %max3A_17 : f32 to vector<2000x128xf32>
    %max3A_19 = arith.maximumf %neg3A_16, %max3A_18 : vector<2000x128xf32>
    %sqrt3A_20 = math.sqrt %max3A_19 : vector<2000x128xf32>
    %sub3A = arith.subf %sqrt3A, %sqrt3A_20 : vector<2000x128xf32>
    %slice3A_21 = vector.extract_strided_slice %add3A_9 {offsets = [0, 128], sizes = [2000, 128], strides = [1, 1]} : vector<2000x256xf32> to vector<2000x128xf32>
    %add3A_22 = arith.addf %sub3A, %slice3A_21 : vector<2000x128xf32>
    %max3A_23 = arith.constant 0.000000e+00 : f32
    %max3A_24 = vector.broadcast %max3A_23 : f32 to vector<2000x128xf32>
    %max3A_25 = arith.maximumf %add3A_22, %max3A_24 : vector<2000x128xf32>
    %swap3A = arith.constant 0 : index
    %swap3A_26 = arith.constant 0 : index
    %swap3A_27 = vector.load %arg5[%swap3A, %swap3A_26] : memref<2000x128xf32, #tpu.memory_space<vmem>>, vector<2000x128xf32>
    tpu.vector_store %arg5[%swap3A, %swap3A_26], %max3A_25 {strides = array<i32>} : memref<2000x128xf32, #tpu.memory_space<vmem>>, vector<2000x128xf32>,
    return
  }
  func.func @transform_0(%arg0: i32) -> (i32, i32) {
    %c0_i32 = arith.constant 0 : i32
    %c0_i32_0 = arith.constant 0 : i32
    return %arg0, %c0_i32 : i32, i32
  }
  func.func @transform_1(%arg0: i32) -> (i32, i32) {
    %c0_i32 = arith.constant 0 : i32
    %c0_i32_0 = arith.constant 0 : i32
    return %arg0, %c0_i32 : i32, i32
  }
  func.func @transform_2(%arg0: i32) -> (i32, i32) {
    %c0_i32 = arith.constant 0 : i32
    %c0_i32_0 = arith.constant 0 : i32
    %c0_i32_1 = arith.constant 0 : i32
    return %c0_i32, %c0_i32_0 : i32, i32
  }
  func.func @transform_3(%arg0: i32) -> (i32, i32) {
    %c0_i32 = arith.constant 0 : i32
    %c0_i32_0 = arith.constant 0 : i32
    %c0_i32_1 = arith.constant 0 : i32
    return %c0_i32, %c0_i32_0 : i32, i32
  }
  func.func @transform_4(%arg0: i32) -> (i32, i32) {
    %c0_i32 = arith.constant 0 : i32
    %c0_i32_0 = arith.constant 0 : i32
    return %arg0, %c0_i32 : i32, i32
  }
}

module attributes {stable_mosaic.version = 14 : i64} {
  func.func @body(%arg0: i32, %arg1: memref<320000x128xf32, #tpu.memory_space<hbm>>, %arg2: memref<2000x128xf32, #tpu.memory_space<vmem>>, %arg3: memref<2000x128xf32, #tpu.memory_space<vmem>>, %arg4: memref<256x128xf32, #tpu.memory_space<vmem>>, %arg5: memref<1x256xf32, #tpu.memory_space<vmem>>, %arg6: memref<2000x128xf32, #tpu.memory_space<vmem>>) attributes {dimension_semantics = [#tpu.dimension_semantics<arbitrary>], iteration_bounds = array<i64: 64>, scalar_prefetch = 0 : i64, scratch_operands = 0 : i64, tpu.core_type = #tpu.core_type<tc>, window_params = [{}, {transform_indices = @transform_1, window_bounds = array<i64: 2000, 128>}, {transform_indices = @transform_2, window_bounds = array<i64: 2000, 128>}, {pipeline_mode = #tpu.pipeline_mode<synchronous>, transform_indices = @transform_3, window_bounds = array<i64: 256, 128>}, {pipeline_mode = #tpu.pipeline_mode<synchronous>, transform_indices = @transform_4, window_bounds = array<i64: 1, 256>}, {transform_indices = @transform_5, window_bounds = array<i64: 2000, 128>}]} {
    %get3A = arith.constant 0 : index
    %get3A_0 = arith.constant 0 : index
    %get3A_1 = vector.load %arg2[%get3A, %get3A_0] : memref<2000x128xf32, #tpu.memory_space<vmem>>, vector<2000x128xf32>
    %get3A_2 = arith.constant 0 : index
    %get3A_3 = arith.constant 0 : index
    %get3A_4 = vector.load %arg4[%get3A_2, %get3A_3] : memref<256x128xf32, #tpu.memory_space<vmem>>, vector<256x128xf32>
    %dot_general3A = arith.constant dense<0.000000e+00> : vector<2000x256xf32>
    %dot_general3A_5 = tpu.matmul %get3A_1, %get3A_4, %dot_general3A {dimension_numbers = #tpu.dot_dimension_numbers<[1], [1], [0], [0], [0, 0, 1, 0], [], []>, transpose_lhs_hint = false} : vector<2000x128xf32>, vector<256x128xf32>, vector<2000x256xf32> -> vector<2000x256xf32>
    %get3A_6 = arith.constant 0 : index
    %get3A_7 = arith.constant 0 : index
    %get3A_8 = vector.load %arg5[%get3A_6, %get3A_7] : memref<1x256xf32, #tpu.memory_space<vmem>>, vector<1x256xf32>
    %add3A = vector.broadcast %get3A_8 : vector<1x256xf32> to vector<2000x256xf32>
    %add3A_9 = arith.addf %dot_general3A_5, %add3A : vector<2000x256xf32>
    %get3A_10 = arith.constant 0 : index
    %get3A_11 = arith.constant 0 : index
    %get3A_12 = vector.load %arg3[%get3A_10, %get3A_11] : memref<2000x128xf32, #tpu.memory_space<vmem>>, vector<2000x128xf32>
    %slice3A = vector.extract_strided_slice %add3A_9 {offsets = [0, 0], sizes = [2000, 128], strides = [1, 1]} : vector<2000x256xf32> to vector<2000x128xf32>
    %mul3A = arith.mulf %get3A_12, %slice3A : vector<2000x128xf32>
    %max3A = arith.constant 0.000000e+00 : f32
    %max3A_13 = vector.broadcast %max3A : f32 to vector<2000x128xf32>
    %max3A_14 = arith.maximumf %mul3A, %max3A_13 : vector<2000x128xf32>
    %sqrt3A = math.sqrt %max3A_14 : vector<2000x128xf32>
    %neg3A = arith.constant 0.000000e+00 : f32
    %neg3A_15 = vector.broadcast %neg3A : f32 to vector<2000x128xf32>
    %neg3A_16 = arith.subf %neg3A_15, %mul3A : vector<2000x128xf32>
    %max3A_17 = arith.constant 0.000000e+00 : f32
    %max3A_18 = vector.broadcast %max3A_17 : f32 to vector<2000x128xf32>
    %max3A_19 = arith.maximumf %neg3A_16, %max3A_18 : vector<2000x128xf32>
    %sqrt3A_20 = math.sqrt %max3A_19 : vector<2000x128xf32>
    %sub3A = arith.subf %sqrt3A, %sqrt3A_20 : vector<2000x128xf32>
    %slice3A_21 = vector.extract_strided_slice %add3A_9 {offsets = [0, 128], sizes = [2000, 128], strides = [1, 1]} : vector<2000x256xf32> to vector<2000x128xf32>
    %add3A_22 = arith.addf %sub3A, %slice3A_21 : vector<2000x128xf32>
    %max3A_23 = arith.constant 0.000000e+00 : f32
    %max3A_24 = vector.broadcast %max3A_23 : f32 to vector<2000x128xf32>
    %max3A_25 = arith.maximumf %add3A_22, %max3A_24 : vector<2000x128xf32>
    %swap3A = arith.constant 0 : index
    %swap3A_26 = arith.constant 0 : index
    %swap3A_27 = vector.load %arg6[%swap3A, %swap3A_26] : memref<2000x128xf32, #tpu.memory_space<vmem>>, vector<2000x128xf32>
    tpu.vector_store %arg6[%swap3A, %swap3A_26], %max3A_25 {strides = array<i32>} : memref<2000x128xf32, #tpu.memory_space<vmem>>, vector<2000x128xf32>,
    return
  }
  func.func @transform_1(%arg0: i32) -> (i32, i32) {
    %add3A = arith.constant 96 : i32
    %add3A_0 = arith.addi %arg0, %add3A : i32
    %c0_i32 = arith.constant 0 : i32
    %c0_i32_1 = arith.constant 0 : i32
    return %add3A_0, %c0_i32 : i32, i32
  }
  func.func @transform_2(%arg0: i32) -> (i32, i32) {
    %c0_i32 = arith.constant 0 : i32
    %c0_i32_0 = arith.constant 0 : i32
    return %arg0, %c0_i32 : i32, i32
  }
  func.func @transform_3(%arg0: i32) -> (i32, i32) {
    %c0_i32 = arith.constant 0 : i32
    %c0_i32_0 = arith.constant 0 : i32
    %c0_i32_1 = arith.constant 0 : i32
    return %c0_i32, %c0_i32_0 : i32, i32
  }
  func.func @transform_4(%arg0: i32) -> (i32, i32) {
    %c0_i32 = arith.constant 0 : i32
    %c0_i32_0 = arith.constant 0 : i32
    %c0_i32_1 = arith.constant 0 : i32
    return %c0_i32, %c0_i32_0 : i32, i32
  }
  func.func @transform_5(%arg0: i32) -> (i32, i32) {
    %add3A = arith.constant 96 : i32
    %add3A_0 = arith.addi %arg0, %add3A : i32
    %c0_i32 = arith.constant 0 : i32
    %c0_i32_1 = arith.constant 0 : i32
    return %add3A_0, %c0_i32 : i32, i32
  }
}

module attributes {stable_mosaic.version = 14 : i64} {
  func.func @body(%arg0: i32, %arg1: memref<2x1000x128xf32, #tpu.memory_space<vmem>>, %arg2: memref<2x1000x128xf32, #tpu.memory_space<vmem>>, %arg3: memref<2x1000x128xf32, #tpu.memory_space<vmem>>, %arg4: memref<128x128xf32, #tpu.memory_space<vmem>>, %arg5: memref<1x128xf32, #tpu.memory_space<vmem>>, %arg6: memref<1000x128xf32, #tpu.memory_space<vmem>>) attributes {dimension_semantics = [#tpu.dimension_semantics<arbitrary>], iteration_bounds = array<i64: 10>, scalar_prefetch = 0 : i64, scratch_operands = 0 : i64, tpu.core_type = #tpu.core_type<tc>, window_params = [{transform_indices = @transform_0, window_bounds = array<i64: 2, 1000, 128>}, {transform_indices = @transform_1, window_bounds = array<i64: 2, 1000, 128>}, {transform_indices = @transform_2, window_bounds = array<i64: 2, 1000, 128>}, {pipeline_mode = #tpu.pipeline_mode<synchronous>, transform_indices = @transform_3, window_bounds = array<i64: 128, 128>}, {pipeline_mode = #tpu.pipeline_mode<synchronous>, transform_indices = @transform_4, window_bounds = array<i64: 1, 128>}, {transform_indices = @transform_5, window_bounds = array<i64: 1000, 128>}]} {
    %get3A = arith.constant 0 : index
    %get3A_0 = arith.constant 0 : index
    %get3A_1 = arith.constant 0 : index
    %get3A_2 = vector.load %arg2[%get3A, %get3A_0, %get3A_1] : memref<2x1000x128xf32, #tpu.memory_space<vmem>>, vector<1x1000x128xf32>
    %get3A_3 = vector.shape_cast %get3A_2 : vector<1x1000x128xf32> to vector<1000x128xf32>
    %get3A_4 = arith.constant 1 : index
    %get3A_5 = arith.constant 0 : index
    %get3A_6 = arith.constant 0 : index
    %get3A_7 = vector.load %arg2[%get3A_4, %get3A_5, %get3A_6] : memref<2x1000x128xf32, #tpu.memory_space<vmem>>, vector<1x1000x128xf32>
    %get3A_8 = vector.shape_cast %get3A_7 : vector<1x1000x128xf32> to vector<1000x128xf32>
    %add3A = arith.addf %get3A_3, %get3A_8 : vector<1000x128xf32>
    %get3A_9 = arith.constant 0 : index
    %get3A_10 = arith.constant 0 : index
    %get3A_11 = arith.constant 0 : index
    %get3A_12 = vector.load %arg3[%get3A_9, %get3A_10, %get3A_11] : memref<2x1000x128xf32, #tpu.memory_space<vmem>>, vector<1x1000x128xf32>
    %get3A_13 = vector.shape_cast %get3A_12 : vector<1x1000x128xf32> to vector<1000x128xf32>
    %get3A_14 = arith.constant 1 : index
    %get3A_15 = arith.constant 0 : index
    %get3A_16 = arith.constant 0 : index
    %get3A_17 = vector.load %arg3[%get3A_14, %get3A_15, %get3A_16] : memref<2x1000x128xf32, #tpu.memory_space<vmem>>, vector<1x1000x128xf32>
    %get3A_18 = vector.shape_cast %get3A_17 : vector<1x1000x128xf32> to vector<1000x128xf32>
    %add3A_19 = arith.addf %get3A_13, %get3A_18 : vector<1000x128xf32>
    %add3A_20 = arith.addf %add3A, %add3A_19 : vector<1000x128xf32>
    %get3A_21 = arith.constant 0 : index
    %get3A_22 = arith.constant 0 : index
    %get3A_23 = arith.constant 0 : index
    %get3A_24 = vector.load %arg1[%get3A_21, %get3A_22, %get3A_23] : memref<2x1000x128xf32, #tpu.memory_space<vmem>>, vector<1x1000x128xf32>
    %get3A_25 = vector.shape_cast %get3A_24 : vector<1x1000x128xf32> to vector<1000x128xf32>
    %get3A_26 = arith.constant 1 : index
    %get3A_27 = arith.constant 0 : index
    %get3A_28 = arith.constant 0 : index
    %get3A_29 = vector.load %arg1[%get3A_26, %get3A_27, %get3A_28] : memref<2x1000x128xf32, #tpu.memory_space<vmem>>, vector<1x1000x128xf32>
    %get3A_30 = vector.shape_cast %get3A_29 : vector<1x1000x128xf32> to vector<1000x128xf32>
    %add3A_31 = arith.addf %get3A_25, %get3A_30 : vector<1000x128xf32>
    %get3A_32 = arith.constant 0 : index
    %get3A_33 = arith.constant 0 : index
    %get3A_34 = vector.load %arg4[%get3A_32, %get3A_33] : memref<128x128xf32, #tpu.memory_space<vmem>>, vector<128x128xf32>
    %dot_general3A = arith.constant dense<0.000000e+00> : vector<1000x128xf32>
    %dot_general3A_35 = tpu.matmul %add3A_20, %get3A_34, %dot_general3A {dimension_numbers = #tpu.dot_dimension_numbers<[1], [1], [0], [0], [0, 0, 1, 0], [], []>, precision = #tpu.contract_precision<fp32>, transpose_lhs_hint = false} : vector<1000x128xf32>, vector<128x128xf32>, vector<1000x128xf32> -> vector<1000x128xf32>
    %add3A_36 = arith.addf %add3A_31, %dot_general3A_35 : vector<1000x128xf32>
    %get3A_37 = arith.constant 0 : index
    %get3A_38 = arith.constant 0 : index
    %get3A_39 = vector.load %arg5[%get3A_37, %get3A_38] : memref<1x128xf32, #tpu.memory_space<vmem>>, vector<1x128xf32>
    %add3A_40 = vector.broadcast %get3A_39 : vector<1x128xf32> to vector<1000x128xf32>
    %add3A_41 = arith.addf %add3A_36, %add3A_40 : vector<1000x128xf32>
    %swap3A = arith.constant 0 : index
    %swap3A_42 = arith.constant 0 : index
    %swap3A_43 = vector.load %arg6[%swap3A, %swap3A_42] : memref<1000x128xf32, #tpu.memory_space<vmem>>, vector<1000x128xf32>
    tpu.vector_store %arg6[%swap3A, %swap3A_42], %add3A_41 {strides = array<i32>} : memref<1000x128xf32, #tpu.memory_space<vmem>>, vector<1000x128xf32>,
    return
  }
  func.func @transform_0(%arg0: i32) -> (i32, i32, i32) {
    %c0_i32 = arith.constant 0 : i32
    %c0_i32_0 = arith.constant 0 : i32
    %c0_i32_1 = arith.constant 0 : i32
    return %c0_i32, %arg0, %c0_i32_0 : i32, i32, i32
  }
  func.func @transform_1(%arg0: i32) -> (i32, i32, i32) {
    %c0_i32 = arith.constant 0 : i32
    %c0_i32_0 = arith.constant 0 : i32
    %c0_i32_1 = arith.constant 0 : i32
    return %c0_i32, %arg0, %c0_i32_0 : i32, i32, i32
  }
  func.func @transform_2(%arg0: i32) -> (i32, i32, i32) {
    %c0_i32 = arith.constant 0 : i32
    %c0_i32_0 = arith.constant 0 : i32
    %c0_i32_1 = arith.constant 0 : i32
    return %c0_i32, %arg0, %c0_i32_0 : i32, i32, i32
  }
  func.func @transform_3(%arg0: i32) -> (i32, i32) {
    %c0_i32 = arith.constant 0 : i32
    %c0_i32_0 = arith.constant 0 : i32
    %c0_i32_1 = arith.constant 0 : i32
    return %c0_i32, %c0_i32_0 : i32, i32
  }
  func.func @transform_4(%arg0: i32) -> (i32, i32) {
    %c0_i32 = arith.constant 0 : i32
    %c0_i32_0 = arith.constant 0 : i32
    %c0_i32_1 = arith.constant 0 : i32
    return %c0_i32, %c0_i32_0 : i32, i32
  }
  func.func @transform_5(%arg0: i32) -> (i32, i32) {
    %c0_i32 = arith.constant 0 : i32
    %c0_i32_0 = arith.constant 0 : i32
    return %arg0, %c0_i32 : i32, i32
  }
}

</mosaic_0001>

<sc_bundles>
// kernel: kernel.11.cloned.1.call-start
scs
__scs_entry_jumppad:
0x0: {  	(pc) =	sbr.rel $0x88, $3  }
0x1: {  	(tag) =	ssettag $0x0;
	lr =	simm.s32 $0x1  }
0x2: {  	[smem:$0x3F98] =	sst lr;
	_ =	strace $0xD0000000  }
0x3: {  	_ = 	snop  }
0x4: {  	_ = 	snop  }
0x5: {  	_ = 	snop  }
0x6: {  	_ = 	snop  }
0x7: {  	_ = 	snop  }
__scs_overlays_trampoline_lowered:
0x8: {  	[smem:$0x3FA7] =	sst s0  }
0x9: {  	[smem:$0x3FA8] =	sst s1  }
0xa: {  	[smem:$0x3FA9] =	sst s2  }
0xb: {  	[smem:$0x3FAA] =	sst s3  }
0xc: {  	[smem:$0x3FAB] =	sst s4  }
0xd: {  	[smem:$0x3FAC] =	sst s5  }
0xe: {  	[smem:$0x3FAD] =	sst s6  }
0xf: {  	[smem:$0x3FAE] =	sst s7  }
0x10: {  	[smem:$0x3FAF] =	sst s8  }
0x11: {  	[smem:$0x3FB0] =	sst s9;
	s0 =	simm.s32 @!p0 $0x0  }
0x12: {  	s1 =	sld [smem:$0x3F96];
	s0 =	simm.s32 @p0 $0x1  }
0x13: {  	[smem:$0x3FB1] =	sst s0;
	s0 =	simm.s32 @!p1 $0x0  }
0x14: {  	s2 =	sld [smem:$0x3F95];
	s0 =	simm.s32 @p1 $0x1  }
0x15: {  	[smem:$0x3FB2] =	sst s0;
	s0 =	simm.s32 @!p2 $0x0  }
0x16: {  	s3 =	sld [smem:$0x3FDB];
	s0 =	simm.s32 @p2 $0x1  }
0x17: {  	s4 =	simm.s32 $0x1BF5;
	[smem:$0x3FB4] =	sst s0  }
0x18: {  	s0 =	sld [smem:$0x3F97];
	_ =	swait.ge [sflag:s4], $0x0  }
0x19: {  	s7 =	sld [smem:$0x3F98]  }
0x1a: {  	s8 =	sadd.s32 $0xFFFFE003, lr  }
0x1b: {  	s9 =	sadd.s32 $0xFFFFFEF7, lr;
	s5 =	simm.s32 $0xFFFFFFFF;
	p2 =	slt.u32 s8, $0xFFFFF086  }
0x1c: {  	p1 =	slt.u32 s9, $0xF7A;
	s5 =	simm.s32 @!p2 $0x0  }
0x1d: {  	s5 =	simm.s32 @p1 $0x1;
	p0 =	seq.s32 s7, s2  }
0x1e: {  	s7 =	smul.u32 @!p0 $0xF7A, s2;
	p2 =	seq.s32 @!p0 s5, $0x0  }
0x1f: {  	s9 =	smul.u32 $0xF7A, s1;
	s8 =	simm.s32 @!p0 $0x1BF5;
	p2 =	por !p2, p0  }
0x20: {  	[sflag:s8] =	ssyncset.s32 @!p0 $0xFFFFF086;
	s6 =	sadd.s32 @!p0 s3, s7;
	s7 =	simm.s32 @!p0 $0x108  }
0x21: {  	s3 =	sadd.s32 s3, s9;
	s6 =	sadd.s32 @!p0 $0x88, s6;
	s7 =	simm.s32 @p2 $0x1082  }
0x22: {  	[simem:s7], [sflag:s8] =	dma.local @!p0 [hbm:s6], $0xF7A  }
0x23: {  	s9 =	sor.u32 $0xD0000000, s2;
	s6 =	simm.s32 $0x108;
	_ =	swait.ge @!p0 [sflag:s8], $0x0  }
0x24: {  	s3 =	sadd.s32 $0x88, s3;
	s6 =	simm.s32 @!p1 $0x1082;
	[sflag:s4] =	ssyncset.s32 $0xFFFFF086  }
0x25: {  	[simem:s6], [sflag:s4] =	dma.local [hbm:s3], $0xF7A  }
0x26: {  	[smem:$0x3F98] =	sst s1;
	(tag) =	ssettag s2;
	_ =	strace s9  }
0x27: {  	s1 =	sld [smem:$0x3FA8]  }
0x28: {  	s2 =	sld [smem:$0x3FA9]  }
0x29: {  	s4 =	sld [smem:$0x3FAB]  }
0x2a: {  	p0 =	seq.s32 s5, $0x0;
	s5 =	sld [smem:$0x3FAC]  }
0x2b: {  	s6 =	sld [smem:$0x3FAD]  }
0x2c: {  	s7 =	sld [smem:$0x3FAE]  }
0x2d: {  	s3 =	simm.s32 $0x108;
	s8 =	sld [smem:$0x3FAF]  }
0x2e: {  	s3 =	simm.s32 @!p0 $0x1082;
	s9 =	sld [smem:$0x3FB0]  }
0x2f: {  	lr =	sadd.s32 s0, s3;
	s0 =	sld [smem:$0x3FA7]  }
0x30: {  	s3 =	sld [smem:$0x3FAA]  }
0x31: {  	[smem:$0x3FB3] =	sst s10  }
0x32: {  	s10 =	sld [smem:$0x3FB1];
	_ =	sdelay $0x3  }
0x33: {  	p0 =	seq.s32 s10, $0x1;
	s10 =	sld [smem:$0x3FB3];
	_ =	sdelay $0x3  }
0x34: {  	[smem:$0x3FB3] =	sst s10  }
0x35: {  	s10 =	sld [smem:$0x3FB2];
	_ =	sdelay $0x3  }
0x36: {  	p1 =	seq.s32 s10, $0x1;
	s10 =	sld [smem:$0x3FB3];
	_ =	sdelay $0x3  }
0x37: {  	[smem:$0x3FB3] =	sst s10  }
0x38: {  	s10 =	sld [smem:$0x3FB4]  }
0x39: {  	_ = 	snop;
	(pc) =	sbr.ind lr, $3  }
0x3a: {  	_ = 	snop  }
0x3b: {  	_ = 	snop  }
0x3c: {  	p2 =	seq.s32 s10, $0x1;
	s10 =	sld [smem:$0x3FB3]  }
0x3d: {  	_ =	shalt  }
0x3e: {  	_ =	shalt  }
0x3f: {  	_ =	shalt  }
0x40: {  	_ =	shalt  }
0x41: {  	_ =	shalt  }
0x42: {  	_ =	shalt  }
0x43: {  	_ =	shalt  }
0x44: {  	_ =	shalt  }
0x45: {  	_ =	shalt  }
0x46: {  	_ =	shalt  }
0x47: {  	_ =	shalt  }
0x48: {  	_ =	shalt  }
0x49: {  	_ =	shalt  }
0x4a: {  	_ =	shalt  }
0x4b: {  	_ =	shalt  }
0x4c: {  	_ =	shalt  }
0x4d: {  	_ =	shalt  }
0x4e: {  	_ =	shalt  }
0x4f: {  	_ =	shalt  }
0x50: {  	_ =	shalt  }
0x51: {  	_ =	shalt  }
0x52: {  	_ =	shalt  }
0x53: {  	_ =	shalt  }
0x54: {  	_ =	shalt  }
0x55: {  	_ =	shalt  }
0x56: {  	_ =	shalt  }
0x57: {  	_ =	shalt  }
0x58: {  	_ =	shalt  }
0x59: {  	_ =	shalt  }
0x5a: {  	_ =	shalt  }
0x5b: {  	_ =	shalt  }
0x5c: {  	_ =	shalt  }
0x5d: {  	_ =	shalt  }
0x5e: {  	_ =	shalt  }
0x5f: {  	_ =	shalt  }
0x60: {  	_ =	shalt  }
0x61: {  	_ =	shalt  }
0x62: {  	_ =	shalt  }
0x63: {  	_ =	shalt  }
0x64: {  	_ =	shalt  }
0x65: {  	_ =	shalt  }
0x66: {  	_ =	shalt  }
0x67: {  	_ =	shalt  }
0x68: {  	_ =	shalt  }
0x69: {  	_ =	shalt  }
0x6a: {  	_ =	shalt  }
0x6b: {  	_ =	shalt  }
0x6c: {  	_ =	shalt  }
0x6d: {  	_ =	shalt  }
0x6e: {  	_ =	shalt  }
0x6f: {  	_ =	shalt  }
0x70: {  	_ =	shalt  }
0x71: {  	_ =	shalt  }
0x72: {  	_ =	shalt  }
0x73: {  	_ =	shalt  }
0x74: {  	_ =	shalt  }
0x75: {  	_ =	shalt  }
0x76: {  	_ =	shalt  }
0x77: {  	_ =	shalt  }
0x78: {  	_ =	shalt  }
0x79: {  	_ =	shalt  }
0x7a: {  	_ =	shalt  }
0x7b: {  	_ =	shalt  }
0x7c: {  	_ =	shalt  }
0x7d: {  	_ =	shalt  }
0x7e: {  	_ =	shalt  }
0x7f: {  	_ =	shalt  }
0x80: {  	_ =	shalt  }
0x81: {  	_ =	shalt  }
0x82: {  	_ =	shalt  }
0x83: {  	_ =	shalt  }
0x84: {  	_ =	shalt  }
0x85: {  	_ =	shalt  }
0x86: {  	_ =	shalt  }
0x87: {  	_ =	shalt  }
.Lfunc_end0:
.L_simem_size_0:
called_computation_lowered:
.L_overlay_start_0:
0x88: {  	s2 =	sld [smem:$0x3FD9]  }
0x89: {  	s3 =	sld [smem:$0x3FFE];
	_ =	sdelay $0x1  }
0x8a: {  	s1 =	srdreg.scid  }
0x8b: {  	s0 =	sand.u32 $0x1, s1  }
0x8c: {  	s14 =	sshll.u32 s0, $0xA;
	s2 =	sadd.s32 s3, s2  }
0x8d: {  	s2 =	sadd.s32 s2, s14  }
0x8e: {  	[smem:$0x3FBF] =	sst s2  }
0x8f: {  	_ = 	snop  }
0x90: {  	s2 =	sld [smem:$0x3FD0];
	_ =	sdelay $0x2  }
0x91: {  	s15 =	simm.s32 $0xC;
	s4 =	simm.s32 $0x10  }
0x92: {  	[smem:s4], [sflag:s15] =	dma.local [hbm:s2], $0x1  }
0x93: {  	_ =	swait.eq [sflag:s15], $0x1  }
0x94: {  	[sflag:s15] =	ssyncset.done $0x0  }
0x95: {  	[sflag:s15] =	ssyncadd.s32 $0xFFFFFFFF  }
0x96: {  	s16 =	sld [smem:$0x11];
	(tm) =	ssettm $0x1  }
0x97: {  	s17 =	sld [smem:$0x3FFB];
	_ =	sdelay $0x3  }
0x98: {  	_ =	strace s17  }
0x99: {  	s3 =	sld [smem:$0x3FFC];
	_ =	sdelay $0x3  }
0x9a: {  	_ =	strace s3  }
0x9b: {  	s3 =	sld [smem:$0x3FFD];
	_ =	sdelay $0x3  }
0x9c: {  	_ =	strace s3  }
0x9d: {  	_ =	strace $0x8FFFFFFF  }
0x9e: {  	s18 =	sld [smem:$0x3FDB];
	_ =	sdelay $0x1  }
0x9f: {  	s19 =	simm.s32 $_scs_section_size  }
0xa0: {  	s5 =	simm.s32 $_size__tile_overlayer_lowered;
	s6 =	simm.s32 $_tile_overlayer_lowered  }
0xa1: {  	s22 =	simm.s32 $0x1BFF;
	s21 =	sshll.u32 s6, $0x1;
	s3 =	sadd.s32 s19, s18  }
0xa2: {  	s7 =	simm.s32 $0x0;
	s20 =	sshll.u32 s5, $0x1;
	s5 =	sadd.s32 s21, s3  }
0xa3: {  	[timem:s7], [sflag:s22] =	dma.local [hbm:s5], s20  }
0xa4: {  	_ =	swait.ge [sflag:s22], s20  }
0xa5: {  	s4 =	ssub.s32 $0x0, s20;
	[sflag:s22] =	ssyncset.done $0x0  }
0xa6: {  	[sflag:s22] =	ssyncadd.s32 s4;
	_ =	sdelay $0x1  }
0xa7: {  	s23 =	simm.s32 $0x1B8B  }
0xa8: {  	_ =	swait.ge [sflag:s23], $0x1  }
0xa9: {  	[sflag:s23] =	ssyncset.done $0x0  }
0xaa: {  	s25 =	simm.s32 $0x1B8E;
	s24 =	sld [smem:$0x3FFE];
	[sflag:s23] =	ssyncadd.s32 $0xFFFFFFFF  }
0xab: {  	s26 =	simm.s32 $execute0_lowered;
	[smem:$0x3FD2] =	sst s25  }
0xac: {  	s5 =	sshll.u32 s26, $0x1;
	_ =	strace $0x80000046;
	[dreg:$0x1] =	wrdreg $0xFFFFFFFF  }
0xad: {  	s28 =	simm.s32 $_size_execute0_lowered;
	s3 =	sadd.s32 s3, s5;
	[dreg:$0x0] =	wrdreg $0x0  }
0xae: {  	s5 =	sshll.u32 s28, $0x1;
	[dreg:$0x2] =	wrdreg s3  }
0xaf: {  	[dreg:$0x3] =	wrdreg s5  }
0xb0: {  	[dreg:$0x4] =	wrdreg $0xC0  }
0xb1: {  	_ =	task [dreg:s7], $0x5FFFF  }
0xb2: {  	[dreg:$0x1] =	wrdreg $0xFFFFFFFF  }
0xb3: {  	[dreg:$0x0] =	wrdreg $0x60  }
0xb4: {  	[dreg:$0x2] =	wrdreg s24  }
0xb5: {  	[dreg:$0x3] =	wrdreg s16  }
0xb6: {  	[dreg:$0x4] =	wrdreg $0xA  }
0xb7: {  	_ =	task.clear_ibuf [dreg:s7], $0x5FFFF;
	_ =	strace $0x90000046  }
0xb8: {  	s29 =	simm.s32 $0xA;
	_ =	strace $0x80000048  }
0xb9: {  	_ =	swait.ge [sflag:s29], $0x1  }
0xba: {  	[sflag:s29] =	ssyncadd.s32 $0xFFFFFFFF  }
0xbb: {  	_ =	strace $0x90000048  }
0xbc: {  	_ =	sfence  }
0xbd: {  	s30 =	sld [smem:$0x0];
	_ =	sdelay $0x2  }
0xbe: {  	s31 =	sshll.u32 s1, $0xD;
	s1 =	sshrl.u32 s1, $0x2  }
0xbf: {  	s3 =	sand.u32 $0x4000, s31;
	s1 =	sadd.s32 s1, s30  }
0xc0: {  	s0 =	sor.u32 s3, s0;
	s1 =	sshll.u32 s1, $0x11  }
0xc1: {  	s0 =	sor.u32 s1, s0  }
0xc2: {  	s0 =	sadd.s32 $0x8F2B, s0  }
0xc3: {  	[sflag:s0] =	ssyncadd.remote.s32 $0x1  }
0xc4: {  	_ =	sfence.sel $0xFFFF  }
0xc5: {  	[dreg:$0x0] =	wrdreg $0xFFFFFFFF;
	(pc) =	sbr.abs _section_cstart, $3  }
0xc6: {  	[dreg:$0x1] =	wrdreg $0xFFFFFFFF  }
0xc7: {  	_ =	task.clear_ibuf [dreg:s7], $0x2FFFF;
	_ =	strace $0x9FFFFFFF  }
0xc8: {  	(tm) =	ssettm $0x7FFFFFFF  }
0xc9: {  	_ =	shalt  }
tec
execute0_lowered:
.L_overlay_start_1:
0x0: {  	(tag) =	ssettag $0x1  }
0x1: {  	s5 =	rddreg [dreg:$0x0];
	s1 =	srdreg.scid  }
0x2: {  	s0 =	stileid.u32;
	s6 =	rddreg [dreg:$0x1]  }
0x3: {  	s2 =	simm.s32 $0x0;
	s14 =	simm.s32 $0x50;
	s15 =	simm.s32 $0x5000  }
0x4: {  	s16 =	simm.s32 $0x1;
	s17 =	simm.s32 $0x80;
	s18 =	simm.s32 $0x7800  }
0x5: {  	s19 =	simm.s32 $0x3;
	s20 =	simm.s32 $0x2;
	s21 =	simm.s32 $0x2880  }
0x6: {  	s22 =	simm.s32 $0x5;
	s23 =	simm.s32 $0x100;
	s24 =	simm.s32 $0x4  }
0x7: {  	s25 =	simm.s32 $0x6;
	s26 =	simm.s32 $0x4D00;
	s28 =	simm.s32 $0x0  }
0x8: {  	s7 =	sand.u32 $0x1, s1;
	s3 =	sshll.u32 s0, $0x1;
	[smem:$0x7FF] =	sst s2  }
0x9: {  	s4 =	sadd.s32 $0x32E00, s5;
	s13 =	smul.u32 $0x2EE00, s0;
	s8 =	sor.u32 s7, s3  }
0xa: {  	s12 =	sadd.s32 $0x5A000, s5;
	s11 =	ssub.s32 $0x2, s7;
	s9 =	smul.u32 $0x500, s8  }
0xb: {  	_ =	strace $0x80000047;
	s8 =	smul.u32 $0x17700, s8;
	s29 =	sshrl.u32 s11, $0x1  }
0xc: {  	s3 =	sadd.s32 $0xBC00, s5;
	s30 =	smul.u32 $0x17700, s7;
	s11 =	ssub.s32 s11, s29  }
0xd: {  	s10 =	sadd.s32 s9, s5;
	s6 =	sadd.s32 s6, s9;
	s7 =	sadd.s32 s12, s8  }
0xe: {  	s12 =	sadd.s32 s13, s12;
	s9 =	smax.u32 s11, $0x1;
	s13 =	simm.s32 $0x2800  }
0xf: {  	s5 =	sadd.s32 $0x1C00, s10;
	s8 =	sadd.s32 $0x17200, s7;
	s31 =	sadd.s32 s30, s12  }
0x10: {  	s10 =	sadd.s32 $0x500, s7;
	s12 =	simm.s32 $0x7;
	s11 =	sadd.s32 $0xA00, s31  }
.LBB2_1:
0x11: {  	[tilespmem:s2], [sflag:$0x7] =	stream.linear.gather [hbm4b:s5+s2], $0x2580, $0x38;
	[tilespmem:$0xA000] =	vst v63  }
0x12: {  	_ =	swait.ge [sflag:s12], $0x2580  }
0x13: {  	[sflag:s12] =	ssyncset.done $0x0  }
0x14: {  	[sflag:s12] =	ssyncadd.s32 $0xFFFFDA80  }
0x15: {  	[tilespmem:s13], [sflag:$0x7] =	stream.linear.gather [hbm4b:s6+s2], $0x2580, $0x38;
	[tilespmem:$0xA000] =	vst v63  }
0x16: {  	_ =	swait.ge [sflag:s12], $0x2580  }
0x17: {  	[sflag:s12] =	ssyncset.done $0x0  }
0x18: {  	[sflag:s12] =	ssyncadd.s32 $0xFFFFDA80  }
0x19: {  	[tilespmem:s15], [sflag:$0x1] =	stream.indirect.gather [hbm4b:s3+s14], $0x80, s2, s14, $0xb8;
	[tilespmem:$0xA000] =	vst v63  }
0x1a: {  	_ =	swait.ge [sflag:s16], $0x2800  }
0x1b: {  	[sflag:s16] =	ssyncset.done $0x0  }
0x1c: {  	[sflag:s16] =	ssyncadd.s32 $0xFFFFD800  }
0x1d: {  	[tilespmem:s15], [sflag:$0x3] =	stream.indirect.gather.add.f32 [hbm:s4], $0x80, s13, s14, $0xb8;
	[tilespmem:$0xA000] =	vst v63  }
0x1e: {  	_ = 	snop  }
0x1f: {  	[tilespmem:s18], [sflag:$0x2] =	stream.indirect.gather [hbm4b:s3+s14], $0x80, s17, s14, $0xb8;
	[tilespmem:$0xA000] =	vst v63  }
0x20: {  	_ =	swait.ge [sflag:s19], $0x2800  }
0x21: {  	[sflag:s19] =	ssyncset.done $0x0  }
0x22: {  	[sflag:s19] =	ssyncadd.s32 $0xFFFFD800  }
0x23: {  	[hbm4b:s7+s2] =	stream.linear.scatter [tilespmem:s15], [sflag:$0x5], $0x2800, $0x38;
	[tilespmem:$0xA000] =	vst v63  }
0x24: {  	_ =	swait.ge [sflag:s20], $0x2800  }
0x25: {  	[sflag:s20] =	ssyncset.done $0x0  }
0x26: {  	[sflag:s20] =	ssyncadd.s32 $0xFFFFD800  }
0x27: {  	[tilespmem:s18], [sflag:$0x4] =	stream.indirect.gather.add.f32 [hbm:s4], $0x80, s21, s14, $0xb8;
	[tilespmem:$0xA000] =	vst v63  }
0x28: {  	_ =	swait.ge [sflag:s22], $0x2800  }
0x29: {  	[sflag:s22] =	ssyncset.done $0x0  }
0x2a: {  	[sflag:s22] =	ssyncadd.s32 $0xFFFFD800  }
0x2b: {  	[tilespmem:s15], [sflag:$0x1] =	stream.indirect.gather [hbm4b:s3+s14], $0x80, s23, s14, $0xb8;
	[tilespmem:$0xA000] =	vst v63  }
0x2c: {  	_ =	swait.ge [sflag:s24], $0x2800  }
0x2d: {  	[sflag:s24] =	ssyncset.done $0x0  }
0x2e: {  	[sflag:s24] =	ssyncadd.s32 $0xFFFFD800  }
0x2f: {  	[hbm4b:s10+s2] =	stream.linear.scatter [tilespmem:s18], [sflag:$0x6], $0x2800, $0x38;
	[tilespmem:$0xA000] =	vst v63  }
0x30: {  	_ =	swait.ge [sflag:s16], $0x2800  }
0x31: {  	[sflag:s16] =	ssyncset.done $0x0  }
0x32: {  	s29 =	simm.s32 $0x2900;
	[sflag:s16] =	ssyncadd.s32 $0xFFFFD800  }
0x33: {  	[tilespmem:s15], [sflag:$0x3] =	stream.indirect.gather.add.f32 [hbm:s4], $0x80, s29, s14, $0xb8;
	[tilespmem:$0xA000] =	vst v63  }
0x34: {  	_ =	swait.ge [sflag:s25], $0x2800  }
0x35: {  	[sflag:s25] =	ssyncset.done $0x0  }
0x36: {  	s29 =	simm.s32 $0x180;
	[sflag:s25] =	ssyncadd.s32 $0xFFFFD800  }
0x37: {  	[tilespmem:s18], [sflag:$0x2] =	stream.indirect.gather [hbm4b:s3+s14], $0x80, s29, s14, $0xb8;
	[tilespmem:$0xA000] =	vst v63  }
0x38: {  	_ =	swait.ge [sflag:s19], $0x2800  }
0x39: {  	[sflag:s19] =	ssyncset.done $0x0  }
0x3a: {  	[sflag:s19] =	ssyncadd.s32 $0xFFFFD800  }
0x3b: {  	[hbm4b:s11+s2] =	stream.linear.scatter [tilespmem:s15], [sflag:$0x5], $0x2800, $0x38;
	[tilespmem:$0xA000] =	vst v63  }
0x3c: {  	_ =	swait.ge [sflag:s20], $0x2800  }
0x3d: {  	[sflag:s20] =	ssyncset.done $0x0  }
0x3e: {  	s29 =	simm.s32 $0x2980;
	[sflag:s20] =	ssyncadd.s32 $0xFFFFD800  }
0x3f: {  	[tilespmem:s18], [sflag:$0x4] =	stream.indirect.gather.add.f32 [hbm:s4], $0x80, s29, s14, $0xb8;
	[tilespmem:$0xA000] =	vst v63  }
0x40: {  	_ =	swait.ge [sflag:s22], $0x2800  }
0x41: {  	[sflag:s22] =	ssyncset.done $0x0  }
0x42: {  	s29 =	simm.s32 $0x200;
	[sflag:s22] =	ssyncadd.s32 $0xFFFFD800  }
0x43: {  	[tilespmem:s15], [sflag:$0x1] =	stream.indirect.gather [hbm4b:s3+s14], $0x80, s29, s14, $0xb8;
	[tilespmem:$0xA000] =	vst v63  }
0x44: {  	_ =	swait.ge [sflag:s24], $0x2800  }
0x45: {  	s31 =	sadd.s32 $0x500, s11;
	[sflag:s24] =	ssyncset.done $0x0  }
0x46: {  	s30 =	sadd.s32 $0xA00, s11;
	s29 =	simm.s32 $0x400;
	[sflag:s24] =	ssyncadd.s32 $0xFFFFD800  }
.LBB2_2:
0x47: {  	[hbm4b:s31+s2] =	stream.linear.scatter [tilespmem:s18], [sflag:$0x6], $0x2800, $0x38;
	[tilespmem:$0xA000] =	vst v63  }
0x48: {  	s31 =	smov.u32 s29  }
0x49: {  	p0 =	sne.s32 s29, $0x8C00;
	s29 =	sadd.s32 $0x400, s29;
	_ =	swait.ge [sflag:s16], $0x2800  }
0x4a: {  	s31 =	sshra.s32 s31, $0x2;
	[sflag:s16] =	ssyncset.done $0x0  }
0x4b: {  	s1 =	sadd.s32 $0x2900, s31;
	[sflag:s16] =	ssyncadd.s32 $0xFFFFD800  }
0x4c: {  	[tilespmem:s15], [sflag:$0x3] =	stream.indirect.gather.add.f32 [hbm:s4], $0x80, s1, s14, $0xb8;
	[tilespmem:$0xA000] =	vst v63  }
0x4d: {  	_ =	swait.ge [sflag:s25], $0x2800  }
0x4e: {  	[sflag:s25] =	ssyncset.done $0x0  }
0x4f: {  	s1 =	sadd.s32 $0x180, s31;
	[sflag:s25] =	ssyncadd.s32 $0xFFFFD800  }
0x50: {  	[tilespmem:s18], [sflag:$0x2] =	stream.indirect.gather [hbm4b:s3+s14], $0x80, s1, s14, $0xb8;
	[tilespmem:$0xA000] =	vst v63  }
0x51: {  	_ =	swait.ge [sflag:s19], $0x2800  }
0x52: {  	[sflag:s19] =	ssyncset.done $0x0  }
0x53: {  	[sflag:s19] =	ssyncadd.s32 $0xFFFFD800  }
0x54: {  	[hbm4b:s30+s2] =	stream.linear.scatter [tilespmem:s15], [sflag:$0x5], $0x2800, $0x38;
	[tilespmem:$0xA000] =	vst v63  }
0x55: {  	_ =	swait.ge [sflag:s20], $0x2800  }
0x56: {  	[sflag:s20] =	ssyncset.done $0x0  }
0x57: {  	s1 =	sadd.s32 $0x2980, s31;
	[sflag:s20] =	ssyncadd.s32 $0xFFFFD800  }
0x58: {  	[tilespmem:s18], [sflag:$0x4] =	stream.indirect.gather.add.f32 [hbm:s4], $0x80, s1, s14, $0xb8;
	[tilespmem:$0xA000] =	vst v63  }
0x59: {  	_ =	swait.ge [sflag:s22], $0x2800  }
0x5a: {  	[sflag:s22] =	ssyncset.done $0x0  }
.Ltmp0:
0x5b: {  	s1 =	sadd.s32 $0x200, s31;
	[sflag:s22] =	ssyncadd.s32 $0xFFFFD800;
	(pc) =	sbr.rel @p0 .LBB2_2-.Ltmp0, $4  }
0x5c: {  	[tilespmem:s15], [sflag:$0x1] =	stream.indirect.gather [hbm4b:s3+s14], $0x80, s1, s14, $0xb8;
	[tilespmem:$0xA000] =	vst v63  }
0x5d: {  	_ =	swait.ge [sflag:s24], $0x2800  }
0x5e: {  	[sflag:s24] =	ssyncset.done $0x0  }
0x5f: {  	s31 =	sadd.s32 $0x500, s30;
	s30 =	sadd.s32 $0xA00, s30;
	[sflag:s24] =	ssyncadd.s32 $0xFFFFD800  }
0x60: {  	[hbm4b:s31+s2] =	stream.linear.scatter [tilespmem:s18], [sflag:$0x6], $0x2800, $0x38;
	[tilespmem:$0xA000] =	vst v63  }
0x61: {  	_ =	swait.ge [sflag:s16], $0x2800  }
0x62: {  	[sflag:s16] =	ssyncset.done $0x0  }
0x63: {  	[sflag:s16] =	ssyncadd.s32 $0xFFFFD800  }
0x64: {  	[tilespmem:s15], [sflag:$0x3] =	stream.indirect.gather.add.f32 [hbm:s4], $0x80, s26, s14, $0xb8;
	[tilespmem:$0xA000] =	vst v63  }
0x65: {  	_ =	swait.ge [sflag:s25], $0x2800  }
0x66: {  	[sflag:s25] =	ssyncset.done $0x0  }
0x67: {  	[sflag:s25] =	ssyncadd.s32 $0xFFFFD800  }
0x68: {  	s28 =	sadd.s32 $0x1, s28;
	_ =	swait.ge [sflag:s19], $0x2800  }
0x69: {  	p0 =	sne.s32 s28, s9;
	[sflag:s19] =	ssyncset.done $0x0  }
.Ltmp1:
0x6a: {  	[sflag:s19] =	ssyncadd.s32 $0xFFFFD800;
	(pc) =	sbr.rel @p0 .LBB2_1-.Ltmp1, $4  }
0x6b: {  	[hbm4b:s8+s2] =	stream.linear.scatter [tilespmem:s15], [sflag:$0x5], $0x2800, $0x38;
	[tilespmem:$0xA000] =	vst v63  }
0x6c: {  	_ =	swait.ge [sflag:s22], $0x2800  }
0x6d: {  	[sflag:s22] =	ssyncset.done $0x0  }
0x6e: {  	[sflag:s22] =	ssyncadd.s32 $0xFFFFD800  }
0x6f: {  	_ =	sfence.sel $0x180000  }
0x70: {  	[bflag:$0x0] =	sbarrier.arrive $0xFFFF  }
0x71: {  	_ =	strace $0x90000047  }
0x72: {  	[bflag:$0x2] =	sbarrier.arrive $0xFFFF  }
0x73: {  	p0 =	sne.s32 s0, $0x0;
	s0 =	rddreg [dreg:$0x2]  }
0x74: {  	s0 =	sadd.s32 @!p0 $0x100000, s0  }
0x75: {  	[sflag:s0] =	ssyncadd.tile.s32 @!p0 $0x1;
	_ =	shalt  }
.Lfunc_end2:
_tile_overlayer_lowered:
.L_overlay_start_2:
0x76: {  	(tag) =	ssettag $0x2  }
0x77: {  	s0 =	rddreg [dreg:$0x0];
	s2 =	stileid.u32  }
0x78: {  	s1 =	rddreg [dreg:$0x1];
	p0 =	sne.s32 s2, $0x0  }
0x79: {  	s3 =	rddreg [dreg:$0x2];
	[bflag:$0x3] =	sbarrier.arrive $0xFFFF;
	s2 =	simm.s32 @!p0 $0x1C07  }
0x7a: {  	[timem:s3], [sflag:s2] =	dma.local @!p0 [hbm:s0], s1  }
0x7b: {  	s0 =	simm.s32 @!p0 $0x7  }
0x7c: {  	_ =	swait.ge @!p0 [sflag:s0], s1  }
0x7d: {  	s1 =	ssub.s32 @!p0 $0x0, s1;
	[sflag:s0] =	ssyncset.done @!p0 $0x0  }
0x7e: {  	[sflag:s0] =	ssyncadd.s32 @!p0 s1  }
0x7f: {  	[bflag:$0x3] =	sbarrier.arrive $0xFFFF  }
0x80: {  	_ =	shalt  }

// kernel: kernel.14.cloned.1.call-start
scs
__scs_entry_jumppad:
0x0: {  	(pc) =	sbr.rel $0x88, $3  }
0x1: {  	(tag) =	ssettag $0x0;
	lr =	simm.s32 $0x1  }
0x2: {  	[smem:$0x3F98] =	sst lr;
	_ =	strace $0xD0000000  }
0x3: {  	_ = 	snop  }
0x4: {  	_ = 	snop  }
0x5: {  	_ = 	snop  }
0x6: {  	_ = 	snop  }
0x7: {  	_ = 	snop  }
__scs_overlays_trampoline_lowered:
0x8: {  	[smem:$0x3FA7] =	sst s0  }
0x9: {  	[smem:$0x3FA8] =	sst s1  }
0xa: {  	[smem:$0x3FA9] =	sst s2  }
0xb: {  	[smem:$0x3FAA] =	sst s3  }
0xc: {  	[smem:$0x3FAB] =	sst s4  }
0xd: {  	[smem:$0x3FAC] =	sst s5  }
0xe: {  	[smem:$0x3FAD] =	sst s6  }
0xf: {  	[smem:$0x3FAE] =	sst s7  }
0x10: {  	[smem:$0x3FAF] =	sst s8  }
0x11: {  	[smem:$0x3FB0] =	sst s9;
	s0 =	simm.s32 @!p0 $0x0  }
0x12: {  	s1 =	sld [smem:$0x3F96];
	s0 =	simm.s32 @p0 $0x1  }
0x13: {  	[smem:$0x3FB1] =	sst s0;
	s0 =	simm.s32 @!p1 $0x0  }
0x14: {  	s2 =	sld [smem:$0x3F95];
	s0 =	simm.s32 @p1 $0x1  }
0x15: {  	[smem:$0x3FB2] =	sst s0;
	s0 =	simm.s32 @!p2 $0x0  }
0x16: {  	s3 =	sld [smem:$0x3FDB];
	s0 =	simm.s32 @p2 $0x1  }
0x17: {  	s4 =	simm.s32 $0x1BF5;
	[smem:$0x3FB4] =	sst s0  }
0x18: {  	s0 =	sld [smem:$0x3F97];
	_ =	swait.ge [sflag:s4], $0x0  }
0x19: {  	s7 =	sld [smem:$0x3F98]  }
0x1a: {  	s8 =	sadd.s32 $0xFFFFE003, lr  }
0x1b: {  	s9 =	sadd.s32 $0xFFFFFEF7, lr;
	s5 =	simm.s32 $0xFFFFFFFF;
	p2 =	slt.u32 s8, $0xFFFFF086  }
0x1c: {  	p1 =	slt.u32 s9, $0xF7A;
	s5 =	simm.s32 @!p2 $0x0  }
0x1d: {  	s5 =	simm.s32 @p1 $0x1;
	p0 =	seq.s32 s7, s2  }
0x1e: {  	s7 =	smul.u32 @!p0 $0xF7A, s2;
	p2 =	seq.s32 @!p0 s5, $0x0  }
0x1f: {  	s9 =	smul.u32 $0xF7A, s1;
	s8 =	simm.s32 @!p0 $0x1BF5;
	p2 =	por !p2, p0  }
0x20: {  	[sflag:s8] =	ssyncset.s32 @!p0 $0xFFFFF086;
	s6 =	sadd.s32 @!p0 s3, s7;
	s7 =	simm.s32 @!p0 $0x108  }
0x21: {  	s3 =	sadd.s32 s3, s9;
	s6 =	sadd.s32 @!p0 $0x88, s6;
	s7 =	simm.s32 @p2 $0x1082  }
0x22: {  	[simem:s7], [sflag:s8] =	dma.local @!p0 [hbm:s6], $0xF7A  }
0x23: {  	s9 =	sor.u32 $0xD0000000, s2;
	s6 =	simm.s32 $0x108;
	_ =	swait.ge @!p0 [sflag:s8], $0x0  }
0x24: {  	s3 =	sadd.s32 $0x88, s3;
	s6 =	simm.s32 @!p1 $0x1082;
	[sflag:s4] =	ssyncset.s32 $0xFFFFF086  }
0x25: {  	[simem:s6], [sflag:s4] =	dma.local [hbm:s3], $0xF7A  }
0x26: {  	[smem:$0x3F98] =	sst s1;
	(tag) =	ssettag s2;
	_ =	strace s9  }
0x27: {  	s1 =	sld [smem:$0x3FA8]  }
0x28: {  	s2 =	sld [smem:$0x3FA9]  }
0x29: {  	s4 =	sld [smem:$0x3FAB]  }
0x2a: {  	p0 =	seq.s32 s5, $0x0;
	s5 =	sld [smem:$0x3FAC]  }
0x2b: {  	s6 =	sld [smem:$0x3FAD]  }
0x2c: {  	s7 =	sld [smem:$0x3FAE]  }
0x2d: {  	s3 =	simm.s32 $0x108;
	s8 =	sld [smem:$0x3FAF]  }
0x2e: {  	s3 =	simm.s32 @!p0 $0x1082;
	s9 =	sld [smem:$0x3FB0]  }
0x2f: {  	lr =	sadd.s32 s0, s3;
	s0 =	sld [smem:$0x3FA7]  }
0x30: {  	s3 =	sld [smem:$0x3FAA]  }
0x31: {  	[smem:$0x3FB3] =	sst s10  }
0x32: {  	s10 =	sld [smem:$0x3FB1];
	_ =	sdelay $0x3  }
0x33: {  	p0 =	seq.s32 s10, $0x1;
	s10 =	sld [smem:$0x3FB3];
	_ =	sdelay $0x3  }
0x34: {  	[smem:$0x3FB3] =	sst s10  }
0x35: {  	s10 =	sld [smem:$0x3FB2];
	_ =	sdelay $0x3  }
0x36: {  	p1 =	seq.s32 s10, $0x1;
	s10 =	sld [smem:$0x3FB3];
	_ =	sdelay $0x3  }
0x37: {  	[smem:$0x3FB3] =	sst s10  }
0x38: {  	s10 =	sld [smem:$0x3FB4]  }
0x39: {  	_ = 	snop;
	(pc) =	sbr.ind lr, $3  }
0x3a: {  	_ = 	snop  }
0x3b: {  	_ = 	snop  }
0x3c: {  	p2 =	seq.s32 s10, $0x1;
	s10 =	sld [smem:$0x3FB3]  }
0x3d: {  	_ =	shalt  }
0x3e: {  	_ =	shalt  }
0x3f: {  	_ =	shalt  }
0x40: {  	_ =	shalt  }
0x41: {  	_ =	shalt  }
0x42: {  	_ =	shalt  }
0x43: {  	_ =	shalt  }
0x44: {  	_ =	shalt  }
0x45: {  	_ =	shalt  }
0x46: {  	_ =	shalt  }
0x47: {  	_ =	shalt  }
0x48: {  	_ =	shalt  }
0x49: {  	_ =	shalt  }
0x4a: {  	_ =	shalt  }
0x4b: {  	_ =	shalt  }
0x4c: {  	_ =	shalt  }
0x4d: {  	_ =	shalt  }
0x4e: {  	_ =	shalt  }
0x4f: {  	_ =	shalt  }
0x50: {  	_ =	shalt  }
0x51: {  	_ =	shalt  }
0x52: {  	_ =	shalt  }
0x53: {  	_ =	shalt  }
0x54: {  	_ =	shalt  }
0x55: {  	_ =	shalt  }
0x56: {  	_ =	shalt  }
0x57: {  	_ =	shalt  }
0x58: {  	_ =	shalt  }
0x59: {  	_ =	shalt  }
0x5a: {  	_ =	shalt  }
0x5b: {  	_ =	shalt  }
0x5c: {  	_ =	shalt  }
0x5d: {  	_ =	shalt  }
0x5e: {  	_ =	shalt  }
0x5f: {  	_ =	shalt  }
0x60: {  	_ =	shalt  }
0x61: {  	_ =	shalt  }
0x62: {  	_ =	shalt  }
0x63: {  	_ =	shalt  }
0x64: {  	_ =	shalt  }
0x65: {  	_ =	shalt  }
0x66: {  	_ =	shalt  }
0x67: {  	_ =	shalt  }
0x68: {  	_ =	shalt  }
0x69: {  	_ =	shalt  }
0x6a: {  	_ =	shalt  }
0x6b: {  	_ =	shalt  }
0x6c: {  	_ =	shalt  }
0x6d: {  	_ =	shalt  }
0x6e: {  	_ =	shalt  }
0x6f: {  	_ =	shalt  }
0x70: {  	_ =	shalt  }
0x71: {  	_ =	shalt  }
0x72: {  	_ =	shalt  }
0x73: {  	_ =	shalt  }
0x74: {  	_ =	shalt  }
0x75: {  	_ =	shalt  }
0x76: {  	_ =	shalt  }
0x77: {  	_ =	shalt  }
0x78: {  	_ =	shalt  }
0x79: {  	_ =	shalt  }
0x7a: {  	_ =	shalt  }
0x7b: {  	_ =	shalt  }
0x7c: {  	_ =	shalt  }
0x7d: {  	_ =	shalt  }
0x7e: {  	_ =	shalt  }
0x7f: {  	_ =	shalt  }
0x80: {  	_ =	shalt  }
0x81: {  	_ =	shalt  }
0x82: {  	_ =	shalt  }
0x83: {  	_ =	shalt  }
0x84: {  	_ =	shalt  }
0x85: {  	_ =	shalt  }
0x86: {  	_ =	shalt  }
0x87: {  	_ =	shalt  }
.Lfunc_end0:
.L_simem_size_0:
called_computation.1_lowered:
.L_overlay_start_0:
0x88: {  	s2 =	sld [smem:$0x3FD9]  }
0x89: {  	s3 =	sld [smem:$0x3FFE];
	_ =	sdelay $0x1  }
0x8a: {  	s1 =	srdreg.scid  }
0x8b: {  	s0 =	sand.u32 $0x1, s1  }
0x8c: {  	s17 =	sshll.u32 s0, $0xA;
	s2 =	sadd.s32 s3, s2  }
0x8d: {  	s2 =	sadd.s32 s2, s17  }
0x8e: {  	[smem:$0x3FBF] =	sst s2  }
0x8f: {  	_ = 	snop  }
0x90: {  	(tm) =	ssettm $0x1  }
0x91: {  	s18 =	sld [smem:$0x3FFB];
	_ =	sdelay $0x3  }
0x92: {  	_ =	strace s18  }
0x93: {  	s2 =	sld [smem:$0x3FFC];
	_ =	sdelay $0x3  }
0x94: {  	_ =	strace s2  }
0x95: {  	s2 =	sld [smem:$0x3FFD];
	_ =	sdelay $0x3  }
0x96: {  	_ =	strace s2  }
0x97: {  	_ =	strace $0x8FFFFFFF  }
0x98: {  	s19 =	sld [smem:$0x3FDB];
	_ =	sdelay $0x1  }
0x99: {  	s20 =	simm.s32 $_scs_section_size  }
0x9a: {  	s4 =	simm.s32 $_size__tile_overlayer_lowered;
	s5 =	simm.s32 $_tile_overlayer_lowered  }
0x9b: {  	s6 =	simm.s32 $0x1BFF;
	s21 =	sshll.u32 s5, $0x1;
	s3 =	sadd.s32 s20, s19  }
0x9c: {  	s22 =	simm.s32 $0x0;
	s4 =	sshll.u32 s4, $0x1;
	s5 =	sadd.s32 s21, s3  }
0x9d: {  	[timem:s22], [sflag:s6] =	dma.local [hbm:s5], s4  }
0x9e: {  	_ =	swait.ge [sflag:s6], s4  }
0x9f: {  	s4 =	ssub.s32 $0x0, s4;
	[sflag:s6] =	ssyncset.done $0x0  }
0xa0: {  	[sflag:s6] =	ssyncadd.s32 s4;
	_ =	sdelay $0x1  }
0xa1: {  	s23 =	simm.s32 $0x1B8B  }
0xa2: {  	_ =	swait.ge [sflag:s23], $0x1  }
0xa3: {  	[sflag:s23] =	ssyncset.done $0x0  }
0xa4: {  	[sflag:s23] =	ssyncadd.s32 $0xFFFFFFFF  }
0xa5: {  	s4 =	sld [smem:$0x0]  }
0xa6: {  	s5 =	sand.u32 $0xFFFFFFFE, s1  }
0xa7: {  	p0 =	sne.s32 s1, s5  }
0xa8: {  	s5 =	sshll.u32 @p0 s5, $0xE  }
0xa9: {  	s5 =	sadd.s32 @p0 $0x11B8D, s5;
	s6 =	sshll.u32 @p0 s4, $0x11  }
0xaa: {  	s5 =	sor.u32 @p0 s6, s5  }
0xab: {  	[sflag:s5] =	ssyncadd.remote.s32 @p0 $0x1;
	_ =	sdelay $0x1  }
0xac: {  	s5 =	simm.s32 @p0 $0x1B8D  }
0xad: {  	_ =	swait.eq @p0 [sflag:s5], $0x1  }
0xae: {  	[sflag:s5] =	ssyncadd.s32 @p0 $0xFFFFFFFF  }
0xaf: {  	s6 =	sshll.u32 @!p0 s1, $0xE  }
0xb0: {  	s6 =	sor.u32 @!p0 $0x4000, s6;
	s5 =	simm.s32 @!p0 $0x1B8D  }
0xb1: {  	s4 =	sshll.u32 @!p0 s4, $0x11;
	s6 =	sadd.s32 @!p0 $0x11B8D, s6;
	_ =	swait.eq @!p0 [sflag:s5], $0x1  }
0xb2: {  	s4 =	sor.u32 @!p0 s4, s6;
	[sflag:s5] =	ssyncadd.s32 @!p0 $0xFFFFFFFF  }
0xb3: {  	s25 =	simm.s32 $0x1B8E;
	s24 =	sld [smem:$0x3FFE];
	[sflag:s4] =	ssyncadd.remote.s32 @!p0 $0x1  }
0xb4: {  	s26 =	simm.s32 $execute0_lowered;
	[smem:$0x3FD2] =	sst s25  }
0xb5: {  	s5 =	sshll.u32 s26, $0x1;
	_ =	strace $0x80000049;
	[dreg:$0x1] =	wrdreg $0xFFFFFFFF  }
0xb6: {  	s28 =	simm.s32 $_size_execute0_lowered;
	s3 =	sadd.s32 s3, s5;
	[dreg:$0x0] =	wrdreg $0x0  }
0xb7: {  	s5 =	sshll.u32 s28, $0x1;
	[dreg:$0x2] =	wrdreg s3  }
0xb8: {  	[dreg:$0x3] =	wrdreg s5  }
0xb9: {  	[dreg:$0x4] =	wrdreg $0xC0  }
0xba: {  	_ =	task [dreg:s22], $0x5FFFF  }
0xbb: {  	[dreg:$0x1] =	wrdreg $0xFFFFFFFF  }
0xbc: {  	[dreg:$0x0] =	wrdreg $0x60  }
0xbd: {  	[dreg:$0x2] =	wrdreg s24  }
0xbe: {  	[dreg:$0x3] =	wrdreg $0xB  }
0xbf: {  	_ =	task.clear_ibuf [dreg:s22], $0x4FFFF;
	_ =	strace $0x90000049  }
0xc0: {  	s29 =	simm.s32 $0xB;
	_ =	strace $0x8000004B  }
0xc1: {  	_ =	swait.ge [sflag:s29], $0x1  }
0xc2: {  	[sflag:s29] =	ssyncadd.s32 $0xFFFFFFFF  }
0xc3: {  	_ =	strace $0x9000004B  }
0xc4: {  	_ =	sfence  }
0xc5: {  	s30 =	sld [smem:$0x0];
	_ =	sdelay $0x2  }
0xc6: {  	s31 =	sshll.u32 s1, $0xD;
	s1 =	sshrl.u32 s1, $0x2  }
0xc7: {  	s4 =	sand.u32 $0x4000, s31;
	s1 =	sadd.s32 s1, s30  }
0xc8: {  	s0 =	sor.u32 s4, s0;
	s1 =	sshll.u32 s1, $0x11  }
0xc9: {  	s0 =	sor.u32 s1, s0  }
0xca: {  	s0 =	sadd.s32 $0x8F2B, s0  }
0xcb: {  	[sflag:s0] =	ssyncadd.remote.s32 $0x1  }
0xcc: {  	_ =	sfence.sel $0xFFFF  }
0xcd: {  	[dreg:$0x0] =	wrdreg $0xFFFFFFFF;
	(pc) =	sbr.abs _section_cstart, $3  }
0xce: {  	[dreg:$0x1] =	wrdreg $0xFFFFFFFF  }
0xcf: {  	_ =	task.clear_ibuf [dreg:s22], $0x2FFFF;
	_ =	strace $0x9FFFFFFF  }
0xd0: {  	(tm) =	ssettm $0x7FFFFFFF  }
0xd1: {  	_ =	shalt  }
tec
execute0_lowered:
.L_overlay_start_1:
0x0: {  	(tag) =	ssettag $0x1  }
0x1: {  	s0 =	srdreg.scid  }
0x2: {  	s9 =	stileid.u32;
	s1 =	rddreg [dreg:$0x0];
	s2 =	simm.s32 $0x0  }
0x3: {  	s13 =	simm.s32 $0x7;
	s14 =	simm.s32 $0x1C00;
	s15 =	simm.s32 $0x50  }
0x4: {  	s16 =	simm.s32 $0x3800;
	s17 =	simm.s32 $0x1;
	s19 =	simm.s32 $0x6000  }
0x5: {  	s20 =	simm.s32 $0x3;
	s21 =	simm.s32 $0x2;
	s23 =	simm.s32 $0x5  }
0x6: {  	s24 =	simm.s32 $0x100;
	s25 =	simm.s32 $0x4;
	s28 =	simm.s32 $0x3400  }
0x7: {  	s29 =	simm.s32 $0x1880;
	s30 =	simm.s32 $0x3480;
	s31 =	simm.s32 $0x0  }
0x8: {  	s0 =	sand.u32 $0x1, s0;
	s3 =	sshll.u32 s9, $0x1;
	[smem:$0x7FF] =	sst s2  }
0x9: {  	s4 =	sadd.s32 $0x32E00, s1;
	s9 =	smul.u32 $0x1F400, s9;
	s5 =	sor.u32 s0, s3  }
0xa: {  	_ =	strace $0x8000004A;
	s7 =	ssub.s32 $0x2, s0;
	s6 =	smul.u32 $0x380, s5  }
0xb: {  	s3 =	sadd.s32 $0xBC00, s1;
	s0 =	smul.u32 $0xFA00, s0;
	s26 =	sshrl.u32 s7, $0x1  }
0xc: {  	s8 =	smul.u32 $0xFA00, s5;
	s10 =	ssub.s32 s7, s26;
	s6 =	sadd.s32 s6, s1  }
0xd: {  	s26 =	simm.s32 $0x6;
	s1 =	sadd.s32 $0x356000, s1;
	s5 =	sadd.s32 $0x348000, s6  }
0xe: {  	s6 =	sadd.s32 $0x34F000, s6;
	s7 =	sadd.s32 s1, s8;
	s1 =	sadd.s32 s9, s1  }
0xf: {  	s8 =	smax.u32 s10, $0x1;
	s9 =	sadd.s32 $0x500, s7;
	s0 =	sadd.s32 s0, s1  }
0x10: {  	s10 =	sadd.s32 $0xF000, s7;
	s11 =	sadd.s32 $0xF500, s7;
	s12 =	sadd.s32 $0xA00, s0  }
.LBB2_1:
0x11: {  	[tilespmem:s2], [sflag:$0x7] =	stream.linear.gather [hbm4b:s5+s2], $0x1900, $0x38;
	[tilespmem:$0x8800] =	vst v63  }
0x12: {  	_ =	swait.ge [sflag:s13], $0x1900  }
0x13: {  	[sflag:s13] =	ssyncset.done $0x0  }
0x14: {  	[sflag:s13] =	ssyncadd.s32 $0xFFFFE700  }
0x15: {  	[tilespmem:s14], [sflag:$0x7] =	stream.linear.gather [hbm4b:s6+s2], $0x1900, $0x38;
	[tilespmem:$0x8800] =	vst v63  }
0x16: {  	_ =	swait.ge [sflag:s13], $0x1900  }
0x17: {  	[sflag:s13] =	ssyncset.done $0x0  }
0x18: {  	[sflag:s13] =	ssyncadd.s32 $0xFFFFE700  }
0x19: {  	[tilespmem:s16], [sflag:$0x1] =	stream.indirect.gather [hbm4b:s3+s15], $0x80, s2, s15, $0xb8;
	[tilespmem:$0x8800] =	vst v63  }
0x1a: {  	_ =	swait.ge [sflag:s17], $0x2800  }
0x1b: {  	[sflag:s17] =	ssyncset.done $0x0  }
0x1c: {  	[sflag:s17] =	ssyncadd.s32 $0xFFFFD800  }
0x1d: {  	[tilespmem:s16], [sflag:$0x3] =	stream.indirect.gather.add.f32 [hbm:s4], $0x80, s14, s15, $0xb8;
	[tilespmem:$0x8800] =	vst v63  }
0x1e: {  	s0 =	simm.s32 $0x80  }
0x1f: {  	[tilespmem:s19], [sflag:$0x2] =	stream.indirect.gather [hbm4b:s3+s15], $0x80, s0, s15, $0xb8;
	[tilespmem:$0x8800] =	vst v63  }
0x20: {  	_ =	swait.ge [sflag:s20], $0x2800  }
0x21: {  	[sflag:s20] =	ssyncset.done $0x0  }
0x22: {  	[sflag:s20] =	ssyncadd.s32 $0xFFFFD800  }
0x23: {  	[hbm4b:s7+s2] =	stream.linear.scatter [tilespmem:s16], [sflag:$0x5], $0x2800, $0x38;
	[tilespmem:$0x8800] =	vst v63  }
0x24: {  	_ =	swait.ge [sflag:s21], $0x2800  }
0x25: {  	[sflag:s21] =	ssyncset.done $0x0  }
0x26: {  	s18 =	simm.s32 $0x1C80;
	[sflag:s21] =	ssyncadd.s32 $0xFFFFD800  }
0x27: {  	[tilespmem:s19], [sflag:$0x4] =	stream.indirect.gather.add.f32 [hbm:s4], $0x80, s18, s15, $0xb8;
	[tilespmem:$0x8800] =	vst v63  }
0x28: {  	_ =	swait.ge [sflag:s23], $0x2800  }
0x29: {  	[sflag:s23] =	ssyncset.done $0x0  }
0x2a: {  	[sflag:s23] =	ssyncadd.s32 $0xFFFFD800  }
0x2b: {  	[tilespmem:s16], [sflag:$0x1] =	stream.indirect.gather [hbm4b:s3+s15], $0x80, s24, s15, $0xb8;
	[tilespmem:$0x8800] =	vst v63  }
0x2c: {  	_ =	swait.ge [sflag:s25], $0x2800  }
0x2d: {  	[sflag:s25] =	ssyncset.done $0x0  }
0x2e: {  	[sflag:s25] =	ssyncadd.s32 $0xFFFFD800  }
0x2f: {  	[hbm4b:s9+s2] =	stream.linear.scatter [tilespmem:s19], [sflag:$0x6], $0x2800, $0x38;
	[tilespmem:$0x8800] =	vst v63  }
0x30: {  	_ =	swait.ge [sflag:s17], $0x2800  }
0x31: {  	[sflag:s17] =	ssyncset.done $0x0  }
0x32: {  	s22 =	simm.s32 $0x1D00;
	[sflag:s17] =	ssyncadd.s32 $0xFFFFD800  }
0x33: {  	[tilespmem:s16], [sflag:$0x3] =	stream.indirect.gather.add.f32 [hbm:s4], $0x80, s22, s15, $0xb8;
	[tilespmem:$0x8800] =	vst v63  }
0x34: {  	_ =	swait.ge [sflag:s26], $0x2800  }
0x35: {  	[sflag:s26] =	ssyncset.done $0x0  }
0x36: {  	s1 =	simm.s32 $0x180;
	[sflag:s26] =	ssyncadd.s32 $0xFFFFD800  }
0x37: {  	[tilespmem:s19], [sflag:$0x2] =	stream.indirect.gather [hbm4b:s3+s15], $0x80, s1, s15, $0xb8;
	[tilespmem:$0x8800] =	vst v63  }
0x38: {  	_ =	swait.ge [sflag:s20], $0x2800  }
0x39: {  	[sflag:s20] =	ssyncset.done $0x0  }
0x3a: {  	[sflag:s20] =	ssyncadd.s32 $0xFFFFD800  }
0x3b: {  	[hbm4b:s12+s2] =	stream.linear.scatter [tilespmem:s16], [sflag:$0x5], $0x2800, $0x38;
	[tilespmem:$0x8800] =	vst v63  }
0x3c: {  	_ =	swait.ge [sflag:s21], $0x2800  }
0x3d: {  	[sflag:s21] =	ssyncset.done $0x0  }
0x3e: {  	s18 =	simm.s32 $0x1D80;
	[sflag:s21] =	ssyncadd.s32 $0xFFFFD800  }
0x3f: {  	[tilespmem:s19], [sflag:$0x4] =	stream.indirect.gather.add.f32 [hbm:s4], $0x80, s18, s15, $0xb8;
	[tilespmem:$0x8800] =	vst v63  }
0x40: {  	_ =	swait.ge [sflag:s23], $0x2800  }
0x41: {  	[sflag:s23] =	ssyncset.done $0x0  }
0x42: {  	s22 =	simm.s32 $0x200;
	[sflag:s23] =	ssyncadd.s32 $0xFFFFD800  }
0x43: {  	[tilespmem:s16], [sflag:$0x1] =	stream.indirect.gather [hbm4b:s3+s15], $0x80, s22, s15, $0xb8;
	[tilespmem:$0x8800] =	vst v63  }
0x44: {  	_ =	swait.ge [sflag:s25], $0x2800  }
0x45: {  	s0 =	sadd.s32 $0xA00, s12;
	[sflag:s25] =	ssyncset.done $0x0  }
0x46: {  	s1 =	simm.s32 $0x400;
	s18 =	sadd.s32 $0x500, s12;
	[sflag:s25] =	ssyncadd.s32 $0xFFFFD800  }
.LBB2_2:
0x47: {  	[hbm4b:s18+s2] =	stream.linear.scatter [tilespmem:s19], [sflag:$0x6], $0x2800, $0x38;
	[tilespmem:$0x8800] =	vst v63  }
0x48: {  	s18 =	smov.u32 s1  }
0x49: {  	p0 =	sne.s32 s1, $0x5800;
	s1 =	sadd.s32 $0x400, s1;
	_ =	swait.ge [sflag:s17], $0x2800  }
0x4a: {  	s18 =	sshra.s32 s18, $0x2;
	[sflag:s17] =	ssyncset.done $0x0  }
0x4b: {  	s22 =	sadd.s32 $0x1D00, s18;
	[sflag:s17] =	ssyncadd.s32 $0xFFFFD800  }
0x4c: {  	[tilespmem:s16], [sflag:$0x3] =	stream.indirect.gather.add.f32 [hbm:s4], $0x80, s22, s15, $0xb8;
	[tilespmem:$0x8800] =	vst v63  }
0x4d: {  	_ =	swait.ge [sflag:s26], $0x2800  }
0x4e: {  	[sflag:s26] =	ssyncset.done $0x0  }
0x4f: {  	s22 =	sadd.s32 $0x180, s18;
	[sflag:s26] =	ssyncadd.s32 $0xFFFFD800  }
0x50: {  	[tilespmem:s19], [sflag:$0x2] =	stream.indirect.gather [hbm4b:s3+s15], $0x80, s22, s15, $0xb8;
	[tilespmem:$0x8800] =	vst v63  }
0x51: {  	_ =	swait.ge [sflag:s20], $0x2800  }
0x52: {  	[sflag:s20] =	ssyncset.done $0x0  }
0x53: {  	[sflag:s20] =	ssyncadd.s32 $0xFFFFD800  }
0x54: {  	[hbm4b:s0+s2] =	stream.linear.scatter [tilespmem:s16], [sflag:$0x5], $0x2800, $0x38;
	[tilespmem:$0x8800] =	vst v63  }
0x55: {  	_ =	swait.ge [sflag:s21], $0x2800  }
0x56: {  	[sflag:s21] =	ssyncset.done $0x0  }
0x57: {  	s22 =	sadd.s32 $0x1D80, s18;
	[sflag:s21] =	ssyncadd.s32 $0xFFFFD800  }
0x58: {  	[tilespmem:s19], [sflag:$0x4] =	stream.indirect.gather.add.f32 [hbm:s4], $0x80, s22, s15, $0xb8;
	[tilespmem:$0x8800] =	vst v63  }
0x59: {  	_ =	swait.ge [sflag:s23], $0x2800  }
0x5a: {  	[sflag:s23] =	ssyncset.done $0x0  }
.Ltmp0:
0x5b: {  	s18 =	sadd.s32 $0x200, s18;
	[sflag:s23] =	ssyncadd.s32 $0xFFFFD800;
	(pc) =	sbr.rel @p0 .LBB2_2-.Ltmp0, $4  }
0x5c: {  	[tilespmem:s16], [sflag:$0x1] =	stream.indirect.gather [hbm4b:s3+s15], $0x80, s18, s15, $0xb8;
	[tilespmem:$0x8800] =	vst v63  }
0x5d: {  	_ =	swait.ge [sflag:s25], $0x2800  }
0x5e: {  	[sflag:s25] =	ssyncset.done $0x0  }
0x5f: {  	s18 =	sadd.s32 $0x500, s0;
	s0 =	sadd.s32 $0xA00, s0;
	[sflag:s25] =	ssyncadd.s32 $0xFFFFD800  }
0x60: {  	[hbm4b:s18+s2] =	stream.linear.scatter [tilespmem:s19], [sflag:$0x6], $0x2800, $0x38;
	[tilespmem:$0x8800] =	vst v63  }
0x61: {  	_ =	swait.ge [sflag:s17], $0x2800  }
0x62: {  	[sflag:s17] =	ssyncset.done $0x0  }
0x63: {  	[sflag:s17] =	ssyncadd.s32 $0xFFFFD800  }
0x64: {  	[tilespmem:s16], [sflag:$0x3] =	stream.indirect.gather.add.f32 [hbm:s4], $0x80, s28, s15, $0xb8;
	[tilespmem:$0x8800] =	vst v63  }
0x65: {  	_ =	swait.ge [sflag:s26], $0x2800  }
0x66: {  	[sflag:s26] =	ssyncset.done $0x0  }
0x67: {  	[sflag:s26] =	ssyncadd.s32 $0xFFFFD800  }
0x68: {  	[tilespmem:s19], [sflag:$0x2] =	stream.indirect.gather [hbm4b:s3+s15], $0x80, s29, s15, $0xb8;
	[tilespmem:$0x8800] =	vst v63  }
0x69: {  	_ =	swait.ge [sflag:s20], $0x2800  }
0x6a: {  	[sflag:s20] =	ssyncset.done $0x0  }
0x6b: {  	[sflag:s20] =	ssyncadd.s32 $0xFFFFD800  }
0x6c: {  	[hbm4b:s10+s2] =	stream.linear.scatter [tilespmem:s16], [sflag:$0x5], $0x2800, $0x38;
	[tilespmem:$0x8800] =	vst v63  }
0x6d: {  	_ =	swait.ge [sflag:s21], $0x2800  }
0x6e: {  	[sflag:s21] =	ssyncset.done $0x0  }
0x6f: {  	[sflag:s21] =	ssyncadd.s32 $0xFFFFD800  }
0x70: {  	[tilespmem:s19], [sflag:$0x4] =	stream.indirect.gather.add.f32 [hbm:s4], $0x80, s30, s15, $0xb8;
	[tilespmem:$0x8800] =	vst v63  }
0x71: {  	_ =	swait.ge [sflag:s23], $0x2800  }
0x72: {  	[sflag:s23] =	ssyncset.done $0x0  }
0x73: {  	[sflag:s23] =	ssyncadd.s32 $0xFFFFD800  }
0x74: {  	s31 =	sadd.s32 $0x1, s31;
	_ =	swait.ge [sflag:s25], $0x2800  }
0x75: {  	p0 =	sne.s32 s31, s8;
	[sflag:s25] =	ssyncset.done $0x0  }
.Ltmp1:
0x76: {  	[sflag:s25] =	ssyncadd.s32 $0xFFFFD800;
	(pc) =	sbr.rel @p0 .LBB2_1-.Ltmp1, $4  }
0x77: {  	[hbm4b:s11+s2] =	stream.linear.scatter [tilespmem:s19], [sflag:$0x6], $0x2800, $0x38;
	[tilespmem:$0x8800] =	vst v63  }
0x78: {  	_ =	swait.ge [sflag:s26], $0x2800  }
0x79: {  	[sflag:s26] =	ssyncset.done $0x0  }
0x7a: {  	[sflag:s26] =	ssyncadd.s32 $0xFFFFD800  }
0x7b: {  	_ =	sfence.sel $0x180000  }
0x7c: {  	[bflag:$0x0] =	sbarrier.arrive $0xFFFF  }
0x7d: {  	_ =	strace $0x9000004A  }
0x7e: {  	s0 =	stileid.u32;
	[bflag:$0x2] =	sbarrier.arrive $0xFFFF  }
0x7f: {  	p0 =	sne.s32 s0, $0x0;
	s0 =	rddreg [dreg:$0x1]  }
0x80: {  	s0 =	sadd.s32 @!p0 $0x100000, s0  }
0x81: {  	[sflag:s0] =	ssyncadd.tile.s32 @!p0 $0x1;
	_ =	shalt  }
.Lfunc_end2:
_tile_overlayer_lowered:
.L_overlay_start_2:
0x82: {  	(tag) =	ssettag $0x2  }
0x83: {  	s0 =	rddreg [dreg:$0x0];
	s2 =	stileid.u32  }
0x84: {  	s1 =	rddreg [dreg:$0x1];
	p0 =	sne.s32 s2, $0x0  }
0x85: {  	s3 =	rddreg [dreg:$0x2];
	[bflag:$0x3] =	sbarrier.arrive $0xFFFF;
	s2 =	simm.s32 @!p0 $0x1C07  }
0x86: {  	[timem:s3], [sflag:s2] =	dma.local @!p0 [hbm:s0], s1  }
0x87: {  	s0 =	simm.s32 @!p0 $0x7  }
0x88: {  	_ =	swait.ge @!p0 [sflag:s0], s1  }
0x89: {  	s1 =	ssub.s32 @!p0 $0x0, s1;
	[sflag:s0] =	ssyncset.done @!p0 $0x0  }
0x8a: {  	[sflag:s0] =	ssyncadd.s32 @!p0 s1  }
0x8b: {  	[bflag:$0x3] =	sbarrier.arrive $0xFFFF  }
0x8c: {  	_ =	shalt  }

// kernel: kernel.17.cloned.1.call-start
scs
__scs_entry_jumppad:
0x0: {  	(pc) =	sbr.rel $0x88, $3  }
0x1: {  	(tag) =	ssettag $0x0;
	lr =	simm.s32 $0x1  }
0x2: {  	[smem:$0x3F98] =	sst lr;
	_ =	strace $0xD0000000  }
0x3: {  	_ = 	snop  }
0x4: {  	_ = 	snop  }
0x5: {  	_ = 	snop  }
0x6: {  	_ = 	snop  }
0x7: {  	_ = 	snop  }
__scs_overlays_trampoline_lowered:
0x8: {  	[smem:$0x3FA7] =	sst s0  }
0x9: {  	[smem:$0x3FA8] =	sst s1  }
0xa: {  	[smem:$0x3FA9] =	sst s2  }
0xb: {  	[smem:$0x3FAA] =	sst s3  }
0xc: {  	[smem:$0x3FAB] =	sst s4  }
0xd: {  	[smem:$0x3FAC] =	sst s5  }
0xe: {  	[smem:$0x3FAD] =	sst s6  }
0xf: {  	[smem:$0x3FAE] =	sst s7  }
0x10: {  	[smem:$0x3FAF] =	sst s8  }
0x11: {  	[smem:$0x3FB0] =	sst s9;
	s0 =	simm.s32 @!p0 $0x0  }
0x12: {  	s1 =	sld [smem:$0x3F96];
	s0 =	simm.s32 @p0 $0x1  }
0x13: {  	[smem:$0x3FB1] =	sst s0;
	s0 =	simm.s32 @!p1 $0x0  }
0x14: {  	s2 =	sld [smem:$0x3F95];
	s0 =	simm.s32 @p1 $0x1  }
0x15: {  	[smem:$0x3FB2] =	sst s0;
	s0 =	simm.s32 @!p2 $0x0  }
0x16: {  	s3 =	sld [smem:$0x3FDB];
	s0 =	simm.s32 @p2 $0x1  }
0x17: {  	s4 =	simm.s32 $0x1BF5;
	[smem:$0x3FB4] =	sst s0  }
0x18: {  	s0 =	sld [smem:$0x3F97];
	_ =	swait.ge [sflag:s4], $0x0  }
0x19: {  	s7 =	sld [smem:$0x3F98]  }
0x1a: {  	s8 =	sadd.s32 $0xFFFFE003, lr  }
0x1b: {  	s9 =	sadd.s32 $0xFFFFFEF7, lr;
	s5 =	simm.s32 $0xFFFFFFFF;
	p2 =	slt.u32 s8, $0xFFFFF086  }
0x1c: {  	p1 =	slt.u32 s9, $0xF7A;
	s5 =	simm.s32 @!p2 $0x0  }
0x1d: {  	s5 =	simm.s32 @p1 $0x1;
	p0 =	seq.s32 s7, s2  }
0x1e: {  	s7 =	smul.u32 @!p0 $0xF7A, s2;
	p2 =	seq.s32 @!p0 s5, $0x0  }
0x1f: {  	s9 =	smul.u32 $0xF7A, s1;
	s8 =	simm.s32 @!p0 $0x1BF5;
	p2 =	por !p2, p0  }
0x20: {  	[sflag:s8] =	ssyncset.s32 @!p0 $0xFFFFF086;
	s6 =	sadd.s32 @!p0 s3, s7;
	s7 =	simm.s32 @!p0 $0x108  }
0x21: {  	s3 =	sadd.s32 s3, s9;
	s6 =	sadd.s32 @!p0 $0x88, s6;
	s7 =	simm.s32 @p2 $0x1082  }
0x22: {  	[simem:s7], [sflag:s8] =	dma.local @!p0 [hbm:s6], $0xF7A  }
0x23: {  	s9 =	sor.u32 $0xD0000000, s2;
	s6 =	simm.s32 $0x108;
	_ =	swait.ge @!p0 [sflag:s8], $0x0  }
0x24: {  	s3 =	sadd.s32 $0x88, s3;
	s6 =	simm.s32 @!p1 $0x1082;
	[sflag:s4] =	ssyncset.s32 $0xFFFFF086  }
0x25: {  	[simem:s6], [sflag:s4] =	dma.local [hbm:s3], $0xF7A  }
0x26: {  	[smem:$0x3F98] =	sst s1;
	(tag) =	ssettag s2;
	_ =	strace s9  }
0x27: {  	s1 =	sld [smem:$0x3FA8]  }
0x28: {  	s2 =	sld [smem:$0x3FA9]  }
0x29: {  	s4 =	sld [smem:$0x3FAB]  }
0x2a: {  	p0 =	seq.s32 s5, $0x0;
	s5 =	sld [smem:$0x3FAC]  }
0x2b: {  	s6 =	sld [smem:$0x3FAD]  }
0x2c: {  	s7 =	sld [smem:$0x3FAE]  }
0x2d: {  	s3 =	simm.s32 $0x108;
	s8 =	sld [smem:$0x3FAF]  }
0x2e: {  	s3 =	simm.s32 @!p0 $0x1082;
	s9 =	sld [smem:$0x3FB0]  }
0x2f: {  	lr =	sadd.s32 s0, s3;
	s0 =	sld [smem:$0x3FA7]  }
0x30: {  	s3 =	sld [smem:$0x3FAA]  }
0x31: {  	[smem:$0x3FB3] =	sst s10  }
0x32: {  	s10 =	sld [smem:$0x3FB1];
	_ =	sdelay $0x3  }
0x33: {  	p0 =	seq.s32 s10, $0x1;
	s10 =	sld [smem:$0x3FB3];
	_ =	sdelay $0x3  }
0x34: {  	[smem:$0x3FB3] =	sst s10  }
0x35: {  	s10 =	sld [smem:$0x3FB2];
	_ =	sdelay $0x3  }
0x36: {  	p1 =	seq.s32 s10, $0x1;
	s10 =	sld [smem:$0x3FB3];
	_ =	sdelay $0x3  }
0x37: {  	[smem:$0x3FB3] =	sst s10  }
0x38: {  	s10 =	sld [smem:$0x3FB4]  }
0x39: {  	_ = 	snop;
	(pc) =	sbr.ind lr, $3  }
0x3a: {  	_ = 	snop  }
0x3b: {  	_ = 	snop  }
0x3c: {  	p2 =	seq.s32 s10, $0x1;
	s10 =	sld [smem:$0x3FB3]  }
0x3d: {  	_ =	shalt  }
0x3e: {  	_ =	shalt  }
0x3f: {  	_ =	shalt  }
0x40: {  	_ =	shalt  }
0x41: {  	_ =	shalt  }
0x42: {  	_ =	shalt  }
0x43: {  	_ =	shalt  }
0x44: {  	_ =	shalt  }
0x45: {  	_ =	shalt  }
0x46: {  	_ =	shalt  }
0x47: {  	_ =	shalt  }
0x48: {  	_ =	shalt  }
0x49: {  	_ =	shalt  }
0x4a: {  	_ =	shalt  }
0x4b: {  	_ =	shalt  }
0x4c: {  	_ =	shalt  }
0x4d: {  	_ =	shalt  }
0x4e: {  	_ =	shalt  }
0x4f: {  	_ =	shalt  }
0x50: {  	_ =	shalt  }
0x51: {  	_ =	shalt  }
0x52: {  	_ =	shalt  }
0x53: {  	_ =	shalt  }
0x54: {  	_ =	shalt  }
0x55: {  	_ =	shalt  }
0x56: {  	_ =	shalt  }
0x57: {  	_ =	shalt  }
0x58: {  	_ =	shalt  }
0x59: {  	_ =	shalt  }
0x5a: {  	_ =	shalt  }
0x5b: {  	_ =	shalt  }
0x5c: {  	_ =	shalt  }
0x5d: {  	_ =	shalt  }
0x5e: {  	_ =	shalt  }
0x5f: {  	_ =	shalt  }
0x60: {  	_ =	shalt  }
0x61: {  	_ =	shalt  }
0x62: {  	_ =	shalt  }
0x63: {  	_ =	shalt  }
0x64: {  	_ =	shalt  }
0x65: {  	_ =	shalt  }
0x66: {  	_ =	shalt  }
0x67: {  	_ =	shalt  }
0x68: {  	_ =	shalt  }
0x69: {  	_ =	shalt  }
0x6a: {  	_ =	shalt  }
0x6b: {  	_ =	shalt  }
0x6c: {  	_ =	shalt  }
0x6d: {  	_ =	shalt  }
0x6e: {  	_ =	shalt  }
0x6f: {  	_ =	shalt  }
0x70: {  	_ =	shalt  }
0x71: {  	_ =	shalt  }
0x72: {  	_ =	shalt  }
0x73: {  	_ =	shalt  }
0x74: {  	_ =	shalt  }
0x75: {  	_ =	shalt  }
0x76: {  	_ =	shalt  }
0x77: {  	_ =	shalt  }
0x78: {  	_ =	shalt  }
0x79: {  	_ =	shalt  }
0x7a: {  	_ =	shalt  }
0x7b: {  	_ =	shalt  }
0x7c: {  	_ =	shalt  }
0x7d: {  	_ =	shalt  }
0x7e: {  	_ =	shalt  }
0x7f: {  	_ =	shalt  }
0x80: {  	_ =	shalt  }
0x81: {  	_ =	shalt  }
0x82: {  	_ =	shalt  }
0x83: {  	_ =	shalt  }
0x84: {  	_ =	shalt  }
0x85: {  	_ =	shalt  }
0x86: {  	_ =	shalt  }
0x87: {  	_ =	shalt  }
.Lfunc_end0:
.L_simem_size_0:
called_computation.2_lowered:
.L_overlay_start_0:
0x88: {  	s2 =	sld [smem:$0x3FD9]  }
0x89: {  	s3 =	sld [smem:$0x3FFE];
	_ =	sdelay $0x1  }
0x8a: {  	s1 =	srdreg.scid  }
0x8b: {  	s0 =	sand.u32 $0x1, s1  }
0x8c: {  	s15 =	sshll.u32 s0, $0xA;
	s2 =	sadd.s32 s3, s2  }
0x8d: {  	s2 =	sadd.s32 s2, s15  }
0x8e: {  	[smem:$0x3FBF] =	sst s2  }
0x8f: {  	_ = 	snop  }
0x90: {  	s2 =	sld [smem:$0x3FD0];
	_ =	sdelay $0x2  }
0x91: {  	s16 =	simm.s32 $0xC;
	s4 =	simm.s32 $0x10  }
0x92: {  	[smem:s4], [sflag:s16] =	dma.local [hbm:s2], $0x1  }
0x93: {  	_ =	swait.eq [sflag:s16], $0x1  }
0x94: {  	[sflag:s16] =	ssyncset.done $0x0  }
0x95: {  	[sflag:s16] =	ssyncadd.s32 $0xFFFFFFFF  }
0x96: {  	s17 =	sld [smem:$0x10];
	(tm) =	ssettm $0x1  }
0x97: {  	s18 =	sld [smem:$0x3FFB];
	_ =	sdelay $0x3  }
0x98: {  	_ =	strace s18  }
0x99: {  	s2 =	sld [smem:$0x3FFC];
	_ =	sdelay $0x3  }
0x9a: {  	_ =	strace s2  }
0x9b: {  	s2 =	sld [smem:$0x3FFD];
	_ =	sdelay $0x3  }
0x9c: {  	_ =	strace s2  }
0x9d: {  	_ =	strace $0x8FFFFFFF  }
0x9e: {  	s19 =	sld [smem:$0x3FDB];
	_ =	sdelay $0x1  }
0x9f: {  	s20 =	simm.s32 $_scs_section_size  }
0xa0: {  	s5 =	simm.s32 $_size__tile_overlayer_lowered;
	s6 =	simm.s32 $_tile_overlayer_lowered  }
0xa1: {  	s7 =	simm.s32 $0x1BFF;
	s21 =	sshll.u32 s6, $0x1;
	s4 =	sadd.s32 s20, s19  }
0xa2: {  	s22 =	simm.s32 $0x0;
	s5 =	sshll.u32 s5, $0x1;
	s6 =	sadd.s32 s21, s4  }
0xa3: {  	[timem:s22], [sflag:s7] =	dma.local [hbm:s6], s5  }
0xa4: {  	_ =	swait.ge [sflag:s7], s5  }
0xa5: {  	s5 =	ssub.s32 $0x0, s5;
	[sflag:s7] =	ssyncset.done $0x0  }
0xa6: {  	[sflag:s7] =	ssyncadd.s32 s5;
	_ =	sdelay $0x1  }
0xa7: {  	s23 =	simm.s32 $0x1B8B  }
0xa8: {  	_ =	swait.ge [sflag:s23], $0x1  }
0xa9: {  	[sflag:s23] =	ssyncset.done $0x0  }
0xaa: {  	[sflag:s23] =	ssyncadd.s32 $0xFFFFFFFF  }
0xab: {  	s5 =	sld [smem:$0x0]  }
0xac: {  	s6 =	sand.u32 $0xFFFFFFFE, s1  }
0xad: {  	p0 =	sne.s32 s1, s6  }
0xae: {  	s6 =	sshll.u32 @p0 s6, $0xE  }
0xaf: {  	s6 =	sadd.s32 @p0 $0x11B8D, s6;
	s7 =	sshll.u32 @p0 s5, $0x11  }
0xb0: {  	s6 =	sor.u32 @p0 s7, s6  }
0xb1: {  	[sflag:s6] =	ssyncadd.remote.s32 @p0 $0x1;
	_ =	sdelay $0x1  }
0xb2: {  	s6 =	simm.s32 @p0 $0x1B8D  }
0xb3: {  	_ =	swait.eq @p0 [sflag:s6], $0x1  }
0xb4: {  	[sflag:s6] =	ssyncadd.s32 @p0 $0xFFFFFFFF  }
0xb5: {  	s7 =	sshll.u32 @!p0 s1, $0xE  }
0xb6: {  	s7 =	sor.u32 @!p0 $0x4000, s7;
	s6 =	simm.s32 @!p0 $0x1B8D  }
0xb7: {  	s5 =	sshll.u32 @!p0 s5, $0x11;
	s7 =	sadd.s32 @!p0 $0x11B8D, s7;
	_ =	swait.eq @!p0 [sflag:s6], $0x1  }
0xb8: {  	s5 =	sor.u32 @!p0 s5, s7;
	[sflag:s6] =	ssyncadd.s32 @!p0 $0xFFFFFFFF  }
0xb9: {  	s25 =	simm.s32 $0x1B8E;
	s24 =	sld [smem:$0x3FFE];
	[sflag:s5] =	ssyncadd.remote.s32 @!p0 $0x1  }
0xba: {  	s26 =	simm.s32 $execute0_lowered;
	[smem:$0x3FD2] =	sst s25  }
0xbb: {  	s6 =	sshll.u32 s26, $0x1;
	_ =	strace $0x8000004C;
	[dreg:$0x1] =	wrdreg $0xFFFFFFFF  }
0xbc: {  	s28 =	simm.s32 $_size_execute0_lowered;
	s4 =	sadd.s32 s4, s6;
	[dreg:$0x0] =	wrdreg $0x0  }
0xbd: {  	s6 =	sshll.u32 s28, $0x1;
	[dreg:$0x2] =	wrdreg s4  }
0xbe: {  	[dreg:$0x3] =	wrdreg s6  }
0xbf: {  	[dreg:$0x4] =	wrdreg $0xC0  }
0xc0: {  	_ =	task [dreg:s22], $0x5FFFF  }
0xc1: {  	[dreg:$0x1] =	wrdreg $0xFFFFFFFF  }
0xc2: {  	[dreg:$0x0] =	wrdreg $0x60  }
0xc3: {  	[dreg:$0x2] =	wrdreg s17  }
0xc4: {  	[dreg:$0x3] =	wrdreg s24  }
0xc5: {  	[dreg:$0x4] =	wrdreg $0x91000  }
0xc6: {  	[dreg:$0x5] =	wrdreg $0x9  }
0xc7: {  	_ =	task.clear_ibuf [dreg:s22], $0x6FFFF;
	_ =	strace $0x9000004C  }
0xc8: {  	s29 =	simm.s32 $0x9;
	_ =	strace $0x8000004E  }
0xc9: {  	_ =	swait.ge [sflag:s29], $0x1  }
0xca: {  	[sflag:s29] =	ssyncadd.s32 $0xFFFFFFFF  }
0xcb: {  	_ =	strace $0x9000004E  }
0xcc: {  	_ =	sfence  }
0xcd: {  	s30 =	sld [smem:$0x0];
	_ =	sdelay $0x2  }
0xce: {  	s31 =	sshll.u32 s1, $0xD;
	s1 =	sshrl.u32 s1, $0x2  }
0xcf: {  	s4 =	sand.u32 $0x4000, s31;
	s1 =	sadd.s32 s1, s30  }
0xd0: {  	s0 =	sor.u32 s4, s0;
	s1 =	sshll.u32 s1, $0x11  }
0xd1: {  	s0 =	sor.u32 s1, s0  }
0xd2: {  	s0 =	sadd.s32 $0x8F2B, s0  }
0xd3: {  	[sflag:s0] =	ssyncadd.remote.s32 $0x1  }
0xd4: {  	_ =	sfence.sel $0xFFFF  }
0xd5: {  	[dreg:$0x0] =	wrdreg $0xFFFFFFFF;
	(pc) =	sbr.abs _section_cstart, $3  }
0xd6: {  	[dreg:$0x1] =	wrdreg $0xFFFFFFFF  }
0xd7: {  	_ =	task.clear_ibuf [dreg:s22], $0x2FFFF;
	_ =	strace $0x9FFFFFFF  }
0xd8: {  	(tm) =	ssettm $0x7FFFFFFF  }
0xd9: {  	_ =	shalt  }
tec
execute0_lowered:
.L_overlay_start_1:
0x0: {  	(tag) =	ssettag $0x1  }
0x1: {  	s1 =	rddreg [dreg:$0x0]  }
0x2: {  	s0 =	rddreg [dreg:$0x1]  }
0x3: {  	s3 =	rddreg [dreg:$0x2]  }
0x4: {  	s2 =	srdreg.scid;
	s20 =	stileid.u32  }
0x5: {  	s4 =	simm.s32 $0x0;
	s28 =	simm.s32 $0x4;
	s29 =	simm.s32 $0x6900  }
0x6: {  	s30 =	simm.s32 $0x2;
	s31 =	simm.s32 $0x0;
	s2 =	sand.u32 $0x1, s2  }
0x7: {  	s5 =	sshll.u32 s20, $0xF;
	[smem:$0x7FF] =	sst s4;
	s10 =	smul.u32 $0x4E000, s20  }
0x8: {  	s12 =	smul.u32 $0x13800, s20;
	s13 =	sadd.s32 $0x56A000, s0;
	s17 =	sshll.u32 s20, $0x3  }
0x9: {  	s22 =	sshll.u32 s20, $0x6;
	p0 =	sgt.u32 s20, $0x1;
	s20 =	simm.s32 $0x7  }
0xa: {  	s6 =	sshll.u32 s2, $0xE;
	_ =	strace $0x8000004D;
	s8 =	ssub.s32 $0x2, s2  }
0xb: {  	s21 =	sor.u32 $0x2700, s17;
	s2 =	smul.u32 $0x138800, s2;
	s5 =	sor.u32 s6, s5  }
0xc: {  	s6 =	sadd.s32 $0x55A000, s0;
	s11 =	sshrl.u32 s8, $0x1;
	s14 =	sshrl.u32 s10, $0x2  }
0xd: {  	s15 =	sshrl.u32 s12, $0x3;
	s10 =	sshll.u32 s21, $0x4;
	s7 =	sshrl.u32 s5, $0x3  }
0xe: {  	s16 =	ssub.s32 s8, s11;
	s19 =	sadd.s32 s14, s3;
	s18 =	sadd.s32 s13, s15  }
0xf: {  	s14 =	sshll.u32 s21, $0x7;
	s8 =	sor.u32 $0x1C07, s22;
	s10 =	sadd.s32 s13, s10  }
0x10: {  	s24 =	sadd.s32 s12, s2;
	s21 =	simm.s32 $0x4000;
	s22 =	simm.s32 $0x3  }
0x11: {  	s9 =	sadd.s32 s7, s0;
	s0 =	sadd.s32 $0x591200, s0;
	[dreg:$0x4] =	wrdreg s18  }
0x12: {  	s23 =	sadd.s32 s14, s3;
	[dreg:$0x6] =	wrdreg s10;
	s12 =	sadd.s32 s6, s7  }
0x13: {  	s25 =	sshrl.u32 s24, $0x3;
	s2 =	sadd.s32 s2, s14;
	s16 =	smax.u32 s16, $0x1  }
0x14: {  	s19 =	sshrl.u32 s19, $0x3;
	s24 =	simm.s32 $0x4100;
	[dreg:$0x5] =	wrdreg s23  }
.Ltmp0:
0x15: {  	s9 =	sadd.s32 $0x54A000, s9;
	s26 =	sadd.s32 $0x10, s12;
	(pc) =	sbr.rel .LBB2_1-.Ltmp0, $4  }
0x16: {  	s14 =	sadd.s32 s0, s25;
	s2 =	sshrl.u32 s2, $0x3;
	s17 =	sadd.s32 $0x20, s12  }
0x17: {  	s18 =	sadd.s32 $0x30, s12;
	s23 =	simm.s32 $0x50;
	[dreg:$0x7] =	wrdreg s9  }
0x18: {  	s25 =	simm.s32 $0x4080;
	[dreg:$0x8] =	wrdreg s26;
	s15 =	sadd.s32 s0, s2  }
0x19: {  	s26 =	simm.s32 $0x1;
	s0 =	simm.s32 $0x5;
	s2 =	simm.s32 $0x6  }
.LBB2_4:
0x1a: {  	_ =	swait.ge [sflag:s26], $0x2800  }
0x1b: {  	[sflag:s26] =	ssyncset.done $0x0  }
0x1c: {  	s9 =	simm.s32 $0x3E00;
	[sflag:s26] =	ssyncadd.s32 $0xFFFFD800  }
0x1d: {  	[spmem:s3] =	stream.indirect.scatter.add.f32 [tilespmem:s24], [sflag:$0x5], $0x80, s9, s23, $0xb8;
	[tilespmem:$0x1C980] =	vst v63  }
0x1e: {  	_ =	swait.ge [sflag:s2], $0x2800  }
0x1f: {  	[sflag:s2] =	ssyncset.done $0x0  }
0x20: {  	[sflag:s2] =	ssyncadd.s32 $0xFFFFD800  }
0x21: {  	_ =	swait.ge [sflag:s0], $0x2800  }
0x22: {  	[sflag:s0] =	ssyncset.done $0x0  }
0x23: {  	[sflag:s0] =	ssyncadd.s32 $0xFFFFD800  }
0x24: {  	[bflag:$0x0] =	sbarrier.arrive $0xFFFF  }
0x25: {  	[hbm:s14], [sflag:s8] =	dma.local [spmem:s19], $0x2700  }
0x26: {  	_ =	swait.ge [sflag:s20], $0x2700  }
0x27: {  	s31 =	sadd.s32 $0x1, s31;
	[sflag:s20] =	ssyncset.done $0x0  }
0x28: {  	p1 =	sne.s32 s31, s16;
	[sflag:s20] =	ssyncadd.s32 $0xFFFFD900  }
0x29: {  	[hbm:s15], [sflag:s8] =	dma.local @!p0 [spmem:s7], $0x80  }
.Ltmp1:
0x2a: {  	_ = 	snop;
	(pc) =	sbr.rel @!p1 .LBB2_5-.Ltmp1, $4  }
0x2b: {  	s7 =	simm.s32 @!p0 $0x7  }
0x2c: {  	_ =	swait.ge @!p0 [sflag:s7], $0x80  }
0x2d: {  	[sflag:s7] =	ssyncset.done @!p0 $0x0  }
0x2e: {  	[sflag:s7] =	ssyncadd.s32 @!p0 $0xFFFFFF80  }
.LBB2_1:
0x2f: {  	s7 =	rddreg [dreg:$0x4]  }
0x30: {  	[spmem:s19], [sflag:s8] =	dma.local [hbm:s7], $0x2700  }
0x31: {  	_ =	swait.ge [sflag:s20], $0x2700  }
0x32: {  	[sflag:s20] =	ssyncset.done $0x0;
	s7 =	rddreg [dreg:$0x5]  }
0x33: {  	s9 =	rddreg [dreg:$0x6];
	[sflag:s20] =	ssyncadd.s32 $0xFFFFD900;
	s7 =	sshrl.u32 @!p0 s7, $0x3  }
0x34: {  	[spmem:s7], [sflag:s8] =	dma.local @!p0 [hbm:s9], $0x80  }
0x35: {  	s9 =	simm.s32 @!p0 $0x7  }
0x36: {  	_ =	swait.ge @!p0 [sflag:s9], $0x80  }
0x37: {  	[sflag:s9] =	ssyncset.done @!p0 $0x0  }
0x38: {  	s10 =	rddreg [dreg:$0x7];
	[sflag:s9] =	ssyncadd.s32 @!p0 $0xFFFFFF80  }
0x39: {  	[tilespmem:s4], [sflag:$0x7] =	stream.linear.gather [hbm4b:s10+s4], $0x3E80, $0x38;
	[tilespmem:$0x1C980] =	vst v63  }
0x3a: {  	_ =	swait.ge [sflag:s20], $0x3E80  }
0x3b: {  	[sflag:s20] =	ssyncset.done $0x0  }
0x3c: {  	[sflag:s20] =	ssyncadd.s32 $0xFFFFC180  }
0x3d: {  	[bflag:$0x0] =	sbarrier.arrive $0xFFFF  }
0x3e: {  	[tilespmem:s21], [sflag:$0x3] =	stream.linear.gather [hbm4b:s12+s4], $0x80, $0x38;
	[tilespmem:$0x1C980] =	vst v63  }
0x3f: {  	_ =	swait.ge [sflag:s22], $0x80  }
0x40: {  	[sflag:s22] =	ssyncset.done $0x0  }
0x41: {  	[sflag:s22] =	ssyncadd.s32 $0xFFFFFF80  }
0x42: {  	[tilespmem:s24], [sflag:$0x1] =	stream.indirect.gather [hbm4b:s1+s23], $0x80, s21, s23, $0xb8;
	[tilespmem:$0x1C980] =	vst v63  }
0x43: {  	s11 =	rddreg [dreg:$0x8]  }
0x44: {  	[tilespmem:s25], [sflag:$0x4] =	stream.linear.gather [hbm4b:s11+s4], $0x80, $0x38;
	[tilespmem:$0x1C980] =	vst v63  }
0x45: {  	_ =	swait.ge [sflag:s26], $0x2800  }
0x46: {  	[sflag:s26] =	ssyncset.done $0x0  }
0x47: {  	[sflag:s26] =	ssyncadd.s32 $0xFFFFD800  }
0x48: {  	[spmem:s3] =	stream.indirect.scatter.add.f32 [tilespmem:s24], [sflag:$0x5], $0x80, s4, s23, $0xb8;
	[tilespmem:$0x1C980] =	vst v63  }
0x49: {  	_ =	swait.ge [sflag:s28], $0x80  }
0x4a: {  	[sflag:s28] =	ssyncset.done $0x0  }
0x4b: {  	[sflag:s28] =	ssyncadd.s32 $0xFFFFFF80  }
0x4c: {  	[tilespmem:s29], [sflag:$0x2] =	stream.indirect.gather [hbm4b:s1+s23], $0x80, s25, s23, $0xb8;
	[tilespmem:$0x1C980] =	vst v63  }
0x4d: {  	_ = 	snop  }
0x4e: {  	[tilespmem:s21], [sflag:$0x3] =	stream.linear.gather [hbm4b:s17+s4], $0x80, $0x38;
	[tilespmem:$0x1C980] =	vst v63  }
0x4f: {  	_ =	swait.ge [sflag:s30], $0x2800  }
0x50: {  	[sflag:s30] =	ssyncset.done $0x0  }
0x51: {  	s13 =	simm.s32 $0x80;
	[sflag:s30] =	ssyncadd.s32 $0xFFFFD800  }
0x52: {  	[spmem:s3] =	stream.indirect.scatter.add.f32 [tilespmem:s29], [sflag:$0x6], $0x80, s13, s23, $0xb8;
	[tilespmem:$0x1C980] =	vst v63  }
0x53: {  	_ =	swait.ge [sflag:s22], $0x80  }
0x54: {  	[sflag:s22] =	ssyncset.done $0x0  }
0x55: {  	[sflag:s22] =	ssyncadd.s32 $0xFFFFFF80  }
0x56: {  	_ =	swait.ge [sflag:s0], $0x2800  }
0x57: {  	[sflag:s0] =	ssyncset.done $0x0  }
0x58: {  	[sflag:s0] =	ssyncadd.s32 $0xFFFFD800  }
0x59: {  	[tilespmem:s24], [sflag:$0x1] =	stream.indirect.gather [hbm4b:s1+s23], $0x80, s21, s23, $0xb8;
	[tilespmem:$0x1C980] =	vst v63  }
0x5a: {  	s9 =	simm.s32 $0x180;
	s10 =	simm.s32 $0x280  }
0x5b: {  	[tilespmem:s25], [sflag:$0x4] =	stream.linear.gather [hbm4b:s18+s4], $0x80, $0x38;
	[tilespmem:$0x1C980] =	vst v63  }
.LBB2_2:
0x5c: {  	_ =	swait.ge [sflag:s26], $0x2800  }
0x5d: {  	[sflag:s26] =	ssyncset.done $0x0  }
0x5e: {  	s11 =	sadd.s32 $0xFFFFFF80, s9;
	[sflag:s26] =	ssyncadd.s32 $0xFFFFD800  }
0x5f: {  	[spmem:s3] =	stream.indirect.scatter.add.f32 [tilespmem:s24], [sflag:$0x5], $0x80, s11, s23, $0xb8;
	[tilespmem:$0x1C980] =	vst v63  }
0x60: {  	_ =	swait.ge [sflag:s28], $0x80  }
0x61: {  	s11 =	sadd.s32 $0xFFFFFF80, s10;
	[sflag:s28] =	ssyncset.done $0x0  }
0x62: {  	s13 =	sand.u32 $0x7C00, s11;
	[sflag:s28] =	ssyncadd.s32 $0xFFFFFF80  }
0x63: {  	s11 =	sand.u32 $0x300, s11;
	s13 =	sadd.s32 s5, s13;
	_ =	swait.ge [sflag:s2], $0x2800  }
0x64: {  	s11 =	sor.u32 s11, s13;
	[sflag:s2] =	ssyncset.done $0x0  }
0x65: {  	s11 =	sshrl.u32 s11, $0x3;
	[sflag:s2] =	ssyncadd.s32 $0xFFFFD800  }
0x66: {  	[tilespmem:s29], [sflag:$0x2] =	stream.indirect.gather [hbm4b:s1+s23], $0x80, s25, s23, $0xb8;
	[tilespmem:$0x1C980] =	vst v63  }
0x67: {  	s11 =	sadd.s32 s6, s11  }
0x68: {  	[tilespmem:s21], [sflag:$0x3] =	stream.linear.gather [hbm4b:s11+s4], $0x80, $0x38;
	[tilespmem:$0x1C980] =	vst v63  }
0x69: {  	_ =	swait.ge [sflag:s30], $0x2800  }
0x6a: {  	[sflag:s30] =	ssyncset.done $0x0  }
0x6b: {  	[sflag:s30] =	ssyncadd.s32 $0xFFFFD800  }
0x6c: {  	[spmem:s3] =	stream.indirect.scatter.add.f32 [tilespmem:s29], [sflag:$0x6], $0x80, s9, s23, $0xb8;
	[tilespmem:$0x1C980] =	vst v63  }
0x6d: {  	_ =	swait.ge [sflag:s22], $0x80  }
0x6e: {  	p1 =	seq.s32 s10, $0x3E80;
	[sflag:s22] =	ssyncset.done $0x0  }
.Ltmp2:
0x6f: {  	[sflag:s22] =	ssyncadd.s32 $0xFFFFFF80;
	(pc) =	sbr.rel @p1 .LBB2_4-.Ltmp2, $4  }
0x70: {  	_ =	swait.ge [sflag:s0], $0x2800  }
0x71: {  	[sflag:s0] =	ssyncset.done $0x0  }
0x72: {  	[sflag:s0] =	ssyncadd.s32 $0xFFFFD800  }
0x73: {  	[tilespmem:s24], [sflag:$0x1] =	stream.indirect.gather [hbm4b:s1+s23], $0x80, s21, s23, $0xb8;
	[tilespmem:$0x1C980] =	vst v63  }
0x74: {  	s11 =	sand.u32 $0x7C00, s10  }
.Ltmp3:
0x75: {  	s13 =	sand.u32 $0x380, s10;
	s11 =	sadd.s32 s5, s11;
	(pc) =	sbr.rel .LBB2_2-.Ltmp3, $4  }
0x76: {  	s11 =	sor.u32 s13, s11  }
0x77: {  	s11 =	sshrl.u32 s11, $0x3  }
0x78: {  	s9 =	sadd.s32 $0x100, s9;
	s10 =	sadd.s32 $0x100, s10;
	s11 =	sadd.s32 s6, s11  }
0x79: {  	[tilespmem:s25], [sflag:$0x4] =	stream.linear.gather [hbm4b:s11+s4], $0x80, $0x38;
	[tilespmem:$0x1C980] =	vst v63  }
.LBB2_5:
0x7a: {  	_ =	sfence.sel $0x180000  }
0x7b: {  	[bflag:$0x0] =	sbarrier.arrive $0xFFFF  }
0x7c: {  	_ =	strace $0x9000004D  }
0x7d: {  	s0 =	stileid.u32;
	[bflag:$0x2] =	sbarrier.arrive $0xFFFF  }
0x7e: {  	p0 =	sne.s32 s0, $0x0;
	s0 =	rddreg [dreg:$0x3]  }
0x7f: {  	s0 =	sadd.s32 @!p0 $0x100000, s0  }
0x80: {  	[sflag:s0] =	ssyncadd.tile.s32 @!p0 $0x1;
	_ =	shalt  }
.Lfunc_end2:
_tile_overlayer_lowered:
.L_overlay_start_2:
0x81: {  	(tag) =	ssettag $0x2  }
0x82: {  	s0 =	rddreg [dreg:$0x0];
	s2 =	stileid.u32  }
0x83: {  	s1 =	rddreg [dreg:$0x1];
	p0 =	sne.s32 s2, $0x0  }
0x84: {  	s3 =	rddreg [dreg:$0x2];
	[bflag:$0x3] =	sbarrier.arrive $0xFFFF;
	s2 =	simm.s32 @!p0 $0x1C07  }
0x85: {  	[timem:s3], [sflag:s2] =	dma.local @!p0 [hbm:s0], s1  }
0x86: {  	s0 =	simm.s32 @!p0 $0x7  }
0x87: {  	_ =	swait.ge @!p0 [sflag:s0], s1  }
0x88: {  	s1 =	ssub.s32 @!p0 $0x0, s1;
	[sflag:s0] =	ssyncset.done @!p0 $0x0  }
0x89: {  	[sflag:s0] =	ssyncadd.s32 @!p0 s1  }
0x8a: {  	[bflag:$0x3] =	sbarrier.arrive $0xFFFF  }
0x8b: {  	_ =	shalt  }

// kernel: kernel.20.cloned.1.call-start
scs
__scs_entry_jumppad:
0x0: {  	(pc) =	sbr.rel $0x88, $3  }
0x1: {  	(tag) =	ssettag $0x0;
	lr =	simm.s32 $0x1  }
0x2: {  	[smem:$0x3F98] =	sst lr;
	_ =	strace $0xD0000000  }
0x3: {  	_ = 	snop  }
0x4: {  	_ = 	snop  }
0x5: {  	_ = 	snop  }
0x6: {  	_ = 	snop  }
0x7: {  	_ = 	snop  }
__scs_overlays_trampoline_lowered:
0x8: {  	[smem:$0x3FA7] =	sst s0  }
0x9: {  	[smem:$0x3FA8] =	sst s1  }
0xa: {  	[smem:$0x3FA9] =	sst s2  }
0xb: {  	[smem:$0x3FAA] =	sst s3  }
0xc: {  	[smem:$0x3FAB] =	sst s4  }
0xd: {  	[smem:$0x3FAC] =	sst s5  }
0xe: {  	[smem:$0x3FAD] =	sst s6  }
0xf: {  	[smem:$0x3FAE] =	sst s7  }
0x10: {  	[smem:$0x3FAF] =	sst s8  }
0x11: {  	[smem:$0x3FB0] =	sst s9;
	s0 =	simm.s32 @!p0 $0x0  }
0x12: {  	s1 =	sld [smem:$0x3F96];
	s0 =	simm.s32 @p0 $0x1  }
0x13: {  	[smem:$0x3FB1] =	sst s0;
	s0 =	simm.s32 @!p1 $0x0  }
0x14: {  	s2 =	sld [smem:$0x3F95];
	s0 =	simm.s32 @p1 $0x1  }
0x15: {  	[smem:$0x3FB2] =	sst s0;
	s0 =	simm.s32 @!p2 $0x0  }
0x16: {  	s3 =	sld [smem:$0x3FDB];
	s0 =	simm.s32 @p2 $0x1  }
0x17: {  	s4 =	simm.s32 $0x1BF5;
	[smem:$0x3FB4] =	sst s0  }
0x18: {  	s0 =	sld [smem:$0x3F97];
	_ =	swait.ge [sflag:s4], $0x0  }
0x19: {  	s7 =	sld [smem:$0x3F98]  }
0x1a: {  	s8 =	sadd.s32 $0xFFFFE003, lr  }
0x1b: {  	s9 =	sadd.s32 $0xFFFFFEF7, lr;
	s5 =	simm.s32 $0xFFFFFFFF;
	p2 =	slt.u32 s8, $0xFFFFF086  }
0x1c: {  	p1 =	slt.u32 s9, $0xF7A;
	s5 =	simm.s32 @!p2 $0x0  }
0x1d: {  	s5 =	simm.s32 @p1 $0x1;
	p0 =	seq.s32 s7, s2  }
0x1e: {  	s7 =	smul.u32 @!p0 $0xF7A, s2;
	p2 =	seq.s32 @!p0 s5, $0x0  }
0x1f: {  	s9 =	smul.u32 $0xF7A, s1;
	s8 =	simm.s32 @!p0 $0x1BF5;
	p2 =	por !p2, p0  }
0x20: {  	[sflag:s8] =	ssyncset.s32 @!p0 $0xFFFFF086;
	s6 =	sadd.s32 @!p0 s3, s7;
	s7 =	simm.s32 @!p0 $0x108  }
0x21: {  	s3 =	sadd.s32 s3, s9;
	s6 =	sadd.s32 @!p0 $0x88, s6;
	s7 =	simm.s32 @p2 $0x1082  }
0x22: {  	[simem:s7], [sflag:s8] =	dma.local @!p0 [hbm:s6], $0xF7A  }
0x23: {  	s9 =	sor.u32 $0xD0000000, s2;
	s6 =	simm.s32 $0x108;
	_ =	swait.ge @!p0 [sflag:s8], $0x0  }
0x24: {  	s3 =	sadd.s32 $0x88, s3;
	s6 =	simm.s32 @!p1 $0x1082;
	[sflag:s4] =	ssyncset.s32 $0xFFFFF086  }
0x25: {  	[simem:s6], [sflag:s4] =	dma.local [hbm:s3], $0xF7A  }
0x26: {  	[smem:$0x3F98] =	sst s1;
	(tag) =	ssettag s2;
	_ =	strace s9  }
0x27: {  	s1 =	sld [smem:$0x3FA8]  }
0x28: {  	s2 =	sld [smem:$0x3FA9]  }
0x29: {  	s4 =	sld [smem:$0x3FAB]  }
0x2a: {  	p0 =	seq.s32 s5, $0x0;
	s5 =	sld [smem:$0x3FAC]  }
0x2b: {  	s6 =	sld [smem:$0x3FAD]  }
0x2c: {  	s7 =	sld [smem:$0x3FAE]  }
0x2d: {  	s3 =	simm.s32 $0x108;
	s8 =	sld [smem:$0x3FAF]  }
0x2e: {  	s3 =	simm.s32 @!p0 $0x1082;
	s9 =	sld [smem:$0x3FB0]  }
0x2f: {  	lr =	sadd.s32 s0, s3;
	s0 =	sld [smem:$0x3FA7]  }
0x30: {  	s3 =	sld [smem:$0x3FAA]  }
0x31: {  	[smem:$0x3FB3] =	sst s10  }
0x32: {  	s10 =	sld [smem:$0x3FB1];
	_ =	sdelay $0x3  }
0x33: {  	p0 =	seq.s32 s10, $0x1;
	s10 =	sld [smem:$0x3FB3];
	_ =	sdelay $0x3  }
0x34: {  	[smem:$0x3FB3] =	sst s10  }
0x35: {  	s10 =	sld [smem:$0x3FB2];
	_ =	sdelay $0x3  }
0x36: {  	p1 =	seq.s32 s10, $0x1;
	s10 =	sld [smem:$0x3FB3];
	_ =	sdelay $0x3  }
0x37: {  	[smem:$0x3FB3] =	sst s10  }
0x38: {  	s10 =	sld [smem:$0x3FB4]  }
0x39: {  	_ = 	snop;
	(pc) =	sbr.ind lr, $3  }
0x3a: {  	_ = 	snop  }
0x3b: {  	_ = 	snop  }
0x3c: {  	p2 =	seq.s32 s10, $0x1;
	s10 =	sld [smem:$0x3FB3]  }
0x3d: {  	_ =	shalt  }
0x3e: {  	_ =	shalt  }
0x3f: {  	_ =	shalt  }
0x40: {  	_ =	shalt  }
0x41: {  	_ =	shalt  }
0x42: {  	_ =	shalt  }
0x43: {  	_ =	shalt  }
0x44: {  	_ =	shalt  }
0x45: {  	_ =	shalt  }
0x46: {  	_ =	shalt  }
0x47: {  	_ =	shalt  }
0x48: {  	_ =	shalt  }
0x49: {  	_ =	shalt  }
0x4a: {  	_ =	shalt  }
0x4b: {  	_ =	shalt  }
0x4c: {  	_ =	shalt  }
0x4d: {  	_ =	shalt  }
0x4e: {  	_ =	shalt  }
0x4f: {  	_ =	shalt  }
0x50: {  	_ =	shalt  }
0x51: {  	_ =	shalt  }
0x52: {  	_ =	shalt  }
0x53: {  	_ =	shalt  }
0x54: {  	_ =	shalt  }
0x55: {  	_ =	shalt  }
0x56: {  	_ =	shalt  }
0x57: {  	_ =	shalt  }
0x58: {  	_ =	shalt  }
0x59: {  	_ =	shalt  }
0x5a: {  	_ =	shalt  }
0x5b: {  	_ =	shalt  }
0x5c: {  	_ =	shalt  }
0x5d: {  	_ =	shalt  }
0x5e: {  	_ =	shalt  }
0x5f: {  	_ =	shalt  }
0x60: {  	_ =	shalt  }
0x61: {  	_ =	shalt  }
0x62: {  	_ =	shalt  }
0x63: {  	_ =	shalt  }
0x64: {  	_ =	shalt  }
0x65: {  	_ =	shalt  }
0x66: {  	_ =	shalt  }
0x67: {  	_ =	shalt  }
0x68: {  	_ =	shalt  }
0x69: {  	_ =	shalt  }
0x6a: {  	_ =	shalt  }
0x6b: {  	_ =	shalt  }
0x6c: {  	_ =	shalt  }
0x6d: {  	_ =	shalt  }
0x6e: {  	_ =	shalt  }
0x6f: {  	_ =	shalt  }
0x70: {  	_ =	shalt  }
0x71: {  	_ =	shalt  }
0x72: {  	_ =	shalt  }
0x73: {  	_ =	shalt  }
0x74: {  	_ =	shalt  }
0x75: {  	_ =	shalt  }
0x76: {  	_ =	shalt  }
0x77: {  	_ =	shalt  }
0x78: {  	_ =	shalt  }
0x79: {  	_ =	shalt  }
0x7a: {  	_ =	shalt  }
0x7b: {  	_ =	shalt  }
0x7c: {  	_ =	shalt  }
0x7d: {  	_ =	shalt  }
0x7e: {  	_ =	shalt  }
0x7f: {  	_ =	shalt  }
0x80: {  	_ =	shalt  }
0x81: {  	_ =	shalt  }
0x82: {  	_ =	shalt  }
0x83: {  	_ =	shalt  }
0x84: {  	_ =	shalt  }
0x85: {  	_ =	shalt  }
0x86: {  	_ =	shalt  }
0x87: {  	_ =	shalt  }
.Lfunc_end0:
.L_simem_size_0:
called_computation.3_lowered:
.L_overlay_start_0:
0x88: {  	s2 =	sld [smem:$0x3FD9]  }
0x89: {  	s3 =	sld [smem:$0x3FFE];
	_ =	sdelay $0x1  }
0x8a: {  	s1 =	srdreg.scid  }
0x8b: {  	s0 =	sand.u32 $0x1, s1  }
0x8c: {  	s15 =	sshll.u32 s0, $0xA;
	s2 =	sadd.s32 s3, s2  }
0x8d: {  	s2 =	sadd.s32 s2, s15  }
0x8e: {  	[smem:$0x3FBF] =	sst s2  }
0x8f: {  	_ = 	snop  }
0x90: {  	s2 =	sld [smem:$0x3FD0];
	_ =	sdelay $0x2  }
0x91: {  	s16 =	simm.s32 $0xC;
	s4 =	simm.s32 $0x10  }
0x92: {  	[smem:s4], [sflag:s16] =	dma.local [hbm:s2], $0x1  }
0x93: {  	_ =	swait.eq [sflag:s16], $0x1  }
0x94: {  	[sflag:s16] =	ssyncset.done $0x0  }
0x95: {  	[sflag:s16] =	ssyncadd.s32 $0xFFFFFFFF  }
0x96: {  	s17 =	sld [smem:$0x11];
	(tm) =	ssettm $0x1  }
0x97: {  	s18 =	sld [smem:$0x3FFB];
	_ =	sdelay $0x3  }
0x98: {  	_ =	strace s18  }
0x99: {  	s2 =	sld [smem:$0x3FFC];
	_ =	sdelay $0x3  }
0x9a: {  	_ =	strace s2  }
0x9b: {  	s2 =	sld [smem:$0x3FFD];
	_ =	sdelay $0x3  }
0x9c: {  	_ =	strace s2  }
0x9d: {  	_ =	strace $0x8FFFFFFF  }
0x9e: {  	s19 =	sld [smem:$0x3FDB];
	_ =	sdelay $0x1  }
0x9f: {  	s20 =	simm.s32 $_scs_section_size  }
0xa0: {  	s5 =	simm.s32 $_size__tile_overlayer_lowered;
	s6 =	simm.s32 $_tile_overlayer_lowered  }
0xa1: {  	s7 =	simm.s32 $0x1BFF;
	s21 =	sshll.u32 s6, $0x1;
	s4 =	sadd.s32 s20, s19  }
0xa2: {  	s22 =	simm.s32 $0x0;
	s5 =	sshll.u32 s5, $0x1;
	s6 =	sadd.s32 s21, s4  }
0xa3: {  	[timem:s22], [sflag:s7] =	dma.local [hbm:s6], s5  }
0xa4: {  	_ =	swait.ge [sflag:s7], s5  }
0xa5: {  	s5 =	ssub.s32 $0x0, s5;
	[sflag:s7] =	ssyncset.done $0x0  }
0xa6: {  	[sflag:s7] =	ssyncadd.s32 s5;
	_ =	sdelay $0x1  }
0xa7: {  	s23 =	simm.s32 $0x1B8B  }
0xa8: {  	_ =	swait.ge [sflag:s23], $0x1  }
0xa9: {  	[sflag:s23] =	ssyncset.done $0x0  }
0xaa: {  	[sflag:s23] =	ssyncadd.s32 $0xFFFFFFFF  }
0xab: {  	s5 =	sld [smem:$0x0]  }
0xac: {  	s6 =	sand.u32 $0xFFFFFFFE, s1  }
0xad: {  	p0 =	sne.s32 s1, s6  }
0xae: {  	s6 =	sshll.u32 @p0 s6, $0xE  }
0xaf: {  	s6 =	sadd.s32 @p0 $0x11B8D, s6;
	s7 =	sshll.u32 @p0 s5, $0x11  }
0xb0: {  	s6 =	sor.u32 @p0 s7, s6  }
0xb1: {  	[sflag:s6] =	ssyncadd.remote.s32 @p0 $0x1;
	_ =	sdelay $0x1  }
0xb2: {  	s6 =	simm.s32 @p0 $0x1B8D  }
0xb3: {  	_ =	swait.eq @p0 [sflag:s6], $0x1  }
0xb4: {  	[sflag:s6] =	ssyncadd.s32 @p0 $0xFFFFFFFF  }
0xb5: {  	s7 =	sshll.u32 @!p0 s1, $0xE  }
0xb6: {  	s7 =	sor.u32 @!p0 $0x4000, s7;
	s6 =	simm.s32 @!p0 $0x1B8D  }
0xb7: {  	s5 =	sshll.u32 @!p0 s5, $0x11;
	s7 =	sadd.s32 @!p0 $0x11B8D, s7;
	_ =	swait.eq @!p0 [sflag:s6], $0x1  }
0xb8: {  	s5 =	sor.u32 @!p0 s5, s7;
	[sflag:s6] =	ssyncadd.s32 @!p0 $0xFFFFFFFF  }
0xb9: {  	s25 =	simm.s32 $0x1B8E;
	s24 =	sld [smem:$0x3FFE];
	[sflag:s5] =	ssyncadd.remote.s32 @!p0 $0x1  }
0xba: {  	s26 =	simm.s32 $execute0_lowered;
	[smem:$0x3FD2] =	sst s25  }
0xbb: {  	s6 =	sshll.u32 s26, $0x1;
	_ =	strace $0x80000052;
	[dreg:$0x1] =	wrdreg $0xFFFFFFFF  }
0xbc: {  	s28 =	simm.s32 $_size_execute0_lowered;
	s4 =	sadd.s32 s4, s6;
	[dreg:$0x0] =	wrdreg $0x0  }
0xbd: {  	s6 =	sshll.u32 s28, $0x1;
	[dreg:$0x2] =	wrdreg s4  }
0xbe: {  	[dreg:$0x3] =	wrdreg s6  }
0xbf: {  	[dreg:$0x4] =	wrdreg $0xC0  }
0xc0: {  	_ =	task [dreg:s22], $0x5FFFF  }
0xc1: {  	[dreg:$0x1] =	wrdreg $0xFFFFFFFF  }
0xc2: {  	[dreg:$0x0] =	wrdreg $0x60  }
0xc3: {  	[dreg:$0x2] =	wrdreg s17  }
0xc4: {  	[dreg:$0x3] =	wrdreg s24  }
0xc5: {  	[dreg:$0x4] =	wrdreg $0x78000  }
0xc6: {  	[dreg:$0x5] =	wrdreg $0xA  }
0xc7: {  	_ =	task.clear_ibuf [dreg:s22], $0x6FFFF;
	_ =	strace $0x90000052  }
0xc8: {  	s29 =	simm.s32 $0xA;
	_ =	strace $0x80000054  }
0xc9: {  	_ =	swait.ge [sflag:s29], $0x1  }
0xca: {  	[sflag:s29] =	ssyncadd.s32 $0xFFFFFFFF  }
0xcb: {  	_ =	strace $0x90000054  }
0xcc: {  	_ =	sfence  }
0xcd: {  	s30 =	sld [smem:$0x0];
	_ =	sdelay $0x2  }
0xce: {  	s31 =	sshll.u32 s1, $0xD;
	s1 =	sshrl.u32 s1, $0x2  }
0xcf: {  	s4 =	sand.u32 $0x4000, s31;
	s1 =	sadd.s32 s1, s30  }
0xd0: {  	s0 =	sor.u32 s4, s0;
	s1 =	sshll.u32 s1, $0x11  }
0xd1: {  	s0 =	sor.u32 s1, s0  }
0xd2: {  	s0 =	sadd.s32 $0x8F2B, s0  }
0xd3: {  	[sflag:s0] =	ssyncadd.remote.s32 $0x1  }
0xd4: {  	_ =	sfence.sel $0xFFFF  }
0xd5: {  	[dreg:$0x0] =	wrdreg $0xFFFFFFFF;
	(pc) =	sbr.abs _section_cstart, $3  }
0xd6: {  	[dreg:$0x1] =	wrdreg $0xFFFFFFFF  }
0xd7: {  	_ =	task.clear_ibuf [dreg:s22], $0x2FFFF;
	_ =	strace $0x9FFFFFFF  }
0xd8: {  	(tm) =	ssettm $0x7FFFFFFF  }
0xd9: {  	_ =	shalt  }
tec
execute0_lowered:
.L_overlay_start_1:
0x0: {  	(tag) =	ssettag $0x1  }
0x1: {  	s12 =	rddreg [dreg:$0x0]  }
0x2: {  	s4 =	rddreg [dreg:$0x1]  }
0x3: {  	s1 =	srdreg.scid;
	s0 =	stileid.u32  }
0x4: {  	s2 =	rddreg [dreg:$0x2];
	s3 =	simm.s32 $0x0;
	s28 =	simm.s32 $0x0  }
0x5: {  	s10 =	sand.u32 $0x1, s1;
	s5 =	sshll.u32 s0, $0x1;
	s7 =	smul.u32 $0x4E000, s0  }
0x6: {  	[smem:$0x7FF] =	sst s3;
	s9 =	smul.u32 $0x13800, s0;
	s11 =	sadd.s32 $0x56A000, s4  }
0x7: {  	s13 =	sadd.s32 $0x39D200, s4;
	s24 =	sshll.u32 s0, $0x3;
	s29 =	smul.u32 $0x2EE00, s0  }
0x8: {  	s25 =	sshll.u32 s0, $0x6;
	p0 =	sgt.u32 s0, $0x1;
	s18 =	smul.u32 $0x138800, s10  }
0x9: {  	s5 =	sor.u32 s10, s5;
	s20 =	ssub.s32 $0x2, s10;
	s30 =	smul.u32 $0x17700, s10  }
0xa: {  	_ =	strace $0x80000053;
	s6 =	smul.u32 $0x500, s5;
	s21 =	sshrl.u32 s20, $0x1  }
0xb: {  	s22 =	sshrl.u32 s7, $0x2;
	s23 =	sshrl.u32 s9, $0x3;
	s16 =	smul.u32 $0x17700, s5  }
0xc: {  	s5 =	sor.u32 $0x1C05, s25;
	s31 =	sadd.s32 s29, s12;
	s25 =	simm.s32 $0x4  }
0xd: {  	s14 =	ssub.s32 s20, s21;
	s15 =	sadd.s32 s22, s2;
	s9 =	sadd.s32 s9, s18  }
0xe: {  	s20 =	simm.s32 $0x50;
	s21 =	simm.s32 $0x5000;
	s22 =	simm.s32 $0x2  }
0xf: {  	s8 =	sadd.s32 s6, s4;
	s4 =	sadd.s32 s11, s23;
	s6 =	sor.u32 $0x2700, s24  }
0x10: {  	s9 =	sshrl.u32 s9, $0x3;
	s15 =	sshrl.u32 s15, $0x3;
	s23 =	simm.s32 $0x80  }
0x11: {  	s24 =	simm.s32 $0x3;
	s17 =	sshll.u32 s6, $0x7;
	s6 =	sshll.u32 s6, $0x4  }
0x12: {  	s7 =	sadd.s32 $0x1C00, s8;
	s8 =	sadd.s32 s12, s16;
	s9 =	sadd.s32 s13, s9  }
0x13: {  	s16 =	simm.s32 $0x5;
	s19 =	sadd.s32 s17, s2;
	s6 =	sadd.s32 s11, s6  }
0x14: {  	s26 =	sadd.s32 s18, s17;
	s12 =	sadd.s32 $0x500, s8;
	s18 =	simm.s32 $0x2800  }
0x15: {  	s11 =	sshrl.u32 s26, $0x3;
	s17 =	sshrl.u32 @!p0 s19, $0x3;
	s19 =	simm.s32 $0x1  }
0x16: {  	s10 =	sadd.s32 s13, s11;
	s11 =	smax.u32 s14, $0x1;
	s14 =	sadd.s32 s30, s31  }
0x17: {  	s26 =	simm.s32 $0x2500;
	s13 =	sadd.s32 $0xA00, s8;
	s14 =	sadd.s32 $0xF00, s14  }
.LBB2_1:
0x18: {  	[spmem:s15], [sflag:s5] =	dma.local [hbm:s4], $0x2700  }
0x19: {  	_ =	swait.ge [sflag:s16], $0x2700  }
0x1a: {  	[sflag:s16] =	ssyncset.done $0x0  }
0x1b: {  	s29 =	simm.s32 @!p0 $0x5;
	[sflag:s16] =	ssyncadd.s32 $0xFFFFD900  }
0x1c: {  	[spmem:s17], [sflag:s5] =	dma.local @!p0 [hbm:s6], $0x80  }
0x1d: {  	_ =	swait.ge @!p0 [sflag:s29], $0x80  }
0x1e: {  	[sflag:s29] =	ssyncset.done @!p0 $0x0  }
0x1f: {  	[sflag:s29] =	ssyncadd.s32 @!p0 $0xFFFFFF80  }
0x20: {  	[tilespmem:s3], [sflag:$0x5] =	stream.linear.gather [hbm4b:s7+s3], $0x2580, $0x38;
	[tilespmem:$0x1B080] =	vst v63  }
0x21: {  	_ =	swait.ge [sflag:s16], $0x2580  }
0x22: {  	[sflag:s16] =	ssyncset.done $0x0  }
0x23: {  	[sflag:s16] =	ssyncadd.s32 $0xFFFFDA80  }
0x24: {  	[bflag:$0x0] =	sbarrier.arrive $0xFFFF  }
0x25: {  	[tilespmem:s18], [sflag:$0x1] =	stream.linear.gather [hbm4b:s8+s3], $0x2800, $0x38;
	[tilespmem:$0x1B080] =	vst v63  }
0x26: {  	_ =	swait.ge [sflag:s19], $0x2800  }
0x27: {  	[sflag:s19] =	ssyncset.done $0x0  }
0x28: {  	[sflag:s19] =	ssyncadd.s32 $0xFFFFD800  }
0x29: {  	[spmem:s2] =	stream.indirect.scatter.add.f32 [tilespmem:s18], [sflag:$0x3], $0x80, s3, s20, $0xb8;
	[tilespmem:$0x1B080] =	vst v63  }
0x2a: {  	_ = 	snop  }
0x2b: {  	[tilespmem:s21], [sflag:$0x2] =	stream.linear.gather [hbm4b:s12+s3], $0x2800, $0x38;
	[tilespmem:$0x1B080] =	vst v63  }
0x2c: {  	_ =	swait.ge [sflag:s22], $0x2800  }
0x2d: {  	[sflag:s22] =	ssyncset.done $0x0  }
0x2e: {  	[sflag:s22] =	ssyncadd.s32 $0xFFFFD800  }
0x2f: {  	[spmem:s2] =	stream.indirect.scatter.add.f32 [tilespmem:s21], [sflag:$0x4], $0x80, s23, s20, $0xb8;
	[tilespmem:$0x1B080] =	vst v63  }
0x30: {  	_ =	swait.ge [sflag:s24], $0x2800  }
0x31: {  	[sflag:s24] =	ssyncset.done $0x0  }
0x32: {  	[sflag:s24] =	ssyncadd.s32 $0xFFFFD800  }
0x33: {  	[tilespmem:s18], [sflag:$0x1] =	stream.linear.gather [hbm4b:s13+s3], $0x2800, $0x38;
	[tilespmem:$0x1B080] =	vst v63  }
0x34: {  	_ =	swait.ge [sflag:s19], $0x2800  }
0x35: {  	[sflag:s19] =	ssyncset.done $0x0  }
0x36: {  	s29 =	simm.s32 $0x100;
	[sflag:s19] =	ssyncadd.s32 $0xFFFFD800  }
0x37: {  	[spmem:s2] =	stream.indirect.scatter.add.f32 [tilespmem:s18], [sflag:$0x3], $0x80, s29, s20, $0xb8;
	[tilespmem:$0x1B080] =	vst v63  }
0x38: {  	_ =	swait.ge [sflag:s25], $0x2800  }
0x39: {  	[sflag:s25] =	ssyncset.done $0x0  }
0x3a: {  	[sflag:s25] =	ssyncadd.s32 $0xFFFFD800  }
0x3b: {  	[tilespmem:s21], [sflag:$0x2] =	stream.linear.gather [hbm4b:s14+s3], $0x2800, $0x38;
	[tilespmem:$0x1B080] =	vst v63  }
0x3c: {  	_ =	swait.ge [sflag:s22], $0x2800  }
0x3d: {  	[sflag:s22] =	ssyncset.done $0x0  }
0x3e: {  	s29 =	simm.s32 $0x180;
	[sflag:s22] =	ssyncadd.s32 $0xFFFFD800  }
0x3f: {  	[spmem:s2] =	stream.indirect.scatter.add.f32 [tilespmem:s21], [sflag:$0x4], $0x80, s29, s20, $0xb8;
	[tilespmem:$0x1B080] =	vst v63  }
0x40: {  	_ =	swait.ge [sflag:s24], $0x2800  }
0x41: {  	s31 =	sadd.s32 $0x500, s14;
	[sflag:s24] =	ssyncset.done $0x0  }
0x42: {  	s30 =	sadd.s32 $0xA00, s14;
	s29 =	simm.s32 $0x400;
	[sflag:s24] =	ssyncadd.s32 $0xFFFFD800  }
.LBB2_2:
0x43: {  	[tilespmem:s18], [sflag:$0x1] =	stream.linear.gather [hbm4b:s31+s3], $0x2800, $0x38;
	[tilespmem:$0x1B080] =	vst v63  }
0x44: {  	s31 =	smov.u32 s29  }
0x45: {  	p1 =	sne.s32 s29, $0x8C00;
	s29 =	sadd.s32 $0x400, s29;
	_ =	swait.ge [sflag:s19], $0x2800  }
0x46: {  	s31 =	sshra.s32 s31, $0x2;
	[sflag:s19] =	ssyncset.done $0x0  }
0x47: {  	s1 =	sadd.s32 $0x100, s31;
	[sflag:s19] =	ssyncadd.s32 $0xFFFFD800  }
0x48: {  	[spmem:s2] =	stream.indirect.scatter.add.f32 [tilespmem:s18], [sflag:$0x3], $0x80, s1, s20, $0xb8;
	[tilespmem:$0x1B080] =	vst v63  }
0x49: {  	_ =	swait.ge [sflag:s25], $0x2800  }
0x4a: {  	[sflag:s25] =	ssyncset.done $0x0  }
0x4b: {  	[sflag:s25] =	ssyncadd.s32 $0xFFFFD800  }
0x4c: {  	[tilespmem:s21], [sflag:$0x2] =	stream.linear.gather [hbm4b:s30+s3], $0x2800, $0x38;
	[tilespmem:$0x1B080] =	vst v63  }
0x4d: {  	_ =	swait.ge [sflag:s22], $0x2800  }
0x4e: {  	[sflag:s22] =	ssyncset.done $0x0  }
.Ltmp0:
0x4f: {  	s1 =	sadd.s32 $0x180, s31;
	[sflag:s22] =	ssyncadd.s32 $0xFFFFD800;
	(pc) =	sbr.rel @p1 .LBB2_2-.Ltmp0, $4  }
0x50: {  	[spmem:s2] =	stream.indirect.scatter.add.f32 [tilespmem:s21], [sflag:$0x4], $0x80, s1, s20, $0xb8;
	[tilespmem:$0x1B080] =	vst v63  }
0x51: {  	_ =	swait.ge [sflag:s24], $0x2800  }
0x52: {  	[sflag:s24] =	ssyncset.done $0x0  }
0x53: {  	s31 =	sadd.s32 $0x500, s30;
	s30 =	sadd.s32 $0xA00, s30;
	[sflag:s24] =	ssyncadd.s32 $0xFFFFD800  }
0x54: {  	[tilespmem:s18], [sflag:$0x1] =	stream.linear.gather [hbm4b:s31+s3], $0x2800, $0x38;
	[tilespmem:$0x1B080] =	vst v63  }
0x55: {  	_ =	swait.ge [sflag:s19], $0x2800  }
0x56: {  	[sflag:s19] =	ssyncset.done $0x0  }
0x57: {  	[sflag:s19] =	ssyncadd.s32 $0xFFFFD800  }
0x58: {  	[spmem:s2] =	stream.indirect.scatter.add.f32 [tilespmem:s18], [sflag:$0x3], $0x80, s26, s20, $0xb8;
	[tilespmem:$0x1B080] =	vst v63  }
0x59: {  	_ =	swait.ge [sflag:s25], $0x2800  }
0x5a: {  	[sflag:s25] =	ssyncset.done $0x0  }
0x5b: {  	[sflag:s25] =	ssyncadd.s32 $0xFFFFD800  }
0x5c: {  	_ =	swait.ge [sflag:s24], $0x2800  }
0x5d: {  	[sflag:s24] =	ssyncset.done $0x0  }
0x5e: {  	[sflag:s24] =	ssyncadd.s32 $0xFFFFD800  }
0x5f: {  	[bflag:$0x0] =	sbarrier.arrive $0xFFFF  }
0x60: {  	[hbm:s9], [sflag:s5] =	dma.local [spmem:s15], $0x2700  }
0x61: {  	s28 =	sadd.s32 $0x1, s28;
	_ =	swait.ge [sflag:s16], $0x2700  }
0x62: {  	p1 =	sne.s32 s28, s11;
	[sflag:s16] =	ssyncset.done $0x0  }
.Ltmp1:
0x63: {  	s1 =	simm.s32 @!p0 $0x5;
	[sflag:s16] =	ssyncadd.s32 $0xFFFFD900;
	(pc) =	sbr.rel @p1 .LBB2_1-.Ltmp1, $4  }
0x64: {  	[hbm:s10], [sflag:s5] =	dma.local @!p0 [spmem:s17], $0x80  }
0x65: {  	_ =	swait.ge @!p0 [sflag:s1], $0x80  }
0x66: {  	[sflag:s1] =	ssyncset.done @!p0 $0x0  }
0x67: {  	[sflag:s1] =	ssyncadd.s32 @!p0 $0xFFFFFF80  }
0x68: {  	_ =	sfence.sel $0x180000  }
0x69: {  	[bflag:$0x0] =	sbarrier.arrive $0xFFFF  }
0x6a: {  	_ =	strace $0x90000053  }
0x6b: {  	[bflag:$0x2] =	sbarrier.arrive $0xFFFF  }
0x6c: {  	p0 =	sne.s32 s0, $0x0;
	s0 =	rddreg [dreg:$0x3]  }
0x6d: {  	s0 =	sadd.s32 @!p0 $0x100000, s0  }
0x6e: {  	[sflag:s0] =	ssyncadd.tile.s32 @!p0 $0x1;
	_ =	shalt  }
.Lfunc_end2:
_tile_overlayer_lowered:
.L_overlay_start_2:
0x6f: {  	(tag) =	ssettag $0x2  }
0x70: {  	s0 =	rddreg [dreg:$0x0];
	s2 =	stileid.u32  }
0x71: {  	s1 =	rddreg [dreg:$0x1];
	p0 =	sne.s32 s2, $0x0  }
0x72: {  	s3 =	rddreg [dreg:$0x2];
	[bflag:$0x3] =	sbarrier.arrive $0xFFFF;
	s2 =	simm.s32 @!p0 $0x1C05  }
0x73: {  	[timem:s3], [sflag:s2] =	dma.local @!p0 [hbm:s0], s1  }
0x74: {  	s0 =	simm.s32 @!p0 $0x5  }
0x75: {  	_ =	swait.ge @!p0 [sflag:s0], s1  }
0x76: {  	s1 =	ssub.s32 @!p0 $0x0, s1;
	[sflag:s0] =	ssyncset.done @!p0 $0x0  }
0x77: {  	[sflag:s0] =	ssyncadd.s32 @!p0 s1  }
0x78: {  	[bflag:$0x3] =	sbarrier.arrive $0xFFFF  }
0x79: {  	_ =	shalt  }

// kernel: kernel.23.cloned.1.call-start
scs
__scs_entry_jumppad:
0x0: {  	(pc) =	sbr.rel $0x88, $3  }
0x1: {  	(tag) =	ssettag $0x0;
	lr =	simm.s32 $0x1  }
0x2: {  	[smem:$0x3F98] =	sst lr;
	_ =	strace $0xD0000000  }
0x3: {  	_ = 	snop  }
0x4: {  	_ = 	snop  }
0x5: {  	_ = 	snop  }
0x6: {  	_ = 	snop  }
0x7: {  	_ = 	snop  }
__scs_overlays_trampoline_lowered:
0x8: {  	[smem:$0x3FA7] =	sst s0  }
0x9: {  	[smem:$0x3FA8] =	sst s1  }
0xa: {  	[smem:$0x3FA9] =	sst s2  }
0xb: {  	[smem:$0x3FAA] =	sst s3  }
0xc: {  	[smem:$0x3FAB] =	sst s4  }
0xd: {  	[smem:$0x3FAC] =	sst s5  }
0xe: {  	[smem:$0x3FAD] =	sst s6  }
0xf: {  	[smem:$0x3FAE] =	sst s7  }
0x10: {  	[smem:$0x3FAF] =	sst s8  }
0x11: {  	[smem:$0x3FB0] =	sst s9;
	s0 =	simm.s32 @!p0 $0x0  }
0x12: {  	s1 =	sld [smem:$0x3F96];
	s0 =	simm.s32 @p0 $0x1  }
0x13: {  	[smem:$0x3FB1] =	sst s0;
	s0 =	simm.s32 @!p1 $0x0  }
0x14: {  	s2 =	sld [smem:$0x3F95];
	s0 =	simm.s32 @p1 $0x1  }
0x15: {  	[smem:$0x3FB2] =	sst s0;
	s0 =	simm.s32 @!p2 $0x0  }
0x16: {  	s3 =	sld [smem:$0x3FDB];
	s0 =	simm.s32 @p2 $0x1  }
0x17: {  	s4 =	simm.s32 $0x1BF5;
	[smem:$0x3FB4] =	sst s0  }
0x18: {  	s0 =	sld [smem:$0x3F97];
	_ =	swait.ge [sflag:s4], $0x0  }
0x19: {  	s7 =	sld [smem:$0x3F98]  }
0x1a: {  	s8 =	sadd.s32 $0xFFFFE003, lr  }
0x1b: {  	s9 =	sadd.s32 $0xFFFFFEF7, lr;
	s5 =	simm.s32 $0xFFFFFFFF;
	p2 =	slt.u32 s8, $0xFFFFF086  }
0x1c: {  	p1 =	slt.u32 s9, $0xF7A;
	s5 =	simm.s32 @!p2 $0x0  }
0x1d: {  	s5 =	simm.s32 @p1 $0x1;
	p0 =	seq.s32 s7, s2  }
0x1e: {  	s7 =	smul.u32 @!p0 $0xF7A, s2;
	p2 =	seq.s32 @!p0 s5, $0x0  }
0x1f: {  	s9 =	smul.u32 $0xF7A, s1;
	s8 =	simm.s32 @!p0 $0x1BF5;
	p2 =	por !p2, p0  }
0x20: {  	[sflag:s8] =	ssyncset.s32 @!p0 $0xFFFFF086;
	s6 =	sadd.s32 @!p0 s3, s7;
	s7 =	simm.s32 @!p0 $0x108  }
0x21: {  	s3 =	sadd.s32 s3, s9;
	s6 =	sadd.s32 @!p0 $0x88, s6;
	s7 =	simm.s32 @p2 $0x1082  }
0x22: {  	[simem:s7], [sflag:s8] =	dma.local @!p0 [hbm:s6], $0xF7A  }
0x23: {  	s9 =	sor.u32 $0xD0000000, s2;
	s6 =	simm.s32 $0x108;
	_ =	swait.ge @!p0 [sflag:s8], $0x0  }
0x24: {  	s3 =	sadd.s32 $0x88, s3;
	s6 =	simm.s32 @!p1 $0x1082;
	[sflag:s4] =	ssyncset.s32 $0xFFFFF086  }
0x25: {  	[simem:s6], [sflag:s4] =	dma.local [hbm:s3], $0xF7A  }
0x26: {  	[smem:$0x3F98] =	sst s1;
	(tag) =	ssettag s2;
	_ =	strace s9  }
0x27: {  	s1 =	sld [smem:$0x3FA8]  }
0x28: {  	s2 =	sld [smem:$0x3FA9]  }
0x29: {  	s4 =	sld [smem:$0x3FAB]  }
0x2a: {  	p0 =	seq.s32 s5, $0x0;
	s5 =	sld [smem:$0x3FAC]  }
0x2b: {  	s6 =	sld [smem:$0x3FAD]  }
0x2c: {  	s7 =	sld [smem:$0x3FAE]  }
0x2d: {  	s3 =	simm.s32 $0x108;
	s8 =	sld [smem:$0x3FAF]  }
0x2e: {  	s3 =	simm.s32 @!p0 $0x1082;
	s9 =	sld [smem:$0x3FB0]  }
0x2f: {  	lr =	sadd.s32 s0, s3;
	s0 =	sld [smem:$0x3FA7]  }
0x30: {  	s3 =	sld [smem:$0x3FAA]  }
0x31: {  	[smem:$0x3FB3] =	sst s10  }
0x32: {  	s10 =	sld [smem:$0x3FB1];
	_ =	sdelay $0x3  }
0x33: {  	p0 =	seq.s32 s10, $0x1;
	s10 =	sld [smem:$0x3FB3];
	_ =	sdelay $0x3  }
0x34: {  	[smem:$0x3FB3] =	sst s10  }
0x35: {  	s10 =	sld [smem:$0x3FB2];
	_ =	sdelay $0x3  }
0x36: {  	p1 =	seq.s32 s10, $0x1;
	s10 =	sld [smem:$0x3FB3];
	_ =	sdelay $0x3  }
0x37: {  	[smem:$0x3FB3] =	sst s10  }
0x38: {  	s10 =	sld [smem:$0x3FB4]  }
0x39: {  	_ = 	snop;
	(pc) =	sbr.ind lr, $3  }
0x3a: {  	_ = 	snop  }
0x3b: {  	_ = 	snop  }
0x3c: {  	p2 =	seq.s32 s10, $0x1;
	s10 =	sld [smem:$0x3FB3]  }
0x3d: {  	_ =	shalt  }
0x3e: {  	_ =	shalt  }
0x3f: {  	_ =	shalt  }
0x40: {  	_ =	shalt  }
0x41: {  	_ =	shalt  }
0x42: {  	_ =	shalt  }
0x43: {  	_ =	shalt  }
0x44: {  	_ =	shalt  }
0x45: {  	_ =	shalt  }
0x46: {  	_ =	shalt  }
0x47: {  	_ =	shalt  }
0x48: {  	_ =	shalt  }
0x49: {  	_ =	shalt  }
0x4a: {  	_ =	shalt  }
0x4b: {  	_ =	shalt  }
0x4c: {  	_ =	shalt  }
0x4d: {  	_ =	shalt  }
0x4e: {  	_ =	shalt  }
0x4f: {  	_ =	shalt  }
0x50: {  	_ =	shalt  }
0x51: {  	_ =	shalt  }
0x52: {  	_ =	shalt  }
0x53: {  	_ =	shalt  }
0x54: {  	_ =	shalt  }
0x55: {  	_ =	shalt  }
0x56: {  	_ =	shalt  }
0x57: {  	_ =	shalt  }
0x58: {  	_ =	shalt  }
0x59: {  	_ =	shalt  }
0x5a: {  	_ =	shalt  }
0x5b: {  	_ =	shalt  }
0x5c: {  	_ =	shalt  }
0x5d: {  	_ =	shalt  }
0x5e: {  	_ =	shalt  }
0x5f: {  	_ =	shalt  }
0x60: {  	_ =	shalt  }
0x61: {  	_ =	shalt  }
0x62: {  	_ =	shalt  }
0x63: {  	_ =	shalt  }
0x64: {  	_ =	shalt  }
0x65: {  	_ =	shalt  }
0x66: {  	_ =	shalt  }
0x67: {  	_ =	shalt  }
0x68: {  	_ =	shalt  }
0x69: {  	_ =	shalt  }
0x6a: {  	_ =	shalt  }
0x6b: {  	_ =	shalt  }
0x6c: {  	_ =	shalt  }
0x6d: {  	_ =	shalt  }
0x6e: {  	_ =	shalt  }
0x6f: {  	_ =	shalt  }
0x70: {  	_ =	shalt  }
0x71: {  	_ =	shalt  }
0x72: {  	_ =	shalt  }
0x73: {  	_ =	shalt  }
0x74: {  	_ =	shalt  }
0x75: {  	_ =	shalt  }
0x76: {  	_ =	shalt  }
0x77: {  	_ =	shalt  }
0x78: {  	_ =	shalt  }
0x79: {  	_ =	shalt  }
0x7a: {  	_ =	shalt  }
0x7b: {  	_ =	shalt  }
0x7c: {  	_ =	shalt  }
0x7d: {  	_ =	shalt  }
0x7e: {  	_ =	shalt  }
0x7f: {  	_ =	shalt  }
0x80: {  	_ =	shalt  }
0x81: {  	_ =	shalt  }
0x82: {  	_ =	shalt  }
0x83: {  	_ =	shalt  }
0x84: {  	_ =	shalt  }
0x85: {  	_ =	shalt  }
0x86: {  	_ =	shalt  }
0x87: {  	_ =	shalt  }
.Lfunc_end0:
.L_simem_size_0:
called_computation.4_lowered:
.L_overlay_start_0:
0x88: {  	s2 =	sld [smem:$0x3FD9]  }
0x89: {  	s3 =	sld [smem:$0x3FFE];
	_ =	sdelay $0x1  }
0x8a: {  	s1 =	srdreg.scid  }
0x8b: {  	s0 =	sand.u32 $0x1, s1  }
0x8c: {  	s15 =	sshll.u32 s0, $0xA;
	s2 =	sadd.s32 s3, s2  }
0x8d: {  	s2 =	sadd.s32 s2, s15  }
0x8e: {  	[smem:$0x3FBF] =	sst s2  }
0x8f: {  	_ = 	snop  }
0x90: {  	s2 =	sld [smem:$0x3FD0];
	_ =	sdelay $0x2  }
0x91: {  	s16 =	simm.s32 $0xC;
	s4 =	simm.s32 $0x10  }
0x92: {  	[smem:s4], [sflag:s16] =	dma.local [hbm:s2], $0x1  }
0x93: {  	_ =	swait.eq [sflag:s16], $0x1  }
0x94: {  	[sflag:s16] =	ssyncset.done $0x0  }
0x95: {  	[sflag:s16] =	ssyncadd.s32 $0xFFFFFFFF  }
0x96: {  	s17 =	sld [smem:$0x11];
	(tm) =	ssettm $0x1  }
0x97: {  	s18 =	sld [smem:$0x3FFB];
	_ =	sdelay $0x3  }
0x98: {  	_ =	strace s18  }
0x99: {  	s2 =	sld [smem:$0x3FFC];
	_ =	sdelay $0x3  }
0x9a: {  	_ =	strace s2  }
0x9b: {  	s2 =	sld [smem:$0x3FFD];
	_ =	sdelay $0x3  }
0x9c: {  	_ =	strace s2  }
0x9d: {  	_ =	strace $0x8FFFFFFF  }
0x9e: {  	s19 =	sld [smem:$0x3FDB];
	_ =	sdelay $0x1  }
0x9f: {  	s20 =	simm.s32 $_scs_section_size  }
0xa0: {  	s5 =	simm.s32 $_size__tile_overlayer_lowered;
	s6 =	simm.s32 $_tile_overlayer_lowered  }
0xa1: {  	s7 =	simm.s32 $0x1BFF;
	s21 =	sshll.u32 s6, $0x1;
	s4 =	sadd.s32 s20, s19  }
0xa2: {  	s22 =	simm.s32 $0x0;
	s5 =	sshll.u32 s5, $0x1;
	s6 =	sadd.s32 s21, s4  }
0xa3: {  	[timem:s22], [sflag:s7] =	dma.local [hbm:s6], s5  }
0xa4: {  	_ =	swait.ge [sflag:s7], s5  }
0xa5: {  	s5 =	ssub.s32 $0x0, s5;
	[sflag:s7] =	ssyncset.done $0x0  }
0xa6: {  	[sflag:s7] =	ssyncadd.s32 s5;
	_ =	sdelay $0x1  }
0xa7: {  	s23 =	simm.s32 $0x1B8B  }
0xa8: {  	_ =	swait.ge [sflag:s23], $0x1  }
0xa9: {  	[sflag:s23] =	ssyncset.done $0x0  }
0xaa: {  	[sflag:s23] =	ssyncadd.s32 $0xFFFFFFFF  }
0xab: {  	s5 =	sld [smem:$0x0]  }
0xac: {  	s6 =	sand.u32 $0xFFFFFFFE, s1  }
0xad: {  	p0 =	sne.s32 s1, s6  }
0xae: {  	s6 =	sshll.u32 @p0 s6, $0xE  }
0xaf: {  	s6 =	sadd.s32 @p0 $0x11B8D, s6;
	s7 =	sshll.u32 @p0 s5, $0x11  }
0xb0: {  	s6 =	sor.u32 @p0 s7, s6  }
0xb1: {  	[sflag:s6] =	ssyncadd.remote.s32 @p0 $0x1;
	_ =	sdelay $0x1  }
0xb2: {  	s6 =	simm.s32 @p0 $0x1B8D  }
0xb3: {  	_ =	swait.eq @p0 [sflag:s6], $0x1  }
0xb4: {  	[sflag:s6] =	ssyncadd.s32 @p0 $0xFFFFFFFF  }
0xb5: {  	s7 =	sshll.u32 @!p0 s1, $0xE  }
0xb6: {  	s7 =	sor.u32 @!p0 $0x4000, s7;
	s6 =	simm.s32 @!p0 $0x1B8D  }
0xb7: {  	s5 =	sshll.u32 @!p0 s5, $0x11;
	s7 =	sadd.s32 @!p0 $0x11B8D, s7;
	_ =	swait.eq @!p0 [sflag:s6], $0x1  }
0xb8: {  	s5 =	sor.u32 @!p0 s5, s7;
	[sflag:s6] =	ssyncadd.s32 @!p0 $0xFFFFFFFF  }
0xb9: {  	s25 =	simm.s32 $0x1B8E;
	s24 =	sld [smem:$0x3FFE];
	[sflag:s5] =	ssyncadd.remote.s32 @!p0 $0x1  }
0xba: {  	s26 =	simm.s32 $execute0_lowered;
	[smem:$0x3FD2] =	sst s25  }
0xbb: {  	s6 =	sshll.u32 s26, $0x1;
	_ =	strace $0x8000004F;
	[dreg:$0x1] =	wrdreg $0xFFFFFFFF  }
0xbc: {  	s28 =	simm.s32 $_size_execute0_lowered;
	s4 =	sadd.s32 s4, s6;
	[dreg:$0x0] =	wrdreg $0x0  }
0xbd: {  	s6 =	sshll.u32 s28, $0x1;
	[dreg:$0x2] =	wrdreg s4  }
0xbe: {  	[dreg:$0x3] =	wrdreg s6  }
0xbf: {  	[dreg:$0x4] =	wrdreg $0xC0  }
0xc0: {  	_ =	task [dreg:s22], $0x5FFFF  }
0xc1: {  	[dreg:$0x1] =	wrdreg $0xFFFFFFFF  }
0xc2: {  	[dreg:$0x0] =	wrdreg $0x60  }
0xc3: {  	[dreg:$0x2] =	wrdreg s17  }
0xc4: {  	[dreg:$0x3] =	wrdreg s24  }
0xc5: {  	[dreg:$0x4] =	wrdreg $0x6C000  }
0xc6: {  	[dreg:$0x5] =	wrdreg $0xB  }
0xc7: {  	_ =	task.clear_ibuf [dreg:s22], $0x6FFFF;
	_ =	strace $0x9000004F  }
0xc8: {  	s29 =	simm.s32 $0xB;
	_ =	strace $0x80000051  }
0xc9: {  	_ =	swait.ge [sflag:s29], $0x1  }
0xca: {  	[sflag:s29] =	ssyncadd.s32 $0xFFFFFFFF  }
0xcb: {  	_ =	strace $0x90000051  }
0xcc: {  	_ =	sfence  }
0xcd: {  	s30 =	sld [smem:$0x0];
	_ =	sdelay $0x2  }
0xce: {  	s31 =	sshll.u32 s1, $0xD;
	s1 =	sshrl.u32 s1, $0x2  }
0xcf: {  	s4 =	sand.u32 $0x4000, s31;
	s1 =	sadd.s32 s1, s30  }
0xd0: {  	s0 =	sor.u32 s4, s0;
	s1 =	sshll.u32 s1, $0x11  }
0xd1: {  	s0 =	sor.u32 s1, s0  }
0xd2: {  	s0 =	sadd.s32 $0x8F2B, s0  }
0xd3: {  	[sflag:s0] =	ssyncadd.remote.s32 $0x1  }
0xd4: {  	_ =	sfence.sel $0xFFFF  }
0xd5: {  	[dreg:$0x0] =	wrdreg $0xFFFFFFFF;
	(pc) =	sbr.abs _section_cstart, $3  }
0xd6: {  	[dreg:$0x1] =	wrdreg $0xFFFFFFFF  }
0xd7: {  	_ =	task.clear_ibuf [dreg:s22], $0x2FFFF;
	_ =	strace $0x9FFFFFFF  }
0xd8: {  	(tm) =	ssettm $0x7FFFFFFF  }
0xd9: {  	_ =	shalt  }
tec
execute0_lowered:
.L_overlay_start_1:
0x0: {  	(tag) =	ssettag $0x1  }
0x1: {  	s13 =	rddreg [dreg:$0x0]  }
0x2: {  	s1 =	srdreg.scid;
	s4 =	rddreg [dreg:$0x1]  }
0x3: {  	s0 =	stileid.u32;
	s2 =	rddreg [dreg:$0x2];
	s3 =	simm.s32 $0x0  }
0x4: {  	s20 =	simm.s32 $0x50;
	s21 =	simm.s32 $0x4400;
	s22 =	simm.s32 $0x2  }
0x5: {  	s11 =	sand.u32 $0x1, s1;
	s23 =	sshll.u32 s0, $0x1;
	s24 =	smul.u32 $0x4E000, s0  }
0x6: {  	[smem:$0x7FF] =	sst s3;
	s7 =	sadd.s32 $0x56A000, s4;
	s10 =	smul.u32 $0x13800, s0  }
0x7: {  	s12 =	sadd.s32 $0x34F000, s4;
	s28 =	sshll.u32 s0, $0x6;
	s30 =	smul.u32 $0x1F400, s0  }
0x8: {  	s29 =	sshll.u32 s0, $0x3;
	p0 =	sgt.u32 s0, $0x1;
	s18 =	smul.u32 $0x138800, s11  }
0x9: {  	s6 =	sor.u32 s11, s23;
	_ =	strace $0x80000050;
	s19 =	smul.u32 $0xFA00, s11  }
0xa: {  	s9 =	ssub.s32 $0x2, s11;
	s23 =	simm.s32 $0x80;
	s5 =	smul.u32 $0x380, s6  }
0xb: {  	s25 =	sshrl.u32 s9, $0x1;
	s26 =	sshrl.u32 s10, $0x3;
	s15 =	smul.u32 $0xFA00, s6  }
0xc: {  	s31 =	sadd.s32 s30, s13;
	s14 =	ssub.s32 s9, s25;
	s9 =	sor.u32 $0x2700, s29  }
0xd: {  	s10 =	sadd.s32 s10, s18;
	s25 =	simm.s32 $0x4;
	s8 =	sadd.s32 s5, s4  }
0xe: {  	s5 =	sshrl.u32 s24, $0x2;
	s4 =	sadd.s32 s7, s26;
	s17 =	sshll.u32 s9, $0x7  }
0xf: {  	s9 =	sshll.u32 s9, $0x4;
	s15 =	sadd.s32 s13, s15;
	s10 =	sshrl.u32 s10, $0x3  }
0x10: {  	s24 =	simm.s32 $0x3;
	s26 =	simm.s32 $0x0;
	s16 =	sadd.s32 s5, s2  }
0x11: {  	s5 =	sor.u32 $0x1C05, s28;
	s6 =	sadd.s32 s17, s2;
	s7 =	sadd.s32 s7, s9  }
.Ltmp0:
0x12: {  	s8 =	sadd.s32 $0x348000, s8;
	s9 =	sadd.s32 $0x2EE000, s15;
	(pc) =	sbr.rel .LBB2_1-.Ltmp0, $4  }
0x13: {  	s17 =	sadd.s32 s18, s17;
	s10 =	sadd.s32 s12, s10;
	s13 =	sadd.s32 $0x2EE500, s15  }
0x14: {  	s18 =	simm.s32 $0x1C00;
	s17 =	sshrl.u32 s17, $0x3;
	s16 =	sshrl.u32 s16, $0x3  }
0x15: {  	s11 =	sadd.s32 s12, s17;
	s12 =	smax.u32 s14, $0x1;
	s14 =	sadd.s32 $0x2EEA00, s15  }
0x16: {  	s15 =	sadd.s32 s19, s31;
	s17 =	simm.s32 $0x5;
	s19 =	simm.s32 $0x1  }
.LBB2_4:
0x17: {  	_ =	swait.ge [sflag:s25], $0x2800  }
0x18: {  	[sflag:s25] =	ssyncset.done $0x0  }
0x19: {  	[sflag:s25] =	ssyncadd.s32 $0xFFFFD800  }
0x1a: {  	[bflag:$0x0] =	sbarrier.arrive $0xFFFF  }
0x1b: {  	[hbm:s10], [sflag:s5] =	dma.local [spmem:s16], $0x2700  }
0x1c: {  	s26 =	sadd.s32 $0x1, s26;
	_ =	swait.ge [sflag:s17], $0x2700  }
0x1d: {  	p1 =	sne.s32 s26, s12;
	[sflag:s17] =	ssyncset.done $0x0  }
.Ltmp1:
0x1e: {  	s1 =	simm.s32 @!p0 $0x5;
	[sflag:s17] =	ssyncadd.s32 $0xFFFFD900;
	(pc) =	sbr.rel @!p1 .LBB2_5-.Ltmp1, $4  }
0x1f: {  	[hbm:s11], [sflag:s5] =	dma.local @!p0 [spmem:s28], $0x80  }
0x20: {  	_ =	swait.ge @!p0 [sflag:s1], $0x80  }
0x21: {  	[sflag:s1] =	ssyncset.done @!p0 $0x0  }
0x22: {  	[sflag:s1] =	ssyncadd.s32 @!p0 $0xFFFFFF80  }
.LBB2_1:
0x23: {  	[spmem:s16], [sflag:s5] =	dma.local [hbm:s4], $0x2700  }
0x24: {  	_ =	swait.ge [sflag:s17], $0x2700  }
0x25: {  	[sflag:s17] =	ssyncset.done $0x0  }
0x26: {  	s28 =	sshrl.u32 @!p0 s6, $0x3;
	s29 =	simm.s32 @!p0 $0x5;
	[sflag:s17] =	ssyncadd.s32 $0xFFFFD900  }
0x27: {  	[spmem:s28], [sflag:s5] =	dma.local @!p0 [hbm:s7], $0x80  }
0x28: {  	_ =	swait.ge @!p0 [sflag:s29], $0x80  }
0x29: {  	[sflag:s29] =	ssyncset.done @!p0 $0x0  }
0x2a: {  	[sflag:s29] =	ssyncadd.s32 @!p0 $0xFFFFFF80  }
0x2b: {  	[tilespmem:s3], [sflag:$0x5] =	stream.linear.gather [hbm4b:s8+s3], $0x1900, $0x38;
	[tilespmem:$0x1A480] =	vst v63  }
0x2c: {  	_ =	swait.ge [sflag:s17], $0x1900  }
0x2d: {  	[sflag:s17] =	ssyncset.done $0x0  }
0x2e: {  	[sflag:s17] =	ssyncadd.s32 $0xFFFFE700  }
0x2f: {  	[bflag:$0x0] =	sbarrier.arrive $0xFFFF  }
0x30: {  	[tilespmem:s18], [sflag:$0x1] =	stream.linear.gather [hbm4b:s9+s3], $0x2800, $0x38;
	[tilespmem:$0x1A480] =	vst v63  }
0x31: {  	_ =	swait.ge [sflag:s19], $0x2800  }
0x32: {  	[sflag:s19] =	ssyncset.done $0x0  }
0x33: {  	[sflag:s19] =	ssyncadd.s32 $0xFFFFD800  }
0x34: {  	[spmem:s2] =	stream.indirect.scatter.add.f32 [tilespmem:s18], [sflag:$0x3], $0x80, s3, s20, $0xb8;
	[tilespmem:$0x1A480] =	vst v63  }
0x35: {  	_ = 	snop  }
0x36: {  	[tilespmem:s21], [sflag:$0x2] =	stream.linear.gather [hbm4b:s13+s3], $0x2800, $0x38;
	[tilespmem:$0x1A480] =	vst v63  }
0x37: {  	_ =	swait.ge [sflag:s22], $0x2800  }
0x38: {  	[sflag:s22] =	ssyncset.done $0x0  }
0x39: {  	[sflag:s22] =	ssyncadd.s32 $0xFFFFD800  }
0x3a: {  	[spmem:s2] =	stream.indirect.scatter.add.f32 [tilespmem:s21], [sflag:$0x4], $0x80, s23, s20, $0xb8;
	[tilespmem:$0x1A480] =	vst v63  }
0x3b: {  	_ =	swait.ge [sflag:s24], $0x2800  }
0x3c: {  	[sflag:s24] =	ssyncset.done $0x0  }
0x3d: {  	s30 =	simm.s32 $0x0;
	s29 =	simm.s32 $0x100;
	[sflag:s24] =	ssyncadd.s32 $0xFFFFD800  }
0x3e: {  	[tilespmem:s18], [sflag:$0x1] =	stream.linear.gather [hbm4b:s14+s3], $0x2800, $0x38;
	[tilespmem:$0x1A480] =	vst v63  }
.LBB2_2:
0x3f: {  	_ =	swait.ge [sflag:s19], $0x2800  }
0x40: {  	[sflag:s19] =	ssyncset.done $0x0  }
0x41: {  	[sflag:s19] =	ssyncadd.s32 $0xFFFFD800  }
0x42: {  	[spmem:s2] =	stream.indirect.scatter.add.f32 [tilespmem:s18], [sflag:$0x3], $0x80, s29, s20, $0xb8;
	[tilespmem:$0x1A480] =	vst v63  }
0x43: {  	_ =	swait.ge [sflag:s25], $0x2800  }
0x44: {  	s31 =	sadd.s32 s30, s15;
	[sflag:s25] =	ssyncset.done $0x0  }
0x45: {  	s1 =	sadd.s32 $0x2EEF00, s31;
	[sflag:s25] =	ssyncadd.s32 $0xFFFFD800  }
0x46: {  	[tilespmem:s21], [sflag:$0x2] =	stream.linear.gather [hbm4b:s1+s3], $0x2800, $0x38;
	[tilespmem:$0x1A480] =	vst v63  }
0x47: {  	_ =	swait.ge [sflag:s22], $0x2800  }
0x48: {  	p1 =	seq.s32 s30, $0xE600;
	[sflag:s22] =	ssyncset.done $0x0  }
.Ltmp2:
0x49: {  	s1 =	sadd.s32 $0x80, s29;
	[sflag:s22] =	ssyncadd.s32 $0xFFFFD800;
	(pc) =	sbr.rel @p1 .LBB2_4-.Ltmp2, $4  }
0x4a: {  	[spmem:s2] =	stream.indirect.scatter.add.f32 [tilespmem:s21], [sflag:$0x4], $0x80, s1, s20, $0xb8;
	[tilespmem:$0x1A480] =	vst v63  }
0x4b: {  	_ =	swait.ge [sflag:s24], $0x2800  }
0x4c: {  	[sflag:s24] =	ssyncset.done $0x0  }
0x4d: {  	[sflag:s24] =	ssyncadd.s32 $0xFFFFD800  }
.Ltmp3:
0x4e: {  	(pc) =	sbr.rel .LBB2_2-.Ltmp3, $3  }
0x4f: {  	_ =	sdelay $0x1  }
0x50: {  	s1 =	sadd.s32 $0x2EF400, s31;
	s30 =	sadd.s32 $0xA00, s30;
	s29 =	sadd.s32 $0x100, s29  }
0x51: {  	[tilespmem:s18], [sflag:$0x1] =	stream.linear.gather [hbm4b:s1+s3], $0x2800, $0x38;
	[tilespmem:$0x1A480] =	vst v63  }
.LBB2_5:
0x52: {  	_ =	sfence.sel $0x180000  }
0x53: {  	[bflag:$0x0] =	sbarrier.arrive $0xFFFF  }
0x54: {  	_ =	strace $0x90000050  }
0x55: {  	[bflag:$0x2] =	sbarrier.arrive $0xFFFF  }
0x56: {  	p0 =	sne.s32 s0, $0x0;
	s0 =	rddreg [dreg:$0x3]  }
0x57: {  	s0 =	sadd.s32 @!p0 $0x100000, s0  }
0x58: {  	[sflag:s0] =	ssyncadd.tile.s32 @!p0 $0x1;
	_ =	shalt  }
.Lfunc_end2:
_tile_overlayer_lowered:
.L_overlay_start_2:
0x59: {  	(tag) =	ssettag $0x2  }
0x5a: {  	s0 =	rddreg [dreg:$0x0];
	s2 =	stileid.u32  }
0x5b: {  	s1 =	rddreg [dreg:$0x1];
	p0 =	sne.s32 s2, $0x0  }
0x5c: {  	s3 =	rddreg [dreg:$0x2];
	[bflag:$0x3] =	sbarrier.arrive $0xFFFF;
	s2 =	simm.s32 @!p0 $0x1C05  }
0x5d: {  	[timem:s3], [sflag:s2] =	dma.local @!p0 [hbm:s0], s1  }
0x5e: {  	s0 =	simm.s32 @!p0 $0x5  }
0x5f: {  	_ =	swait.ge @!p0 [sflag:s0], s1  }
0x60: {  	s1 =	ssub.s32 @!p0 $0x0, s1;
	[sflag:s0] =	ssyncset.done @!p0 $0x0  }
0x61: {  	[sflag:s0] =	ssyncadd.s32 @!p0 s1  }
0x62: {  	[bflag:$0x3] =	sbarrier.arrive $0xFFFF  }
0x63: {  	_ =	shalt  }

</sc_bundles>
